<compile_context>
chip_gen: v7x
topology: tpu7x:2x2x1
jax: 0.10.2.dev20260603
libtpu: 0.0.44.dev20260713+nightly
codegen_flags: <defaults>
</compile_context>

<pallas_src>
import functools

import jax
import jax.numpy as jnp
from jax import lax
from jax.experimental import pallas as pl
from jax.experimental.pallas import tpu as pltpu
from jax.experimental.pallas import tpu_sc as plsc

_N = 10000
_E = 320000
_D = 128
_NCLS = 47
_W2 = 48

_NC = 2
_NS = 16
_NW = _NC * _NS
_CH = 128
_KT = 160
_G = 8
_NGT = _KT // _G
_NGF = 15
_FAST_CID = 1
_E_PAD = _NS * _KT * _CH
_N_PAD = 10016
_RPT = _N_PAD // _NS


def _sc_scatter(width: int, with_counts: bool):
    mesh = plsc.VectorSubcoreMesh(core_axis_name="c", subcore_axis_name="s",
                                  num_cores=_NC, num_subcores=_NS)
    cparams = pltpu.CompilerParams(use_tc_tiling_on_sc=False)
    out_type = [jax.ShapeDtypeStruct((_NC, _N_PAD, width), jnp.float32)]
    if with_counts:
        out_type.append(jax.ShapeDtypeStruct((_NC, _N_PAD, 16), jnp.float32))
    scratch = [
        pltpu.VMEM((_G, _CH), jnp.int32),
        pltpu.VMEM((_G, _CH), jnp.int32),
    ]
    nbuf = 2 if with_counts else 4
    scratch += [pltpu.VMEM((_CH, width), jnp.float32)] * nbuf
    scratch += [
        pltpu.VMEM_SHARED((_N_PAD, width), jnp.float32),
        pltpu.SemaphoreType.DMA,
        pltpu.SemaphoreType.DMA,
    ]
    if with_counts:
        scratch += [
            pltpu.VMEM((_CH, 16), jnp.float32),
            pltpu.VMEM_SHARED((_N_PAD, 16), jnp.float32),
            pltpu.SemaphoreType.DMA,
        ]

    def _group_body(feats, src_v, dst_v, bufs, acc_sh, sem_g, sem_s,
                    ones_v, cnt_sh, sem_c):
        nb = len(bufs)
        dg = [None] * _G
        ds = [None] * _G
        dc = [None] * _G
        for j in range(min(nb - 1, _G)):
            dg[j] = pltpu.async_copy(feats.at[src_v.at[j]], bufs[j % nb],
                                     sem_g)
        for j in range(_G):
            if j >= 1:
                ds[j - 1].wait()
                if with_counts:
                    dc[j - 1].wait()
            nxt = j + nb - 1
            if nxt < _G:
                dg[nxt] = pltpu.async_copy(feats.at[src_v.at[nxt]],
                                           bufs[nxt % nb], sem_g)
            dg[j].wait()
            ds[j] = pltpu.async_copy(bufs[j % nb], acc_sh.at[dst_v.at[j]],
                                     sem_s, add=True)
            if with_counts:
                dc[j] = pltpu.async_copy(ones_v, cnt_sh.at[dst_v.at[j]],
                                         sem_c, add=True)
        ds[_G - 1].wait()
        if with_counts:
            dc[_G - 1].wait()

    if with_counts:
        @functools.partial(pl.kernel, out_type=out_type, mesh=mesh,
                           scratch_types=scratch, compiler_params=cparams)
        def kern(feats, src3, dst3, zrow, zcnt,
                 s_out, c_out, src_v, dst_v, *rest):
            bufs = rest[:nbuf]
            acc_sh, sem_g, sem_s, ones_v, cnt_sh, sem_c = rest[nbuf:]
            cid = lax.axis_index("c")
            sid = lax.axis_index("s")
            rows = pl.ds(sid * _RPT, _RPT)
            pltpu.sync_copy(zrow, acc_sh.at[rows])
            pltpu.sync_copy(zcnt, cnt_sh.at[rows])
            for i in range(_CH):
                ones_v[i, :] = jnp.full((16,), 1.0, jnp.float32)
            plsc.subcore_barrier()
            is_fast = cid == _FAST_CID
            g_lo = jnp.where(is_fast, 0, _NGF)
            g_hi = jnp.where(is_fast, _NGF, _NGT)

            @pl.loop(g_lo, g_hi)
            def _(g):
                pltpu.sync_copy(src3.at[sid, pl.ds(g * _G, _G)], src_v)
                pltpu.sync_copy(dst3.at[sid, pl.ds(g * _G, _G)], dst_v)
                _group_body(feats, src_v, dst_v, bufs, acc_sh,
                            sem_g, sem_s, ones_v, cnt_sh, sem_c)

            plsc.subcore_barrier()
            pltpu.sync_copy(acc_sh.at[rows], s_out.at[cid, rows])
            pltpu.sync_copy(cnt_sh.at[rows], c_out.at[cid, rows])
        return kern

    @functools.partial(pl.kernel, out_type=out_type, mesh=mesh,
                       scratch_types=scratch, compiler_params=cparams)
    def kern2(feats, src3, dst3, zrow,
              s_out, src_v, dst_v, *rest):
        bufs = rest[:nbuf]
        acc_sh, sem_g, sem_s = rest[nbuf:]
        cid = lax.axis_index("c")
        sid = lax.axis_index("s")
        rows = pl.ds(sid * _RPT, _RPT)
        pltpu.sync_copy(zrow, acc_sh.at[rows])
        plsc.subcore_barrier()
        is_fast = cid == _FAST_CID
        g_lo = jnp.where(is_fast, 0, _NGF)
        g_hi = jnp.where(is_fast, _NGF, _NGT)

        @pl.loop(g_lo, g_hi)
        def _(g):
            pltpu.sync_copy(src3.at[sid, pl.ds(g * _G, _G)], src_v)
            pltpu.sync_copy(dst3.at[sid, pl.ds(g * _G, _G)], dst_v)
            _group_body(feats, src_v, dst_v, bufs, acc_sh,
                        sem_g, sem_s, None, None, None)

        plsc.subcore_barrier()
        pltpu.sync_copy(acc_sh.at[rows], s_out.at[cid, rows])
    return kern2


_sc_layer1 = _sc_scatter(_D, True)
_sc_layer2 = _sc_scatter(_W2, False)


def _tc_mid(s1, cnt, x, W1l, b1, W1r, W2lp, b2p, W2rp):
    blk = 1000
    grid = _N // blk

    def body(s_ref, c_ref, x_ref, w1l, b1r, w1r, w2l, b2r, w2r,
             p2_ref, r2_ref):
        ssum = s_ref[0] + s_ref[1]
        csum = jnp.maximum(c_ref[0] + c_ref[1], 1.0)[:, 0:1]
        mean1 = ssum / csum
        xb = x_ref[...]
        h1 = mean1 @ w1l[...].T + b1r[...] + xb @ w1r[...].T
        h1 = jnp.maximum(h1, 0.0)
        p2_ref[...] = h1 @ w2l[...].T
        r2_ref[...] = h1 @ w2r[...].T + b2r[...]

    return pl.pallas_call(
        body,
        grid=(grid,),
        in_specs=[
            pl.BlockSpec((_NC, blk, _D), lambda i: (0, i, 0)),
            pl.BlockSpec((_NC, blk, 16), lambda i: (0, i, 0)),
            pl.BlockSpec((blk, _D), lambda i: (i, 0)),
            pl.BlockSpec((_D, _D), lambda i: (0, 0)),
            pl.BlockSpec((1, _D), lambda i: (0, 0)),
            pl.BlockSpec((_D, _D), lambda i: (0, 0)),
            pl.BlockSpec((_W2, _D), lambda i: (0, 0)),
            pl.BlockSpec((1, _W2), lambda i: (0, 0)),
            pl.BlockSpec((_W2, _D), lambda i: (0, 0)),
        ],
        out_specs=[
            pl.BlockSpec((blk, _W2), lambda i: (i, 0)),
            pl.BlockSpec((blk, _W2), lambda i: (i, 0)),
        ],
        out_shape=[
            jax.ShapeDtypeStruct((_N, _W2), jnp.float32),
            jax.ShapeDtypeStruct((_N, _W2), jnp.float32),
        ],
    )(s1, cnt, x, W1l, b1, W1r, W2lp, b2p, W2rp)


def _tc_final(s2, cnt, r2):
    blk = 1000
    grid = _N // blk

    def body(s_ref, c_ref, r_ref, o_ref):
        ssum = s_ref[0] + s_ref[1]
        csum = jnp.maximum(c_ref[0] + c_ref[1], 1.0)[:, 0:1]
        o_ref[...] = ssum / csum + r_ref[...]

    return pl.pallas_call(
        body,
        grid=(grid,),
        in_specs=[
            pl.BlockSpec((_NC, blk, _W2), lambda i: (0, i, 0)),
            pl.BlockSpec((_NC, blk, 16), lambda i: (0, i, 0)),
            pl.BlockSpec((blk, _W2), lambda i: (i, 0)),
        ],
        out_specs=pl.BlockSpec((blk, _W2), lambda i: (i, 0)),
        out_shape=jax.ShapeDtypeStruct((_N, _W2), jnp.float32),
    )(s2, cnt, r2)


def kernel(x, edge_index, W1l, b1, W1r, W2l, b2, W2r):
    src = edge_index[0].astype(jnp.int32)
    dst = edge_index[1].astype(jnp.int32)
    pad = _E_PAD - _E
    src3 = jnp.concatenate([src, jnp.zeros((pad,), jnp.int32)]
                           ).reshape(_NS, _KT, _CH)
    dst3 = jnp.concatenate([dst, jnp.full((pad,), _N, jnp.int32)]
                           ).reshape(_NS, _KT, _CH)
    zrow = jnp.zeros((_RPT, _D), jnp.float32)
    zrow2 = jnp.zeros((_RPT, _W2), jnp.float32)
    zcnt = jnp.zeros((_RPT, 16), jnp.float32)

    s1, cnt = _sc_layer1(x, src3, dst3, zrow, zcnt)

    W2lp = jnp.zeros((_W2, _D), jnp.float32).at[:_NCLS].set(W2l)
    W2rp = jnp.zeros((_W2, _D), jnp.float32).at[:_NCLS].set(W2r)
    b2p = jnp.zeros((1, _W2), jnp.float32).at[0, :_NCLS].set(b2)

    p2, r2 = _tc_mid(s1, cnt, x, W1l, b1.reshape(1, _D), W1r,
                     W2lp, b2p, W2rp)

    [s2] = _sc_layer2(p2, src3, dst3, zrow2)

    out = _tc_final(s2, cnt, r2)
    return out[:, :_NCLS]

# --- scband reference (transcript-rebuilt; emitter-appended) ---
"""Pipeline reference for scband-sage-full-pyg-38225208934555 (READ-ONLY COPY).

The authoritative reference and input builder live on the scoring server;
editing this copy changes nothing except your own understanding.
"""

import jax, jax.numpy as jnp
import numpy as np

N = 10000
E = 320000
D_IN = 128
D_HID = 128
N_CLASSES = 47


def setup_inputs(seed: int = 0) -> dict:
    key = jax.random.key(seed)
    ks = jax.random.split(key, 8)
    x = jax.random.normal(ks[0], (N, D_IN), dtype=jnp.float32)
    edge_index = jax.random.randint(ks[1], (2, E), 0, N, dtype=jnp.int64)
    # Layer 1 (SAGEConv in=128 out=128): lin_l (with bias), lin_r (no bias)
    s1 = 1.0 / np.sqrt(D_IN)
    W1l = jax.random.uniform(ks[2], (D_HID, D_IN), jnp.float32, -s1, s1)
    b1 = jax.random.uniform(ks[3], (D_HID,), jnp.float32, -s1, s1)
    W1r = jax.random.uniform(ks[4], (D_HID, D_IN), jnp.float32, -s1, s1)
    # Layer 2 (SAGEConv in=128 out=47)
    s2 = 1.0 / np.sqrt(D_HID)
    W2l = jax.random.uniform(ks[5], (N_CLASSES, D_HID), jnp.float32, -s2, s2)
    b2 = jax.random.uniform(ks[6], (N_CLASSES,), jnp.float32, -s2, s2)
    W2r = jax.random.uniform(ks[7], (N_CLASSES, D_HID), jnp.float32, -s2, s2)
    return {"x": x, "edge_index": edge_index, "W1l": W1l, "b1": b1, "W1r": W1r,
            "W2l": W2l, "b2": b2, "W2r": W2r}


def _sage_conv(h, src, dst, Wl, bl, Wr):
    # PyG SAGEConv with mean aggregation:
    # out = lin_l(mean_{j in N(i)} h_j) + lin_r(h_i)
    msgs = jnp.take(h, src, axis=0)                      # gather  [E, d]
    summed = jax.ops.segment_sum(msgs, dst, num_segments=N)
    counts = jax.ops.segment_sum(jnp.ones((msgs.shape[0],), jnp.float32), dst,
                                 num_segments=N)
    mean = summed / jnp.maximum(counts, 1.0)[:, None]
    return mean @ Wl.T + bl + h @ Wr.T


def reference(x, edge_index, W1l, b1, W1r, W2l, b2, W2r):
    # Dropout is identity at inference time.
    src = edge_index[0]
    dst = edge_index[1]
    h = _sage_conv(x, src, dst, W1l, b1, W1r)
    h = jax.nn.relu(h)
    h = _sage_conv(h, src, dst, W2l, b2, W2r)
    return h

if __name__ == "__main__":
    import jax
    _d = setup_inputs()
    print(jax.jit(kernel)(*tuple(_d.values())))

</pallas_src>

<mosaic_0001>
#map = affine_map<(d0, d1) -> (0, 0)>
#map1 = affine_map<(d0, d1) -> (0, 0, 0)>
module attributes {stable_mosaic.version = 14 : i64} {
  func.func @kern(%arg0: i32, %arg1: i32, %arg2: memref<10000x128xf32, #tpu.memory_space<hbm>>, %arg3: memref<16x160x128xi32, #tpu.memory_space<hbm>>, %arg4: memref<16x160x128xi32, #tpu.memory_space<hbm>>, %arg5: memref<626x128xf32, #tpu.memory_space<hbm>>, %arg6: memref<626x16xf32, #tpu.memory_space<hbm>>, %arg7: memref<2x10016x128xf32, #tpu.memory_space<hbm>>, %arg8: memref<2x10016x16xf32, #tpu.memory_space<hbm>>, %arg9: memref<8x128xi32, #tpu.memory_space<vmem>>, %arg10: memref<8x128xi32, #tpu.memory_space<vmem>>, %arg11: memref<128x128xf32, #tpu.memory_space<vmem>>, %arg12: memref<128x128xf32, #tpu.memory_space<vmem>>, %arg13: memref<10016x128xf32, #tpu.memory_space<vmem_shared>>, %arg14: memref<!tpu.dma_semaphore, #tpu.memory_space<semaphore_mem>>, %arg15: memref<!tpu.dma_semaphore, #tpu.memory_space<semaphore_mem>>, %arg16: memref<128x16xf32, #tpu.memory_space<vmem>>, %arg17: memref<10016x16xf32, #tpu.memory_space<vmem_shared>>, %arg18: memref<!tpu.dma_semaphore, #tpu.memory_space<semaphore_mem>>) attributes {dimension_semantics = [#tpu.dimension_semantics<core_parallel>, #tpu.dimension_semantics<subcore_parallel>], iteration_bounds = array<i64: 2, 16>, scalar_prefetch = 0 : i64, scratch_operands = 10 : i64, tpu.core_type = #tpu.core_type<sc_vector_subcore>, window_params = [{transform_indices = #map}, {transform_indices = #map1}, {transform_indices = #map1}, {transform_indices = #map}, {transform_indices = #map}, {transform_indices = #map1}, {transform_indices = #map1}]} {
    %mul3A = arith.constant 626 : i32
    %mul3A_0 = arith.muli %arg1, %mul3A : i32
    "tpu.region"() ({
      %run_scoped3A = tpu.sem_alloc : memref<!tpu.dma_semaphore, #tpu.memory_space<semaphore_mem>>
      %dma_start3A = arith.constant 0 : i32
      %dma_start3A_1042 = tpu.memref_slice %arg13[%mul3A_0, %dma_start3A] : memref<10016x128xf32, #tpu.memory_space<vmem_shared>> -> memref<626x128xf32, #tpu.memory_space<vmem_shared>>
      tpu.enqueue_dma source(%arg5 : memref<626x128xf32, #tpu.memory_space<hbm>>) target(%dma_start3A_1042 : memref<626x128xf32, #tpu.memory_space<vmem_shared>>) target_semaphore(%run_scoped3A : memref<!tpu.dma_semaphore, #tpu.memory_space<semaphore_mem>>)
      %dma_wait3A = arith.constant 0 : i32
      %dma_wait3A_1043 = tpu.memref_slice %arg13[%mul3A_0, %dma_wait3A] : memref<10016x128xf32, #tpu.memory_space<vmem_shared>> -> memref<626x128xf32, #tpu.memory_space<vmem_shared>>
      tpu.wait_dma2 semaphore(%run_scoped3A : memref<!tpu.dma_semaphore, #tpu.memory_space<semaphore_mem>>) src(%arg5 : memref<626x128xf32, #tpu.memory_space<hbm>>) dst(%dma_wait3A_1043 : memref<626x128xf32, #tpu.memory_space<vmem_shared>>)
      tpu.yield
    }) : () -> ()
    "tpu.region"() ({
      %run_scoped3A = tpu.sem_alloc : memref<!tpu.dma_semaphore, #tpu.memory_space<semaphore_mem>>
      %dma_start3A = arith.constant 0 : i32
      %dma_start3A_1042 = tpu.memref_slice %arg17[%mul3A_0, %dma_start3A] : memref<10016x16xf32, #tpu.memory_space<vmem_shared>> -> memref<626x16xf32, #tpu.memory_space<vmem_shared>>
      tpu.enqueue_dma source(%arg6 : memref<626x16xf32, #tpu.memory_space<hbm>>) target(%dma_start3A_1042 : memref<626x16xf32, #tpu.memory_space<vmem_shared>>) target_semaphore(%run_scoped3A : memref<!tpu.dma_semaphore, #tpu.memory_space<semaphore_mem>>)
      %dma_wait3A = arith.constant 0 : i32
      %dma_wait3A_1043 = tpu.memref_slice %arg17[%mul3A_0, %dma_wait3A] : memref<10016x16xf32, #tpu.memory_space<vmem_shared>> -> memref<626x16xf32, #tpu.memory_space<vmem_shared>>
      tpu.wait_dma2 semaphore(%run_scoped3A : memref<!tpu.dma_semaphore, #tpu.memory_space<semaphore_mem>>) src(%arg6 : memref<626x16xf32, #tpu.memory_space<hbm>>) dst(%dma_wait3A_1043 : memref<626x16xf32, #tpu.memory_space<vmem_shared>>)
      tpu.yield
    }) : () -> ()
    %broadcast_in_dim3A = arith.constant 1.000000e+00 : f32
    %broadcast_in_dim3A_1 = vector.broadcast %broadcast_in_dim3A : f32 to vector<16xf32>
    %swap3A = arith.constant 0 : i32
    %swap3A_2 = arith.index_cast %swap3A : i32 to index
    %swap3A_3 = arith.constant 0 : index
    %swap3A_4 = tpu.vector_load %arg16[%swap3A_2, %swap3A_3] {strides = array<i32>} : memref<128x16xf32, #tpu.memory_space<vmem>>, vector<1x16xf32>,
    %swap3A_5 = vector.shape_cast %swap3A_4 : vector<1x16xf32> to vector<16xf32>
    %swap3A_6 = vector.shape_cast %broadcast_in_dim3A_1 : vector<16xf32> to vector<1x16xf32>
    tpu.vector_store %arg16[%swap3A_2, %swap3A_3], %swap3A_6 {strides = array<i32>} : memref<128x16xf32, #tpu.memory_space<vmem>>, vector<1x16xf32>,
    %broadcast_in_dim3A_7 = arith.constant 1.000000e+00 : f32
    %broadcast_in_dim3A_8 = vector.broadcast %broadcast_in_dim3A_7 : f32 to vector<16xf32>
    %swap3A_9 = arith.constant 1 : i32
    %swap3A_10 = arith.index_cast %swap3A_9 : i32 to index
    %swap3A_11 = arith.constant 0 : index
    %swap3A_12 = tpu.vector_load %arg16[%swap3A_10, %swap3A_11] {strides = array<i32>} : memref<128x16xf32, #tpu.memory_space<vmem>>, vector<1x16xf32>,
    %swap3A_13 = vector.shape_cast %swap3A_12 : vector<1x16xf32> to vector<16xf32>
    %swap3A_14 = vector.shape_cast %broadcast_in_dim3A_8 : vector<16xf32> to vector<1x16xf32>
    tpu.vector_store %arg16[%swap3A_10, %swap3A_11], %swap3A_14 {strides = array<i32>} : memref<128x16xf32, #tpu.memory_space<vmem>>, vector<1x16xf32>,
    %broadcast_in_dim3A_15 = arith.constant 1.000000e+00 : f32
    %broadcast_in_dim3A_16 = vector.broadcast %broadcast_in_dim3A_15 : f32 to vector<16xf32>
    %swap3A_17 = arith.constant 2 : i32
    %swap3A_18 = arith.index_cast %swap3A_17 : i32 to index
    %swap3A_19 = arith.constant 0 : index
    %swap3A_20 = tpu.vector_load %arg16[%swap3A_18, %swap3A_19] {strides = array<i32>} : memref<128x16xf32, #tpu.memory_space<vmem>>, vector<1x16xf32>,
    %swap3A_21 = vector.shape_cast %swap3A_20 : vector<1x16xf32> to vector<16xf32>
    %swap3A_22 = vector.shape_cast %broadcast_in_dim3A_16 : vector<16xf32> to vector<1x16xf32>
    tpu.vector_store %arg16[%swap3A_18, %swap3A_19], %swap3A_22 {strides = array<i32>} : memref<128x16xf32, #tpu.memory_space<vmem>>, vector<1x16xf32>,
    %broadcast_in_dim3A_23 = arith.constant 1.000000e+00 : f32
    %broadcast_in_dim3A_24 = vector.broadcast %broadcast_in_dim3A_23 : f32 to vector<16xf32>
    %swap3A_25 = arith.constant 3 : i32
    %swap3A_26 = arith.index_cast %swap3A_25 : i32 to index
    %swap3A_27 = arith.constant 0 : index
    %swap3A_28 = tpu.vector_load %arg16[%swap3A_26, %swap3A_27] {strides = array<i32>} : memref<128x16xf32, #tpu.memory_space<vmem>>, vector<1x16xf32>,
    %swap3A_29 = vector.shape_cast %swap3A_28 : vector<1x16xf32> to vector<16xf32>
    %swap3A_30 = vector.shape_cast %broadcast_in_dim3A_24 : vector<16xf32> to vector<1x16xf32>
    tpu.vector_store %arg16[%swap3A_26, %swap3A_27], %swap3A_30 {strides = array<i32>} : memref<128x16xf32, #tpu.memory_space<vmem>>, vector<1x16xf32>,
    %broadcast_in_dim3A_31 = arith.constant 1.000000e+00 : f32
    %broadcast_in_dim3A_32 = vector.broadcast %broadcast_in_dim3A_31 : f32 to vector<16xf32>
    %swap3A_33 = arith.constant 4 : i32
    %swap3A_34 = arith.index_cast %swap3A_33 : i32 to index
    %swap3A_35 = arith.constant 0 : index
    %swap3A_36 = tpu.vector_load %arg16[%swap3A_34, %swap3A_35] {strides = array<i32>} : memref<128x16xf32, #tpu.memory_space<vmem>>, vector<1x16xf32>,
    %swap3A_37 = vector.shape_cast %swap3A_36 : vector<1x16xf32> to vector<16xf32>
    %swap3A_38 = vector.shape_cast %broadcast_in_dim3A_32 : vector<16xf32> to vector<1x16xf32>
    tpu.vector_store %arg16[%swap3A_34, %swap3A_35], %swap3A_38 {strides = array<i32>} : memref<128x16xf32, #tpu.memory_space<vmem>>, vector<1x16xf32>,
    %broadcast_in_dim3A_39 = arith.constant 1.000000e+00 : f32
    %broadcast_in_dim3A_40 = vector.broadcast %broadcast_in_dim3A_39 : f32 to vector<16xf32>
    %swap3A_41 = arith.constant 5 : i32
    %swap3A_42 = arith.index_cast %swap3A_41 : i32 to index
    %swap3A_43 = arith.constant 0 : index
    %swap3A_44 = tpu.vector_load %arg16[%swap3A_42, %swap3A_43] {strides = array<i32>} : memref<128x16xf32, #tpu.memory_space<vmem>>, vector<1x16xf32>,
    %swap3A_45 = vector.shape_cast %swap3A_44 : vector<1x16xf32> to vector<16xf32>
    %swap3A_46 = vector.shape_cast %broadcast_in_dim3A_40 : vector<16xf32> to vector<1x16xf32>
    tpu.vector_store %arg16[%swap3A_42, %swap3A_43], %swap3A_46 {strides = array<i32>} : memref<128x16xf32, #tpu.memory_space<vmem>>, vector<1x16xf32>,
    %broadcast_in_dim3A_47 = arith.constant 1.000000e+00 : f32
    %broadcast_in_dim3A_48 = vector.broadcast %broadcast_in_dim3A_47 : f32 to vector<16xf32>
    %swap3A_49 = arith.constant 6 : i32
    %swap3A_50 = arith.index_cast %swap3A_49 : i32 to index
    %swap3A_51 = arith.constant 0 : index
    %swap3A_52 = tpu.vector_load %arg16[%swap3A_50, %swap3A_51] {strides = array<i32>} : memref<128x16xf32, #tpu.memory_space<vmem>>, vector<1x16xf32>,
    %swap3A_53 = vector.shape_cast %swap3A_52 : vector<1x16xf32> to vector<16xf32>
    %swap3A_54 = vector.shape_cast %broadcast_in_dim3A_48 : vector<16xf32> to vector<1x16xf32>
    tpu.vector_store %arg16[%swap3A_50, %swap3A_51], %swap3A_54 {strides = array<i32>} : memref<128x16xf32, #tpu.memory_space<vmem>>, vector<1x16xf32>,
    %broadcast_in_dim3A_55 = arith.constant 1.000000e+00 : f32
    %broadcast_in_dim3A_56 = vector.broadcast %broadcast_in_dim3A_55 : f32 to vector<16xf32>
    %swap3A_57 = arith.constant 7 : i32
    %swap3A_58 = arith.index_cast %swap3A_57 : i32 to index
    %swap3A_59 = arith.constant 0 : index
    %swap3A_60 = tpu.vector_load %arg16[%swap3A_58, %swap3A_59] {strides = array<i32>} : memref<128x16xf32, #tpu.memory_space<vmem>>, vector<1x16xf32>,
    %swap3A_61 = vector.shape_cast %swap3A_60 : vector<1x16xf32> to vector<16xf32>
    %swap3A_62 = vector.shape_cast %broadcast_in_dim3A_56 : vector<16xf32> to vector<1x16xf32>
    tpu.vector_store %arg16[%swap3A_58, %swap3A_59], %swap3A_62 {strides = array<i32>} : memref<128x16xf32, #tpu.memory_space<vmem>>, vector<1x16xf32>,
    %broadcast_in_dim3A_63 = arith.constant 1.000000e+00 : f32
    %broadcast_in_dim3A_64 = vector.broadcast %broadcast_in_dim3A_63 : f32 to vector<16xf32>
    %swap3A_65 = arith.constant 8 : i32
    %swap3A_66 = arith.index_cast %swap3A_65 : i32 to index
    %swap3A_67 = arith.constant 0 : index
    %swap3A_68 = tpu.vector_load %arg16[%swap3A_66, %swap3A_67] {strides = array<i32>} : memref<128x16xf32, #tpu.memory_space<vmem>>, vector<1x16xf32>,
    %swap3A_69 = vector.shape_cast %swap3A_68 : vector<1x16xf32> to vector<16xf32>
    %swap3A_70 = vector.shape_cast %broadcast_in_dim3A_64 : vector<16xf32> to vector<1x16xf32>
    tpu.vector_store %arg16[%swap3A_66, %swap3A_67], %swap3A_70 {strides = array<i32>} : memref<128x16xf32, #tpu.memory_space<vmem>>, vector<1x16xf32>,
    %broadcast_in_dim3A_71 = arith.constant 1.000000e+00 : f32
    %broadcast_in_dim3A_72 = vector.broadcast %broadcast_in_dim3A_71 : f32 to vector<16xf32>
    %swap3A_73 = arith.constant 9 : i32
    %swap3A_74 = arith.index_cast %swap3A_73 : i32 to index
    %swap3A_75 = arith.constant 0 : index
    %swap3A_76 = tpu.vector_load %arg16[%swap3A_74, %swap3A_75] {strides = array<i32>} : memref<128x16xf32, #tpu.memory_space<vmem>>, vector<1x16xf32>,
    %swap3A_77 = vector.shape_cast %swap3A_76 : vector<1x16xf32> to vector<16xf32>
    %swap3A_78 = vector.shape_cast %broadcast_in_dim3A_72 : vector<16xf32> to vector<1x16xf32>
    tpu.vector_store %arg16[%swap3A_74, %swap3A_75], %swap3A_78 {strides = array<i32>} : memref<128x16xf32, #tpu.memory_space<vmem>>, vector<1x16xf32>,
    %broadcast_in_dim3A_79 = arith.constant 1.000000e+00 : f32
    %broadcast_in_dim3A_80 = vector.broadcast %broadcast_in_dim3A_79 : f32 to vector<16xf32>
    %swap3A_81 = arith.constant 10 : i32
    %swap3A_82 = arith.index_cast %swap3A_81 : i32 to index
    %swap3A_83 = arith.constant 0 : index
    %swap3A_84 = tpu.vector_load %arg16[%swap3A_82, %swap3A_83] {strides = array<i32>} : memref<128x16xf32, #tpu.memory_space<vmem>>, vector<1x16xf32>,
    %swap3A_85 = vector.shape_cast %swap3A_84 : vector<1x16xf32> to vector<16xf32>
    %swap3A_86 = vector.shape_cast %broadcast_in_dim3A_80 : vector<16xf32> to vector<1x16xf32>
    tpu.vector_store %arg16[%swap3A_82, %swap3A_83], %swap3A_86 {strides = array<i32>} : memref<128x16xf32, #tpu.memory_space<vmem>>, vector<1x16xf32>,
    %broadcast_in_dim3A_87 = arith.constant 1.000000e+00 : f32
    %broadcast_in_dim3A_88 = vector.broadcast %broadcast_in_dim3A_87 : f32 to vector<16xf32>
    %swap3A_89 = arith.constant 11 : i32
    %swap3A_90 = arith.index_cast %swap3A_89 : i32 to index
    %swap3A_91 = arith.constant 0 : index
    %swap3A_92 = tpu.vector_load %arg16[%swap3A_90, %swap3A_91] {strides = array<i32>} : memref<128x16xf32, #tpu.memory_space<vmem>>, vector<1x16xf32>,
    %swap3A_93 = vector.shape_cast %swap3A_92 : vector<1x16xf32> to vector<16xf32>
    %swap3A_94 = vector.shape_cast %broadcast_in_dim3A_88 : vector<16xf32> to vector<1x16xf32>
    tpu.vector_store %arg16[%swap3A_90, %swap3A_91], %swap3A_94 {strides = array<i32>} : memref<128x16xf32, #tpu.memory_space<vmem>>, vector<1x16xf32>,
    %broadcast_in_dim3A_95 = arith.constant 1.000000e+00 : f32
    %broadcast_in_dim3A_96 = vector.broadcast %broadcast_in_dim3A_95 : f32 to vector<16xf32>
    %swap3A_97 = arith.constant 12 : i32
    %swap3A_98 = arith.index_cast %swap3A_97 : i32 to index
    %swap3A_99 = arith.constant 0 : index
    %swap3A_100 = tpu.vector_load %arg16[%swap3A_98, %swap3A_99] {strides = array<i32>} : memref<128x16xf32, #tpu.memory_space<vmem>>, vector<1x16xf32>,
    %swap3A_101 = vector.shape_cast %swap3A_100 : vector<1x16xf32> to vector<16xf32>
    %swap3A_102 = vector.shape_cast %broadcast_in_dim3A_96 : vector<16xf32> to vector<1x16xf32>
    tpu.vector_store %arg16[%swap3A_98, %swap3A_99], %swap3A_102 {strides = array<i32>} : memref<128x16xf32, #tpu.memory_space<vmem>>, vector<1x16xf32>,
    %broadcast_in_dim3A_103 = arith.constant 1.000000e+00 : f32
    %broadcast_in_dim3A_104 = vector.broadcast %broadcast_in_dim3A_103 : f32 to vector<16xf32>
    %swap3A_105 = arith.constant 13 : i32
    %swap3A_106 = arith.index_cast %swap3A_105 : i32 to index
    %swap3A_107 = arith.constant 0 : index
    %swap3A_108 = tpu.vector_load %arg16[%swap3A_106, %swap3A_107] {strides = array<i32>} : memref<128x16xf32, #tpu.memory_space<vmem>>, vector<1x16xf32>,
    %swap3A_109 = vector.shape_cast %swap3A_108 : vector<1x16xf32> to vector<16xf32>
    %swap3A_110 = vector.shape_cast %broadcast_in_dim3A_104 : vector<16xf32> to vector<1x16xf32>
    tpu.vector_store %arg16[%swap3A_106, %swap3A_107], %swap3A_110 {strides = array<i32>} : memref<128x16xf32, #tpu.memory_space<vmem>>, vector<1x16xf32>,
    %broadcast_in_dim3A_111 = arith.constant 1.000000e+00 : f32
    %broadcast_in_dim3A_112 = vector.broadcast %broadcast_in_dim3A_111 : f32 to vector<16xf32>
    %swap3A_113 = arith.constant 14 : i32
    %swap3A_114 = arith.index_cast %swap3A_113 : i32 to index
    %swap3A_115 = arith.constant 0 : index
    %swap3A_116 = tpu.vector_load %arg16[%swap3A_114, %swap3A_115] {strides = array<i32>} : memref<128x16xf32, #tpu.memory_space<vmem>>, vector<1x16xf32>,
    %swap3A_117 = vector.shape_cast %swap3A_116 : vector<1x16xf32> to vector<16xf32>
    %swap3A_118 = vector.shape_cast %broadcast_in_dim3A_112 : vector<16xf32> to vector<1x16xf32>
    tpu.vector_store %arg16[%swap3A_114, %swap3A_115], %swap3A_118 {strides = array<i32>} : memref<128x16xf32, #tpu.memory_space<vmem>>, vector<1x16xf32>,
    %broadcast_in_dim3A_119 = arith.constant 1.000000e+00 : f32
    %broadcast_in_dim3A_120 = vector.broadcast %broadcast_in_dim3A_119 : f32 to vector<16xf32>
    %swap3A_121 = arith.constant 15 : i32
    %swap3A_122 = arith.index_cast %swap3A_121 : i32 to index
    %swap3A_123 = arith.constant 0 : index
    %swap3A_124 = tpu.vector_load %arg16[%swap3A_122, %swap3A_123] {strides = array<i32>} : memref<128x16xf32, #tpu.memory_space<vmem>>, vector<1x16xf32>,
    %swap3A_125 = vector.shape_cast %swap3A_124 : vector<1x16xf32> to vector<16xf32>
    %swap3A_126 = vector.shape_cast %broadcast_in_dim3A_120 : vector<16xf32> to vector<1x16xf32>
    tpu.vector_store %arg16[%swap3A_122, %swap3A_123], %swap3A_126 {strides = array<i32>} : memref<128x16xf32, #tpu.memory_space<vmem>>, vector<1x16xf32>,
    %broadcast_in_dim3A_127 = arith.constant 1.000000e+00 : f32
    %broadcast_in_dim3A_128 = vector.broadcast %broadcast_in_dim3A_127 : f32 to vector<16xf32>
    %swap3A_129 = arith.constant 16 : i32
    %swap3A_130 = arith.index_cast %swap3A_129 : i32 to index
    %swap3A_131 = arith.constant 0 : index
    %swap3A_132 = tpu.vector_load %arg16[%swap3A_130, %swap3A_131] {strides = array<i32>} : memref<128x16xf32, #tpu.memory_space<vmem>>, vector<1x16xf32>,
    %swap3A_133 = vector.shape_cast %swap3A_132 : vector<1x16xf32> to vector<16xf32>
    %swap3A_134 = vector.shape_cast %broadcast_in_dim3A_128 : vector<16xf32> to vector<1x16xf32>
    tpu.vector_store %arg16[%swap3A_130, %swap3A_131], %swap3A_134 {strides = array<i32>} : memref<128x16xf32, #tpu.memory_space<vmem>>, vector<1x16xf32>,
    %broadcast_in_dim3A_135 = arith.constant 1.000000e+00 : f32
    %broadcast_in_dim3A_136 = vector.broadcast %broadcast_in_dim3A_135 : f32 to vector<16xf32>
    %swap3A_137 = arith.constant 17 : i32
    %swap3A_138 = arith.index_cast %swap3A_137 : i32 to index
    %swap3A_139 = arith.constant 0 : index
    %swap3A_140 = tpu.vector_load %arg16[%swap3A_138, %swap3A_139] {strides = array<i32>} : memref<128x16xf32, #tpu.memory_space<vmem>>, vector<1x16xf32>,
    %swap3A_141 = vector.shape_cast %swap3A_140 : vector<1x16xf32> to vector<16xf32>
    %swap3A_142 = vector.shape_cast %broadcast_in_dim3A_136 : vector<16xf32> to vector<1x16xf32>
    tpu.vector_store %arg16[%swap3A_138, %swap3A_139], %swap3A_142 {strides = array<i32>} : memref<128x16xf32, #tpu.memory_space<vmem>>, vector<1x16xf32>,
    %broadcast_in_dim3A_143 = arith.constant 1.000000e+00 : f32
    %broadcast_in_dim3A_144 = vector.broadcast %broadcast_in_dim3A_143 : f32 to vector<16xf32>
    %swap3A_145 = arith.constant 18 : i32
    %swap3A_146 = arith.index_cast %swap3A_145 : i32 to index
    %swap3A_147 = arith.constant 0 : index
    %swap3A_148 = tpu.vector_load %arg16[%swap3A_146, %swap3A_147] {strides = array<i32>} : memref<128x16xf32, #tpu.memory_space<vmem>>, vector<1x16xf32>,
    %swap3A_149 = vector.shape_cast %swap3A_148 : vector<1x16xf32> to vector<16xf32>
    %swap3A_150 = vector.shape_cast %broadcast_in_dim3A_144 : vector<16xf32> to vector<1x16xf32>
    tpu.vector_store %arg16[%swap3A_146, %swap3A_147], %swap3A_150 {strides = array<i32>} : memref<128x16xf32, #tpu.memory_space<vmem>>, vector<1x16xf32>,
    %broadcast_in_dim3A_151 = arith.constant 1.000000e+00 : f32
    %broadcast_in_dim3A_152 = vector.broadcast %broadcast_in_dim3A_151 : f32 to vector<16xf32>
    %swap3A_153 = arith.constant 19 : i32
    %swap3A_154 = arith.index_cast %swap3A_153 : i32 to index
    %swap3A_155 = arith.constant 0 : index
    %swap3A_156 = tpu.vector_load %arg16[%swap3A_154, %swap3A_155] {strides = array<i32>} : memref<128x16xf32, #tpu.memory_space<vmem>>, vector<1x16xf32>,
    %swap3A_157 = vector.shape_cast %swap3A_156 : vector<1x16xf32> to vector<16xf32>
    %swap3A_158 = vector.shape_cast %broadcast_in_dim3A_152 : vector<16xf32> to vector<1x16xf32>
    tpu.vector_store %arg16[%swap3A_154, %swap3A_155], %swap3A_158 {strides = array<i32>} : memref<128x16xf32, #tpu.memory_space<vmem>>, vector<1x16xf32>,
    %broadcast_in_dim3A_159 = arith.constant 1.000000e+00 : f32
    %broadcast_in_dim3A_160 = vector.broadcast %broadcast_in_dim3A_159 : f32 to vector<16xf32>
    %swap3A_161 = arith.constant 20 : i32
    %swap3A_162 = arith.index_cast %swap3A_161 : i32 to index
    %swap3A_163 = arith.constant 0 : index
    %swap3A_164 = tpu.vector_load %arg16[%swap3A_162, %swap3A_163] {strides = array<i32>} : memref<128x16xf32, #tpu.memory_space<vmem>>, vector<1x16xf32>,
    %swap3A_165 = vector.shape_cast %swap3A_164 : vector<1x16xf32> to vector<16xf32>
    %swap3A_166 = vector.shape_cast %broadcast_in_dim3A_160 : vector<16xf32> to vector<1x16xf32>
    tpu.vector_store %arg16[%swap3A_162, %swap3A_163], %swap3A_166 {strides = array<i32>} : memref<128x16xf32, #tpu.memory_space<vmem>>, vector<1x16xf32>,
    %broadcast_in_dim3A_167 = arith.constant 1.000000e+00 : f32
    %broadcast_in_dim3A_168 = vector.broadcast %broadcast_in_dim3A_167 : f32 to vector<16xf32>
    %swap3A_169 = arith.constant 21 : i32
    %swap3A_170 = arith.index_cast %swap3A_169 : i32 to index
    %swap3A_171 = arith.constant 0 : index
    %swap3A_172 = tpu.vector_load %arg16[%swap3A_170, %swap3A_171] {strides = array<i32>} : memref<128x16xf32, #tpu.memory_space<vmem>>, vector<1x16xf32>,
    %swap3A_173 = vector.shape_cast %swap3A_172 : vector<1x16xf32> to vector<16xf32>
    %swap3A_174 = vector.shape_cast %broadcast_in_dim3A_168 : vector<16xf32> to vector<1x16xf32>
    tpu.vector_store %arg16[%swap3A_170, %swap3A_171], %swap3A_174 {strides = array<i32>} : memref<128x16xf32, #tpu.memory_space<vmem>>, vector<1x16xf32>,
    %broadcast_in_dim3A_175 = arith.constant 1.000000e+00 : f32
    %broadcast_in_dim3A_176 = vector.broadcast %broadcast_in_dim3A_175 : f32 to vector<16xf32>
    %swap3A_177 = arith.constant 22 : i32
    %swap3A_178 = arith.index_cast %swap3A_177 : i32 to index
    %swap3A_179 = arith.constant 0 : index
    %swap3A_180 = tpu.vector_load %arg16[%swap3A_178, %swap3A_179] {strides = array<i32>} : memref<128x16xf32, #tpu.memory_space<vmem>>, vector<1x16xf32>,
    %swap3A_181 = vector.shape_cast %swap3A_180 : vector<1x16xf32> to vector<16xf32>
    %swap3A_182 = vector.shape_cast %broadcast_in_dim3A_176 : vector<16xf32> to vector<1x16xf32>
    tpu.vector_store %arg16[%swap3A_178, %swap3A_179], %swap3A_182 {strides = array<i32>} : memref<128x16xf32, #tpu.memory_space<vmem>>, vector<1x16xf32>,
    %broadcast_in_dim3A_183 = arith.constant 1.000000e+00 : f32
    %broadcast_in_dim3A_184 = vector.broadcast %broadcast_in_dim3A_183 : f32 to vector<16xf32>
    %swap3A_185 = arith.constant 23 : i32
    %swap3A_186 = arith.index_cast %swap3A_185 : i32 to index
    %swap3A_187 = arith.constant 0 : index
    %swap3A_188 = tpu.vector_load %arg16[%swap3A_186, %swap3A_187] {strides = array<i32>} : memref<128x16xf32, #tpu.memory_space<vmem>>, vector<1x16xf32>,
    %swap3A_189 = vector.shape_cast %swap3A_188 : vector<1x16xf32> to vector<16xf32>
    %swap3A_190 = vector.shape_cast %broadcast_in_dim3A_184 : vector<16xf32> to vector<1x16xf32>
    tpu.vector_store %arg16[%swap3A_186, %swap3A_187], %swap3A_190 {strides = array<i32>} : memref<128x16xf32, #tpu.memory_space<vmem>>, vector<1x16xf32>,
    %broadcast_in_dim3A_191 = arith.constant 1.000000e+00 : f32
    %broadcast_in_dim3A_192 = vector.broadcast %broadcast_in_dim3A_191 : f32 to vector<16xf32>
    %swap3A_193 = arith.constant 24 : i32
    %swap3A_194 = arith.index_cast %swap3A_193 : i32 to index
    %swap3A_195 = arith.constant 0 : index
    %swap3A_196 = tpu.vector_load %arg16[%swap3A_194, %swap3A_195] {strides = array<i32>} : memref<128x16xf32, #tpu.memory_space<vmem>>, vector<1x16xf32>,
    %swap3A_197 = vector.shape_cast %swap3A_196 : vector<1x16xf32> to vector<16xf32>
    %swap3A_198 = vector.shape_cast %broadcast_in_dim3A_192 : vector<16xf32> to vector<1x16xf32>
    tpu.vector_store %arg16[%swap3A_194, %swap3A_195], %swap3A_198 {strides = array<i32>} : memref<128x16xf32, #tpu.memory_space<vmem>>, vector<1x16xf32>,
    %broadcast_in_dim3A_199 = arith.constant 1.000000e+00 : f32
    %broadcast_in_dim3A_200 = vector.broadcast %broadcast_in_dim3A_199 : f32 to vector<16xf32>
    %swap3A_201 = arith.constant 25 : i32
    %swap3A_202 = arith.index_cast %swap3A_201 : i32 to index
    %swap3A_203 = arith.constant 0 : index
    %swap3A_204 = tpu.vector_load %arg16[%swap3A_202, %swap3A_203] {strides = array<i32>} : memref<128x16xf32, #tpu.memory_space<vmem>>, vector<1x16xf32>,
    %swap3A_205 = vector.shape_cast %swap3A_204 : vector<1x16xf32> to vector<16xf32>
    %swap3A_206 = vector.shape_cast %broadcast_in_dim3A_200 : vector<16xf32> to vector<1x16xf32>
    tpu.vector_store %arg16[%swap3A_202, %swap3A_203], %swap3A_206 {strides = array<i32>} : memref<128x16xf32, #tpu.memory_space<vmem>>, vector<1x16xf32>,
    %broadcast_in_dim3A_207 = arith.constant 1.000000e+00 : f32
    %broadcast_in_dim3A_208 = vector.broadcast %broadcast_in_dim3A_207 : f32 to vector<16xf32>
    %swap3A_209 = arith.constant 26 : i32
    %swap3A_210 = arith.index_cast %swap3A_209 : i32 to index
    %swap3A_211 = arith.constant 0 : index
    %swap3A_212 = tpu.vector_load %arg16[%swap3A_210, %swap3A_211] {strides = array<i32>} : memref<128x16xf32, #tpu.memory_space<vmem>>, vector<1x16xf32>,
    %swap3A_213 = vector.shape_cast %swap3A_212 : vector<1x16xf32> to vector<16xf32>
    %swap3A_214 = vector.shape_cast %broadcast_in_dim3A_208 : vector<16xf32> to vector<1x16xf32>
    tpu.vector_store %arg16[%swap3A_210, %swap3A_211], %swap3A_214 {strides = array<i32>} : memref<128x16xf32, #tpu.memory_space<vmem>>, vector<1x16xf32>,
    %broadcast_in_dim3A_215 = arith.constant 1.000000e+00 : f32
    %broadcast_in_dim3A_216 = vector.broadcast %broadcast_in_dim3A_215 : f32 to vector<16xf32>
    %swap3A_217 = arith.constant 27 : i32
    %swap3A_218 = arith.index_cast %swap3A_217 : i32 to index
    %swap3A_219 = arith.constant 0 : index
    %swap3A_220 = tpu.vector_load %arg16[%swap3A_218, %swap3A_219] {strides = array<i32>} : memref<128x16xf32, #tpu.memory_space<vmem>>, vector<1x16xf32>,
    %swap3A_221 = vector.shape_cast %swap3A_220 : vector<1x16xf32> to vector<16xf32>
    %swap3A_222 = vector.shape_cast %broadcast_in_dim3A_216 : vector<16xf32> to vector<1x16xf32>
    tpu.vector_store %arg16[%swap3A_218, %swap3A_219], %swap3A_222 {strides = array<i32>} : memref<128x16xf32, #tpu.memory_space<vmem>>, vector<1x16xf32>,
    %broadcast_in_dim3A_223 = arith.constant 1.000000e+00 : f32
    %broadcast_in_dim3A_224 = vector.broadcast %broadcast_in_dim3A_223 : f32 to vector<16xf32>
    %swap3A_225 = arith.constant 28 : i32
    %swap3A_226 = arith.index_cast %swap3A_225 : i32 to index
    %swap3A_227 = arith.constant 0 : index
    %swap3A_228 = tpu.vector_load %arg16[%swap3A_226, %swap3A_227] {strides = array<i32>} : memref<128x16xf32, #tpu.memory_space<vmem>>, vector<1x16xf32>,
    %swap3A_229 = vector.shape_cast %swap3A_228 : vector<1x16xf32> to vector<16xf32>
    %swap3A_230 = vector.shape_cast %broadcast_in_dim3A_224 : vector<16xf32> to vector<1x16xf32>
    tpu.vector_store %arg16[%swap3A_226, %swap3A_227], %swap3A_230 {strides = array<i32>} : memref<128x16xf32, #tpu.memory_space<vmem>>, vector<1x16xf32>,
    %broadcast_in_dim3A_231 = arith.constant 1.000000e+00 : f32
    %broadcast_in_dim3A_232 = vector.broadcast %broadcast_in_dim3A_231 : f32 to vector<16xf32>
    %swap3A_233 = arith.constant 29 : i32
    %swap3A_234 = arith.index_cast %swap3A_233 : i32 to index
    %swap3A_235 = arith.constant 0 : index
    %swap3A_236 = tpu.vector_load %arg16[%swap3A_234, %swap3A_235] {strides = array<i32>} : memref<128x16xf32, #tpu.memory_space<vmem>>, vector<1x16xf32>,
    %swap3A_237 = vector.shape_cast %swap3A_236 : vector<1x16xf32> to vector<16xf32>
    %swap3A_238 = vector.shape_cast %broadcast_in_dim3A_232 : vector<16xf32> to vector<1x16xf32>
    tpu.vector_store %arg16[%swap3A_234, %swap3A_235], %swap3A_238 {strides = array<i32>} : memref<128x16xf32, #tpu.memory_space<vmem>>, vector<1x16xf32>,
    %broadcast_in_dim3A_239 = arith.constant 1.000000e+00 : f32
    %broadcast_in_dim3A_240 = vector.broadcast %broadcast_in_dim3A_239 : f32 to vector<16xf32>
    %swap3A_241 = arith.constant 30 : i32
    %swap3A_242 = arith.index_cast %swap3A_241 : i32 to index
    %swap3A_243 = arith.constant 0 : index
    %swap3A_244 = tpu.vector_load %arg16[%swap3A_242, %swap3A_243] {strides = array<i32>} : memref<128x16xf32, #tpu.memory_space<vmem>>, vector<1x16xf32>,
    %swap3A_245 = vector.shape_cast %swap3A_244 : vector<1x16xf32> to vector<16xf32>
    %swap3A_246 = vector.shape_cast %broadcast_in_dim3A_240 : vector<16xf32> to vector<1x16xf32>
    tpu.vector_store %arg16[%swap3A_242, %swap3A_243], %swap3A_246 {strides = array<i32>} : memref<128x16xf32, #tpu.memory_space<vmem>>, vector<1x16xf32>,
    %broadcast_in_dim3A_247 = arith.constant 1.000000e+00 : f32
    %broadcast_in_dim3A_248 = vector.broadcast %broadcast_in_dim3A_247 : f32 to vector<16xf32>
    %swap3A_249 = arith.constant 31 : i32
    %swap3A_250 = arith.index_cast %swap3A_249 : i32 to index
    %swap3A_251 = arith.constant 0 : index
    %swap3A_252 = tpu.vector_load %arg16[%swap3A_250, %swap3A_251] {strides = array<i32>} : memref<128x16xf32, #tpu.memory_space<vmem>>, vector<1x16xf32>,
    %swap3A_253 = vector.shape_cast %swap3A_252 : vector<1x16xf32> to vector<16xf32>
    %swap3A_254 = vector.shape_cast %broadcast_in_dim3A_248 : vector<16xf32> to vector<1x16xf32>
    tpu.vector_store %arg16[%swap3A_250, %swap3A_251], %swap3A_254 {strides = array<i32>} : memref<128x16xf32, #tpu.memory_space<vmem>>, vector<1x16xf32>,
    %broadcast_in_dim3A_255 = arith.constant 1.000000e+00 : f32
    %broadcast_in_dim3A_256 = vector.broadcast %broadcast_in_dim3A_255 : f32 to vector<16xf32>
    %swap3A_257 = arith.constant 32 : i32
    %swap3A_258 = arith.index_cast %swap3A_257 : i32 to index
    %swap3A_259 = arith.constant 0 : index
    %swap3A_260 = tpu.vector_load %arg16[%swap3A_258, %swap3A_259] {strides = array<i32>} : memref<128x16xf32, #tpu.memory_space<vmem>>, vector<1x16xf32>,
    %swap3A_261 = vector.shape_cast %swap3A_260 : vector<1x16xf32> to vector<16xf32>
    %swap3A_262 = vector.shape_cast %broadcast_in_dim3A_256 : vector<16xf32> to vector<1x16xf32>
    tpu.vector_store %arg16[%swap3A_258, %swap3A_259], %swap3A_262 {strides = array<i32>} : memref<128x16xf32, #tpu.memory_space<vmem>>, vector<1x16xf32>,
    %broadcast_in_dim3A_263 = arith.constant 1.000000e+00 : f32
    %broadcast_in_dim3A_264 = vector.broadcast %broadcast_in_dim3A_263 : f32 to vector<16xf32>
    %swap3A_265 = arith.constant 33 : i32
    %swap3A_266 = arith.index_cast %swap3A_265 : i32 to index
    %swap3A_267 = arith.constant 0 : index
    %swap3A_268 = tpu.vector_load %arg16[%swap3A_266, %swap3A_267] {strides = array<i32>} : memref<128x16xf32, #tpu.memory_space<vmem>>, vector<1x16xf32>,
    %swap3A_269 = vector.shape_cast %swap3A_268 : vector<1x16xf32> to vector<16xf32>
    %swap3A_270 = vector.shape_cast %broadcast_in_dim3A_264 : vector<16xf32> to vector<1x16xf32>
    tpu.vector_store %arg16[%swap3A_266, %swap3A_267], %swap3A_270 {strides = array<i32>} : memref<128x16xf32, #tpu.memory_space<vmem>>, vector<1x16xf32>,
    %broadcast_in_dim3A_271 = arith.constant 1.000000e+00 : f32
    %broadcast_in_dim3A_272 = vector.broadcast %broadcast_in_dim3A_271 : f32 to vector<16xf32>
    %swap3A_273 = arith.constant 34 : i32
    %swap3A_274 = arith.index_cast %swap3A_273 : i32 to index
    %swap3A_275 = arith.constant 0 : index
    %swap3A_276 = tpu.vector_load %arg16[%swap3A_274, %swap3A_275] {strides = array<i32>} : memref<128x16xf32, #tpu.memory_space<vmem>>, vector<1x16xf32>,
    %swap3A_277 = vector.shape_cast %swap3A_276 : vector<1x16xf32> to vector<16xf32>
    %swap3A_278 = vector.shape_cast %broadcast_in_dim3A_272 : vector<16xf32> to vector<1x16xf32>
    tpu.vector_store %arg16[%swap3A_274, %swap3A_275], %swap3A_278 {strides = array<i32>} : memref<128x16xf32, #tpu.memory_space<vmem>>, vector<1x16xf32>,
    %broadcast_in_dim3A_279 = arith.constant 1.000000e+00 : f32
    %broadcast_in_dim3A_280 = vector.broadcast %broadcast_in_dim3A_279 : f32 to vector<16xf32>
    %swap3A_281 = arith.constant 35 : i32
    %swap3A_282 = arith.index_cast %swap3A_281 : i32 to index
    %swap3A_283 = arith.constant 0 : index
    %swap3A_284 = tpu.vector_load %arg16[%swap3A_282, %swap3A_283] {strides = array<i32>} : memref<128x16xf32, #tpu.memory_space<vmem>>, vector<1x16xf32>,
    %swap3A_285 = vector.shape_cast %swap3A_284 : vector<1x16xf32> to vector<16xf32>
    %swap3A_286 = vector.shape_cast %broadcast_in_dim3A_280 : vector<16xf32> to vector<1x16xf32>
    tpu.vector_store %arg16[%swap3A_282, %swap3A_283], %swap3A_286 {strides = array<i32>} : memref<128x16xf32, #tpu.memory_space<vmem>>, vector<1x16xf32>,
    %broadcast_in_dim3A_287 = arith.constant 1.000000e+00 : f32
    %broadcast_in_dim3A_288 = vector.broadcast %broadcast_in_dim3A_287 : f32 to vector<16xf32>
    %swap3A_289 = arith.constant 36 : i32
    %swap3A_290 = arith.index_cast %swap3A_289 : i32 to index
    %swap3A_291 = arith.constant 0 : index
    %swap3A_292 = tpu.vector_load %arg16[%swap3A_290, %swap3A_291] {strides = array<i32>} : memref<128x16xf32, #tpu.memory_space<vmem>>, vector<1x16xf32>,
    %swap3A_293 = vector.shape_cast %swap3A_292 : vector<1x16xf32> to vector<16xf32>
    %swap3A_294 = vector.shape_cast %broadcast_in_dim3A_288 : vector<16xf32> to vector<1x16xf32>
    tpu.vector_store %arg16[%swap3A_290, %swap3A_291], %swap3A_294 {strides = array<i32>} : memref<128x16xf32, #tpu.memory_space<vmem>>, vector<1x16xf32>,
    %broadcast_in_dim3A_295 = arith.constant 1.000000e+00 : f32
    %broadcast_in_dim3A_296 = vector.broadcast %broadcast_in_dim3A_295 : f32 to vector<16xf32>
    %swap3A_297 = arith.constant 37 : i32
    %swap3A_298 = arith.index_cast %swap3A_297 : i32 to index
    %swap3A_299 = arith.constant 0 : index
    %swap3A_300 = tpu.vector_load %arg16[%swap3A_298, %swap3A_299] {strides = array<i32>} : memref<128x16xf32, #tpu.memory_space<vmem>>, vector<1x16xf32>,
    %swap3A_301 = vector.shape_cast %swap3A_300 : vector<1x16xf32> to vector<16xf32>
    %swap3A_302 = vector.shape_cast %broadcast_in_dim3A_296 : vector<16xf32> to vector<1x16xf32>
    tpu.vector_store %arg16[%swap3A_298, %swap3A_299], %swap3A_302 {strides = array<i32>} : memref<128x16xf32, #tpu.memory_space<vmem>>, vector<1x16xf32>,
    %broadcast_in_dim3A_303 = arith.constant 1.000000e+00 : f32
    %broadcast_in_dim3A_304 = vector.broadcast %broadcast_in_dim3A_303 : f32 to vector<16xf32>
    %swap3A_305 = arith.constant 38 : i32
    %swap3A_306 = arith.index_cast %swap3A_305 : i32 to index
    %swap3A_307 = arith.constant 0 : index
    %swap3A_308 = tpu.vector_load %arg16[%swap3A_306, %swap3A_307] {strides = array<i32>} : memref<128x16xf32, #tpu.memory_space<vmem>>, vector<1x16xf32>,
    %swap3A_309 = vector.shape_cast %swap3A_308 : vector<1x16xf32> to vector<16xf32>
    %swap3A_310 = vector.shape_cast %broadcast_in_dim3A_304 : vector<16xf32> to vector<1x16xf32>
    tpu.vector_store %arg16[%swap3A_306, %swap3A_307], %swap3A_310 {strides = array<i32>} : memref<128x16xf32, #tpu.memory_space<vmem>>, vector<1x16xf32>,
    %broadcast_in_dim3A_311 = arith.constant 1.000000e+00 : f32
    %broadcast_in_dim3A_312 = vector.broadcast %broadcast_in_dim3A_311 : f32 to vector<16xf32>
    %swap3A_313 = arith.constant 39 : i32
    %swap3A_314 = arith.index_cast %swap3A_313 : i32 to index
    %swap3A_315 = arith.constant 0 : index
    %swap3A_316 = tpu.vector_load %arg16[%swap3A_314, %swap3A_315] {strides = array<i32>} : memref<128x16xf32, #tpu.memory_space<vmem>>, vector<1x16xf32>,
    %swap3A_317 = vector.shape_cast %swap3A_316 : vector<1x16xf32> to vector<16xf32>
    %swap3A_318 = vector.shape_cast %broadcast_in_dim3A_312 : vector<16xf32> to vector<1x16xf32>
    tpu.vector_store %arg16[%swap3A_314, %swap3A_315], %swap3A_318 {strides = array<i32>} : memref<128x16xf32, #tpu.memory_space<vmem>>, vector<1x16xf32>,
    %broadcast_in_dim3A_319 = arith.constant 1.000000e+00 : f32
    %broadcast_in_dim3A_320 = vector.broadcast %broadcast_in_dim3A_319 : f32 to vector<16xf32>
    %swap3A_321 = arith.constant 40 : i32
    %swap3A_322 = arith.index_cast %swap3A_321 : i32 to index
    %swap3A_323 = arith.constant 0 : index
    %swap3A_324 = tpu.vector_load %arg16[%swap3A_322, %swap3A_323] {strides = array<i32>} : memref<128x16xf32, #tpu.memory_space<vmem>>, vector<1x16xf32>,
    %swap3A_325 = vector.shape_cast %swap3A_324 : vector<1x16xf32> to vector<16xf32>
    %swap3A_326 = vector.shape_cast %broadcast_in_dim3A_320 : vector<16xf32> to vector<1x16xf32>
    tpu.vector_store %arg16[%swap3A_322, %swap3A_323], %swap3A_326 {strides = array<i32>} : memref<128x16xf32, #tpu.memory_space<vmem>>, vector<1x16xf32>,
    %broadcast_in_dim3A_327 = arith.constant 1.000000e+00 : f32
    %broadcast_in_dim3A_328 = vector.broadcast %broadcast_in_dim3A_327 : f32 to vector<16xf32>
    %swap3A_329 = arith.constant 41 : i32
    %swap3A_330 = arith.index_cast %swap3A_329 : i32 to index
    %swap3A_331 = arith.constant 0 : index
    %swap3A_332 = tpu.vector_load %arg16[%swap3A_330, %swap3A_331] {strides = array<i32>} : memref<128x16xf32, #tpu.memory_space<vmem>>, vector<1x16xf32>,
    %swap3A_333 = vector.shape_cast %swap3A_332 : vector<1x16xf32> to vector<16xf32>
    %swap3A_334 = vector.shape_cast %broadcast_in_dim3A_328 : vector<16xf32> to vector<1x16xf32>
    tpu.vector_store %arg16[%swap3A_330, %swap3A_331], %swap3A_334 {strides = array<i32>} : memref<128x16xf32, #tpu.memory_space<vmem>>, vector<1x16xf32>,
    %broadcast_in_dim3A_335 = arith.constant 1.000000e+00 : f32
    %broadcast_in_dim3A_336 = vector.broadcast %broadcast_in_dim3A_335 : f32 to vector<16xf32>
    %swap3A_337 = arith.constant 42 : i32
    %swap3A_338 = arith.index_cast %swap3A_337 : i32 to index
    %swap3A_339 = arith.constant 0 : index
    %swap3A_340 = tpu.vector_load %arg16[%swap3A_338, %swap3A_339] {strides = array<i32>} : memref<128x16xf32, #tpu.memory_space<vmem>>, vector<1x16xf32>,
    %swap3A_341 = vector.shape_cast %swap3A_340 : vector<1x16xf32> to vector<16xf32>
    %swap3A_342 = vector.shape_cast %broadcast_in_dim3A_336 : vector<16xf32> to vector<1x16xf32>
    tpu.vector_store %arg16[%swap3A_338, %swap3A_339], %swap3A_342 {strides = array<i32>} : memref<128x16xf32, #tpu.memory_space<vmem>>, vector<1x16xf32>,
    %broadcast_in_dim3A_343 = arith.constant 1.000000e+00 : f32
    %broadcast_in_dim3A_344 = vector.broadcast %broadcast_in_dim3A_343 : f32 to vector<16xf32>
    %swap3A_345 = arith.constant 43 : i32
    %swap3A_346 = arith.index_cast %swap3A_345 : i32 to index
    %swap3A_347 = arith.constant 0 : index
    %swap3A_348 = tpu.vector_load %arg16[%swap3A_346, %swap3A_347] {strides = array<i32>} : memref<128x16xf32, #tpu.memory_space<vmem>>, vector<1x16xf32>,
    %swap3A_349 = vector.shape_cast %swap3A_348 : vector<1x16xf32> to vector<16xf32>
    %swap3A_350 = vector.shape_cast %broadcast_in_dim3A_344 : vector<16xf32> to vector<1x16xf32>
    tpu.vector_store %arg16[%swap3A_346, %swap3A_347], %swap3A_350 {strides = array<i32>} : memref<128x16xf32, #tpu.memory_space<vmem>>, vector<1x16xf32>,
    %broadcast_in_dim3A_351 = arith.constant 1.000000e+00 : f32
    %broadcast_in_dim3A_352 = vector.broadcast %broadcast_in_dim3A_351 : f32 to vector<16xf32>
    %swap3A_353 = arith.constant 44 : i32
    %swap3A_354 = arith.index_cast %swap3A_353 : i32 to index
    %swap3A_355 = arith.constant 0 : index
    %swap3A_356 = tpu.vector_load %arg16[%swap3A_354, %swap3A_355] {strides = array<i32>} : memref<128x16xf32, #tpu.memory_space<vmem>>, vector<1x16xf32>,
    %swap3A_357 = vector.shape_cast %swap3A_356 : vector<1x16xf32> to vector<16xf32>
    %swap3A_358 = vector.shape_cast %broadcast_in_dim3A_352 : vector<16xf32> to vector<1x16xf32>
    tpu.vector_store %arg16[%swap3A_354, %swap3A_355], %swap3A_358 {strides = array<i32>} : memref<128x16xf32, #tpu.memory_space<vmem>>, vector<1x16xf32>,
    %broadcast_in_dim3A_359 = arith.constant 1.000000e+00 : f32
    %broadcast_in_dim3A_360 = vector.broadcast %broadcast_in_dim3A_359 : f32 to vector<16xf32>
    %swap3A_361 = arith.constant 45 : i32
    %swap3A_362 = arith.index_cast %swap3A_361 : i32 to index
    %swap3A_363 = arith.constant 0 : index
    %swap3A_364 = tpu.vector_load %arg16[%swap3A_362, %swap3A_363] {strides = array<i32>} : memref<128x16xf32, #tpu.memory_space<vmem>>, vector<1x16xf32>,
    %swap3A_365 = vector.shape_cast %swap3A_364 : vector<1x16xf32> to vector<16xf32>
    %swap3A_366 = vector.shape_cast %broadcast_in_dim3A_360 : vector<16xf32> to vector<1x16xf32>
    tpu.vector_store %arg16[%swap3A_362, %swap3A_363], %swap3A_366 {strides = array<i32>} : memref<128x16xf32, #tpu.memory_space<vmem>>, vector<1x16xf32>,
    %broadcast_in_dim3A_367 = arith.constant 1.000000e+00 : f32
    %broadcast_in_dim3A_368 = vector.broadcast %broadcast_in_dim3A_367 : f32 to vector<16xf32>
    %swap3A_369 = arith.constant 46 : i32
    %swap3A_370 = arith.index_cast %swap3A_369 : i32 to index
    %swap3A_371 = arith.constant 0 : index
    %swap3A_372 = tpu.vector_load %arg16[%swap3A_370, %swap3A_371] {strides = array<i32>} : memref<128x16xf32, #tpu.memory_space<vmem>>, vector<1x16xf32>,
    %swap3A_373 = vector.shape_cast %swap3A_372 : vector<1x16xf32> to vector<16xf32>
    %swap3A_374 = vector.shape_cast %broadcast_in_dim3A_368 : vector<16xf32> to vector<1x16xf32>
    tpu.vector_store %arg16[%swap3A_370, %swap3A_371], %swap3A_374 {strides = array<i32>} : memref<128x16xf32, #tpu.memory_space<vmem>>, vector<1x16xf32>,
    %broadcast_in_dim3A_375 = arith.constant 1.000000e+00 : f32
    %broadcast_in_dim3A_376 = vector.broadcast %broadcast_in_dim3A_375 : f32 to vector<16xf32>
    %swap3A_377 = arith.constant 47 : i32
    %swap3A_378 = arith.index_cast %swap3A_377 : i32 to index
    %swap3A_379 = arith.constant 0 : index
    %swap3A_380 = tpu.vector_load %arg16[%swap3A_378, %swap3A_379] {strides = array<i32>} : memref<128x16xf32, #tpu.memory_space<vmem>>, vector<1x16xf32>,
    %swap3A_381 = vector.shape_cast %swap3A_380 : vector<1x16xf32> to vector<16xf32>
    %swap3A_382 = vector.shape_cast %broadcast_in_dim3A_376 : vector<16xf32> to vector<1x16xf32>
    tpu.vector_store %arg16[%swap3A_378, %swap3A_379], %swap3A_382 {strides = array<i32>} : memref<128x16xf32, #tpu.memory_space<vmem>>, vector<1x16xf32>,
    %broadcast_in_dim3A_383 = arith.constant 1.000000e+00 : f32
    %broadcast_in_dim3A_384 = vector.broadcast %broadcast_in_dim3A_383 : f32 to vector<16xf32>
    %swap3A_385 = arith.constant 48 : i32
    %swap3A_386 = arith.index_cast %swap3A_385 : i32 to index
    %swap3A_387 = arith.constant 0 : index
    %swap3A_388 = tpu.vector_load %arg16[%swap3A_386, %swap3A_387] {strides = array<i32>} : memref<128x16xf32, #tpu.memory_space<vmem>>, vector<1x16xf32>,
    %swap3A_389 = vector.shape_cast %swap3A_388 : vector<1x16xf32> to vector<16xf32>
    %swap3A_390 = vector.shape_cast %broadcast_in_dim3A_384 : vector<16xf32> to vector<1x16xf32>
    tpu.vector_store %arg16[%swap3A_386, %swap3A_387], %swap3A_390 {strides = array<i32>} : memref<128x16xf32, #tpu.memory_space<vmem>>, vector<1x16xf32>,
    %broadcast_in_dim3A_391 = arith.constant 1.000000e+00 : f32
    %broadcast_in_dim3A_392 = vector.broadcast %broadcast_in_dim3A_391 : f32 to vector<16xf32>
    %swap3A_393 = arith.constant 49 : i32
    %swap3A_394 = arith.index_cast %swap3A_393 : i32 to index
    %swap3A_395 = arith.constant 0 : index
    %swap3A_396 = tpu.vector_load %arg16[%swap3A_394, %swap3A_395] {strides = array<i32>} : memref<128x16xf32, #tpu.memory_space<vmem>>, vector<1x16xf32>,
    %swap3A_397 = vector.shape_cast %swap3A_396 : vector<1x16xf32> to vector<16xf32>
    %swap3A_398 = vector.shape_cast %broadcast_in_dim3A_392 : vector<16xf32> to vector<1x16xf32>
    tpu.vector_store %arg16[%swap3A_394, %swap3A_395], %swap3A_398 {strides = array<i32>} : memref<128x16xf32, #tpu.memory_space<vmem>>, vector<1x16xf32>,
    %broadcast_in_dim3A_399 = arith.constant 1.000000e+00 : f32
    %broadcast_in_dim3A_400 = vector.broadcast %broadcast_in_dim3A_399 : f32 to vector<16xf32>
    %swap3A_401 = arith.constant 50 : i32
    %swap3A_402 = arith.index_cast %swap3A_401 : i32 to index
    %swap3A_403 = arith.constant 0 : index
    %swap3A_404 = tpu.vector_load %arg16[%swap3A_402, %swap3A_403] {strides = array<i32>} : memref<128x16xf32, #tpu.memory_space<vmem>>, vector<1x16xf32>,
    %swap3A_405 = vector.shape_cast %swap3A_404 : vector<1x16xf32> to vector<16xf32>
    %swap3A_406 = vector.shape_cast %broadcast_in_dim3A_400 : vector<16xf32> to vector<1x16xf32>
    tpu.vector_store %arg16[%swap3A_402, %swap3A_403], %swap3A_406 {strides = array<i32>} : memref<128x16xf32, #tpu.memory_space<vmem>>, vector<1x16xf32>,
    %broadcast_in_dim3A_407 = arith.constant 1.000000e+00 : f32
    %broadcast_in_dim3A_408 = vector.broadcast %broadcast_in_dim3A_407 : f32 to vector<16xf32>
    %swap3A_409 = arith.constant 51 : i32
    %swap3A_410 = arith.index_cast %swap3A_409 : i32 to index
    %swap3A_411 = arith.constant 0 : index
    %swap3A_412 = tpu.vector_load %arg16[%swap3A_410, %swap3A_411] {strides = array<i32>} : memref<128x16xf32, #tpu.memory_space<vmem>>, vector<1x16xf32>,
    %swap3A_413 = vector.shape_cast %swap3A_412 : vector<1x16xf32> to vector<16xf32>
    %swap3A_414 = vector.shape_cast %broadcast_in_dim3A_408 : vector<16xf32> to vector<1x16xf32>
    tpu.vector_store %arg16[%swap3A_410, %swap3A_411], %swap3A_414 {strides = array<i32>} : memref<128x16xf32, #tpu.memory_space<vmem>>, vector<1x16xf32>,
    %broadcast_in_dim3A_415 = arith.constant 1.000000e+00 : f32
    %broadcast_in_dim3A_416 = vector.broadcast %broadcast_in_dim3A_415 : f32 to vector<16xf32>
    %swap3A_417 = arith.constant 52 : i32
    %swap3A_418 = arith.index_cast %swap3A_417 : i32 to index
    %swap3A_419 = arith.constant 0 : index
    %swap3A_420 = tpu.vector_load %arg16[%swap3A_418, %swap3A_419] {strides = array<i32>} : memref<128x16xf32, #tpu.memory_space<vmem>>, vector<1x16xf32>,
    %swap3A_421 = vector.shape_cast %swap3A_420 : vector<1x16xf32> to vector<16xf32>
    %swap3A_422 = vector.shape_cast %broadcast_in_dim3A_416 : vector<16xf32> to vector<1x16xf32>
    tpu.vector_store %arg16[%swap3A_418, %swap3A_419], %swap3A_422 {strides = array<i32>} : memref<128x16xf32, #tpu.memory_space<vmem>>, vector<1x16xf32>,
    %broadcast_in_dim3A_423 = arith.constant 1.000000e+00 : f32
    %broadcast_in_dim3A_424 = vector.broadcast %broadcast_in_dim3A_423 : f32 to vector<16xf32>
    %swap3A_425 = arith.constant 53 : i32
    %swap3A_426 = arith.index_cast %swap3A_425 : i32 to index
    %swap3A_427 = arith.constant 0 : index
    %swap3A_428 = tpu.vector_load %arg16[%swap3A_426, %swap3A_427] {strides = array<i32>} : memref<128x16xf32, #tpu.memory_space<vmem>>, vector<1x16xf32>,
    %swap3A_429 = vector.shape_cast %swap3A_428 : vector<1x16xf32> to vector<16xf32>
    %swap3A_430 = vector.shape_cast %broadcast_in_dim3A_424 : vector<16xf32> to vector<1x16xf32>
    tpu.vector_store %arg16[%swap3A_426, %swap3A_427], %swap3A_430 {strides = array<i32>} : memref<128x16xf32, #tpu.memory_space<vmem>>, vector<1x16xf32>,
    %broadcast_in_dim3A_431 = arith.constant 1.000000e+00 : f32
    %broadcast_in_dim3A_432 = vector.broadcast %broadcast_in_dim3A_431 : f32 to vector<16xf32>
    %swap3A_433 = arith.constant 54 : i32
    %swap3A_434 = arith.index_cast %swap3A_433 : i32 to index
    %swap3A_435 = arith.constant 0 : index
    %swap3A_436 = tpu.vector_load %arg16[%swap3A_434, %swap3A_435] {strides = array<i32>} : memref<128x16xf32, #tpu.memory_space<vmem>>, vector<1x16xf32>,
    %swap3A_437 = vector.shape_cast %swap3A_436 : vector<1x16xf32> to vector<16xf32>
    %swap3A_438 = vector.shape_cast %broadcast_in_dim3A_432 : vector<16xf32> to vector<1x16xf32>
    tpu.vector_store %arg16[%swap3A_434, %swap3A_435], %swap3A_438 {strides = array<i32>} : memref<128x16xf32, #tpu.memory_space<vmem>>, vector<1x16xf32>,
    %broadcast_in_dim3A_439 = arith.constant 1.000000e+00 : f32
    %broadcast_in_dim3A_440 = vector.broadcast %broadcast_in_dim3A_439 : f32 to vector<16xf32>
    %swap3A_441 = arith.constant 55 : i32
    %swap3A_442 = arith.index_cast %swap3A_441 : i32 to index
    %swap3A_443 = arith.constant 0 : index
    %swap3A_444 = tpu.vector_load %arg16[%swap3A_442, %swap3A_443] {strides = array<i32>} : memref<128x16xf32, #tpu.memory_space<vmem>>, vector<1x16xf32>,
    %swap3A_445 = vector.shape_cast %swap3A_444 : vector<1x16xf32> to vector<16xf32>
    %swap3A_446 = vector.shape_cast %broadcast_in_dim3A_440 : vector<16xf32> to vector<1x16xf32>
    tpu.vector_store %arg16[%swap3A_442, %swap3A_443], %swap3A_446 {strides = array<i32>} : memref<128x16xf32, #tpu.memory_space<vmem>>, vector<1x16xf32>,
    %broadcast_in_dim3A_447 = arith.constant 1.000000e+00 : f32
    %broadcast_in_dim3A_448 = vector.broadcast %broadcast_in_dim3A_447 : f32 to vector<16xf32>
    %swap3A_449 = arith.constant 56 : i32
    %swap3A_450 = arith.index_cast %swap3A_449 : i32 to index
    %swap3A_451 = arith.constant 0 : index
    %swap3A_452 = tpu.vector_load %arg16[%swap3A_450, %swap3A_451] {strides = array<i32>} : memref<128x16xf32, #tpu.memory_space<vmem>>, vector<1x16xf32>,
    %swap3A_453 = vector.shape_cast %swap3A_452 : vector<1x16xf32> to vector<16xf32>
    %swap3A_454 = vector.shape_cast %broadcast_in_dim3A_448 : vector<16xf32> to vector<1x16xf32>
    tpu.vector_store %arg16[%swap3A_450, %swap3A_451], %swap3A_454 {strides = array<i32>} : memref<128x16xf32, #tpu.memory_space<vmem>>, vector<1x16xf32>,
    %broadcast_in_dim3A_455 = arith.constant 1.000000e+00 : f32
    %broadcast_in_dim3A_456 = vector.broadcast %broadcast_in_dim3A_455 : f32 to vector<16xf32>
    %swap3A_457 = arith.constant 57 : i32
    %swap3A_458 = arith.index_cast %swap3A_457 : i32 to index
    %swap3A_459 = arith.constant 0 : index
    %swap3A_460 = tpu.vector_load %arg16[%swap3A_458, %swap3A_459] {strides = array<i32>} : memref<128x16xf32, #tpu.memory_space<vmem>>, vector<1x16xf32>,
    %swap3A_461 = vector.shape_cast %swap3A_460 : vector<1x16xf32> to vector<16xf32>
    %swap3A_462 = vector.shape_cast %broadcast_in_dim3A_456 : vector<16xf32> to vector<1x16xf32>
    tpu.vector_store %arg16[%swap3A_458, %swap3A_459], %swap3A_462 {strides = array<i32>} : memref<128x16xf32, #tpu.memory_space<vmem>>, vector<1x16xf32>,
    %broadcast_in_dim3A_463 = arith.constant 1.000000e+00 : f32
    %broadcast_in_dim3A_464 = vector.broadcast %broadcast_in_dim3A_463 : f32 to vector<16xf32>
    %swap3A_465 = arith.constant 58 : i32
    %swap3A_466 = arith.index_cast %swap3A_465 : i32 to index
    %swap3A_467 = arith.constant 0 : index
    %swap3A_468 = tpu.vector_load %arg16[%swap3A_466, %swap3A_467] {strides = array<i32>} : memref<128x16xf32, #tpu.memory_space<vmem>>, vector<1x16xf32>,
    %swap3A_469 = vector.shape_cast %swap3A_468 : vector<1x16xf32> to vector<16xf32>
    %swap3A_470 = vector.shape_cast %broadcast_in_dim3A_464 : vector<16xf32> to vector<1x16xf32>
    tpu.vector_store %arg16[%swap3A_466, %swap3A_467], %swap3A_470 {strides = array<i32>} : memref<128x16xf32, #tpu.memory_space<vmem>>, vector<1x16xf32>,
    %broadcast_in_dim3A_471 = arith.constant 1.000000e+00 : f32
    %broadcast_in_dim3A_472 = vector.broadcast %broadcast_in_dim3A_471 : f32 to vector<16xf32>
    %swap3A_473 = arith.constant 59 : i32
    %swap3A_474 = arith.index_cast %swap3A_473 : i32 to index
    %swap3A_475 = arith.constant 0 : index
    %swap3A_476 = tpu.vector_load %arg16[%swap3A_474, %swap3A_475] {strides = array<i32>} : memref<128x16xf32, #tpu.memory_space<vmem>>, vector<1x16xf32>,
    %swap3A_477 = vector.shape_cast %swap3A_476 : vector<1x16xf32> to vector<16xf32>
    %swap3A_478 = vector.shape_cast %broadcast_in_dim3A_472 : vector<16xf32> to vector<1x16xf32>
    tpu.vector_store %arg16[%swap3A_474, %swap3A_475], %swap3A_478 {strides = array<i32>} : memref<128x16xf32, #tpu.memory_space<vmem>>, vector<1x16xf32>,
    %broadcast_in_dim3A_479 = arith.constant 1.000000e+00 : f32
    %broadcast_in_dim3A_480 = vector.broadcast %broadcast_in_dim3A_479 : f32 to vector<16xf32>
    %swap3A_481 = arith.constant 60 : i32
    %swap3A_482 = arith.index_cast %swap3A_481 : i32 to index
    %swap3A_483 = arith.constant 0 : index
    %swap3A_484 = tpu.vector_load %arg16[%swap3A_482, %swap3A_483] {strides = array<i32>} : memref<128x16xf32, #tpu.memory_space<vmem>>, vector<1x16xf32>,
    %swap3A_485 = vector.shape_cast %swap3A_484 : vector<1x16xf32> to vector<16xf32>
    %swap3A_486 = vector.shape_cast %broadcast_in_dim3A_480 : vector<16xf32> to vector<1x16xf32>
    tpu.vector_store %arg16[%swap3A_482, %swap3A_483], %swap3A_486 {strides = array<i32>} : memref<128x16xf32, #tpu.memory_space<vmem>>, vector<1x16xf32>,
    %broadcast_in_dim3A_487 = arith.constant 1.000000e+00 : f32
    %broadcast_in_dim3A_488 = vector.broadcast %broadcast_in_dim3A_487 : f32 to vector<16xf32>
    %swap3A_489 = arith.constant 61 : i32
    %swap3A_490 = arith.index_cast %swap3A_489 : i32 to index
    %swap3A_491 = arith.constant 0 : index
    %swap3A_492 = tpu.vector_load %arg16[%swap3A_490, %swap3A_491] {strides = array<i32>} : memref<128x16xf32, #tpu.memory_space<vmem>>, vector<1x16xf32>,
    %swap3A_493 = vector.shape_cast %swap3A_492 : vector<1x16xf32> to vector<16xf32>
    %swap3A_494 = vector.shape_cast %broadcast_in_dim3A_488 : vector<16xf32> to vector<1x16xf32>
    tpu.vector_store %arg16[%swap3A_490, %swap3A_491], %swap3A_494 {strides = array<i32>} : memref<128x16xf32, #tpu.memory_space<vmem>>, vector<1x16xf32>,
    %broadcast_in_dim3A_495 = arith.constant 1.000000e+00 : f32
    %broadcast_in_dim3A_496 = vector.broadcast %broadcast_in_dim3A_495 : f32 to vector<16xf32>
    %swap3A_497 = arith.constant 62 : i32
    %swap3A_498 = arith.index_cast %swap3A_497 : i32 to index
    %swap3A_499 = arith.constant 0 : index
    %swap3A_500 = tpu.vector_load %arg16[%swap3A_498, %swap3A_499] {strides = array<i32>} : memref<128x16xf32, #tpu.memory_space<vmem>>, vector<1x16xf32>,
    %swap3A_501 = vector.shape_cast %swap3A_500 : vector<1x16xf32> to vector<16xf32>
    %swap3A_502 = vector.shape_cast %broadcast_in_dim3A_496 : vector<16xf32> to vector<1x16xf32>
    tpu.vector_store %arg16[%swap3A_498, %swap3A_499], %swap3A_502 {strides = array<i32>} : memref<128x16xf32, #tpu.memory_space<vmem>>, vector<1x16xf32>,
    %broadcast_in_dim3A_503 = arith.constant 1.000000e+00 : f32
    %broadcast_in_dim3A_504 = vector.broadcast %broadcast_in_dim3A_503 : f32 to vector<16xf32>
    %swap3A_505 = arith.constant 63 : i32
    %swap3A_506 = arith.index_cast %swap3A_505 : i32 to index
    %swap3A_507 = arith.constant 0 : index
    %swap3A_508 = tpu.vector_load %arg16[%swap3A_506, %swap3A_507] {strides = array<i32>} : memref<128x16xf32, #tpu.memory_space<vmem>>, vector<1x16xf32>,
    %swap3A_509 = vector.shape_cast %swap3A_508 : vector<1x16xf32> to vector<16xf32>
    %swap3A_510 = vector.shape_cast %broadcast_in_dim3A_504 : vector<16xf32> to vector<1x16xf32>
    tpu.vector_store %arg16[%swap3A_506, %swap3A_507], %swap3A_510 {strides = array<i32>} : memref<128x16xf32, #tpu.memory_space<vmem>>, vector<1x16xf32>,
    %broadcast_in_dim3A_511 = arith.constant 1.000000e+00 : f32
    %broadcast_in_dim3A_512 = vector.broadcast %broadcast_in_dim3A_511 : f32 to vector<16xf32>
    %swap3A_513 = arith.constant 64 : i32
    %swap3A_514 = arith.index_cast %swap3A_513 : i32 to index
    %swap3A_515 = arith.constant 0 : index
    %swap3A_516 = tpu.vector_load %arg16[%swap3A_514, %swap3A_515] {strides = array<i32>} : memref<128x16xf32, #tpu.memory_space<vmem>>, vector<1x16xf32>,
    %swap3A_517 = vector.shape_cast %swap3A_516 : vector<1x16xf32> to vector<16xf32>
    %swap3A_518 = vector.shape_cast %broadcast_in_dim3A_512 : vector<16xf32> to vector<1x16xf32>
    tpu.vector_store %arg16[%swap3A_514, %swap3A_515], %swap3A_518 {strides = array<i32>} : memref<128x16xf32, #tpu.memory_space<vmem>>, vector<1x16xf32>,
    %broadcast_in_dim3A_519 = arith.constant 1.000000e+00 : f32
    %broadcast_in_dim3A_520 = vector.broadcast %broadcast_in_dim3A_519 : f32 to vector<16xf32>
    %swap3A_521 = arith.constant 65 : i32
    %swap3A_522 = arith.index_cast %swap3A_521 : i32 to index
    %swap3A_523 = arith.constant 0 : index
    %swap3A_524 = tpu.vector_load %arg16[%swap3A_522, %swap3A_523] {strides = array<i32>} : memref<128x16xf32, #tpu.memory_space<vmem>>, vector<1x16xf32>,
    %swap3A_525 = vector.shape_cast %swap3A_524 : vector<1x16xf32> to vector<16xf32>
    %swap3A_526 = vector.shape_cast %broadcast_in_dim3A_520 : vector<16xf32> to vector<1x16xf32>
    tpu.vector_store %arg16[%swap3A_522, %swap3A_523], %swap3A_526 {strides = array<i32>} : memref<128x16xf32, #tpu.memory_space<vmem>>, vector<1x16xf32>,
    %broadcast_in_dim3A_527 = arith.constant 1.000000e+00 : f32
    %broadcast_in_dim3A_528 = vector.broadcast %broadcast_in_dim3A_527 : f32 to vector<16xf32>
    %swap3A_529 = arith.constant 66 : i32
    %swap3A_530 = arith.index_cast %swap3A_529 : i32 to index
    %swap3A_531 = arith.constant 0 : index
    %swap3A_532 = tpu.vector_load %arg16[%swap3A_530, %swap3A_531] {strides = array<i32>} : memref<128x16xf32, #tpu.memory_space<vmem>>, vector<1x16xf32>,
    %swap3A_533 = vector.shape_cast %swap3A_532 : vector<1x16xf32> to vector<16xf32>
    %swap3A_534 = vector.shape_cast %broadcast_in_dim3A_528 : vector<16xf32> to vector<1x16xf32>
    tpu.vector_store %arg16[%swap3A_530, %swap3A_531], %swap3A_534 {strides = array<i32>} : memref<128x16xf32, #tpu.memory_space<vmem>>, vector<1x16xf32>,
    %broadcast_in_dim3A_535 = arith.constant 1.000000e+00 : f32
    %broadcast_in_dim3A_536 = vector.broadcast %broadcast_in_dim3A_535 : f32 to vector<16xf32>
    %swap3A_537 = arith.constant 67 : i32
    %swap3A_538 = arith.index_cast %swap3A_537 : i32 to index
    %swap3A_539 = arith.constant 0 : index
    %swap3A_540 = tpu.vector_load %arg16[%swap3A_538, %swap3A_539] {strides = array<i32>} : memref<128x16xf32, #tpu.memory_space<vmem>>, vector<1x16xf32>,
    %swap3A_541 = vector.shape_cast %swap3A_540 : vector<1x16xf32> to vector<16xf32>
    %swap3A_542 = vector.shape_cast %broadcast_in_dim3A_536 : vector<16xf32> to vector<1x16xf32>
    tpu.vector_store %arg16[%swap3A_538, %swap3A_539], %swap3A_542 {strides = array<i32>} : memref<128x16xf32, #tpu.memory_space<vmem>>, vector<1x16xf32>,
    %broadcast_in_dim3A_543 = arith.constant 1.000000e+00 : f32
    %broadcast_in_dim3A_544 = vector.broadcast %broadcast_in_dim3A_543 : f32 to vector<16xf32>
    %swap3A_545 = arith.constant 68 : i32
    %swap3A_546 = arith.index_cast %swap3A_545 : i32 to index
    %swap3A_547 = arith.constant 0 : index
    %swap3A_548 = tpu.vector_load %arg16[%swap3A_546, %swap3A_547] {strides = array<i32>} : memref<128x16xf32, #tpu.memory_space<vmem>>, vector<1x16xf32>,
    %swap3A_549 = vector.shape_cast %swap3A_548 : vector<1x16xf32> to vector<16xf32>
    %swap3A_550 = vector.shape_cast %broadcast_in_dim3A_544 : vector<16xf32> to vector<1x16xf32>
    tpu.vector_store %arg16[%swap3A_546, %swap3A_547], %swap3A_550 {strides = array<i32>} : memref<128x16xf32, #tpu.memory_space<vmem>>, vector<1x16xf32>,
    %broadcast_in_dim3A_551 = arith.constant 1.000000e+00 : f32
    %broadcast_in_dim3A_552 = vector.broadcast %broadcast_in_dim3A_551 : f32 to vector<16xf32>
    %swap3A_553 = arith.constant 69 : i32
    %swap3A_554 = arith.index_cast %swap3A_553 : i32 to index
    %swap3A_555 = arith.constant 0 : index
    %swap3A_556 = tpu.vector_load %arg16[%swap3A_554, %swap3A_555] {strides = array<i32>} : memref<128x16xf32, #tpu.memory_space<vmem>>, vector<1x16xf32>,
    %swap3A_557 = vector.shape_cast %swap3A_556 : vector<1x16xf32> to vector<16xf32>
    %swap3A_558 = vector.shape_cast %broadcast_in_dim3A_552 : vector<16xf32> to vector<1x16xf32>
    tpu.vector_store %arg16[%swap3A_554, %swap3A_555], %swap3A_558 {strides = array<i32>} : memref<128x16xf32, #tpu.memory_space<vmem>>, vector<1x16xf32>,
    %broadcast_in_dim3A_559 = arith.constant 1.000000e+00 : f32
    %broadcast_in_dim3A_560 = vector.broadcast %broadcast_in_dim3A_559 : f32 to vector<16xf32>
    %swap3A_561 = arith.constant 70 : i32
    %swap3A_562 = arith.index_cast %swap3A_561 : i32 to index
    %swap3A_563 = arith.constant 0 : index
    %swap3A_564 = tpu.vector_load %arg16[%swap3A_562, %swap3A_563] {strides = array<i32>} : memref<128x16xf32, #tpu.memory_space<vmem>>, vector<1x16xf32>,
    %swap3A_565 = vector.shape_cast %swap3A_564 : vector<1x16xf32> to vector<16xf32>
    %swap3A_566 = vector.shape_cast %broadcast_in_dim3A_560 : vector<16xf32> to vector<1x16xf32>
    tpu.vector_store %arg16[%swap3A_562, %swap3A_563], %swap3A_566 {strides = array<i32>} : memref<128x16xf32, #tpu.memory_space<vmem>>, vector<1x16xf32>,
    %broadcast_in_dim3A_567 = arith.constant 1.000000e+00 : f32
    %broadcast_in_dim3A_568 = vector.broadcast %broadcast_in_dim3A_567 : f32 to vector<16xf32>
    %swap3A_569 = arith.constant 71 : i32
    %swap3A_570 = arith.index_cast %swap3A_569 : i32 to index
    %swap3A_571 = arith.constant 0 : index
    %swap3A_572 = tpu.vector_load %arg16[%swap3A_570, %swap3A_571] {strides = array<i32>} : memref<128x16xf32, #tpu.memory_space<vmem>>, vector<1x16xf32>,
    %swap3A_573 = vector.shape_cast %swap3A_572 : vector<1x16xf32> to vector<16xf32>
    %swap3A_574 = vector.shape_cast %broadcast_in_dim3A_568 : vector<16xf32> to vector<1x16xf32>
    tpu.vector_store %arg16[%swap3A_570, %swap3A_571], %swap3A_574 {strides = array<i32>} : memref<128x16xf32, #tpu.memory_space<vmem>>, vector<1x16xf32>,
    %broadcast_in_dim3A_575 = arith.constant 1.000000e+00 : f32
    %broadcast_in_dim3A_576 = vector.broadcast %broadcast_in_dim3A_575 : f32 to vector<16xf32>
    %swap3A_577 = arith.constant 72 : i32
    %swap3A_578 = arith.index_cast %swap3A_577 : i32 to index
    %swap3A_579 = arith.constant 0 : index
    %swap3A_580 = tpu.vector_load %arg16[%swap3A_578, %swap3A_579] {strides = array<i32>} : memref<128x16xf32, #tpu.memory_space<vmem>>, vector<1x16xf32>,
    %swap3A_581 = vector.shape_cast %swap3A_580 : vector<1x16xf32> to vector<16xf32>
    %swap3A_582 = vector.shape_cast %broadcast_in_dim3A_576 : vector<16xf32> to vector<1x16xf32>
    tpu.vector_store %arg16[%swap3A_578, %swap3A_579], %swap3A_582 {strides = array<i32>} : memref<128x16xf32, #tpu.memory_space<vmem>>, vector<1x16xf32>,
    %broadcast_in_dim3A_583 = arith.constant 1.000000e+00 : f32
    %broadcast_in_dim3A_584 = vector.broadcast %broadcast_in_dim3A_583 : f32 to vector<16xf32>
    %swap3A_585 = arith.constant 73 : i32
    %swap3A_586 = arith.index_cast %swap3A_585 : i32 to index
    %swap3A_587 = arith.constant 0 : index
    %swap3A_588 = tpu.vector_load %arg16[%swap3A_586, %swap3A_587] {strides = array<i32>} : memref<128x16xf32, #tpu.memory_space<vmem>>, vector<1x16xf32>,
    %swap3A_589 = vector.shape_cast %swap3A_588 : vector<1x16xf32> to vector<16xf32>
    %swap3A_590 = vector.shape_cast %broadcast_in_dim3A_584 : vector<16xf32> to vector<1x16xf32>
    tpu.vector_store %arg16[%swap3A_586, %swap3A_587], %swap3A_590 {strides = array<i32>} : memref<128x16xf32, #tpu.memory_space<vmem>>, vector<1x16xf32>,
    %broadcast_in_dim3A_591 = arith.constant 1.000000e+00 : f32
    %broadcast_in_dim3A_592 = vector.broadcast %broadcast_in_dim3A_591 : f32 to vector<16xf32>
    %swap3A_593 = arith.constant 74 : i32
    %swap3A_594 = arith.index_cast %swap3A_593 : i32 to index
    %swap3A_595 = arith.constant 0 : index
    %swap3A_596 = tpu.vector_load %arg16[%swap3A_594, %swap3A_595] {strides = array<i32>} : memref<128x16xf32, #tpu.memory_space<vmem>>, vector<1x16xf32>,
    %swap3A_597 = vector.shape_cast %swap3A_596 : vector<1x16xf32> to vector<16xf32>
    %swap3A_598 = vector.shape_cast %broadcast_in_dim3A_592 : vector<16xf32> to vector<1x16xf32>
    tpu.vector_store %arg16[%swap3A_594, %swap3A_595], %swap3A_598 {strides = array<i32>} : memref<128x16xf32, #tpu.memory_space<vmem>>, vector<1x16xf32>,
    %broadcast_in_dim3A_599 = arith.constant 1.000000e+00 : f32
    %broadcast_in_dim3A_600 = vector.broadcast %broadcast_in_dim3A_599 : f32 to vector<16xf32>
    %swap3A_601 = arith.constant 75 : i32
    %swap3A_602 = arith.index_cast %swap3A_601 : i32 to index
    %swap3A_603 = arith.constant 0 : index
    %swap3A_604 = tpu.vector_load %arg16[%swap3A_602, %swap3A_603] {strides = array<i32>} : memref<128x16xf32, #tpu.memory_space<vmem>>, vector<1x16xf32>,
    %swap3A_605 = vector.shape_cast %swap3A_604 : vector<1x16xf32> to vector<16xf32>
    %swap3A_606 = vector.shape_cast %broadcast_in_dim3A_600 : vector<16xf32> to vector<1x16xf32>
    tpu.vector_store %arg16[%swap3A_602, %swap3A_603], %swap3A_606 {strides = array<i32>} : memref<128x16xf32, #tpu.memory_space<vmem>>, vector<1x16xf32>,
    %broadcast_in_dim3A_607 = arith.constant 1.000000e+00 : f32
    %broadcast_in_dim3A_608 = vector.broadcast %broadcast_in_dim3A_607 : f32 to vector<16xf32>
    %swap3A_609 = arith.constant 76 : i32
    %swap3A_610 = arith.index_cast %swap3A_609 : i32 to index
    %swap3A_611 = arith.constant 0 : index
    %swap3A_612 = tpu.vector_load %arg16[%swap3A_610, %swap3A_611] {strides = array<i32>} : memref<128x16xf32, #tpu.memory_space<vmem>>, vector<1x16xf32>,
    %swap3A_613 = vector.shape_cast %swap3A_612 : vector<1x16xf32> to vector<16xf32>
    %swap3A_614 = vector.shape_cast %broadcast_in_dim3A_608 : vector<16xf32> to vector<1x16xf32>
    tpu.vector_store %arg16[%swap3A_610, %swap3A_611], %swap3A_614 {strides = array<i32>} : memref<128x16xf32, #tpu.memory_space<vmem>>, vector<1x16xf32>,
    %broadcast_in_dim3A_615 = arith.constant 1.000000e+00 : f32
    %broadcast_in_dim3A_616 = vector.broadcast %broadcast_in_dim3A_615 : f32 to vector<16xf32>
    %swap3A_617 = arith.constant 77 : i32
    %swap3A_618 = arith.index_cast %swap3A_617 : i32 to index
    %swap3A_619 = arith.constant 0 : index
    %swap3A_620 = tpu.vector_load %arg16[%swap3A_618, %swap3A_619] {strides = array<i32>} : memref<128x16xf32, #tpu.memory_space<vmem>>, vector<1x16xf32>,
    %swap3A_621 = vector.shape_cast %swap3A_620 : vector<1x16xf32> to vector<16xf32>
    %swap3A_622 = vector.shape_cast %broadcast_in_dim3A_616 : vector<16xf32> to vector<1x16xf32>
    tpu.vector_store %arg16[%swap3A_618, %swap3A_619], %swap3A_622 {strides = array<i32>} : memref<128x16xf32, #tpu.memory_space<vmem>>, vector<1x16xf32>,
    %broadcast_in_dim3A_623 = arith.constant 1.000000e+00 : f32
    %broadcast_in_dim3A_624 = vector.broadcast %broadcast_in_dim3A_623 : f32 to vector<16xf32>
    %swap3A_625 = arith.constant 78 : i32
    %swap3A_626 = arith.index_cast %swap3A_625 : i32 to index
    %swap3A_627 = arith.constant 0 : index
    %swap3A_628 = tpu.vector_load %arg16[%swap3A_626, %swap3A_627] {strides = array<i32>} : memref<128x16xf32, #tpu.memory_space<vmem>>, vector<1x16xf32>,
    %swap3A_629 = vector.shape_cast %swap3A_628 : vector<1x16xf32> to vector<16xf32>
    %swap3A_630 = vector.shape_cast %broadcast_in_dim3A_624 : vector<16xf32> to vector<1x16xf32>
    tpu.vector_store %arg16[%swap3A_626, %swap3A_627], %swap3A_630 {strides = array<i32>} : memref<128x16xf32, #tpu.memory_space<vmem>>, vector<1x16xf32>,
    %broadcast_in_dim3A_631 = arith.constant 1.000000e+00 : f32
    %broadcast_in_dim3A_632 = vector.broadcast %broadcast_in_dim3A_631 : f32 to vector<16xf32>
    %swap3A_633 = arith.constant 79 : i32
    %swap3A_634 = arith.index_cast %swap3A_633 : i32 to index
    %swap3A_635 = arith.constant 0 : index
    %swap3A_636 = tpu.vector_load %arg16[%swap3A_634, %swap3A_635] {strides = array<i32>} : memref<128x16xf32, #tpu.memory_space<vmem>>, vector<1x16xf32>,
    %swap3A_637 = vector.shape_cast %swap3A_636 : vector<1x16xf32> to vector<16xf32>
    %swap3A_638 = vector.shape_cast %broadcast_in_dim3A_632 : vector<16xf32> to vector<1x16xf32>
    tpu.vector_store %arg16[%swap3A_634, %swap3A_635], %swap3A_638 {strides = array<i32>} : memref<128x16xf32, #tpu.memory_space<vmem>>, vector<1x16xf32>,
    %broadcast_in_dim3A_639 = arith.constant 1.000000e+00 : f32
    %broadcast_in_dim3A_640 = vector.broadcast %broadcast_in_dim3A_639 : f32 to vector<16xf32>
    %swap3A_641 = arith.constant 80 : i32
    %swap3A_642 = arith.index_cast %swap3A_641 : i32 to index
    %swap3A_643 = arith.constant 0 : index
    %swap3A_644 = tpu.vector_load %arg16[%swap3A_642, %swap3A_643] {strides = array<i32>} : memref<128x16xf32, #tpu.memory_space<vmem>>, vector<1x16xf32>,
    %swap3A_645 = vector.shape_cast %swap3A_644 : vector<1x16xf32> to vector<16xf32>
    %swap3A_646 = vector.shape_cast %broadcast_in_dim3A_640 : vector<16xf32> to vector<1x16xf32>
    tpu.vector_store %arg16[%swap3A_642, %swap3A_643], %swap3A_646 {strides = array<i32>} : memref<128x16xf32, #tpu.memory_space<vmem>>, vector<1x16xf32>,
    %broadcast_in_dim3A_647 = arith.constant 1.000000e+00 : f32
    %broadcast_in_dim3A_648 = vector.broadcast %broadcast_in_dim3A_647 : f32 to vector<16xf32>
    %swap3A_649 = arith.constant 81 : i32
    %swap3A_650 = arith.index_cast %swap3A_649 : i32 to index
    %swap3A_651 = arith.constant 0 : index
    %swap3A_652 = tpu.vector_load %arg16[%swap3A_650, %swap3A_651] {strides = array<i32>} : memref<128x16xf32, #tpu.memory_space<vmem>>, vector<1x16xf32>,
    %swap3A_653 = vector.shape_cast %swap3A_652 : vector<1x16xf32> to vector<16xf32>
    %swap3A_654 = vector.shape_cast %broadcast_in_dim3A_648 : vector<16xf32> to vector<1x16xf32>
    tpu.vector_store %arg16[%swap3A_650, %swap3A_651], %swap3A_654 {strides = array<i32>} : memref<128x16xf32, #tpu.memory_space<vmem>>, vector<1x16xf32>,
    %broadcast_in_dim3A_655 = arith.constant 1.000000e+00 : f32
    %broadcast_in_dim3A_656 = vector.broadcast %broadcast_in_dim3A_655 : f32 to vector<16xf32>
    %swap3A_657 = arith.constant 82 : i32
    %swap3A_658 = arith.index_cast %swap3A_657 : i32 to index
    %swap3A_659 = arith.constant 0 : index
    %swap3A_660 = tpu.vector_load %arg16[%swap3A_658, %swap3A_659] {strides = array<i32>} : memref<128x16xf32, #tpu.memory_space<vmem>>, vector<1x16xf32>,
    %swap3A_661 = vector.shape_cast %swap3A_660 : vector<1x16xf32> to vector<16xf32>
    %swap3A_662 = vector.shape_cast %broadcast_in_dim3A_656 : vector<16xf32> to vector<1x16xf32>
    tpu.vector_store %arg16[%swap3A_658, %swap3A_659], %swap3A_662 {strides = array<i32>} : memref<128x16xf32, #tpu.memory_space<vmem>>, vector<1x16xf32>,
    %broadcast_in_dim3A_663 = arith.constant 1.000000e+00 : f32
    %broadcast_in_dim3A_664 = vector.broadcast %broadcast_in_dim3A_663 : f32 to vector<16xf32>
    %swap3A_665 = arith.constant 83 : i32
    %swap3A_666 = arith.index_cast %swap3A_665 : i32 to index
    %swap3A_667 = arith.constant 0 : index
    %swap3A_668 = tpu.vector_load %arg16[%swap3A_666, %swap3A_667] {strides = array<i32>} : memref<128x16xf32, #tpu.memory_space<vmem>>, vector<1x16xf32>,
    %swap3A_669 = vector.shape_cast %swap3A_668 : vector<1x16xf32> to vector<16xf32>
    %swap3A_670 = vector.shape_cast %broadcast_in_dim3A_664 : vector<16xf32> to vector<1x16xf32>
    tpu.vector_store %arg16[%swap3A_666, %swap3A_667], %swap3A_670 {strides = array<i32>} : memref<128x16xf32, #tpu.memory_space<vmem>>, vector<1x16xf32>,
    %broadcast_in_dim3A_671 = arith.constant 1.000000e+00 : f32
    %broadcast_in_dim3A_672 = vector.broadcast %broadcast_in_dim3A_671 : f32 to vector<16xf32>
    %swap3A_673 = arith.constant 84 : i32
    %swap3A_674 = arith.index_cast %swap3A_673 : i32 to index
    %swap3A_675 = arith.constant 0 : index
    %swap3A_676 = tpu.vector_load %arg16[%swap3A_674, %swap3A_675] {strides = array<i32>} : memref<128x16xf32, #tpu.memory_space<vmem>>, vector<1x16xf32>,
    %swap3A_677 = vector.shape_cast %swap3A_676 : vector<1x16xf32> to vector<16xf32>
    %swap3A_678 = vector.shape_cast %broadcast_in_dim3A_672 : vector<16xf32> to vector<1x16xf32>
    tpu.vector_store %arg16[%swap3A_674, %swap3A_675], %swap3A_678 {strides = array<i32>} : memref<128x16xf32, #tpu.memory_space<vmem>>, vector<1x16xf32>,
    %broadcast_in_dim3A_679 = arith.constant 1.000000e+00 : f32
    %broadcast_in_dim3A_680 = vector.broadcast %broadcast_in_dim3A_679 : f32 to vector<16xf32>
    %swap3A_681 = arith.constant 85 : i32
    %swap3A_682 = arith.index_cast %swap3A_681 : i32 to index
    %swap3A_683 = arith.constant 0 : index
    %swap3A_684 = tpu.vector_load %arg16[%swap3A_682, %swap3A_683] {strides = array<i32>} : memref<128x16xf32, #tpu.memory_space<vmem>>, vector<1x16xf32>,
    %swap3A_685 = vector.shape_cast %swap3A_684 : vector<1x16xf32> to vector<16xf32>
    %swap3A_686 = vector.shape_cast %broadcast_in_dim3A_680 : vector<16xf32> to vector<1x16xf32>
    tpu.vector_store %arg16[%swap3A_682, %swap3A_683], %swap3A_686 {strides = array<i32>} : memref<128x16xf32, #tpu.memory_space<vmem>>, vector<1x16xf32>,
    %broadcast_in_dim3A_687 = arith.constant 1.000000e+00 : f32
    %broadcast_in_dim3A_688 = vector.broadcast %broadcast_in_dim3A_687 : f32 to vector<16xf32>
    %swap3A_689 = arith.constant 86 : i32
    %swap3A_690 = arith.index_cast %swap3A_689 : i32 to index
    %swap3A_691 = arith.constant 0 : index
    %swap3A_692 = tpu.vector_load %arg16[%swap3A_690, %swap3A_691] {strides = array<i32>} : memref<128x16xf32, #tpu.memory_space<vmem>>, vector<1x16xf32>,
    %swap3A_693 = vector.shape_cast %swap3A_692 : vector<1x16xf32> to vector<16xf32>
    %swap3A_694 = vector.shape_cast %broadcast_in_dim3A_688 : vector<16xf32> to vector<1x16xf32>
    tpu.vector_store %arg16[%swap3A_690, %swap3A_691], %swap3A_694 {strides = array<i32>} : memref<128x16xf32, #tpu.memory_space<vmem>>, vector<1x16xf32>,
    %broadcast_in_dim3A_695 = arith.constant 1.000000e+00 : f32
    %broadcast_in_dim3A_696 = vector.broadcast %broadcast_in_dim3A_695 : f32 to vector<16xf32>
    %swap3A_697 = arith.constant 87 : i32
    %swap3A_698 = arith.index_cast %swap3A_697 : i32 to index
    %swap3A_699 = arith.constant 0 : index
    %swap3A_700 = tpu.vector_load %arg16[%swap3A_698, %swap3A_699] {strides = array<i32>} : memref<128x16xf32, #tpu.memory_space<vmem>>, vector<1x16xf32>,
    %swap3A_701 = vector.shape_cast %swap3A_700 : vector<1x16xf32> to vector<16xf32>
    %swap3A_702 = vector.shape_cast %broadcast_in_dim3A_696 : vector<16xf32> to vector<1x16xf32>
    tpu.vector_store %arg16[%swap3A_698, %swap3A_699], %swap3A_702 {strides = array<i32>} : memref<128x16xf32, #tpu.memory_space<vmem>>, vector<1x16xf32>,
    %broadcast_in_dim3A_703 = arith.constant 1.000000e+00 : f32
    %broadcast_in_dim3A_704 = vector.broadcast %broadcast_in_dim3A_703 : f32 to vector<16xf32>
    %swap3A_705 = arith.constant 88 : i32
    %swap3A_706 = arith.index_cast %swap3A_705 : i32 to index
    %swap3A_707 = arith.constant 0 : index
    %swap3A_708 = tpu.vector_load %arg16[%swap3A_706, %swap3A_707] {strides = array<i32>} : memref<128x16xf32, #tpu.memory_space<vmem>>, vector<1x16xf32>,
    %swap3A_709 = vector.shape_cast %swap3A_708 : vector<1x16xf32> to vector<16xf32>
    %swap3A_710 = vector.shape_cast %broadcast_in_dim3A_704 : vector<16xf32> to vector<1x16xf32>
    tpu.vector_store %arg16[%swap3A_706, %swap3A_707], %swap3A_710 {strides = array<i32>} : memref<128x16xf32, #tpu.memory_space<vmem>>, vector<1x16xf32>,
    %broadcast_in_dim3A_711 = arith.constant 1.000000e+00 : f32
    %broadcast_in_dim3A_712 = vector.broadcast %broadcast_in_dim3A_711 : f32 to vector<16xf32>
    %swap3A_713 = arith.constant 89 : i32
    %swap3A_714 = arith.index_cast %swap3A_713 : i32 to index
    %swap3A_715 = arith.constant 0 : index
    %swap3A_716 = tpu.vector_load %arg16[%swap3A_714, %swap3A_715] {strides = array<i32>} : memref<128x16xf32, #tpu.memory_space<vmem>>, vector<1x16xf32>,
    %swap3A_717 = vector.shape_cast %swap3A_716 : vector<1x16xf32> to vector<16xf32>
    %swap3A_718 = vector.shape_cast %broadcast_in_dim3A_712 : vector<16xf32> to vector<1x16xf32>
    tpu.vector_store %arg16[%swap3A_714, %swap3A_715], %swap3A_718 {strides = array<i32>} : memref<128x16xf32, #tpu.memory_space<vmem>>, vector<1x16xf32>,
    %broadcast_in_dim3A_719 = arith.constant 1.000000e+00 : f32
    %broadcast_in_dim3A_720 = vector.broadcast %broadcast_in_dim3A_719 : f32 to vector<16xf32>
    %swap3A_721 = arith.constant 90 : i32
    %swap3A_722 = arith.index_cast %swap3A_721 : i32 to index
    %swap3A_723 = arith.constant 0 : index
    %swap3A_724 = tpu.vector_load %arg16[%swap3A_722, %swap3A_723] {strides = array<i32>} : memref<128x16xf32, #tpu.memory_space<vmem>>, vector<1x16xf32>,
    %swap3A_725 = vector.shape_cast %swap3A_724 : vector<1x16xf32> to vector<16xf32>
    %swap3A_726 = vector.shape_cast %broadcast_in_dim3A_720 : vector<16xf32> to vector<1x16xf32>
    tpu.vector_store %arg16[%swap3A_722, %swap3A_723], %swap3A_726 {strides = array<i32>} : memref<128x16xf32, #tpu.memory_space<vmem>>, vector<1x16xf32>,
    %broadcast_in_dim3A_727 = arith.constant 1.000000e+00 : f32
    %broadcast_in_dim3A_728 = vector.broadcast %broadcast_in_dim3A_727 : f32 to vector<16xf32>
    %swap3A_729 = arith.constant 91 : i32
    %swap3A_730 = arith.index_cast %swap3A_729 : i32 to index
    %swap3A_731 = arith.constant 0 : index
    %swap3A_732 = tpu.vector_load %arg16[%swap3A_730, %swap3A_731] {strides = array<i32>} : memref<128x16xf32, #tpu.memory_space<vmem>>, vector<1x16xf32>,
    %swap3A_733 = vector.shape_cast %swap3A_732 : vector<1x16xf32> to vector<16xf32>
    %swap3A_734 = vector.shape_cast %broadcast_in_dim3A_728 : vector<16xf32> to vector<1x16xf32>
    tpu.vector_store %arg16[%swap3A_730, %swap3A_731], %swap3A_734 {strides = array<i32>} : memref<128x16xf32, #tpu.memory_space<vmem>>, vector<1x16xf32>,
    %broadcast_in_dim3A_735 = arith.constant 1.000000e+00 : f32
    %broadcast_in_dim3A_736 = vector.broadcast %broadcast_in_dim3A_735 : f32 to vector<16xf32>
    %swap3A_737 = arith.constant 92 : i32
    %swap3A_738 = arith.index_cast %swap3A_737 : i32 to index
    %swap3A_739 = arith.constant 0 : index
    %swap3A_740 = tpu.vector_load %arg16[%swap3A_738, %swap3A_739] {strides = array<i32>} : memref<128x16xf32, #tpu.memory_space<vmem>>, vector<1x16xf32>,
    %swap3A_741 = vector.shape_cast %swap3A_740 : vector<1x16xf32> to vector<16xf32>
    %swap3A_742 = vector.shape_cast %broadcast_in_dim3A_736 : vector<16xf32> to vector<1x16xf32>
    tpu.vector_store %arg16[%swap3A_738, %swap3A_739], %swap3A_742 {strides = array<i32>} : memref<128x16xf32, #tpu.memory_space<vmem>>, vector<1x16xf32>,
    %broadcast_in_dim3A_743 = arith.constant 1.000000e+00 : f32
    %broadcast_in_dim3A_744 = vector.broadcast %broadcast_in_dim3A_743 : f32 to vector<16xf32>
    %swap3A_745 = arith.constant 93 : i32
    %swap3A_746 = arith.index_cast %swap3A_745 : i32 to index
    %swap3A_747 = arith.constant 0 : index
    %swap3A_748 = tpu.vector_load %arg16[%swap3A_746, %swap3A_747] {strides = array<i32>} : memref<128x16xf32, #tpu.memory_space<vmem>>, vector<1x16xf32>,
    %swap3A_749 = vector.shape_cast %swap3A_748 : vector<1x16xf32> to vector<16xf32>
    %swap3A_750 = vector.shape_cast %broadcast_in_dim3A_744 : vector<16xf32> to vector<1x16xf32>
    tpu.vector_store %arg16[%swap3A_746, %swap3A_747], %swap3A_750 {strides = array<i32>} : memref<128x16xf32, #tpu.memory_space<vmem>>, vector<1x16xf32>,
    %broadcast_in_dim3A_751 = arith.constant 1.000000e+00 : f32
    %broadcast_in_dim3A_752 = vector.broadcast %broadcast_in_dim3A_751 : f32 to vector<16xf32>
    %swap3A_753 = arith.constant 94 : i32
    %swap3A_754 = arith.index_cast %swap3A_753 : i32 to index
    %swap3A_755 = arith.constant 0 : index
    %swap3A_756 = tpu.vector_load %arg16[%swap3A_754, %swap3A_755] {strides = array<i32>} : memref<128x16xf32, #tpu.memory_space<vmem>>, vector<1x16xf32>,
    %swap3A_757 = vector.shape_cast %swap3A_756 : vector<1x16xf32> to vector<16xf32>
    %swap3A_758 = vector.shape_cast %broadcast_in_dim3A_752 : vector<16xf32> to vector<1x16xf32>
    tpu.vector_store %arg16[%swap3A_754, %swap3A_755], %swap3A_758 {strides = array<i32>} : memref<128x16xf32, #tpu.memory_space<vmem>>, vector<1x16xf32>,
    %broadcast_in_dim3A_759 = arith.constant 1.000000e+00 : f32
    %broadcast_in_dim3A_760 = vector.broadcast %broadcast_in_dim3A_759 : f32 to vector<16xf32>
    %swap3A_761 = arith.constant 95 : i32
    %swap3A_762 = arith.index_cast %swap3A_761 : i32 to index
    %swap3A_763 = arith.constant 0 : index
    %swap3A_764 = tpu.vector_load %arg16[%swap3A_762, %swap3A_763] {strides = array<i32>} : memref<128x16xf32, #tpu.memory_space<vmem>>, vector<1x16xf32>,
    %swap3A_765 = vector.shape_cast %swap3A_764 : vector<1x16xf32> to vector<16xf32>
    %swap3A_766 = vector.shape_cast %broadcast_in_dim3A_760 : vector<16xf32> to vector<1x16xf32>
    tpu.vector_store %arg16[%swap3A_762, %swap3A_763], %swap3A_766 {strides = array<i32>} : memref<128x16xf32, #tpu.memory_space<vmem>>, vector<1x16xf32>,
    %broadcast_in_dim3A_767 = arith.constant 1.000000e+00 : f32
    %broadcast_in_dim3A_768 = vector.broadcast %broadcast_in_dim3A_767 : f32 to vector<16xf32>
    %swap3A_769 = arith.constant 96 : i32
    %swap3A_770 = arith.index_cast %swap3A_769 : i32 to index
    %swap3A_771 = arith.constant 0 : index
    %swap3A_772 = tpu.vector_load %arg16[%swap3A_770, %swap3A_771] {strides = array<i32>} : memref<128x16xf32, #tpu.memory_space<vmem>>, vector<1x16xf32>,
    %swap3A_773 = vector.shape_cast %swap3A_772 : vector<1x16xf32> to vector<16xf32>
    %swap3A_774 = vector.shape_cast %broadcast_in_dim3A_768 : vector<16xf32> to vector<1x16xf32>
    tpu.vector_store %arg16[%swap3A_770, %swap3A_771], %swap3A_774 {strides = array<i32>} : memref<128x16xf32, #tpu.memory_space<vmem>>, vector<1x16xf32>,
    %broadcast_in_dim3A_775 = arith.constant 1.000000e+00 : f32
    %broadcast_in_dim3A_776 = vector.broadcast %broadcast_in_dim3A_775 : f32 to vector<16xf32>
    %swap3A_777 = arith.constant 97 : i32
    %swap3A_778 = arith.index_cast %swap3A_777 : i32 to index
    %swap3A_779 = arith.constant 0 : index
    %swap3A_780 = tpu.vector_load %arg16[%swap3A_778, %swap3A_779] {strides = array<i32>} : memref<128x16xf32, #tpu.memory_space<vmem>>, vector<1x16xf32>,
    %swap3A_781 = vector.shape_cast %swap3A_780 : vector<1x16xf32> to vector<16xf32>
    %swap3A_782 = vector.shape_cast %broadcast_in_dim3A_776 : vector<16xf32> to vector<1x16xf32>
    tpu.vector_store %arg16[%swap3A_778, %swap3A_779], %swap3A_782 {strides = array<i32>} : memref<128x16xf32, #tpu.memory_space<vmem>>, vector<1x16xf32>,
    %broadcast_in_dim3A_783 = arith.constant 1.000000e+00 : f32
    %broadcast_in_dim3A_784 = vector.broadcast %broadcast_in_dim3A_783 : f32 to vector<16xf32>
    %swap3A_785 = arith.constant 98 : i32
    %swap3A_786 = arith.index_cast %swap3A_785 : i32 to index
    %swap3A_787 = arith.constant 0 : index
    %swap3A_788 = tpu.vector_load %arg16[%swap3A_786, %swap3A_787] {strides = array<i32>} : memref<128x16xf32, #tpu.memory_space<vmem>>, vector<1x16xf32>,
    %swap3A_789 = vector.shape_cast %swap3A_788 : vector<1x16xf32> to vector<16xf32>
    %swap3A_790 = vector.shape_cast %broadcast_in_dim3A_784 : vector<16xf32> to vector<1x16xf32>
    tpu.vector_store %arg16[%swap3A_786, %swap3A_787], %swap3A_790 {strides = array<i32>} : memref<128x16xf32, #tpu.memory_space<vmem>>, vector<1x16xf32>,
    %broadcast_in_dim3A_791 = arith.constant 1.000000e+00 : f32
    %broadcast_in_dim3A_792 = vector.broadcast %broadcast_in_dim3A_791 : f32 to vector<16xf32>
    %swap3A_793 = arith.constant 99 : i32
    %swap3A_794 = arith.index_cast %swap3A_793 : i32 to index
    %swap3A_795 = arith.constant 0 : index
    %swap3A_796 = tpu.vector_load %arg16[%swap3A_794, %swap3A_795] {strides = array<i32>} : memref<128x16xf32, #tpu.memory_space<vmem>>, vector<1x16xf32>,
    %swap3A_797 = vector.shape_cast %swap3A_796 : vector<1x16xf32> to vector<16xf32>
    %swap3A_798 = vector.shape_cast %broadcast_in_dim3A_792 : vector<16xf32> to vector<1x16xf32>
    tpu.vector_store %arg16[%swap3A_794, %swap3A_795], %swap3A_798 {strides = array<i32>} : memref<128x16xf32, #tpu.memory_space<vmem>>, vector<1x16xf32>,
    %broadcast_in_dim3A_799 = arith.constant 1.000000e+00 : f32
    %broadcast_in_dim3A_800 = vector.broadcast %broadcast_in_dim3A_799 : f32 to vector<16xf32>
    %swap3A_801 = arith.constant 100 : i32
    %swap3A_802 = arith.index_cast %swap3A_801 : i32 to index
    %swap3A_803 = arith.constant 0 : index
    %swap3A_804 = tpu.vector_load %arg16[%swap3A_802, %swap3A_803] {strides = array<i32>} : memref<128x16xf32, #tpu.memory_space<vmem>>, vector<1x16xf32>,
    %swap3A_805 = vector.shape_cast %swap3A_804 : vector<1x16xf32> to vector<16xf32>
    %swap3A_806 = vector.shape_cast %broadcast_in_dim3A_800 : vector<16xf32> to vector<1x16xf32>
    tpu.vector_store %arg16[%swap3A_802, %swap3A_803], %swap3A_806 {strides = array<i32>} : memref<128x16xf32, #tpu.memory_space<vmem>>, vector<1x16xf32>,
    %broadcast_in_dim3A_807 = arith.constant 1.000000e+00 : f32
    %broadcast_in_dim3A_808 = vector.broadcast %broadcast_in_dim3A_807 : f32 to vector<16xf32>
    %swap3A_809 = arith.constant 101 : i32
    %swap3A_810 = arith.index_cast %swap3A_809 : i32 to index
    %swap3A_811 = arith.constant 0 : index
    %swap3A_812 = tpu.vector_load %arg16[%swap3A_810, %swap3A_811] {strides = array<i32>} : memref<128x16xf32, #tpu.memory_space<vmem>>, vector<1x16xf32>,
    %swap3A_813 = vector.shape_cast %swap3A_812 : vector<1x16xf32> to vector<16xf32>
    %swap3A_814 = vector.shape_cast %broadcast_in_dim3A_808 : vector<16xf32> to vector<1x16xf32>
    tpu.vector_store %arg16[%swap3A_810, %swap3A_811], %swap3A_814 {strides = array<i32>} : memref<128x16xf32, #tpu.memory_space<vmem>>, vector<1x16xf32>,
    %broadcast_in_dim3A_815 = arith.constant 1.000000e+00 : f32
    %broadcast_in_dim3A_816 = vector.broadcast %broadcast_in_dim3A_815 : f32 to vector<16xf32>
    %swap3A_817 = arith.constant 102 : i32
    %swap3A_818 = arith.index_cast %swap3A_817 : i32 to index
    %swap3A_819 = arith.constant 0 : index
    %swap3A_820 = tpu.vector_load %arg16[%swap3A_818, %swap3A_819] {strides = array<i32>} : memref<128x16xf32, #tpu.memory_space<vmem>>, vector<1x16xf32>,
    %swap3A_821 = vector.shape_cast %swap3A_820 : vector<1x16xf32> to vector<16xf32>
    %swap3A_822 = vector.shape_cast %broadcast_in_dim3A_816 : vector<16xf32> to vector<1x16xf32>
    tpu.vector_store %arg16[%swap3A_818, %swap3A_819], %swap3A_822 {strides = array<i32>} : memref<128x16xf32, #tpu.memory_space<vmem>>, vector<1x16xf32>,
    %broadcast_in_dim3A_823 = arith.constant 1.000000e+00 : f32
    %broadcast_in_dim3A_824 = vector.broadcast %broadcast_in_dim3A_823 : f32 to vector<16xf32>
    %swap3A_825 = arith.constant 103 : i32
    %swap3A_826 = arith.index_cast %swap3A_825 : i32 to index
    %swap3A_827 = arith.constant 0 : index
    %swap3A_828 = tpu.vector_load %arg16[%swap3A_826, %swap3A_827] {strides = array<i32>} : memref<128x16xf32, #tpu.memory_space<vmem>>, vector<1x16xf32>,
    %swap3A_829 = vector.shape_cast %swap3A_828 : vector<1x16xf32> to vector<16xf32>
    %swap3A_830 = vector.shape_cast %broadcast_in_dim3A_824 : vector<16xf32> to vector<1x16xf32>
    tpu.vector_store %arg16[%swap3A_826, %swap3A_827], %swap3A_830 {strides = array<i32>} : memref<128x16xf32, #tpu.memory_space<vmem>>, vector<1x16xf32>,
    %broadcast_in_dim3A_831 = arith.constant 1.000000e+00 : f32
    %broadcast_in_dim3A_832 = vector.broadcast %broadcast_in_dim3A_831 : f32 to vector<16xf32>
    %swap3A_833 = arith.constant 104 : i32
    %swap3A_834 = arith.index_cast %swap3A_833 : i32 to index
    %swap3A_835 = arith.constant 0 : index
    %swap3A_836 = tpu.vector_load %arg16[%swap3A_834, %swap3A_835] {strides = array<i32>} : memref<128x16xf32, #tpu.memory_space<vmem>>, vector<1x16xf32>,
    %swap3A_837 = vector.shape_cast %swap3A_836 : vector<1x16xf32> to vector<16xf32>
    %swap3A_838 = vector.shape_cast %broadcast_in_dim3A_832 : vector<16xf32> to vector<1x16xf32>
    tpu.vector_store %arg16[%swap3A_834, %swap3A_835], %swap3A_838 {strides = array<i32>} : memref<128x16xf32, #tpu.memory_space<vmem>>, vector<1x16xf32>,
    %broadcast_in_dim3A_839 = arith.constant 1.000000e+00 : f32
    %broadcast_in_dim3A_840 = vector.broadcast %broadcast_in_dim3A_839 : f32 to vector<16xf32>
    %swap3A_841 = arith.constant 105 : i32
    %swap3A_842 = arith.index_cast %swap3A_841 : i32 to index
    %swap3A_843 = arith.constant 0 : index
    %swap3A_844 = tpu.vector_load %arg16[%swap3A_842, %swap3A_843] {strides = array<i32>} : memref<128x16xf32, #tpu.memory_space<vmem>>, vector<1x16xf32>,
    %swap3A_845 = vector.shape_cast %swap3A_844 : vector<1x16xf32> to vector<16xf32>
    %swap3A_846 = vector.shape_cast %broadcast_in_dim3A_840 : vector<16xf32> to vector<1x16xf32>
    tpu.vector_store %arg16[%swap3A_842, %swap3A_843], %swap3A_846 {strides = array<i32>} : memref<128x16xf32, #tpu.memory_space<vmem>>, vector<1x16xf32>,
    %broadcast_in_dim3A_847 = arith.constant 1.000000e+00 : f32
    %broadcast_in_dim3A_848 = vector.broadcast %broadcast_in_dim3A_847 : f32 to vector<16xf32>
    %swap3A_849 = arith.constant 106 : i32
    %swap3A_850 = arith.index_cast %swap3A_849 : i32 to index
    %swap3A_851 = arith.constant 0 : index
    %swap3A_852 = tpu.vector_load %arg16[%swap3A_850, %swap3A_851] {strides = array<i32>} : memref<128x16xf32, #tpu.memory_space<vmem>>, vector<1x16xf32>,
    %swap3A_853 = vector.shape_cast %swap3A_852 : vector<1x16xf32> to vector<16xf32>
    %swap3A_854 = vector.shape_cast %broadcast_in_dim3A_848 : vector<16xf32> to vector<1x16xf32>
    tpu.vector_store %arg16[%swap3A_850, %swap3A_851], %swap3A_854 {strides = array<i32>} : memref<128x16xf32, #tpu.memory_space<vmem>>, vector<1x16xf32>,
    %broadcast_in_dim3A_855 = arith.constant 1.000000e+00 : f32
    %broadcast_in_dim3A_856 = vector.broadcast %broadcast_in_dim3A_855 : f32 to vector<16xf32>
    %swap3A_857 = arith.constant 107 : i32
    %swap3A_858 = arith.index_cast %swap3A_857 : i32 to index
    %swap3A_859 = arith.constant 0 : index
    %swap3A_860 = tpu.vector_load %arg16[%swap3A_858, %swap3A_859] {strides = array<i32>} : memref<128x16xf32, #tpu.memory_space<vmem>>, vector<1x16xf32>,
    %swap3A_861 = vector.shape_cast %swap3A_860 : vector<1x16xf32> to vector<16xf32>
    %swap3A_862 = vector.shape_cast %broadcast_in_dim3A_856 : vector<16xf32> to vector<1x16xf32>
    tpu.vector_store %arg16[%swap3A_858, %swap3A_859], %swap3A_862 {strides = array<i32>} : memref<128x16xf32, #tpu.memory_space<vmem>>, vector<1x16xf32>,
    %broadcast_in_dim3A_863 = arith.constant 1.000000e+00 : f32
    %broadcast_in_dim3A_864 = vector.broadcast %broadcast_in_dim3A_863 : f32 to vector<16xf32>
    %swap3A_865 = arith.constant 108 : i32
    %swap3A_866 = arith.index_cast %swap3A_865 : i32 to index
    %swap3A_867 = arith.constant 0 : index
    %swap3A_868 = tpu.vector_load %arg16[%swap3A_866, %swap3A_867] {strides = array<i32>} : memref<128x16xf32, #tpu.memory_space<vmem>>, vector<1x16xf32>,
    %swap3A_869 = vector.shape_cast %swap3A_868 : vector<1x16xf32> to vector<16xf32>
    %swap3A_870 = vector.shape_cast %broadcast_in_dim3A_864 : vector<16xf32> to vector<1x16xf32>
    tpu.vector_store %arg16[%swap3A_866, %swap3A_867], %swap3A_870 {strides = array<i32>} : memref<128x16xf32, #tpu.memory_space<vmem>>, vector<1x16xf32>,
    %broadcast_in_dim3A_871 = arith.constant 1.000000e+00 : f32
    %broadcast_in_dim3A_872 = vector.broadcast %broadcast_in_dim3A_871 : f32 to vector<16xf32>
    %swap3A_873 = arith.constant 109 : i32
    %swap3A_874 = arith.index_cast %swap3A_873 : i32 to index
    %swap3A_875 = arith.constant 0 : index
    %swap3A_876 = tpu.vector_load %arg16[%swap3A_874, %swap3A_875] {strides = array<i32>} : memref<128x16xf32, #tpu.memory_space<vmem>>, vector<1x16xf32>,
    %swap3A_877 = vector.shape_cast %swap3A_876 : vector<1x16xf32> to vector<16xf32>
    %swap3A_878 = vector.shape_cast %broadcast_in_dim3A_872 : vector<16xf32> to vector<1x16xf32>
    tpu.vector_store %arg16[%swap3A_874, %swap3A_875], %swap3A_878 {strides = array<i32>} : memref<128x16xf32, #tpu.memory_space<vmem>>, vector<1x16xf32>,
    %broadcast_in_dim3A_879 = arith.constant 1.000000e+00 : f32
    %broadcast_in_dim3A_880 = vector.broadcast %broadcast_in_dim3A_879 : f32 to vector<16xf32>
    %swap3A_881 = arith.constant 110 : i32
    %swap3A_882 = arith.index_cast %swap3A_881 : i32 to index
    %swap3A_883 = arith.constant 0 : index
    %swap3A_884 = tpu.vector_load %arg16[%swap3A_882, %swap3A_883] {strides = array<i32>} : memref<128x16xf32, #tpu.memory_space<vmem>>, vector<1x16xf32>,
    %swap3A_885 = vector.shape_cast %swap3A_884 : vector<1x16xf32> to vector<16xf32>
    %swap3A_886 = vector.shape_cast %broadcast_in_dim3A_880 : vector<16xf32> to vector<1x16xf32>
    tpu.vector_store %arg16[%swap3A_882, %swap3A_883], %swap3A_886 {strides = array<i32>} : memref<128x16xf32, #tpu.memory_space<vmem>>, vector<1x16xf32>,
    %broadcast_in_dim3A_887 = arith.constant 1.000000e+00 : f32
    %broadcast_in_dim3A_888 = vector.broadcast %broadcast_in_dim3A_887 : f32 to vector<16xf32>
    %swap3A_889 = arith.constant 111 : i32
    %swap3A_890 = arith.index_cast %swap3A_889 : i32 to index
    %swap3A_891 = arith.constant 0 : index
    %swap3A_892 = tpu.vector_load %arg16[%swap3A_890, %swap3A_891] {strides = array<i32>} : memref<128x16xf32, #tpu.memory_space<vmem>>, vector<1x16xf32>,
    %swap3A_893 = vector.shape_cast %swap3A_892 : vector<1x16xf32> to vector<16xf32>
    %swap3A_894 = vector.shape_cast %broadcast_in_dim3A_888 : vector<16xf32> to vector<1x16xf32>
    tpu.vector_store %arg16[%swap3A_890, %swap3A_891], %swap3A_894 {strides = array<i32>} : memref<128x16xf32, #tpu.memory_space<vmem>>, vector<1x16xf32>,
    %broadcast_in_dim3A_895 = arith.constant 1.000000e+00 : f32
    %broadcast_in_dim3A_896 = vector.broadcast %broadcast_in_dim3A_895 : f32 to vector<16xf32>
    %swap3A_897 = arith.constant 112 : i32
    %swap3A_898 = arith.index_cast %swap3A_897 : i32 to index
    %swap3A_899 = arith.constant 0 : index
    %swap3A_900 = tpu.vector_load %arg16[%swap3A_898, %swap3A_899] {strides = array<i32>} : memref<128x16xf32, #tpu.memory_space<vmem>>, vector<1x16xf32>,
    %swap3A_901 = vector.shape_cast %swap3A_900 : vector<1x16xf32> to vector<16xf32>
    %swap3A_902 = vector.shape_cast %broadcast_in_dim3A_896 : vector<16xf32> to vector<1x16xf32>
    tpu.vector_store %arg16[%swap3A_898, %swap3A_899], %swap3A_902 {strides = array<i32>} : memref<128x16xf32, #tpu.memory_space<vmem>>, vector<1x16xf32>,
    %broadcast_in_dim3A_903 = arith.constant 1.000000e+00 : f32
    %broadcast_in_dim3A_904 = vector.broadcast %broadcast_in_dim3A_903 : f32 to vector<16xf32>
    %swap3A_905 = arith.constant 113 : i32
    %swap3A_906 = arith.index_cast %swap3A_905 : i32 to index
    %swap3A_907 = arith.constant 0 : index
    %swap3A_908 = tpu.vector_load %arg16[%swap3A_906, %swap3A_907] {strides = array<i32>} : memref<128x16xf32, #tpu.memory_space<vmem>>, vector<1x16xf32>,
    %swap3A_909 = vector.shape_cast %swap3A_908 : vector<1x16xf32> to vector<16xf32>
    %swap3A_910 = vector.shape_cast %broadcast_in_dim3A_904 : vector<16xf32> to vector<1x16xf32>
    tpu.vector_store %arg16[%swap3A_906, %swap3A_907], %swap3A_910 {strides = array<i32>} : memref<128x16xf32, #tpu.memory_space<vmem>>, vector<1x16xf32>,
    %broadcast_in_dim3A_911 = arith.constant 1.000000e+00 : f32
    %broadcast_in_dim3A_912 = vector.broadcast %broadcast_in_dim3A_911 : f32 to vector<16xf32>
    %swap3A_913 = arith.constant 114 : i32
    %swap3A_914 = arith.index_cast %swap3A_913 : i32 to index
    %swap3A_915 = arith.constant 0 : index
    %swap3A_916 = tpu.vector_load %arg16[%swap3A_914, %swap3A_915] {strides = array<i32>} : memref<128x16xf32, #tpu.memory_space<vmem>>, vector<1x16xf32>,
    %swap3A_917 = vector.shape_cast %swap3A_916 : vector<1x16xf32> to vector<16xf32>
    %swap3A_918 = vector.shape_cast %broadcast_in_dim3A_912 : vector<16xf32> to vector<1x16xf32>
    tpu.vector_store %arg16[%swap3A_914, %swap3A_915], %swap3A_918 {strides = array<i32>} : memref<128x16xf32, #tpu.memory_space<vmem>>, vector<1x16xf32>,
    %broadcast_in_dim3A_919 = arith.constant 1.000000e+00 : f32
    %broadcast_in_dim3A_920 = vector.broadcast %broadcast_in_dim3A_919 : f32 to vector<16xf32>
    %swap3A_921 = arith.constant 115 : i32
    %swap3A_922 = arith.index_cast %swap3A_921 : i32 to index
    %swap3A_923 = arith.constant 0 : index
    %swap3A_924 = tpu.vector_load %arg16[%swap3A_922, %swap3A_923] {strides = array<i32>} : memref<128x16xf32, #tpu.memory_space<vmem>>, vector<1x16xf32>,
    %swap3A_925 = vector.shape_cast %swap3A_924 : vector<1x16xf32> to vector<16xf32>
    %swap3A_926 = vector.shape_cast %broadcast_in_dim3A_920 : vector<16xf32> to vector<1x16xf32>
    tpu.vector_store %arg16[%swap3A_922, %swap3A_923], %swap3A_926 {strides = array<i32>} : memref<128x16xf32, #tpu.memory_space<vmem>>, vector<1x16xf32>,
    %broadcast_in_dim3A_927 = arith.constant 1.000000e+00 : f32
    %broadcast_in_dim3A_928 = vector.broadcast %broadcast_in_dim3A_927 : f32 to vector<16xf32>
    %swap3A_929 = arith.constant 116 : i32
    %swap3A_930 = arith.index_cast %swap3A_929 : i32 to index
    %swap3A_931 = arith.constant 0 : index
    %swap3A_932 = tpu.vector_load %arg16[%swap3A_930, %swap3A_931] {strides = array<i32>} : memref<128x16xf32, #tpu.memory_space<vmem>>, vector<1x16xf32>,
    %swap3A_933 = vector.shape_cast %swap3A_932 : vector<1x16xf32> to vector<16xf32>
    %swap3A_934 = vector.shape_cast %broadcast_in_dim3A_928 : vector<16xf32> to vector<1x16xf32>
    tpu.vector_store %arg16[%swap3A_930, %swap3A_931], %swap3A_934 {strides = array<i32>} : memref<128x16xf32, #tpu.memory_space<vmem>>, vector<1x16xf32>,
    %broadcast_in_dim3A_935 = arith.constant 1.000000e+00 : f32
    %broadcast_in_dim3A_936 = vector.broadcast %broadcast_in_dim3A_935 : f32 to vector<16xf32>
    %swap3A_937 = arith.constant 117 : i32
    %swap3A_938 = arith.index_cast %swap3A_937 : i32 to index
    %swap3A_939 = arith.constant 0 : index
    %swap3A_940 = tpu.vector_load %arg16[%swap3A_938, %swap3A_939] {strides = array<i32>} : memref<128x16xf32, #tpu.memory_space<vmem>>, vector<1x16xf32>,
    %swap3A_941 = vector.shape_cast %swap3A_940 : vector<1x16xf32> to vector<16xf32>
    %swap3A_942 = vector.shape_cast %broadcast_in_dim3A_936 : vector<16xf32> to vector<1x16xf32>
    tpu.vector_store %arg16[%swap3A_938, %swap3A_939], %swap3A_942 {strides = array<i32>} : memref<128x16xf32, #tpu.memory_space<vmem>>, vector<1x16xf32>,
    %broadcast_in_dim3A_943 = arith.constant 1.000000e+00 : f32
    %broadcast_in_dim3A_944 = vector.broadcast %broadcast_in_dim3A_943 : f32 to vector<16xf32>
    %swap3A_945 = arith.constant 118 : i32
    %swap3A_946 = arith.index_cast %swap3A_945 : i32 to index
    %swap3A_947 = arith.constant 0 : index
    %swap3A_948 = tpu.vector_load %arg16[%swap3A_946, %swap3A_947] {strides = array<i32>} : memref<128x16xf32, #tpu.memory_space<vmem>>, vector<1x16xf32>,
    %swap3A_949 = vector.shape_cast %swap3A_948 : vector<1x16xf32> to vector<16xf32>
    %swap3A_950 = vector.shape_cast %broadcast_in_dim3A_944 : vector<16xf32> to vector<1x16xf32>
    tpu.vector_store %arg16[%swap3A_946, %swap3A_947], %swap3A_950 {strides = array<i32>} : memref<128x16xf32, #tpu.memory_space<vmem>>, vector<1x16xf32>,
    %broadcast_in_dim3A_951 = arith.constant 1.000000e+00 : f32
    %broadcast_in_dim3A_952 = vector.broadcast %broadcast_in_dim3A_951 : f32 to vector<16xf32>
    %swap3A_953 = arith.constant 119 : i32
    %swap3A_954 = arith.index_cast %swap3A_953 : i32 to index
    %swap3A_955 = arith.constant 0 : index
    %swap3A_956 = tpu.vector_load %arg16[%swap3A_954, %swap3A_955] {strides = array<i32>} : memref<128x16xf32, #tpu.memory_space<vmem>>, vector<1x16xf32>,
    %swap3A_957 = vector.shape_cast %swap3A_956 : vector<1x16xf32> to vector<16xf32>
    %swap3A_958 = vector.shape_cast %broadcast_in_dim3A_952 : vector<16xf32> to vector<1x16xf32>
    tpu.vector_store %arg16[%swap3A_954, %swap3A_955], %swap3A_958 {strides = array<i32>} : memref<128x16xf32, #tpu.memory_space<vmem>>, vector<1x16xf32>,
    %broadcast_in_dim3A_959 = arith.constant 1.000000e+00 : f32
    %broadcast_in_dim3A_960 = vector.broadcast %broadcast_in_dim3A_959 : f32 to vector<16xf32>
    %swap3A_961 = arith.constant 120 : i32
    %swap3A_962 = arith.index_cast %swap3A_961 : i32 to index
    %swap3A_963 = arith.constant 0 : index
    %swap3A_964 = tpu.vector_load %arg16[%swap3A_962, %swap3A_963] {strides = array<i32>} : memref<128x16xf32, #tpu.memory_space<vmem>>, vector<1x16xf32>,
    %swap3A_965 = vector.shape_cast %swap3A_964 : vector<1x16xf32> to vector<16xf32>
    %swap3A_966 = vector.shape_cast %broadcast_in_dim3A_960 : vector<16xf32> to vector<1x16xf32>
    tpu.vector_store %arg16[%swap3A_962, %swap3A_963], %swap3A_966 {strides = array<i32>} : memref<128x16xf32, #tpu.memory_space<vmem>>, vector<1x16xf32>,
    %broadcast_in_dim3A_967 = arith.constant 1.000000e+00 : f32
    %broadcast_in_dim3A_968 = vector.broadcast %broadcast_in_dim3A_967 : f32 to vector<16xf32>
    %swap3A_969 = arith.constant 121 : i32
    %swap3A_970 = arith.index_cast %swap3A_969 : i32 to index
    %swap3A_971 = arith.constant 0 : index
    %swap3A_972 = tpu.vector_load %arg16[%swap3A_970, %swap3A_971] {strides = array<i32>} : memref<128x16xf32, #tpu.memory_space<vmem>>, vector<1x16xf32>,
    %swap3A_973 = vector.shape_cast %swap3A_972 : vector<1x16xf32> to vector<16xf32>
    %swap3A_974 = vector.shape_cast %broadcast_in_dim3A_968 : vector<16xf32> to vector<1x16xf32>
    tpu.vector_store %arg16[%swap3A_970, %swap3A_971], %swap3A_974 {strides = array<i32>} : memref<128x16xf32, #tpu.memory_space<vmem>>, vector<1x16xf32>,
    %broadcast_in_dim3A_975 = arith.constant 1.000000e+00 : f32
    %broadcast_in_dim3A_976 = vector.broadcast %broadcast_in_dim3A_975 : f32 to vector<16xf32>
    %swap3A_977 = arith.constant 122 : i32
    %swap3A_978 = arith.index_cast %swap3A_977 : i32 to index
    %swap3A_979 = arith.constant 0 : index
    %swap3A_980 = tpu.vector_load %arg16[%swap3A_978, %swap3A_979] {strides = array<i32>} : memref<128x16xf32, #tpu.memory_space<vmem>>, vector<1x16xf32>,
    %swap3A_981 = vector.shape_cast %swap3A_980 : vector<1x16xf32> to vector<16xf32>
    %swap3A_982 = vector.shape_cast %broadcast_in_dim3A_976 : vector<16xf32> to vector<1x16xf32>
    tpu.vector_store %arg16[%swap3A_978, %swap3A_979], %swap3A_982 {strides = array<i32>} : memref<128x16xf32, #tpu.memory_space<vmem>>, vector<1x16xf32>,
    %broadcast_in_dim3A_983 = arith.constant 1.000000e+00 : f32
    %broadcast_in_dim3A_984 = vector.broadcast %broadcast_in_dim3A_983 : f32 to vector<16xf32>
    %swap3A_985 = arith.constant 123 : i32
    %swap3A_986 = arith.index_cast %swap3A_985 : i32 to index
    %swap3A_987 = arith.constant 0 : index
    %swap3A_988 = tpu.vector_load %arg16[%swap3A_986, %swap3A_987] {strides = array<i32>} : memref<128x16xf32, #tpu.memory_space<vmem>>, vector<1x16xf32>,
    %swap3A_989 = vector.shape_cast %swap3A_988 : vector<1x16xf32> to vector<16xf32>
    %swap3A_990 = vector.shape_cast %broadcast_in_dim3A_984 : vector<16xf32> to vector<1x16xf32>
    tpu.vector_store %arg16[%swap3A_986, %swap3A_987], %swap3A_990 {strides = array<i32>} : memref<128x16xf32, #tpu.memory_space<vmem>>, vector<1x16xf32>,
    %broadcast_in_dim3A_991 = arith.constant 1.000000e+00 : f32
    %broadcast_in_dim3A_992 = vector.broadcast %broadcast_in_dim3A_991 : f32 to vector<16xf32>
    %swap3A_993 = arith.constant 124 : i32
    %swap3A_994 = arith.index_cast %swap3A_993 : i32 to index
    %swap3A_995 = arith.constant 0 : index
    %swap3A_996 = tpu.vector_load %arg16[%swap3A_994, %swap3A_995] {strides = array<i32>} : memref<128x16xf32, #tpu.memory_space<vmem>>, vector<1x16xf32>,
    %swap3A_997 = vector.shape_cast %swap3A_996 : vector<1x16xf32> to vector<16xf32>
    %swap3A_998 = vector.shape_cast %broadcast_in_dim3A_992 : vector<16xf32> to vector<1x16xf32>
    tpu.vector_store %arg16[%swap3A_994, %swap3A_995], %swap3A_998 {strides = array<i32>} : memref<128x16xf32, #tpu.memory_space<vmem>>, vector<1x16xf32>,
    %broadcast_in_dim3A_999 = arith.constant 1.000000e+00 : f32
    %broadcast_in_dim3A_1000 = vector.broadcast %broadcast_in_dim3A_999 : f32 to vector<16xf32>
    %swap3A_1001 = arith.constant 125 : i32
    %swap3A_1002 = arith.index_cast %swap3A_1001 : i32 to index
    %swap3A_1003 = arith.constant 0 : index
    %swap3A_1004 = tpu.vector_load %arg16[%swap3A_1002, %swap3A_1003] {strides = array<i32>} : memref<128x16xf32, #tpu.memory_space<vmem>>, vector<1x16xf32>,
    %swap3A_1005 = vector.shape_cast %swap3A_1004 : vector<1x16xf32> to vector<16xf32>
    %swap3A_1006 = vector.shape_cast %broadcast_in_dim3A_1000 : vector<16xf32> to vector<1x16xf32>
    tpu.vector_store %arg16[%swap3A_1002, %swap3A_1003], %swap3A_1006 {strides = array<i32>} : memref<128x16xf32, #tpu.memory_space<vmem>>, vector<1x16xf32>,
    %broadcast_in_dim3A_1007 = arith.constant 1.000000e+00 : f32
    %broadcast_in_dim3A_1008 = vector.broadcast %broadcast_in_dim3A_1007 : f32 to vector<16xf32>
    %swap3A_1009 = arith.constant 126 : i32
    %swap3A_1010 = arith.index_cast %swap3A_1009 : i32 to index
    %swap3A_1011 = arith.constant 0 : index
    %swap3A_1012 = tpu.vector_load %arg16[%swap3A_1010, %swap3A_1011] {strides = array<i32>} : memref<128x16xf32, #tpu.memory_space<vmem>>, vector<1x16xf32>,
    %swap3A_1013 = vector.shape_cast %swap3A_1012 : vector<1x16xf32> to vector<16xf32>
    %swap3A_1014 = vector.shape_cast %broadcast_in_dim3A_1008 : vector<16xf32> to vector<1x16xf32>
    tpu.vector_store %arg16[%swap3A_1010, %swap3A_1011], %swap3A_1014 {strides = array<i32>} : memref<128x16xf32, #tpu.memory_space<vmem>>, vector<1x16xf32>,
    %broadcast_in_dim3A_1015 = arith.constant 1.000000e+00 : f32
    %broadcast_in_dim3A_1016 = vector.broadcast %broadcast_in_dim3A_1015 : f32 to vector<16xf32>
    %swap3A_1017 = arith.constant 127 : i32
    %swap3A_1018 = arith.index_cast %swap3A_1017 : i32 to index
    %swap3A_1019 = arith.constant 0 : index
    %swap3A_1020 = tpu.vector_load %arg16[%swap3A_1018, %swap3A_1019] {strides = array<i32>} : memref<128x16xf32, #tpu.memory_space<vmem>>, vector<1x16xf32>,
    %swap3A_1021 = vector.shape_cast %swap3A_1020 : vector<1x16xf32> to vector<16xf32>
    %swap3A_1022 = vector.shape_cast %broadcast_in_dim3A_1016 : vector<16xf32> to vector<1x16xf32>
    tpu.vector_store %arg16[%swap3A_1018, %swap3A_1019], %swap3A_1022 {strides = array<i32>} : memref<128x16xf32, #tpu.memory_space<vmem>>, vector<1x16xf32>,
    %barrier3A = arith.constant 0 : index
    tpu.barrier barrier_id(%barrier3A)
    %eq3A = arith.constant 1 : i32
    %eq3A_1023 = arith.cmpi eq, %arg0, %eq3A : i32
    %jit3A = arith.constant 0 : i32
    %jit3A_1024 = arith.constant 15 : i32
    %select_n3A = arith.select %eq3A_1023, %jit3A, %jit3A_1024 : i32
    %jit3A_1025 = arith.constant 15 : i32
    %jit3A_1026 = arith.constant 20 : i32
    %select_n3A_1027 = arith.select %eq3A_1023, %jit3A_1025, %jit3A_1026 : i32
    %sub3A = arith.subi %select_n3A_1027, %select_n3A : i32
    %sub3A_1028 = arith.constant 1 : i32
    %sub3A_1029 = arith.constant 1 : i32
    %sub3A_1030 = arith.subi %sub3A_1028, %sub3A_1029 : i32
    %add3A = arith.addi %sub3A, %sub3A_1030 : i32
    %div3A = arith.constant 1 : i32
    %div3A_1031 = arith.divsi %add3A, %div3A : i32
    %while3A = arith.constant 1 : i32
    %while3A_1032 = arith.constant 0 : i32
    %while3A_1033 = arith.subi %div3A_1031, %while3A_1032 : i32
    %while3A_1034 = arith.addi %while3A_1032, %while3A_1033 : i32
    %while3A_1035 = arith.constant 1 : i32
    %while3A_1036 = arith.divsi %while3A_1033, %while3A_1035 : i32
    %while3A_1037 = arith.muli %while3A_1036, %while3A_1035 : i32
    %while3A_1038 = arith.addi %while3A_1032, %while3A_1037 : i32
    %while3A_1039 = arith.constant 1 : i32
    scf.for %while3A_1042 = %while3A_1032 to %while3A_1038 step %while3A_1039  : i32 {
      %mul3A_1043 = arith.muli %while3A_1042, %while3A : i32
      %add3A_1044 = arith.addi %select_n3A, %mul3A_1043 : i32
      %mul3A_1045 = arith.constant 8 : i32
      %mul3A_1046 = arith.muli %add3A_1044, %mul3A_1045 : i32
      "tpu.region"() ({
        %run_scoped3A = tpu.sem_alloc : memref<!tpu.dma_semaphore, #tpu.memory_space<semaphore_mem>>
        %dma_start3A_1383 = arith.constant 0 : i32
        %dma_start3A_1384 = tpu.memref_slice %arg3[%arg1, %mul3A_1046, %dma_start3A_1383] : memref<16x160x128xi32, #tpu.memory_space<hbm>> -> memref<1x8x128xi32, #tpu.memory_space<hbm>>
        %dma_start3A_1385 = tpu.memref_squeeze %dma_start3A_1384 : memref<1x8x128xi32, #tpu.memory_space<hbm>> -> memref<8x128xi32, #tpu.memory_space<hbm>>
        %dma_start3A_1386 = arith.constant 0 : i32
        %dma_start3A_1387 = tpu.memref_slice %arg3[%arg1, %mul3A_1046, %dma_start3A_1386] : memref<16x160x128xi32, #tpu.memory_space<hbm>> -> memref<1x8x128xi32, #tpu.memory_space<hbm>>
        %dma_start3A_1388 = tpu.memref_squeeze %dma_start3A_1387 : memref<1x8x128xi32, #tpu.memory_space<hbm>> -> memref<8x128xi32, #tpu.memory_space<hbm>>
        tpu.enqueue_dma source(%dma_start3A_1388 : memref<8x128xi32, #tpu.memory_space<hbm>>) target(%arg9 : memref<8x128xi32, #tpu.memory_space<vmem>>) target_semaphore(%run_scoped3A : memref<!tpu.dma_semaphore, #tpu.memory_space<semaphore_mem>>)
        %dma_wait3A_1389 = arith.constant 0 : i32
        %dma_wait3A_1390 = tpu.memref_slice %arg3[%arg1, %mul3A_1046, %dma_wait3A_1389] : memref<16x160x128xi32, #tpu.memory_space<hbm>> -> memref<1x8x128xi32, #tpu.memory_space<hbm>>
        %dma_wait3A_1391 = tpu.memref_squeeze %dma_wait3A_1390 : memref<1x8x128xi32, #tpu.memory_space<hbm>> -> memref<8x128xi32, #tpu.memory_space<hbm>>
        %dma_wait3A_1392 = arith.constant 0 : i32
        %dma_wait3A_1393 = tpu.memref_slice %arg3[%arg1, %mul3A_1046, %dma_wait3A_1392] : memref<16x160x128xi32, #tpu.memory_space<hbm>> -> memref<1x8x128xi32, #tpu.memory_space<hbm>>
        %dma_wait3A_1394 = tpu.memref_squeeze %dma_wait3A_1393 : memref<1x8x128xi32, #tpu.memory_space<hbm>> -> memref<8x128xi32, #tpu.memory_space<hbm>>
        tpu.wait_dma2 semaphore(%run_scoped3A : memref<!tpu.dma_semaphore, #tpu.memory_space<semaphore_mem>>) src(%dma_wait3A_1394 : memref<8x128xi32, #tpu.memory_space<hbm>>) dst(%arg9 : memref<8x128xi32, #tpu.memory_space<vmem>>)
        tpu.yield
      }) : () -> ()
      %mul3A_1047 = arith.constant 8 : i32
      %mul3A_1048 = arith.muli %add3A_1044, %mul3A_1047 : i32
      "tpu.region"() ({
        %run_scoped3A = tpu.sem_alloc : memref<!tpu.dma_semaphore, #tpu.memory_space<semaphore_mem>>
        %dma_start3A_1383 = arith.constant 0 : i32
        %dma_start3A_1384 = tpu.memref_slice %arg4[%arg1, %mul3A_1048, %dma_start3A_1383] : memref<16x160x128xi32, #tpu.memory_space<hbm>> -> memref<1x8x128xi32, #tpu.memory_space<hbm>>
        %dma_start3A_1385 = tpu.memref_squeeze %dma_start3A_1384 : memref<1x8x128xi32, #tpu.memory_space<hbm>> -> memref<8x128xi32, #tpu.memory_space<hbm>>
        %dma_start3A_1386 = arith.constant 0 : i32
        %dma_start3A_1387 = tpu.memref_slice %arg4[%arg1, %mul3A_1048, %dma_start3A_1386] : memref<16x160x128xi32, #tpu.memory_space<hbm>> -> memref<1x8x128xi32, #tpu.memory_space<hbm>>
        %dma_start3A_1388 = tpu.memref_squeeze %dma_start3A_1387 : memref<1x8x128xi32, #tpu.memory_space<hbm>> -> memref<8x128xi32, #tpu.memory_space<hbm>>
        tpu.enqueue_dma source(%dma_start3A_1388 : memref<8x128xi32, #tpu.memory_space<hbm>>) target(%arg10 : memref<8x128xi32, #tpu.memory_space<vmem>>) target_semaphore(%run_scoped3A : memref<!tpu.dma_semaphore, #tpu.memory_space<semaphore_mem>>)
        %dma_wait3A_1389 = arith.constant 0 : i32
        %dma_wait3A_1390 = tpu.memref_slice %arg4[%arg1, %mul3A_1048, %dma_wait3A_1389] : memref<16x160x128xi32, #tpu.memory_space<hbm>> -> memref<1x8x128xi32, #tpu.memory_space<hbm>>
        %dma_wait3A_1391 = tpu.memref_squeeze %dma_wait3A_1390 : memref<1x8x128xi32, #tpu.memory_space<hbm>> -> memref<8x128xi32, #tpu.memory_space<hbm>>
        %dma_wait3A_1392 = arith.constant 0 : i32
        %dma_wait3A_1393 = tpu.memref_slice %arg4[%arg1, %mul3A_1048, %dma_wait3A_1392] : memref<16x160x128xi32, #tpu.memory_space<hbm>> -> memref<1x8x128xi32, #tpu.memory_space<hbm>>
        %dma_wait3A_1394 = tpu.memref_squeeze %dma_wait3A_1393 : memref<1x8x128xi32, #tpu.memory_space<hbm>> -> memref<8x128xi32, #tpu.memory_space<hbm>>
        tpu.wait_dma2 semaphore(%run_scoped3A : memref<!tpu.dma_semaphore, #tpu.memory_space<semaphore_mem>>) src(%dma_wait3A_1394 : memref<8x128xi32, #tpu.memory_space<hbm>>) dst(%arg10 : memref<8x128xi32, #tpu.memory_space<vmem>>)
        tpu.yield
      }) : () -> ()
      %dma_start3A = arith.constant 0 : i32
      %dma_start3A_1049 = arith.constant 0 : i32
      %dma_start3A_1050 = tpu.memref_slice %arg9[%dma_start3A, %dma_start3A_1049] : memref<8x128xi32, #tpu.memory_space<vmem>> -> memref<1x128xi32, #tpu.memory_space<vmem>>
      %dma_start3A_1051 = tpu.memref_squeeze %dma_start3A_1050 : memref<1x128xi32, #tpu.memory_space<vmem>> -> memref<128xi32, #tpu.memory_space<vmem>>
      %dma_start3A_1052 = arith.constant 0 : i32
      %dma_start3A_1053 = arith.constant 0 : i32
      %dma_start3A_1054 = tpu.memref_slice %arg2[%dma_start3A_1052, %dma_start3A_1053] : memref<10000x128xf32, #tpu.memory_space<hbm>> -> memref<10000x128xf32, #tpu.memory_space<hbm>>
      tpu.enqueue_indirect_dma source(%dma_start3A_1054 : memref<10000x128xf32, #tpu.memory_space<hbm>>) target(%arg11 : memref<128x128xf32, #tpu.memory_space<vmem>>) offsets(%dma_start3A_1051 : memref<128xi32, #tpu.memory_space<vmem>>) semaphore(%arg14 : memref<!tpu.dma_semaphore, #tpu.memory_space<semaphore_mem>>)
      %dma_start3A_1055 = arith.constant 1 : i32
      %dma_start3A_1056 = arith.constant 0 : i32
      %dma_start3A_1057 = tpu.memref_slice %arg9[%dma_start3A_1055, %dma_start3A_1056] : memref<8x128xi32, #tpu.memory_space<vmem>> -> memref<1x128xi32, #tpu.memory_space<vmem>>
      %dma_start3A_1058 = tpu.memref_squeeze %dma_start3A_1057 : memref<1x128xi32, #tpu.memory_space<vmem>> -> memref<128xi32, #tpu.memory_space<vmem>>
      %dma_start3A_1059 = arith.constant 0 : i32
      %dma_start3A_1060 = arith.constant 0 : i32
      %dma_start3A_1061 = tpu.memref_slice %arg2[%dma_start3A_1059, %dma_start3A_1060] : memref<10000x128xf32, #tpu.memory_space<hbm>> -> memref<10000x128xf32, #tpu.memory_space<hbm>>
      tpu.enqueue_indirect_dma source(%dma_start3A_1061 : memref<10000x128xf32, #tpu.memory_space<hbm>>) target(%arg12 : memref<128x128xf32, #tpu.memory_space<vmem>>) offsets(%dma_start3A_1058 : memref<128xi32, #tpu.memory_space<vmem>>) semaphore(%arg14 : memref<!tpu.dma_semaphore, #tpu.memory_space<semaphore_mem>>)
      %dma_wait3A = arith.constant 0 : i32
      %dma_wait3A_1062 = arith.constant 0 : i32
      %dma_wait3A_1063 = tpu.memref_slice %arg9[%dma_wait3A, %dma_wait3A_1062] : memref<8x128xi32, #tpu.memory_space<vmem>> -> memref<1x128xi32, #tpu.memory_space<vmem>>
      %dma_wait3A_1064 = tpu.memref_squeeze %dma_wait3A_1063 : memref<1x128xi32, #tpu.memory_space<vmem>> -> memref<128xi32, #tpu.memory_space<vmem>>
      %dma_wait3A_1065 = arith.constant 0 : i32
      %dma_wait3A_1066 = arith.constant 0 : i32
      %dma_wait3A_1067 = tpu.memref_slice %arg2[%dma_wait3A_1065, %dma_wait3A_1066] : memref<10000x128xf32, #tpu.memory_space<hbm>> -> memref<10000x128xf32, #tpu.memory_space<hbm>>
      tpu.wait_indirect_dma semaphore(%arg14 : memref<!tpu.dma_semaphore, #tpu.memory_space<semaphore_mem>>) src(%dma_wait3A_1067 : memref<10000x128xf32, #tpu.memory_space<hbm>>) dst(%arg11 : memref<128x128xf32, #tpu.memory_space<vmem>>)
      %dma_start3A_1068 = arith.constant 0 : i32
      %dma_start3A_1069 = arith.constant 0 : i32
      %dma_start3A_1070 = tpu.memref_slice %arg10[%dma_start3A_1068, %dma_start3A_1069] : memref<8x128xi32, #tpu.memory_space<vmem>> -> memref<1x128xi32, #tpu.memory_space<vmem>>
      %dma_start3A_1071 = tpu.memref_squeeze %dma_start3A_1070 : memref<1x128xi32, #tpu.memory_space<vmem>> -> memref<128xi32, #tpu.memory_space<vmem>>
      %dma_start3A_1072 = arith.constant 0 : i32
      %dma_start3A_1073 = arith.constant 0 : i32
      %dma_start3A_1074 = tpu.memref_slice %arg13[%dma_start3A_1072, %dma_start3A_1073] : memref<10016x128xf32, #tpu.memory_space<vmem_shared>> -> memref<10016x128xf32, #tpu.memory_space<vmem_shared>>
      tpu.enqueue_indirect_dma source(%arg11 : memref<128x128xf32, #tpu.memory_space<vmem>>) target(%dma_start3A_1074 : memref<10016x128xf32, #tpu.memory_space<vmem_shared>>) offsets(%dma_start3A_1071 : memref<128xi32, #tpu.memory_space<vmem>>) semaphore(%arg15 : memref<!tpu.dma_semaphore, #tpu.memory_space<semaphore_mem>>) {add = true}
      %dma_start3A_1075 = arith.constant 0 : i32
      %dma_start3A_1076 = arith.constant 0 : i32
      %dma_start3A_1077 = tpu.memref_slice %arg10[%dma_start3A_1075, %dma_start3A_1076] : memref<8x128xi32, #tpu.memory_space<vmem>> -> memref<1x128xi32, #tpu.memory_space<vmem>>
      %dma_start3A_1078 = tpu.memref_squeeze %dma_start3A_1077 : memref<1x128xi32, #tpu.memory_space<vmem>> -> memref<128xi32, #tpu.memory_space<vmem>>
      %dma_start3A_1079 = arith.constant 0 : i32
      %dma_start3A_1080 = arith.constant 0 : i32
      %dma_start3A_1081 = tpu.memref_slice %arg17[%dma_start3A_1079, %dma_start3A_1080] : memref<10016x16xf32, #tpu.memory_space<vmem_shared>> -> memref<10016x16xf32, #tpu.memory_space<vmem_shared>>
      tpu.enqueue_indirect_dma source(%arg16 : memref<128x16xf32, #tpu.memory_space<vmem>>) target(%dma_start3A_1081 : memref<10016x16xf32, #tpu.memory_space<vmem_shared>>) offsets(%dma_start3A_1078 : memref<128xi32, #tpu.memory_space<vmem>>) semaphore(%arg18 : memref<!tpu.dma_semaphore, #tpu.memory_space<semaphore_mem>>) {add = true}
      %dma_wait3A_1082 = arith.constant 0 : i32
      %dma_wait3A_1083 = arith.constant 0 : i32
      %dma_wait3A_1084 = tpu.memref_slice %arg10[%dma_wait3A_1082, %dma_wait3A_1083] : memref<8x128xi32, #tpu.memory_space<vmem>> -> memref<1x128xi32, #tpu.memory_space<vmem>>
      %dma_wait3A_1085 = tpu.memref_squeeze %dma_wait3A_1084 : memref<1x128xi32, #tpu.memory_space<vmem>> -> memref<128xi32, #tpu.memory_space<vmem>>
      %dma_wait3A_1086 = arith.constant 0 : i32
      %dma_wait3A_1087 = arith.constant 0 : i32
      %dma_wait3A_1088 = tpu.memref_slice %arg13[%dma_wait3A_1086, %dma_wait3A_1087] : memref<10016x128xf32, #tpu.memory_space<vmem_shared>> -> memref<10016x128xf32, #tpu.memory_space<vmem_shared>>
      tpu.wait_indirect_dma semaphore(%arg15 : memref<!tpu.dma_semaphore, #tpu.memory_space<semaphore_mem>>) src(%arg11 : memref<128x128xf32, #tpu.memory_space<vmem>>) dst(%dma_wait3A_1088 : memref<10016x128xf32, #tpu.memory_space<vmem_shared>>)
      %dma_wait3A_1089 = arith.constant 0 : i32
      %dma_wait3A_1090 = arith.constant 0 : i32
      %dma_wait3A_1091 = tpu.memref_slice %arg10[%dma_wait3A_1089, %dma_wait3A_1090] : memref<8x128xi32, #tpu.memory_space<vmem>> -> memref<1x128xi32, #tpu.memory_space<vmem>>
      %dma_wait3A_1092 = tpu.memref_squeeze %dma_wait3A_1091 : memref<1x128xi32, #tpu.memory_space<vmem>> -> memref<128xi32, #tpu.memory_space<vmem>>
      %dma_wait3A_1093 = arith.constant 0 : i32
      %dma_wait3A_1094 = arith.constant 0 : i32
      %dma_wait3A_1095 = tpu.memref_slice %arg17[%dma_wait3A_1093, %dma_wait3A_1094] : memref<10016x16xf32, #tpu.memory_space<vmem_shared>> -> memref<10016x16xf32, #tpu.memory_space<vmem_shared>>
      tpu.wait_indirect_dma semaphore(%arg18 : memref<!tpu.dma_semaphore, #tpu.memory_space<semaphore_mem>>) src(%arg16 : memref<128x16xf32, #tpu.memory_space<vmem>>) dst(%dma_wait3A_1095 : memref<10016x16xf32, #tpu.memory_space<vmem_shared>>)
      %dma_start3A_1096 = arith.constant 2 : i32
      %dma_start3A_1097 = arith.constant 0 : i32
      %dma_start3A_1098 = tpu.memref_slice %arg9[%dma_start3A_1096, %dma_start3A_1097] : memref<8x128xi32, #tpu.memory_space<vmem>> -> memref<1x128xi32, #tpu.memory_space<vmem>>
      %dma_start3A_1099 = tpu.memref_squeeze %dma_start3A_1098 : memref<1x128xi32, #tpu.memory_space<vmem>> -> memref<128xi32, #tpu.memory_space<vmem>>
      %dma_start3A_1100 = arith.constant 0 : i32
      %dma_start3A_1101 = arith.constant 0 : i32
      %dma_start3A_1102 = tpu.memref_slice %arg2[%dma_start3A_1100, %dma_start3A_1101] : memref<10000x128xf32, #tpu.memory_space<hbm>> -> memref<10000x128xf32, #tpu.memory_space<hbm>>
      tpu.enqueue_indirect_dma source(%dma_start3A_1102 : memref<10000x128xf32, #tpu.memory_space<hbm>>) target(%arg11 : memref<128x128xf32, #tpu.memory_space<vmem>>) offsets(%dma_start3A_1099 : memref<128xi32, #tpu.memory_space<vmem>>) semaphore(%arg14 : memref<!tpu.dma_semaphore, #tpu.memory_space<semaphore_mem>>)
      %dma_wait3A_1103 = arith.constant 1 : i32
      %dma_wait3A_1104 = arith.constant 0 : i32
      %dma_wait3A_1105 = tpu.memref_slice %arg9[%dma_wait3A_1103, %dma_wait3A_1104] : memref<8x128xi32, #tpu.memory_space<vmem>> -> memref<1x128xi32, #tpu.memory_space<vmem>>
      %dma_wait3A_1106 = tpu.memref_squeeze %dma_wait3A_1105 : memref<1x128xi32, #tpu.memory_space<vmem>> -> memref<128xi32, #tpu.memory_space<vmem>>
      %dma_wait3A_1107 = arith.constant 0 : i32
      %dma_wait3A_1108 = arith.constant 0 : i32
      %dma_wait3A_1109 = tpu.memref_slice %arg2[%dma_wait3A_1107, %dma_wait3A_1108] : memref<10000x128xf32, #tpu.memory_space<hbm>> -> memref<10000x128xf32, #tpu.memory_space<hbm>>
      tpu.wait_indirect_dma semaphore(%arg14 : memref<!tpu.dma_semaphore, #tpu.memory_space<semaphore_mem>>) src(%dma_wait3A_1109 : memref<10000x128xf32, #tpu.memory_space<hbm>>) dst(%arg12 : memref<128x128xf32, #tpu.memory_space<vmem>>)
      %dma_start3A_1110 = arith.constant 1 : i32
      %dma_start3A_1111 = arith.constant 0 : i32
      %dma_start3A_1112 = tpu.memref_slice %arg10[%dma_start3A_1110, %dma_start3A_1111] : memref<8x128xi32, #tpu.memory_space<vmem>> -> memref<1x128xi32, #tpu.memory_space<vmem>>
      %dma_start3A_1113 = tpu.memref_squeeze %dma_start3A_1112 : memref<1x128xi32, #tpu.memory_space<vmem>> -> memref<128xi32, #tpu.memory_space<vmem>>
      %dma_start3A_1114 = arith.constant 0 : i32
      %dma_start3A_1115 = arith.constant 0 : i32
      %dma_start3A_1116 = tpu.memref_slice %arg13[%dma_start3A_1114, %dma_start3A_1115] : memref<10016x128xf32, #tpu.memory_space<vmem_shared>> -> memref<10016x128xf32, #tpu.memory_space<vmem_shared>>
      tpu.enqueue_indirect_dma source(%arg12 : memref<128x128xf32, #tpu.memory_space<vmem>>) target(%dma_start3A_1116 : memref<10016x128xf32, #tpu.memory_space<vmem_shared>>) offsets(%dma_start3A_1113 : memref<128xi32, #tpu.memory_space<vmem>>) semaphore(%arg15 : memref<!tpu.dma_semaphore, #tpu.memory_space<semaphore_mem>>) {add = true}
      %dma_start3A_1117 = arith.constant 1 : i32
      %dma_start3A_1118 = arith.constant 0 : i32
      %dma_start3A_1119 = tpu.memref_slice %arg10[%dma_start3A_1117, %dma_start3A_1118] : memref<8x128xi32, #tpu.memory_space<vmem>> -> memref<1x128xi32, #tpu.memory_space<vmem>>
      %dma_start3A_1120 = tpu.memref_squeeze %dma_start3A_1119 : memref<1x128xi32, #tpu.memory_space<vmem>> -> memref<128xi32, #tpu.memory_space<vmem>>
      %dma_start3A_1121 = arith.constant 0 : i32
      %dma_start3A_1122 = arith.constant 0 : i32
      %dma_start3A_1123 = tpu.memref_slice %arg17[%dma_start3A_1121, %dma_start3A_1122] : memref<10016x16xf32, #tpu.memory_space<vmem_shared>> -> memref<10016x16xf32, #tpu.memory_space<vmem_shared>>
      tpu.enqueue_indirect_dma source(%arg16 : memref<128x16xf32, #tpu.memory_space<vmem>>) target(%dma_start3A_1123 : memref<10016x16xf32, #tpu.memory_space<vmem_shared>>) offsets(%dma_start3A_1120 : memref<128xi32, #tpu.memory_space<vmem>>) semaphore(%arg18 : memref<!tpu.dma_semaphore, #tpu.memory_space<semaphore_mem>>) {add = true}
      %dma_wait3A_1124 = arith.constant 1 : i32
      %dma_wait3A_1125 = arith.constant 0 : i32
      %dma_wait3A_1126 = tpu.memref_slice %arg10[%dma_wait3A_1124, %dma_wait3A_1125] : memref<8x128xi32, #tpu.memory_space<vmem>> -> memref<1x128xi32, #tpu.memory_space<vmem>>
      %dma_wait3A_1127 = tpu.memref_squeeze %dma_wait3A_1126 : memref<1x128xi32, #tpu.memory_space<vmem>> -> memref<128xi32, #tpu.memory_space<vmem>>
      %dma_wait3A_1128 = arith.constant 0 : i32
      %dma_wait3A_1129 = arith.constant 0 : i32
      %dma_wait3A_1130 = tpu.memref_slice %arg13[%dma_wait3A_1128, %dma_wait3A_1129] : memref<10016x128xf32, #tpu.memory_space<vmem_shared>> -> memref<10016x128xf32, #tpu.memory_space<vmem_shared>>
      tpu.wait_indirect_dma semaphore(%arg15 : memref<!tpu.dma_semaphore, #tpu.memory_space<semaphore_mem>>) src(%arg12 : memref<128x128xf32, #tpu.memory_space<vmem>>) dst(%dma_wait3A_1130 : memref<10016x128xf32, #tpu.memory_space<vmem_shared>>)
      %dma_wait3A_1131 = arith.constant 1 : i32
      %dma_wait3A_1132 = arith.constant 0 : i32
      %dma_wait3A_1133 = tpu.memref_slice %arg10[%dma_wait3A_1131, %dma_wait3A_1132] : memref<8x128xi32, #tpu.memory_space<vmem>> -> memref<1x128xi32, #tpu.memory_space<vmem>>
      %dma_wait3A_1134 = tpu.memref_squeeze %dma_wait3A_1133 : memref<1x128xi32, #tpu.memory_space<vmem>> -> memref<128xi32, #tpu.memory_space<vmem>>
      %dma_wait3A_1135 = arith.constant 0 : i32
      %dma_wait3A_1136 = arith.constant 0 : i32
      %dma_wait3A_1137 = tpu.memref_slice %arg17[%dma_wait3A_1135, %dma_wait3A_1136] : memref<10016x16xf32, #tpu.memory_space<vmem_shared>> -> memref<10016x16xf32, #tpu.memory_space<vmem_shared>>
      tpu.wait_indirect_dma semaphore(%arg18 : memref<!tpu.dma_semaphore, #tpu.memory_space<semaphore_mem>>) src(%arg16 : memref<128x16xf32, #tpu.memory_space<vmem>>) dst(%dma_wait3A_1137 : memref<10016x16xf32, #tpu.memory_space<vmem_shared>>)
      %dma_start3A_1138 = arith.constant 3 : i32
      %dma_start3A_1139 = arith.constant 0 : i32
      %dma_start3A_1140 = tpu.memref_slice %arg9[%dma_start3A_1138, %dma_start3A_1139] : memref<8x128xi32, #tpu.memory_space<vmem>> -> memref<1x128xi32, #tpu.memory_space<vmem>>
      %dma_start3A_1141 = tpu.memref_squeeze %dma_start3A_1140 : memref<1x128xi32, #tpu.memory_space<vmem>> -> memref<128xi32, #tpu.memory_space<vmem>>
      %dma_start3A_1142 = arith.constant 0 : i32
      %dma_start3A_1143 = arith.constant 0 : i32
      %dma_start3A_1144 = tpu.memref_slice %arg2[%dma_start3A_1142, %dma_start3A_1143] : memref<10000x128xf32, #tpu.memory_space<hbm>> -> memref<10000x128xf32, #tpu.memory_space<hbm>>
      tpu.enqueue_indirect_dma source(%dma_start3A_1144 : memref<10000x128xf32, #tpu.memory_space<hbm>>) target(%arg12 : memref<128x128xf32, #tpu.memory_space<vmem>>) offsets(%dma_start3A_1141 : memref<128xi32, #tpu.memory_space<vmem>>) semaphore(%arg14 : memref<!tpu.dma_semaphore, #tpu.memory_space<semaphore_mem>>)
      %dma_wait3A_1145 = arith.constant 2 : i32
      %dma_wait3A_1146 = arith.constant 0 : i32
      %dma_wait3A_1147 = tpu.memref_slice %arg9[%dma_wait3A_1145, %dma_wait3A_1146] : memref<8x128xi32, #tpu.memory_space<vmem>> -> memref<1x128xi32, #tpu.memory_space<vmem>>
      %dma_wait3A_1148 = tpu.memref_squeeze %dma_wait3A_1147 : memref<1x128xi32, #tpu.memory_space<vmem>> -> memref<128xi32, #tpu.memory_space<vmem>>
      %dma_wait3A_1149 = arith.constant 0 : i32
      %dma_wait3A_1150 = arith.constant 0 : i32
      %dma_wait3A_1151 = tpu.memref_slice %arg2[%dma_wait3A_1149, %dma_wait3A_1150] : memref<10000x128xf32, #tpu.memory_space<hbm>> -> memref<10000x128xf32, #tpu.memory_space<hbm>>
      tpu.wait_indirect_dma semaphore(%arg14 : memref<!tpu.dma_semaphore, #tpu.memory_space<semaphore_mem>>) src(%dma_wait3A_1151 : memref<10000x128xf32, #tpu.memory_space<hbm>>) dst(%arg11 : memref<128x128xf32, #tpu.memory_space<vmem>>)
      %dma_start3A_1152 = arith.constant 2 : i32
      %dma_start3A_1153 = arith.constant 0 : i32
      %dma_start3A_1154 = tpu.memref_slice %arg10[%dma_start3A_1152, %dma_start3A_1153] : memref<8x128xi32, #tpu.memory_space<vmem>> -> memref<1x128xi32, #tpu.memory_space<vmem>>
      %dma_start3A_1155 = tpu.memref_squeeze %dma_start3A_1154 : memref<1x128xi32, #tpu.memory_space<vmem>> -> memref<128xi32, #tpu.memory_space<vmem>>
      %dma_start3A_1156 = arith.constant 0 : i32
      %dma_start3A_1157 = arith.constant 0 : i32
      %dma_start3A_1158 = tpu.memref_slice %arg13[%dma_start3A_1156, %dma_start3A_1157] : memref<10016x128xf32, #tpu.memory_space<vmem_shared>> -> memref<10016x128xf32, #tpu.memory_space<vmem_shared>>
      tpu.enqueue_indirect_dma source(%arg11 : memref<128x128xf32, #tpu.memory_space<vmem>>) target(%dma_start3A_1158 : memref<10016x128xf32, #tpu.memory_space<vmem_shared>>) offsets(%dma_start3A_1155 : memref<128xi32, #tpu.memory_space<vmem>>) semaphore(%arg15 : memref<!tpu.dma_semaphore, #tpu.memory_space<semaphore_mem>>) {add = true}
      %dma_start3A_1159 = arith.constant 2 : i32
      %dma_start3A_1160 = arith.constant 0 : i32
      %dma_start3A_1161 = tpu.memref_slice %arg10[%dma_start3A_1159, %dma_start3A_1160] : memref<8x128xi32, #tpu.memory_space<vmem>> -> memref<1x128xi32, #tpu.memory_space<vmem>>
      %dma_start3A_1162 = tpu.memref_squeeze %dma_start3A_1161 : memref<1x128xi32, #tpu.memory_space<vmem>> -> memref<128xi32, #tpu.memory_space<vmem>>
      %dma_start3A_1163 = arith.constant 0 : i32
      %dma_start3A_1164 = arith.constant 0 : i32
      %dma_start3A_1165 = tpu.memref_slice %arg17[%dma_start3A_1163, %dma_start3A_1164] : memref<10016x16xf32, #tpu.memory_space<vmem_shared>> -> memref<10016x16xf32, #tpu.memory_space<vmem_shared>>
      tpu.enqueue_indirect_dma source(%arg16 : memref<128x16xf32, #tpu.memory_space<vmem>>) target(%dma_start3A_1165 : memref<10016x16xf32, #tpu.memory_space<vmem_shared>>) offsets(%dma_start3A_1162 : memref<128xi32, #tpu.memory_space<vmem>>) semaphore(%arg18 : memref<!tpu.dma_semaphore, #tpu.memory_space<semaphore_mem>>) {add = true}
      %dma_wait3A_1166 = arith.constant 2 : i32
      %dma_wait3A_1167 = arith.constant 0 : i32
      %dma_wait3A_1168 = tpu.memref_slice %arg10[%dma_wait3A_1166, %dma_wait3A_1167] : memref<8x128xi32, #tpu.memory_space<vmem>> -> memref<1x128xi32, #tpu.memory_space<vmem>>
      %dma_wait3A_1169 = tpu.memref_squeeze %dma_wait3A_1168 : memref<1x128xi32, #tpu.memory_space<vmem>> -> memref<128xi32, #tpu.memory_space<vmem>>
      %dma_wait3A_1170 = arith.constant 0 : i32
      %dma_wait3A_1171 = arith.constant 0 : i32
      %dma_wait3A_1172 = tpu.memref_slice %arg13[%dma_wait3A_1170, %dma_wait3A_1171] : memref<10016x128xf32, #tpu.memory_space<vmem_shared>> -> memref<10016x128xf32, #tpu.memory_space<vmem_shared>>
      tpu.wait_indirect_dma semaphore(%arg15 : memref<!tpu.dma_semaphore, #tpu.memory_space<semaphore_mem>>) src(%arg11 : memref<128x128xf32, #tpu.memory_space<vmem>>) dst(%dma_wait3A_1172 : memref<10016x128xf32, #tpu.memory_space<vmem_shared>>)
      %dma_wait3A_1173 = arith.constant 2 : i32
      %dma_wait3A_1174 = arith.constant 0 : i32
      %dma_wait3A_1175 = tpu.memref_slice %arg10[%dma_wait3A_1173, %dma_wait3A_1174] : memref<8x128xi32, #tpu.memory_space<vmem>> -> memref<1x128xi32, #tpu.memory_space<vmem>>
      %dma_wait3A_1176 = tpu.memref_squeeze %dma_wait3A_1175 : memref<1x128xi32, #tpu.memory_space<vmem>> -> memref<128xi32, #tpu.memory_space<vmem>>
      %dma_wait3A_1177 = arith.constant 0 : i32
      %dma_wait3A_1178 = arith.constant 0 : i32
      %dma_wait3A_1179 = tpu.memref_slice %arg17[%dma_wait3A_1177, %dma_wait3A_1178] : memref<10016x16xf32, #tpu.memory_space<vmem_shared>> -> memref<10016x16xf32, #tpu.memory_space<vmem_shared>>
      tpu.wait_indirect_dma semaphore(%arg18 : memref<!tpu.dma_semaphore, #tpu.memory_space<semaphore_mem>>) src(%arg16 : memref<128x16xf32, #tpu.memory_space<vmem>>) dst(%dma_wait3A_1179 : memref<10016x16xf32, #tpu.memory_space<vmem_shared>>)
      %dma_start3A_1180 = arith.constant 4 : i32
      %dma_start3A_1181 = arith.constant 0 : i32
      %dma_start3A_1182 = tpu.memref_slice %arg9[%dma_start3A_1180, %dma_start3A_1181] : memref<8x128xi32, #tpu.memory_space<vmem>> -> memref<1x128xi32, #tpu.memory_space<vmem>>
      %dma_start3A_1183 = tpu.memref_squeeze %dma_start3A_1182 : memref<1x128xi32, #tpu.memory_space<vmem>> -> memref<128xi32, #tpu.memory_space<vmem>>
      %dma_start3A_1184 = arith.constant 0 : i32
      %dma_start3A_1185 = arith.constant 0 : i32
      %dma_start3A_1186 = tpu.memref_slice %arg2[%dma_start3A_1184, %dma_start3A_1185] : memref<10000x128xf32, #tpu.memory_space<hbm>> -> memref<10000x128xf32, #tpu.memory_space<hbm>>
      tpu.enqueue_indirect_dma source(%dma_start3A_1186 : memref<10000x128xf32, #tpu.memory_space<hbm>>) target(%arg11 : memref<128x128xf32, #tpu.memory_space<vmem>>) offsets(%dma_start3A_1183 : memref<128xi32, #tpu.memory_space<vmem>>) semaphore(%arg14 : memref<!tpu.dma_semaphore, #tpu.memory_space<semaphore_mem>>)
      %dma_wait3A_1187 = arith.constant 3 : i32
      %dma_wait3A_1188 = arith.constant 0 : i32
      %dma_wait3A_1189 = tpu.memref_slice %arg9[%dma_wait3A_1187, %dma_wait3A_1188] : memref<8x128xi32, #tpu.memory_space<vmem>> -> memref<1x128xi32, #tpu.memory_space<vmem>>
      %dma_wait3A_1190 = tpu.memref_squeeze %dma_wait3A_1189 : memref<1x128xi32, #tpu.memory_space<vmem>> -> memref<128xi32, #tpu.memory_space<vmem>>
      %dma_wait3A_1191 = arith.constant 0 : i32
      %dma_wait3A_1192 = arith.constant 0 : i32
      %dma_wait3A_1193 = tpu.memref_slice %arg2[%dma_wait3A_1191, %dma_wait3A_1192] : memref<10000x128xf32, #tpu.memory_space<hbm>> -> memref<10000x128xf32, #tpu.memory_space<hbm>>
      tpu.wait_indirect_dma semaphore(%arg14 : memref<!tpu.dma_semaphore, #tpu.memory_space<semaphore_mem>>) src(%dma_wait3A_1193 : memref<10000x128xf32, #tpu.memory_space<hbm>>) dst(%arg12 : memref<128x128xf32, #tpu.memory_space<vmem>>)
      %dma_start3A_1194 = arith.constant 3 : i32
      %dma_start3A_1195 = arith.constant 0 : i32
      %dma_start3A_1196 = tpu.memref_slice %arg10[%dma_start3A_1194, %dma_start3A_1195] : memref<8x128xi32, #tpu.memory_space<vmem>> -> memref<1x128xi32, #tpu.memory_space<vmem>>
      %dma_start3A_1197 = tpu.memref_squeeze %dma_start3A_1196 : memref<1x128xi32, #tpu.memory_space<vmem>> -> memref<128xi32, #tpu.memory_space<vmem>>
      %dma_start3A_1198 = arith.constant 0 : i32
      %dma_start3A_1199 = arith.constant 0 : i32
      %dma_start3A_1200 = tpu.memref_slice %arg13[%dma_start3A_1198, %dma_start3A_1199] : memref<10016x128xf32, #tpu.memory_space<vmem_shared>> -> memref<10016x128xf32, #tpu.memory_space<vmem_shared>>
      tpu.enqueue_indirect_dma source(%arg12 : memref<128x128xf32, #tpu.memory_space<vmem>>) target(%dma_start3A_1200 : memref<10016x128xf32, #tpu.memory_space<vmem_shared>>) offsets(%dma_start3A_1197 : memref<128xi32, #tpu.memory_space<vmem>>) semaphore(%arg15 : memref<!tpu.dma_semaphore, #tpu.memory_space<semaphore_mem>>) {add = true}
      %dma_start3A_1201 = arith.constant 3 : i32
      %dma_start3A_1202 = arith.constant 0 : i32
      %dma_start3A_1203 = tpu.memref_slice %arg10[%dma_start3A_1201, %dma_start3A_1202] : memref<8x128xi32, #tpu.memory_space<vmem>> -> memref<1x128xi32, #tpu.memory_space<vmem>>
      %dma_start3A_1204 = tpu.memref_squeeze %dma_start3A_1203 : memref<1x128xi32, #tpu.memory_space<vmem>> -> memref<128xi32, #tpu.memory_space<vmem>>
      %dma_start3A_1205 = arith.constant 0 : i32
      %dma_start3A_1206 = arith.constant 0 : i32
      %dma_start3A_1207 = tpu.memref_slice %arg17[%dma_start3A_1205, %dma_start3A_1206] : memref<10016x16xf32, #tpu.memory_space<vmem_shared>> -> memref<10016x16xf32, #tpu.memory_space<vmem_shared>>
      tpu.enqueue_indirect_dma source(%arg16 : memref<128x16xf32, #tpu.memory_space<vmem>>) target(%dma_start3A_1207 : memref<10016x16xf32, #tpu.memory_space<vmem_shared>>) offsets(%dma_start3A_1204 : memref<128xi32, #tpu.memory_space<vmem>>) semaphore(%arg18 : memref<!tpu.dma_semaphore, #tpu.memory_space<semaphore_mem>>) {add = true}
      %dma_wait3A_1208 = arith.constant 3 : i32
      %dma_wait3A_1209 = arith.constant 0 : i32
      %dma_wait3A_1210 = tpu.memref_slice %arg10[%dma_wait3A_1208, %dma_wait3A_1209] : memref<8x128xi32, #tpu.memory_space<vmem>> -> memref<1x128xi32, #tpu.memory_space<vmem>>
      %dma_wait3A_1211 = tpu.memref_squeeze %dma_wait3A_1210 : memref<1x128xi32, #tpu.memory_space<vmem>> -> memref<128xi32, #tpu.memory_space<vmem>>
      %dma_wait3A_1212 = arith.constant 0 : i32
      %dma_wait3A_1213 = arith.constant 0 : i32
      %dma_wait3A_1214 = tpu.memref_slice %arg13[%dma_wait3A_1212, %dma_wait3A_1213] : memref<10016x128xf32, #tpu.memory_space<vmem_shared>> -> memref<10016x128xf32, #tpu.memory_space<vmem_shared>>
      tpu.wait_indirect_dma semaphore(%arg15 : memref<!tpu.dma_semaphore, #tpu.memory_space<semaphore_mem>>) src(%arg12 : memref<128x128xf32, #tpu.memory_space<vmem>>) dst(%dma_wait3A_1214 : memref<10016x128xf32, #tpu.memory_space<vmem_shared>>)
      %dma_wait3A_1215 = arith.constant 3 : i32
      %dma_wait3A_1216 = arith.constant 0 : i32
      %dma_wait3A_1217 = tpu.memref_slice %arg10[%dma_wait3A_1215, %dma_wait3A_1216] : memref<8x128xi32, #tpu.memory_space<vmem>> -> memref<1x128xi32, #tpu.memory_space<vmem>>
      %dma_wait3A_1218 = tpu.memref_squeeze %dma_wait3A_1217 : memref<1x128xi32, #tpu.memory_space<vmem>> -> memref<128xi32, #tpu.memory_space<vmem>>
      %dma_wait3A_1219 = arith.constant 0 : i32
      %dma_wait3A_1220 = arith.constant 0 : i32
      %dma_wait3A_1221 = tpu.memref_slice %arg17[%dma_wait3A_1219, %dma_wait3A_1220] : memref<10016x16xf32, #tpu.memory_space<vmem_shared>> -> memref<10016x16xf32, #tpu.memory_space<vmem_shared>>
      tpu.wait_indirect_dma semaphore(%arg18 : memref<!tpu.dma_semaphore, #tpu.memory_space<semaphore_mem>>) src(%arg16 : memref<128x16xf32, #tpu.memory_space<vmem>>) dst(%dma_wait3A_1221 : memref<10016x16xf32, #tpu.memory_space<vmem_shared>>)
      %dma_start3A_1222 = arith.constant 5 : i32
      %dma_start3A_1223 = arith.constant 0 : i32
      %dma_start3A_1224 = tpu.memref_slice %arg9[%dma_start3A_1222, %dma_start3A_1223] : memref<8x128xi32, #tpu.memory_space<vmem>> -> memref<1x128xi32, #tpu.memory_space<vmem>>
      %dma_start3A_1225 = tpu.memref_squeeze %dma_start3A_1224 : memref<1x128xi32, #tpu.memory_space<vmem>> -> memref<128xi32, #tpu.memory_space<vmem>>
      %dma_start3A_1226 = arith.constant 0 : i32
      %dma_start3A_1227 = arith.constant 0 : i32
      %dma_start3A_1228 = tpu.memref_slice %arg2[%dma_start3A_1226, %dma_start3A_1227] : memref<10000x128xf32, #tpu.memory_space<hbm>> -> memref<10000x128xf32, #tpu.memory_space<hbm>>
      tpu.enqueue_indirect_dma source(%dma_start3A_1228 : memref<10000x128xf32, #tpu.memory_space<hbm>>) target(%arg12 : memref<128x128xf32, #tpu.memory_space<vmem>>) offsets(%dma_start3A_1225 : memref<128xi32, #tpu.memory_space<vmem>>) semaphore(%arg14 : memref<!tpu.dma_semaphore, #tpu.memory_space<semaphore_mem>>)
      %dma_wait3A_1229 = arith.constant 4 : i32
      %dma_wait3A_1230 = arith.constant 0 : i32
      %dma_wait3A_1231 = tpu.memref_slice %arg9[%dma_wait3A_1229, %dma_wait3A_1230] : memref<8x128xi32, #tpu.memory_space<vmem>> -> memref<1x128xi32, #tpu.memory_space<vmem>>
      %dma_wait3A_1232 = tpu.memref_squeeze %dma_wait3A_1231 : memref<1x128xi32, #tpu.memory_space<vmem>> -> memref<128xi32, #tpu.memory_space<vmem>>
      %dma_wait3A_1233 = arith.constant 0 : i32
      %dma_wait3A_1234 = arith.constant 0 : i32
      %dma_wait3A_1235 = tpu.memref_slice %arg2[%dma_wait3A_1233, %dma_wait3A_1234] : memref<10000x128xf32, #tpu.memory_space<hbm>> -> memref<10000x128xf32, #tpu.memory_space<hbm>>
      tpu.wait_indirect_dma semaphore(%arg14 : memref<!tpu.dma_semaphore, #tpu.memory_space<semaphore_mem>>) src(%dma_wait3A_1235 : memref<10000x128xf32, #tpu.memory_space<hbm>>) dst(%arg11 : memref<128x128xf32, #tpu.memory_space<vmem>>)
      %dma_start3A_1236 = arith.constant 4 : i32
      %dma_start3A_1237 = arith.constant 0 : i32
      %dma_start3A_1238 = tpu.memref_slice %arg10[%dma_start3A_1236, %dma_start3A_1237] : memref<8x128xi32, #tpu.memory_space<vmem>> -> memref<1x128xi32, #tpu.memory_space<vmem>>
      %dma_start3A_1239 = tpu.memref_squeeze %dma_start3A_1238 : memref<1x128xi32, #tpu.memory_space<vmem>> -> memref<128xi32, #tpu.memory_space<vmem>>
      %dma_start3A_1240 = arith.constant 0 : i32
      %dma_start3A_1241 = arith.constant 0 : i32
      %dma_start3A_1242 = tpu.memref_slice %arg13[%dma_start3A_1240, %dma_start3A_1241] : memref<10016x128xf32, #tpu.memory_space<vmem_shared>> -> memref<10016x128xf32, #tpu.memory_space<vmem_shared>>
      tpu.enqueue_indirect_dma source(%arg11 : memref<128x128xf32, #tpu.memory_space<vmem>>) target(%dma_start3A_1242 : memref<10016x128xf32, #tpu.memory_space<vmem_shared>>) offsets(%dma_start3A_1239 : memref<128xi32, #tpu.memory_space<vmem>>) semaphore(%arg15 : memref<!tpu.dma_semaphore, #tpu.memory_space<semaphore_mem>>) {add = true}
      %dma_start3A_1243 = arith.constant 4 : i32
      %dma_start3A_1244 = arith.constant 0 : i32
      %dma_start3A_1245 = tpu.memref_slice %arg10[%dma_start3A_1243, %dma_start3A_1244] : memref<8x128xi32, #tpu.memory_space<vmem>> -> memref<1x128xi32, #tpu.memory_space<vmem>>
      %dma_start3A_1246 = tpu.memref_squeeze %dma_start3A_1245 : memref<1x128xi32, #tpu.memory_space<vmem>> -> memref<128xi32, #tpu.memory_space<vmem>>
      %dma_start3A_1247 = arith.constant 0 : i32
      %dma_start3A_1248 = arith.constant 0 : i32
      %dma_start3A_1249 = tpu.memref_slice %arg17[%dma_start3A_1247, %dma_start3A_1248] : memref<10016x16xf32, #tpu.memory_space<vmem_shared>> -> memref<10016x16xf32, #tpu.memory_space<vmem_shared>>
      tpu.enqueue_indirect_dma source(%arg16 : memref<128x16xf32, #tpu.memory_space<vmem>>) target(%dma_start3A_1249 : memref<10016x16xf32, #tpu.memory_space<vmem_shared>>) offsets(%dma_start3A_1246 : memref<128xi32, #tpu.memory_space<vmem>>) semaphore(%arg18 : memref<!tpu.dma_semaphore, #tpu.memory_space<semaphore_mem>>) {add = true}
      %dma_wait3A_1250 = arith.constant 4 : i32
      %dma_wait3A_1251 = arith.constant 0 : i32
      %dma_wait3A_1252 = tpu.memref_slice %arg10[%dma_wait3A_1250, %dma_wait3A_1251] : memref<8x128xi32, #tpu.memory_space<vmem>> -> memref<1x128xi32, #tpu.memory_space<vmem>>
      %dma_wait3A_1253 = tpu.memref_squeeze %dma_wait3A_1252 : memref<1x128xi32, #tpu.memory_space<vmem>> -> memref<128xi32, #tpu.memory_space<vmem>>
      %dma_wait3A_1254 = arith.constant 0 : i32
      %dma_wait3A_1255 = arith.constant 0 : i32
      %dma_wait3A_1256 = tpu.memref_slice %arg13[%dma_wait3A_1254, %dma_wait3A_1255] : memref<10016x128xf32, #tpu.memory_space<vmem_shared>> -> memref<10016x128xf32, #tpu.memory_space<vmem_shared>>
      tpu.wait_indirect_dma semaphore(%arg15 : memref<!tpu.dma_semaphore, #tpu.memory_space<semaphore_mem>>) src(%arg11 : memref<128x128xf32, #tpu.memory_space<vmem>>) dst(%dma_wait3A_1256 : memref<10016x128xf32, #tpu.memory_space<vmem_shared>>)
      %dma_wait3A_1257 = arith.constant 4 : i32
      %dma_wait3A_1258 = arith.constant 0 : i32
      %dma_wait3A_1259 = tpu.memref_slice %arg10[%dma_wait3A_1257, %dma_wait3A_1258] : memref<8x128xi32, #tpu.memory_space<vmem>> -> memref<1x128xi32, #tpu.memory_space<vmem>>
      %dma_wait3A_1260 = tpu.memref_squeeze %dma_wait3A_1259 : memref<1x128xi32, #tpu.memory_space<vmem>> -> memref<128xi32, #tpu.memory_space<vmem>>
      %dma_wait3A_1261 = arith.constant 0 : i32
      %dma_wait3A_1262 = arith.constant 0 : i32
      %dma_wait3A_1263 = tpu.memref_slice %arg17[%dma_wait3A_1261, %dma_wait3A_1262] : memref<10016x16xf32, #tpu.memory_space<vmem_shared>> -> memref<10016x16xf32, #tpu.memory_space<vmem_shared>>
      tpu.wait_indirect_dma semaphore(%arg18 : memref<!tpu.dma_semaphore, #tpu.memory_space<semaphore_mem>>) src(%arg16 : memref<128x16xf32, #tpu.memory_space<vmem>>) dst(%dma_wait3A_1263 : memref<10016x16xf32, #tpu.memory_space<vmem_shared>>)
      %dma_start3A_1264 = arith.constant 6 : i32
      %dma_start3A_1265 = arith.constant 0 : i32
      %dma_start3A_1266 = tpu.memref_slice %arg9[%dma_start3A_1264, %dma_start3A_1265] : memref<8x128xi32, #tpu.memory_space<vmem>> -> memref<1x128xi32, #tpu.memory_space<vmem>>
      %dma_start3A_1267 = tpu.memref_squeeze %dma_start3A_1266 : memref<1x128xi32, #tpu.memory_space<vmem>> -> memref<128xi32, #tpu.memory_space<vmem>>
      %dma_start3A_1268 = arith.constant 0 : i32
      %dma_start3A_1269 = arith.constant 0 : i32
      %dma_start3A_1270 = tpu.memref_slice %arg2[%dma_start3A_1268, %dma_start3A_1269] : memref<10000x128xf32, #tpu.memory_space<hbm>> -> memref<10000x128xf32, #tpu.memory_space<hbm>>
      tpu.enqueue_indirect_dma source(%dma_start3A_1270 : memref<10000x128xf32, #tpu.memory_space<hbm>>) target(%arg11 : memref<128x128xf32, #tpu.memory_space<vmem>>) offsets(%dma_start3A_1267 : memref<128xi32, #tpu.memory_space<vmem>>) semaphore(%arg14 : memref<!tpu.dma_semaphore, #tpu.memory_space<semaphore_mem>>)
      %dma_wait3A_1271 = arith.constant 5 : i32
      %dma_wait3A_1272 = arith.constant 0 : i32
      %dma_wait3A_1273 = tpu.memref_slice %arg9[%dma_wait3A_1271, %dma_wait3A_1272] : memref<8x128xi32, #tpu.memory_space<vmem>> -> memref<1x128xi32, #tpu.memory_space<vmem>>
      %dma_wait3A_1274 = tpu.memref_squeeze %dma_wait3A_1273 : memref<1x128xi32, #tpu.memory_space<vmem>> -> memref<128xi32, #tpu.memory_space<vmem>>
      %dma_wait3A_1275 = arith.constant 0 : i32
      %dma_wait3A_1276 = arith.constant 0 : i32
      %dma_wait3A_1277 = tpu.memref_slice %arg2[%dma_wait3A_1275, %dma_wait3A_1276] : memref<10000x128xf32, #tpu.memory_space<hbm>> -> memref<10000x128xf32, #tpu.memory_space<hbm>>
      tpu.wait_indirect_dma semaphore(%arg14 : memref<!tpu.dma_semaphore, #tpu.memory_space<semaphore_mem>>) src(%dma_wait3A_1277 : memref<10000x128xf32, #tpu.memory_space<hbm>>) dst(%arg12 : memref<128x128xf32, #tpu.memory_space<vmem>>)
      %dma_start3A_1278 = arith.constant 5 : i32
      %dma_start3A_1279 = arith.constant 0 : i32
      %dma_start3A_1280 = tpu.memref_slice %arg10[%dma_start3A_1278, %dma_start3A_1279] : memref<8x128xi32, #tpu.memory_space<vmem>> -> memref<1x128xi32, #tpu.memory_space<vmem>>
      %dma_start3A_1281 = tpu.memref_squeeze %dma_start3A_1280 : memref<1x128xi32, #tpu.memory_space<vmem>> -> memref<128xi32, #tpu.memory_space<vmem>>
      %dma_start3A_1282 = arith.constant 0 : i32
      %dma_start3A_1283 = arith.constant 0 : i32
      %dma_start3A_1284 = tpu.memref_slice %arg13[%dma_start3A_1282, %dma_start3A_1283] : memref<10016x128xf32, #tpu.memory_space<vmem_shared>> -> memref<10016x128xf32, #tpu.memory_space<vmem_shared>>
      tpu.enqueue_indirect_dma source(%arg12 : memref<128x128xf32, #tpu.memory_space<vmem>>) target(%dma_start3A_1284 : memref<10016x128xf32, #tpu.memory_space<vmem_shared>>) offsets(%dma_start3A_1281 : memref<128xi32, #tpu.memory_space<vmem>>) semaphore(%arg15 : memref<!tpu.dma_semaphore, #tpu.memory_space<semaphore_mem>>) {add = true}
      %dma_start3A_1285 = arith.constant 5 : i32
      %dma_start3A_1286 = arith.constant 0 : i32
      %dma_start3A_1287 = tpu.memref_slice %arg10[%dma_start3A_1285, %dma_start3A_1286] : memref<8x128xi32, #tpu.memory_space<vmem>> -> memref<1x128xi32, #tpu.memory_space<vmem>>
      %dma_start3A_1288 = tpu.memref_squeeze %dma_start3A_1287 : memref<1x128xi32, #tpu.memory_space<vmem>> -> memref<128xi32, #tpu.memory_space<vmem>>
      %dma_start3A_1289 = arith.constant 0 : i32
      %dma_start3A_1290 = arith.constant 0 : i32
      %dma_start3A_1291 = tpu.memref_slice %arg17[%dma_start3A_1289, %dma_start3A_1290] : memref<10016x16xf32, #tpu.memory_space<vmem_shared>> -> memref<10016x16xf32, #tpu.memory_space<vmem_shared>>
      tpu.enqueue_indirect_dma source(%arg16 : memref<128x16xf32, #tpu.memory_space<vmem>>) target(%dma_start3A_1291 : memref<10016x16xf32, #tpu.memory_space<vmem_shared>>) offsets(%dma_start3A_1288 : memref<128xi32, #tpu.memory_space<vmem>>) semaphore(%arg18 : memref<!tpu.dma_semaphore, #tpu.memory_space<semaphore_mem>>) {add = true}
      %dma_wait3A_1292 = arith.constant 5 : i32
      %dma_wait3A_1293 = arith.constant 0 : i32
      %dma_wait3A_1294 = tpu.memref_slice %arg10[%dma_wait3A_1292, %dma_wait3A_1293] : memref<8x128xi32, #tpu.memory_space<vmem>> -> memref<1x128xi32, #tpu.memory_space<vmem>>
      %dma_wait3A_1295 = tpu.memref_squeeze %dma_wait3A_1294 : memref<1x128xi32, #tpu.memory_space<vmem>> -> memref<128xi32, #tpu.memory_space<vmem>>
      %dma_wait3A_1296 = arith.constant 0 : i32
      %dma_wait3A_1297 = arith.constant 0 : i32
      %dma_wait3A_1298 = tpu.memref_slice %arg13[%dma_wait3A_1296, %dma_wait3A_1297] : memref<10016x128xf32, #tpu.memory_space<vmem_shared>> -> memref<10016x128xf32, #tpu.memory_space<vmem_shared>>
      tpu.wait_indirect_dma semaphore(%arg15 : memref<!tpu.dma_semaphore, #tpu.memory_space<semaphore_mem>>) src(%arg12 : memref<128x128xf32, #tpu.memory_space<vmem>>) dst(%dma_wait3A_1298 : memref<10016x128xf32, #tpu.memory_space<vmem_shared>>)
      %dma_wait3A_1299 = arith.constant 5 : i32
      %dma_wait3A_1300 = arith.constant 0 : i32
      %dma_wait3A_1301 = tpu.memref_slice %arg10[%dma_wait3A_1299, %dma_wait3A_1300] : memref<8x128xi32, #tpu.memory_space<vmem>> -> memref<1x128xi32, #tpu.memory_space<vmem>>
      %dma_wait3A_1302 = tpu.memref_squeeze %dma_wait3A_1301 : memref<1x128xi32, #tpu.memory_space<vmem>> -> memref<128xi32, #tpu.memory_space<vmem>>
      %dma_wait3A_1303 = arith.constant 0 : i32
      %dma_wait3A_1304 = arith.constant 0 : i32
      %dma_wait3A_1305 = tpu.memref_slice %arg17[%dma_wait3A_1303, %dma_wait3A_1304] : memref<10016x16xf32, #tpu.memory_space<vmem_shared>> -> memref<10016x16xf32, #tpu.memory_space<vmem_shared>>
      tpu.wait_indirect_dma semaphore(%arg18 : memref<!tpu.dma_semaphore, #tpu.memory_space<semaphore_mem>>) src(%arg16 : memref<128x16xf32, #tpu.memory_space<vmem>>) dst(%dma_wait3A_1305 : memref<10016x16xf32, #tpu.memory_space<vmem_shared>>)
      %dma_start3A_1306 = arith.constant 7 : i32
      %dma_start3A_1307 = arith.constant 0 : i32
      %dma_start3A_1308 = tpu.memref_slice %arg9[%dma_start3A_1306, %dma_start3A_1307] : memref<8x128xi32, #tpu.memory_space<vmem>> -> memref<1x128xi32, #tpu.memory_space<vmem>>
      %dma_start3A_1309 = tpu.memref_squeeze %dma_start3A_1308 : memref<1x128xi32, #tpu.memory_space<vmem>> -> memref<128xi32, #tpu.memory_space<vmem>>
      %dma_start3A_1310 = arith.constant 0 : i32
      %dma_start3A_1311 = arith.constant 0 : i32
      %dma_start3A_1312 = tpu.memref_slice %arg2[%dma_start3A_1310, %dma_start3A_1311] : memref<10000x128xf32, #tpu.memory_space<hbm>> -> memref<10000x128xf32, #tpu.memory_space<hbm>>
      tpu.enqueue_indirect_dma source(%dma_start3A_1312 : memref<10000x128xf32, #tpu.memory_space<hbm>>) target(%arg12 : memref<128x128xf32, #tpu.memory_space<vmem>>) offsets(%dma_start3A_1309 : memref<128xi32, #tpu.memory_space<vmem>>) semaphore(%arg14 : memref<!tpu.dma_semaphore, #tpu.memory_space<semaphore_mem>>)
      %dma_wait3A_1313 = arith.constant 6 : i32
      %dma_wait3A_1314 = arith.constant 0 : i32
      %dma_wait3A_1315 = tpu.memref_slice %arg9[%dma_wait3A_1313, %dma_wait3A_1314] : memref<8x128xi32, #tpu.memory_space<vmem>> -> memref<1x128xi32, #tpu.memory_space<vmem>>
      %dma_wait3A_1316 = tpu.memref_squeeze %dma_wait3A_1315 : memref<1x128xi32, #tpu.memory_space<vmem>> -> memref<128xi32, #tpu.memory_space<vmem>>
      %dma_wait3A_1317 = arith.constant 0 : i32
      %dma_wait3A_1318 = arith.constant 0 : i32
      %dma_wait3A_1319 = tpu.memref_slice %arg2[%dma_wait3A_1317, %dma_wait3A_1318] : memref<10000x128xf32, #tpu.memory_space<hbm>> -> memref<10000x128xf32, #tpu.memory_space<hbm>>
      tpu.wait_indirect_dma semaphore(%arg14 : memref<!tpu.dma_semaphore, #tpu.memory_space<semaphore_mem>>) src(%dma_wait3A_1319 : memref<10000x128xf32, #tpu.memory_space<hbm>>) dst(%arg11 : memref<128x128xf32, #tpu.memory_space<vmem>>)
      %dma_start3A_1320 = arith.constant 6 : i32
      %dma_start3A_1321 = arith.constant 0 : i32
      %dma_start3A_1322 = tpu.memref_slice %arg10[%dma_start3A_1320, %dma_start3A_1321] : memref<8x128xi32, #tpu.memory_space<vmem>> -> memref<1x128xi32, #tpu.memory_space<vmem>>
      %dma_start3A_1323 = tpu.memref_squeeze %dma_start3A_1322 : memref<1x128xi32, #tpu.memory_space<vmem>> -> memref<128xi32, #tpu.memory_space<vmem>>
      %dma_start3A_1324 = arith.constant 0 : i32
      %dma_start3A_1325 = arith.constant 0 : i32
      %dma_start3A_1326 = tpu.memref_slice %arg13[%dma_start3A_1324, %dma_start3A_1325] : memref<10016x128xf32, #tpu.memory_space<vmem_shared>> -> memref<10016x128xf32, #tpu.memory_space<vmem_shared>>
      tpu.enqueue_indirect_dma source(%arg11 : memref<128x128xf32, #tpu.memory_space<vmem>>) target(%dma_start3A_1326 : memref<10016x128xf32, #tpu.memory_space<vmem_shared>>) offsets(%dma_start3A_1323 : memref<128xi32, #tpu.memory_space<vmem>>) semaphore(%arg15 : memref<!tpu.dma_semaphore, #tpu.memory_space<semaphore_mem>>) {add = true}
      %dma_start3A_1327 = arith.constant 6 : i32
      %dma_start3A_1328 = arith.constant 0 : i32
      %dma_start3A_1329 = tpu.memref_slice %arg10[%dma_start3A_1327, %dma_start3A_1328] : memref<8x128xi32, #tpu.memory_space<vmem>> -> memref<1x128xi32, #tpu.memory_space<vmem>>
      %dma_start3A_1330 = tpu.memref_squeeze %dma_start3A_1329 : memref<1x128xi32, #tpu.memory_space<vmem>> -> memref<128xi32, #tpu.memory_space<vmem>>
      %dma_start3A_1331 = arith.constant 0 : i32
      %dma_start3A_1332 = arith.constant 0 : i32
      %dma_start3A_1333 = tpu.memref_slice %arg17[%dma_start3A_1331, %dma_start3A_1332] : memref<10016x16xf32, #tpu.memory_space<vmem_shared>> -> memref<10016x16xf32, #tpu.memory_space<vmem_shared>>
      tpu.enqueue_indirect_dma source(%arg16 : memref<128x16xf32, #tpu.memory_space<vmem>>) target(%dma_start3A_1333 : memref<10016x16xf32, #tpu.memory_space<vmem_shared>>) offsets(%dma_start3A_1330 : memref<128xi32, #tpu.memory_space<vmem>>) semaphore(%arg18 : memref<!tpu.dma_semaphore, #tpu.memory_space<semaphore_mem>>) {add = true}
      %dma_wait3A_1334 = arith.constant 6 : i32
      %dma_wait3A_1335 = arith.constant 0 : i32
      %dma_wait3A_1336 = tpu.memref_slice %arg10[%dma_wait3A_1334, %dma_wait3A_1335] : memref<8x128xi32, #tpu.memory_space<vmem>> -> memref<1x128xi32, #tpu.memory_space<vmem>>
      %dma_wait3A_1337 = tpu.memref_squeeze %dma_wait3A_1336 : memref<1x128xi32, #tpu.memory_space<vmem>> -> memref<128xi32, #tpu.memory_space<vmem>>
      %dma_wait3A_1338 = arith.constant 0 : i32
      %dma_wait3A_1339 = arith.constant 0 : i32
      %dma_wait3A_1340 = tpu.memref_slice %arg13[%dma_wait3A_1338, %dma_wait3A_1339] : memref<10016x128xf32, #tpu.memory_space<vmem_shared>> -> memref<10016x128xf32, #tpu.memory_space<vmem_shared>>
      tpu.wait_indirect_dma semaphore(%arg15 : memref<!tpu.dma_semaphore, #tpu.memory_space<semaphore_mem>>) src(%arg11 : memref<128x128xf32, #tpu.memory_space<vmem>>) dst(%dma_wait3A_1340 : memref<10016x128xf32, #tpu.memory_space<vmem_shared>>)
      %dma_wait3A_1341 = arith.constant 6 : i32
      %dma_wait3A_1342 = arith.constant 0 : i32
      %dma_wait3A_1343 = tpu.memref_slice %arg10[%dma_wait3A_1341, %dma_wait3A_1342] : memref<8x128xi32, #tpu.memory_space<vmem>> -> memref<1x128xi32, #tpu.memory_space<vmem>>
      %dma_wait3A_1344 = tpu.memref_squeeze %dma_wait3A_1343 : memref<1x128xi32, #tpu.memory_space<vmem>> -> memref<128xi32, #tpu.memory_space<vmem>>
      %dma_wait3A_1345 = arith.constant 0 : i32
      %dma_wait3A_1346 = arith.constant 0 : i32
      %dma_wait3A_1347 = tpu.memref_slice %arg17[%dma_wait3A_1345, %dma_wait3A_1346] : memref<10016x16xf32, #tpu.memory_space<vmem_shared>> -> memref<10016x16xf32, #tpu.memory_space<vmem_shared>>
      tpu.wait_indirect_dma semaphore(%arg18 : memref<!tpu.dma_semaphore, #tpu.memory_space<semaphore_mem>>) src(%arg16 : memref<128x16xf32, #tpu.memory_space<vmem>>) dst(%dma_wait3A_1347 : memref<10016x16xf32, #tpu.memory_space<vmem_shared>>)
      %dma_wait3A_1348 = arith.constant 7 : i32
      %dma_wait3A_1349 = arith.constant 0 : i32
      %dma_wait3A_1350 = tpu.memref_slice %arg9[%dma_wait3A_1348, %dma_wait3A_1349] : memref<8x128xi32, #tpu.memory_space<vmem>> -> memref<1x128xi32, #tpu.memory_space<vmem>>
      %dma_wait3A_1351 = tpu.memref_squeeze %dma_wait3A_1350 : memref<1x128xi32, #tpu.memory_space<vmem>> -> memref<128xi32, #tpu.memory_space<vmem>>
      %dma_wait3A_1352 = arith.constant 0 : i32
      %dma_wait3A_1353 = arith.constant 0 : i32
      %dma_wait3A_1354 = tpu.memref_slice %arg2[%dma_wait3A_1352, %dma_wait3A_1353] : memref<10000x128xf32, #tpu.memory_space<hbm>> -> memref<10000x128xf32, #tpu.memory_space<hbm>>
      tpu.wait_indirect_dma semaphore(%arg14 : memref<!tpu.dma_semaphore, #tpu.memory_space<semaphore_mem>>) src(%dma_wait3A_1354 : memref<10000x128xf32, #tpu.memory_space<hbm>>) dst(%arg12 : memref<128x128xf32, #tpu.memory_space<vmem>>)
      %dma_start3A_1355 = arith.constant 7 : i32
      %dma_start3A_1356 = arith.constant 0 : i32
      %dma_start3A_1357 = tpu.memref_slice %arg10[%dma_start3A_1355, %dma_start3A_1356] : memref<8x128xi32, #tpu.memory_space<vmem>> -> memref<1x128xi32, #tpu.memory_space<vmem>>
      %dma_start3A_1358 = tpu.memref_squeeze %dma_start3A_1357 : memref<1x128xi32, #tpu.memory_space<vmem>> -> memref<128xi32, #tpu.memory_space<vmem>>
      %dma_start3A_1359 = arith.constant 0 : i32
      %dma_start3A_1360 = arith.constant 0 : i32
      %dma_start3A_1361 = tpu.memref_slice %arg13[%dma_start3A_1359, %dma_start3A_1360] : memref<10016x128xf32, #tpu.memory_space<vmem_shared>> -> memref<10016x128xf32, #tpu.memory_space<vmem_shared>>
      tpu.enqueue_indirect_dma source(%arg12 : memref<128x128xf32, #tpu.memory_space<vmem>>) target(%dma_start3A_1361 : memref<10016x128xf32, #tpu.memory_space<vmem_shared>>) offsets(%dma_start3A_1358 : memref<128xi32, #tpu.memory_space<vmem>>) semaphore(%arg15 : memref<!tpu.dma_semaphore, #tpu.memory_space<semaphore_mem>>) {add = true}
      %dma_start3A_1362 = arith.constant 7 : i32
      %dma_start3A_1363 = arith.constant 0 : i32
      %dma_start3A_1364 = tpu.memref_slice %arg10[%dma_start3A_1362, %dma_start3A_1363] : memref<8x128xi32, #tpu.memory_space<vmem>> -> memref<1x128xi32, #tpu.memory_space<vmem>>
      %dma_start3A_1365 = tpu.memref_squeeze %dma_start3A_1364 : memref<1x128xi32, #tpu.memory_space<vmem>> -> memref<128xi32, #tpu.memory_space<vmem>>
      %dma_start3A_1366 = arith.constant 0 : i32
      %dma_start3A_1367 = arith.constant 0 : i32
      %dma_start3A_1368 = tpu.memref_slice %arg17[%dma_start3A_1366, %dma_start3A_1367] : memref<10016x16xf32, #tpu.memory_space<vmem_shared>> -> memref<10016x16xf32, #tpu.memory_space<vmem_shared>>
      tpu.enqueue_indirect_dma source(%arg16 : memref<128x16xf32, #tpu.memory_space<vmem>>) target(%dma_start3A_1368 : memref<10016x16xf32, #tpu.memory_space<vmem_shared>>) offsets(%dma_start3A_1365 : memref<128xi32, #tpu.memory_space<vmem>>) semaphore(%arg18 : memref<!tpu.dma_semaphore, #tpu.memory_space<semaphore_mem>>) {add = true}
      %dma_wait3A_1369 = arith.constant 7 : i32
      %dma_wait3A_1370 = arith.constant 0 : i32
      %dma_wait3A_1371 = tpu.memref_slice %arg10[%dma_wait3A_1369, %dma_wait3A_1370] : memref<8x128xi32, #tpu.memory_space<vmem>> -> memref<1x128xi32, #tpu.memory_space<vmem>>
      %dma_wait3A_1372 = tpu.memref_squeeze %dma_wait3A_1371 : memref<1x128xi32, #tpu.memory_space<vmem>> -> memref<128xi32, #tpu.memory_space<vmem>>
      %dma_wait3A_1373 = arith.constant 0 : i32
      %dma_wait3A_1374 = arith.constant 0 : i32
      %dma_wait3A_1375 = tpu.memref_slice %arg13[%dma_wait3A_1373, %dma_wait3A_1374] : memref<10016x128xf32, #tpu.memory_space<vmem_shared>> -> memref<10016x128xf32, #tpu.memory_space<vmem_shared>>
      tpu.wait_indirect_dma semaphore(%arg15 : memref<!tpu.dma_semaphore, #tpu.memory_space<semaphore_mem>>) src(%arg12 : memref<128x128xf32, #tpu.memory_space<vmem>>) dst(%dma_wait3A_1375 : memref<10016x128xf32, #tpu.memory_space<vmem_shared>>)
      %dma_wait3A_1376 = arith.constant 7 : i32
      %dma_wait3A_1377 = arith.constant 0 : i32
      %dma_wait3A_1378 = tpu.memref_slice %arg10[%dma_wait3A_1376, %dma_wait3A_1377] : memref<8x128xi32, #tpu.memory_space<vmem>> -> memref<1x128xi32, #tpu.memory_space<vmem>>
      %dma_wait3A_1379 = tpu.memref_squeeze %dma_wait3A_1378 : memref<1x128xi32, #tpu.memory_space<vmem>> -> memref<128xi32, #tpu.memory_space<vmem>>
      %dma_wait3A_1380 = arith.constant 0 : i32
      %dma_wait3A_1381 = arith.constant 0 : i32
      %dma_wait3A_1382 = tpu.memref_slice %arg17[%dma_wait3A_1380, %dma_wait3A_1381] : memref<10016x16xf32, #tpu.memory_space<vmem_shared>> -> memref<10016x16xf32, #tpu.memory_space<vmem_shared>>
      tpu.wait_indirect_dma semaphore(%arg18 : memref<!tpu.dma_semaphore, #tpu.memory_space<semaphore_mem>>) src(%arg16 : memref<128x16xf32, #tpu.memory_space<vmem>>) dst(%dma_wait3A_1382 : memref<10016x16xf32, #tpu.memory_space<vmem_shared>>)
    }
    %while3A_1040 = arith.constant 1 : i32
    scf.for %while3A_1042 = %while3A_1038 to %while3A_1034 step %while3A_1040  : i32 {
      %mul3A_1043 = arith.muli %while3A_1042, %while3A : i32
      %add3A_1044 = arith.addi %select_n3A, %mul3A_1043 : i32
      %mul3A_1045 = arith.constant 8 : i32
      %mul3A_1046 = arith.muli %add3A_1044, %mul3A_1045 : i32
      "tpu.region"() ({
        %run_scoped3A = tpu.sem_alloc : memref<!tpu.dma_semaphore, #tpu.memory_space<semaphore_mem>>
        %dma_start3A_1383 = arith.constant 0 : i32
        %dma_start3A_1384 = tpu.memref_slice %arg3[%arg1, %mul3A_1046, %dma_start3A_1383] : memref<16x160x128xi32, #tpu.memory_space<hbm>> -> memref<1x8x128xi32, #tpu.memory_space<hbm>>
        %dma_start3A_1385 = tpu.memref_squeeze %dma_start3A_1384 : memref<1x8x128xi32, #tpu.memory_space<hbm>> -> memref<8x128xi32, #tpu.memory_space<hbm>>
        %dma_start3A_1386 = arith.constant 0 : i32
        %dma_start3A_1387 = tpu.memref_slice %arg3[%arg1, %mul3A_1046, %dma_start3A_1386] : memref<16x160x128xi32, #tpu.memory_space<hbm>> -> memref<1x8x128xi32, #tpu.memory_space<hbm>>
        %dma_start3A_1388 = tpu.memref_squeeze %dma_start3A_1387 : memref<1x8x128xi32, #tpu.memory_space<hbm>> -> memref<8x128xi32, #tpu.memory_space<hbm>>
        tpu.enqueue_dma source(%dma_start3A_1388 : memref<8x128xi32, #tpu.memory_space<hbm>>) target(%arg9 : memref<8x128xi32, #tpu.memory_space<vmem>>) target_semaphore(%run_scoped3A : memref<!tpu.dma_semaphore, #tpu.memory_space<semaphore_mem>>)
        %dma_wait3A_1389 = arith.constant 0 : i32
        %dma_wait3A_1390 = tpu.memref_slice %arg3[%arg1, %mul3A_1046, %dma_wait3A_1389] : memref<16x160x128xi32, #tpu.memory_space<hbm>> -> memref<1x8x128xi32, #tpu.memory_space<hbm>>
        %dma_wait3A_1391 = tpu.memref_squeeze %dma_wait3A_1390 : memref<1x8x128xi32, #tpu.memory_space<hbm>> -> memref<8x128xi32, #tpu.memory_space<hbm>>
        %dma_wait3A_1392 = arith.constant 0 : i32
        %dma_wait3A_1393 = tpu.memref_slice %arg3[%arg1, %mul3A_1046, %dma_wait3A_1392] : memref<16x160x128xi32, #tpu.memory_space<hbm>> -> memref<1x8x128xi32, #tpu.memory_space<hbm>>
        %dma_wait3A_1394 = tpu.memref_squeeze %dma_wait3A_1393 : memref<1x8x128xi32, #tpu.memory_space<hbm>> -> memref<8x128xi32, #tpu.memory_space<hbm>>
        tpu.wait_dma2 semaphore(%run_scoped3A : memref<!tpu.dma_semaphore, #tpu.memory_space<semaphore_mem>>) src(%dma_wait3A_1394 : memref<8x128xi32, #tpu.memory_space<hbm>>) dst(%arg9 : memref<8x128xi32, #tpu.memory_space<vmem>>)
        tpu.yield
      }) : () -> ()
      %mul3A_1047 = arith.constant 8 : i32
      %mul3A_1048 = arith.muli %add3A_1044, %mul3A_1047 : i32
      "tpu.region"() ({
        %run_scoped3A = tpu.sem_alloc : memref<!tpu.dma_semaphore, #tpu.memory_space<semaphore_mem>>
        %dma_start3A_1383 = arith.constant 0 : i32
        %dma_start3A_1384 = tpu.memref_slice %arg4[%arg1, %mul3A_1048, %dma_start3A_1383] : memref<16x160x128xi32, #tpu.memory_space<hbm>> -> memref<1x8x128xi32, #tpu.memory_space<hbm>>
        %dma_start3A_1385 = tpu.memref_squeeze %dma_start3A_1384 : memref<1x8x128xi32, #tpu.memory_space<hbm>> -> memref<8x128xi32, #tpu.memory_space<hbm>>
        %dma_start3A_1386 = arith.constant 0 : i32
        %dma_start3A_1387 = tpu.memref_slice %arg4[%arg1, %mul3A_1048, %dma_start3A_1386] : memref<16x160x128xi32, #tpu.memory_space<hbm>> -> memref<1x8x128xi32, #tpu.memory_space<hbm>>
        %dma_start3A_1388 = tpu.memref_squeeze %dma_start3A_1387 : memref<1x8x128xi32, #tpu.memory_space<hbm>> -> memref<8x128xi32, #tpu.memory_space<hbm>>
        tpu.enqueue_dma source(%dma_start3A_1388 : memref<8x128xi32, #tpu.memory_space<hbm>>) target(%arg10 : memref<8x128xi32, #tpu.memory_space<vmem>>) target_semaphore(%run_scoped3A : memref<!tpu.dma_semaphore, #tpu.memory_space<semaphore_mem>>)
        %dma_wait3A_1389 = arith.constant 0 : i32
        %dma_wait3A_1390 = tpu.memref_slice %arg4[%arg1, %mul3A_1048, %dma_wait3A_1389] : memref<16x160x128xi32, #tpu.memory_space<hbm>> -> memref<1x8x128xi32, #tpu.memory_space<hbm>>
        %dma_wait3A_1391 = tpu.memref_squeeze %dma_wait3A_1390 : memref<1x8x128xi32, #tpu.memory_space<hbm>> -> memref<8x128xi32, #tpu.memory_space<hbm>>
        %dma_wait3A_1392 = arith.constant 0 : i32
        %dma_wait3A_1393 = tpu.memref_slice %arg4[%arg1, %mul3A_1048, %dma_wait3A_1392] : memref<16x160x128xi32, #tpu.memory_space<hbm>> -> memref<1x8x128xi32, #tpu.memory_space<hbm>>
        %dma_wait3A_1394 = tpu.memref_squeeze %dma_wait3A_1393 : memref<1x8x128xi32, #tpu.memory_space<hbm>> -> memref<8x128xi32, #tpu.memory_space<hbm>>
        tpu.wait_dma2 semaphore(%run_scoped3A : memref<!tpu.dma_semaphore, #tpu.memory_space<semaphore_mem>>) src(%dma_wait3A_1394 : memref<8x128xi32, #tpu.memory_space<hbm>>) dst(%arg10 : memref<8x128xi32, #tpu.memory_space<vmem>>)
        tpu.yield
      }) : () -> ()
      %dma_start3A = arith.constant 0 : i32
      %dma_start3A_1049 = arith.constant 0 : i32
      %dma_start3A_1050 = tpu.memref_slice %arg9[%dma_start3A, %dma_start3A_1049] : memref<8x128xi32, #tpu.memory_space<vmem>> -> memref<1x128xi32, #tpu.memory_space<vmem>>
      %dma_start3A_1051 = tpu.memref_squeeze %dma_start3A_1050 : memref<1x128xi32, #tpu.memory_space<vmem>> -> memref<128xi32, #tpu.memory_space<vmem>>
      %dma_start3A_1052 = arith.constant 0 : i32
      %dma_start3A_1053 = arith.constant 0 : i32
      %dma_start3A_1054 = tpu.memref_slice %arg2[%dma_start3A_1052, %dma_start3A_1053] : memref<10000x128xf32, #tpu.memory_space<hbm>> -> memref<10000x128xf32, #tpu.memory_space<hbm>>
      tpu.enqueue_indirect_dma source(%dma_start3A_1054 : memref<10000x128xf32, #tpu.memory_space<hbm>>) target(%arg11 : memref<128x128xf32, #tpu.memory_space<vmem>>) offsets(%dma_start3A_1051 : memref<128xi32, #tpu.memory_space<vmem>>) semaphore(%arg14 : memref<!tpu.dma_semaphore, #tpu.memory_space<semaphore_mem>>)
      %dma_start3A_1055 = arith.constant 1 : i32
      %dma_start3A_1056 = arith.constant 0 : i32
      %dma_start3A_1057 = tpu.memref_slice %arg9[%dma_start3A_1055, %dma_start3A_1056] : memref<8x128xi32, #tpu.memory_space<vmem>> -> memref<1x128xi32, #tpu.memory_space<vmem>>
      %dma_start3A_1058 = tpu.memref_squeeze %dma_start3A_1057 : memref<1x128xi32, #tpu.memory_space<vmem>> -> memref<128xi32, #tpu.memory_space<vmem>>
      %dma_start3A_1059 = arith.constant 0 : i32
      %dma_start3A_1060 = arith.constant 0 : i32
      %dma_start3A_1061 = tpu.memref_slice %arg2[%dma_start3A_1059, %dma_start3A_1060] : memref<10000x128xf32, #tpu.memory_space<hbm>> -> memref<10000x128xf32, #tpu.memory_space<hbm>>
      tpu.enqueue_indirect_dma source(%dma_start3A_1061 : memref<10000x128xf32, #tpu.memory_space<hbm>>) target(%arg12 : memref<128x128xf32, #tpu.memory_space<vmem>>) offsets(%dma_start3A_1058 : memref<128xi32, #tpu.memory_space<vmem>>) semaphore(%arg14 : memref<!tpu.dma_semaphore, #tpu.memory_space<semaphore_mem>>)
      %dma_wait3A = arith.constant 0 : i32
      %dma_wait3A_1062 = arith.constant 0 : i32
      %dma_wait3A_1063 = tpu.memref_slice %arg9[%dma_wait3A, %dma_wait3A_1062] : memref<8x128xi32, #tpu.memory_space<vmem>> -> memref<1x128xi32, #tpu.memory_space<vmem>>
      %dma_wait3A_1064 = tpu.memref_squeeze %dma_wait3A_1063 : memref<1x128xi32, #tpu.memory_space<vmem>> -> memref<128xi32, #tpu.memory_space<vmem>>
      %dma_wait3A_1065 = arith.constant 0 : i32
      %dma_wait3A_1066 = arith.constant 0 : i32
      %dma_wait3A_1067 = tpu.memref_slice %arg2[%dma_wait3A_1065, %dma_wait3A_1066] : memref<10000x128xf32, #tpu.memory_space<hbm>> -> memref<10000x128xf32, #tpu.memory_space<hbm>>
      tpu.wait_indirect_dma semaphore(%arg14 : memref<!tpu.dma_semaphore, #tpu.memory_space<semaphore_mem>>) src(%dma_wait3A_1067 : memref<10000x128xf32, #tpu.memory_space<hbm>>) dst(%arg11 : memref<128x128xf32, #tpu.memory_space<vmem>>)
      %dma_start3A_1068 = arith.constant 0 : i32
      %dma_start3A_1069 = arith.constant 0 : i32
      %dma_start3A_1070 = tpu.memref_slice %arg10[%dma_start3A_1068, %dma_start3A_1069] : memref<8x128xi32, #tpu.memory_space<vmem>> -> memref<1x128xi32, #tpu.memory_space<vmem>>
      %dma_start3A_1071 = tpu.memref_squeeze %dma_start3A_1070 : memref<1x128xi32, #tpu.memory_space<vmem>> -> memref<128xi32, #tpu.memory_space<vmem>>
      %dma_start3A_1072 = arith.constant 0 : i32
      %dma_start3A_1073 = arith.constant 0 : i32
      %dma_start3A_1074 = tpu.memref_slice %arg13[%dma_start3A_1072, %dma_start3A_1073] : memref<10016x128xf32, #tpu.memory_space<vmem_shared>> -> memref<10016x128xf32, #tpu.memory_space<vmem_shared>>
      tpu.enqueue_indirect_dma source(%arg11 : memref<128x128xf32, #tpu.memory_space<vmem>>) target(%dma_start3A_1074 : memref<10016x128xf32, #tpu.memory_space<vmem_shared>>) offsets(%dma_start3A_1071 : memref<128xi32, #tpu.memory_space<vmem>>) semaphore(%arg15 : memref<!tpu.dma_semaphore, #tpu.memory_space<semaphore_mem>>) {add = true}
      %dma_start3A_1075 = arith.constant 0 : i32
      %dma_start3A_1076 = arith.constant 0 : i32
      %dma_start3A_1077 = tpu.memref_slice %arg10[%dma_start3A_1075, %dma_start3A_1076] : memref<8x128xi32, #tpu.memory_space<vmem>> -> memref<1x128xi32, #tpu.memory_space<vmem>>
      %dma_start3A_1078 = tpu.memref_squeeze %dma_start3A_1077 : memref<1x128xi32, #tpu.memory_space<vmem>> -> memref<128xi32, #tpu.memory_space<vmem>>
      %dma_start3A_1079 = arith.constant 0 : i32
      %dma_start3A_1080 = arith.constant 0 : i32
      %dma_start3A_1081 = tpu.memref_slice %arg17[%dma_start3A_1079, %dma_start3A_1080] : memref<10016x16xf32, #tpu.memory_space<vmem_shared>> -> memref<10016x16xf32, #tpu.memory_space<vmem_shared>>
      tpu.enqueue_indirect_dma source(%arg16 : memref<128x16xf32, #tpu.memory_space<vmem>>) target(%dma_start3A_1081 : memref<10016x16xf32, #tpu.memory_space<vmem_shared>>) offsets(%dma_start3A_1078 : memref<128xi32, #tpu.memory_space<vmem>>) semaphore(%arg18 : memref<!tpu.dma_semaphore, #tpu.memory_space<semaphore_mem>>) {add = true}
      %dma_wait3A_1082 = arith.constant 0 : i32
      %dma_wait3A_1083 = arith.constant 0 : i32
      %dma_wait3A_1084 = tpu.memref_slice %arg10[%dma_wait3A_1082, %dma_wait3A_1083] : memref<8x128xi32, #tpu.memory_space<vmem>> -> memref<1x128xi32, #tpu.memory_space<vmem>>
      %dma_wait3A_1085 = tpu.memref_squeeze %dma_wait3A_1084 : memref<1x128xi32, #tpu.memory_space<vmem>> -> memref<128xi32, #tpu.memory_space<vmem>>
      %dma_wait3A_1086 = arith.constant 0 : i32
      %dma_wait3A_1087 = arith.constant 0 : i32
      %dma_wait3A_1088 = tpu.memref_slice %arg13[%dma_wait3A_1086, %dma_wait3A_1087] : memref<10016x128xf32, #tpu.memory_space<vmem_shared>> -> memref<10016x128xf32, #tpu.memory_space<vmem_shared>>
      tpu.wait_indirect_dma semaphore(%arg15 : memref<!tpu.dma_semaphore, #tpu.memory_space<semaphore_mem>>) src(%arg11 : memref<128x128xf32, #tpu.memory_space<vmem>>) dst(%dma_wait3A_1088 : memref<10016x128xf32, #tpu.memory_space<vmem_shared>>)
      %dma_wait3A_1089 = arith.constant 0 : i32
      %dma_wait3A_1090 = arith.constant 0 : i32
      %dma_wait3A_1091 = tpu.memref_slice %arg10[%dma_wait3A_1089, %dma_wait3A_1090] : memref<8x128xi32, #tpu.memory_space<vmem>> -> memref<1x128xi32, #tpu.memory_space<vmem>>
      %dma_wait3A_1092 = tpu.memref_squeeze %dma_wait3A_1091 : memref<1x128xi32, #tpu.memory_space<vmem>> -> memref<128xi32, #tpu.memory_space<vmem>>
      %dma_wait3A_1093 = arith.constant 0 : i32
      %dma_wait3A_1094 = arith.constant 0 : i32
      %dma_wait3A_1095 = tpu.memref_slice %arg17[%dma_wait3A_1093, %dma_wait3A_1094] : memref<10016x16xf32, #tpu.memory_space<vmem_shared>> -> memref<10016x16xf32, #tpu.memory_space<vmem_shared>>
      tpu.wait_indirect_dma semaphore(%arg18 : memref<!tpu.dma_semaphore, #tpu.memory_space<semaphore_mem>>) src(%arg16 : memref<128x16xf32, #tpu.memory_space<vmem>>) dst(%dma_wait3A_1095 : memref<10016x16xf32, #tpu.memory_space<vmem_shared>>)
      %dma_start3A_1096 = arith.constant 2 : i32
      %dma_start3A_1097 = arith.constant 0 : i32
      %dma_start3A_1098 = tpu.memref_slice %arg9[%dma_start3A_1096, %dma_start3A_1097] : memref<8x128xi32, #tpu.memory_space<vmem>> -> memref<1x128xi32, #tpu.memory_space<vmem>>
      %dma_start3A_1099 = tpu.memref_squeeze %dma_start3A_1098 : memref<1x128xi32, #tpu.memory_space<vmem>> -> memref<128xi32, #tpu.memory_space<vmem>>
      %dma_start3A_1100 = arith.constant 0 : i32
      %dma_start3A_1101 = arith.constant 0 : i32
      %dma_start3A_1102 = tpu.memref_slice %arg2[%dma_start3A_1100, %dma_start3A_1101] : memref<10000x128xf32, #tpu.memory_space<hbm>> -> memref<10000x128xf32, #tpu.memory_space<hbm>>
      tpu.enqueue_indirect_dma source(%dma_start3A_1102 : memref<10000x128xf32, #tpu.memory_space<hbm>>) target(%arg11 : memref<128x128xf32, #tpu.memory_space<vmem>>) offsets(%dma_start3A_1099 : memref<128xi32, #tpu.memory_space<vmem>>) semaphore(%arg14 : memref<!tpu.dma_semaphore, #tpu.memory_space<semaphore_mem>>)
      %dma_wait3A_1103 = arith.constant 1 : i32
      %dma_wait3A_1104 = arith.constant 0 : i32
      %dma_wait3A_1105 = tpu.memref_slice %arg9[%dma_wait3A_1103, %dma_wait3A_1104] : memref<8x128xi32, #tpu.memory_space<vmem>> -> memref<1x128xi32, #tpu.memory_space<vmem>>
      %dma_wait3A_1106 = tpu.memref_squeeze %dma_wait3A_1105 : memref<1x128xi32, #tpu.memory_space<vmem>> -> memref<128xi32, #tpu.memory_space<vmem>>
      %dma_wait3A_1107 = arith.constant 0 : i32
      %dma_wait3A_1108 = arith.constant 0 : i32
      %dma_wait3A_1109 = tpu.memref_slice %arg2[%dma_wait3A_1107, %dma_wait3A_1108] : memref<10000x128xf32, #tpu.memory_space<hbm>> -> memref<10000x128xf32, #tpu.memory_space<hbm>>
      tpu.wait_indirect_dma semaphore(%arg14 : memref<!tpu.dma_semaphore, #tpu.memory_space<semaphore_mem>>) src(%dma_wait3A_1109 : memref<10000x128xf32, #tpu.memory_space<hbm>>) dst(%arg12 : memref<128x128xf32, #tpu.memory_space<vmem>>)
      %dma_start3A_1110 = arith.constant 1 : i32
      %dma_start3A_1111 = arith.constant 0 : i32
      %dma_start3A_1112 = tpu.memref_slice %arg10[%dma_start3A_1110, %dma_start3A_1111] : memref<8x128xi32, #tpu.memory_space<vmem>> -> memref<1x128xi32, #tpu.memory_space<vmem>>
      %dma_start3A_1113 = tpu.memref_squeeze %dma_start3A_1112 : memref<1x128xi32, #tpu.memory_space<vmem>> -> memref<128xi32, #tpu.memory_space<vmem>>
      %dma_start3A_1114 = arith.constant 0 : i32
      %dma_start3A_1115 = arith.constant 0 : i32
      %dma_start3A_1116 = tpu.memref_slice %arg13[%dma_start3A_1114, %dma_start3A_1115] : memref<10016x128xf32, #tpu.memory_space<vmem_shared>> -> memref<10016x128xf32, #tpu.memory_space<vmem_shared>>
      tpu.enqueue_indirect_dma source(%arg12 : memref<128x128xf32, #tpu.memory_space<vmem>>) target(%dma_start3A_1116 : memref<10016x128xf32, #tpu.memory_space<vmem_shared>>) offsets(%dma_start3A_1113 : memref<128xi32, #tpu.memory_space<vmem>>) semaphore(%arg15 : memref<!tpu.dma_semaphore, #tpu.memory_space<semaphore_mem>>) {add = true}
      %dma_start3A_1117 = arith.constant 1 : i32
      %dma_start3A_1118 = arith.constant 0 : i32
      %dma_start3A_1119 = tpu.memref_slice %arg10[%dma_start3A_1117, %dma_start3A_1118] : memref<8x128xi32, #tpu.memory_space<vmem>> -> memref<1x128xi32, #tpu.memory_space<vmem>>
      %dma_start3A_1120 = tpu.memref_squeeze %dma_start3A_1119 : memref<1x128xi32, #tpu.memory_space<vmem>> -> memref<128xi32, #tpu.memory_space<vmem>>
      %dma_start3A_1121 = arith.constant 0 : i32
      %dma_start3A_1122 = arith.constant 0 : i32
      %dma_start3A_1123 = tpu.memref_slice %arg17[%dma_start3A_1121, %dma_start3A_1122] : memref<10016x16xf32, #tpu.memory_space<vmem_shared>> -> memref<10016x16xf32, #tpu.memory_space<vmem_shared>>
      tpu.enqueue_indirect_dma source(%arg16 : memref<128x16xf32, #tpu.memory_space<vmem>>) target(%dma_start3A_1123 : memref<10016x16xf32, #tpu.memory_space<vmem_shared>>) offsets(%dma_start3A_1120 : memref<128xi32, #tpu.memory_space<vmem>>) semaphore(%arg18 : memref<!tpu.dma_semaphore, #tpu.memory_space<semaphore_mem>>) {add = true}
      %dma_wait3A_1124 = arith.constant 1 : i32
      %dma_wait3A_1125 = arith.constant 0 : i32
      %dma_wait3A_1126 = tpu.memref_slice %arg10[%dma_wait3A_1124, %dma_wait3A_1125] : memref<8x128xi32, #tpu.memory_space<vmem>> -> memref<1x128xi32, #tpu.memory_space<vmem>>
      %dma_wait3A_1127 = tpu.memref_squeeze %dma_wait3A_1126 : memref<1x128xi32, #tpu.memory_space<vmem>> -> memref<128xi32, #tpu.memory_space<vmem>>
      %dma_wait3A_1128 = arith.constant 0 : i32
      %dma_wait3A_1129 = arith.constant 0 : i32
      %dma_wait3A_1130 = tpu.memref_slice %arg13[%dma_wait3A_1128, %dma_wait3A_1129] : memref<10016x128xf32, #tpu.memory_space<vmem_shared>> -> memref<10016x128xf32, #tpu.memory_space<vmem_shared>>
      tpu.wait_indirect_dma semaphore(%arg15 : memref<!tpu.dma_semaphore, #tpu.memory_space<semaphore_mem>>) src(%arg12 : memref<128x128xf32, #tpu.memory_space<vmem>>) dst(%dma_wait3A_1130 : memref<10016x128xf32, #tpu.memory_space<vmem_shared>>)
      %dma_wait3A_1131 = arith.constant 1 : i32
      %dma_wait3A_1132 = arith.constant 0 : i32
      %dma_wait3A_1133 = tpu.memref_slice %arg10[%dma_wait3A_1131, %dma_wait3A_1132] : memref<8x128xi32, #tpu.memory_space<vmem>> -> memref<1x128xi32, #tpu.memory_space<vmem>>
      %dma_wait3A_1134 = tpu.memref_squeeze %dma_wait3A_1133 : memref<1x128xi32, #tpu.memory_space<vmem>> -> memref<128xi32, #tpu.memory_space<vmem>>
      %dma_wait3A_1135 = arith.constant 0 : i32
      %dma_wait3A_1136 = arith.constant 0 : i32
      %dma_wait3A_1137 = tpu.memref_slice %arg17[%dma_wait3A_1135, %dma_wait3A_1136] : memref<10016x16xf32, #tpu.memory_space<vmem_shared>> -> memref<10016x16xf32, #tpu.memory_space<vmem_shared>>
      tpu.wait_indirect_dma semaphore(%arg18 : memref<!tpu.dma_semaphore, #tpu.memory_space<semaphore_mem>>) src(%arg16 : memref<128x16xf32, #tpu.memory_space<vmem>>) dst(%dma_wait3A_1137 : memref<10016x16xf32, #tpu.memory_space<vmem_shared>>)
      %dma_start3A_1138 = arith.constant 3 : i32
      %dma_start3A_1139 = arith.constant 0 : i32
      %dma_start3A_1140 = tpu.memref_slice %arg9[%dma_start3A_1138, %dma_start3A_1139] : memref<8x128xi32, #tpu.memory_space<vmem>> -> memref<1x128xi32, #tpu.memory_space<vmem>>
      %dma_start3A_1141 = tpu.memref_squeeze %dma_start3A_1140 : memref<1x128xi32, #tpu.memory_space<vmem>> -> memref<128xi32, #tpu.memory_space<vmem>>
      %dma_start3A_1142 = arith.constant 0 : i32
      %dma_start3A_1143 = arith.constant 0 : i32
      %dma_start3A_1144 = tpu.memref_slice %arg2[%dma_start3A_1142, %dma_start3A_1143] : memref<10000x128xf32, #tpu.memory_space<hbm>> -> memref<10000x128xf32, #tpu.memory_space<hbm>>
      tpu.enqueue_indirect_dma source(%dma_start3A_1144 : memref<10000x128xf32, #tpu.memory_space<hbm>>) target(%arg12 : memref<128x128xf32, #tpu.memory_space<vmem>>) offsets(%dma_start3A_1141 : memref<128xi32, #tpu.memory_space<vmem>>) semaphore(%arg14 : memref<!tpu.dma_semaphore, #tpu.memory_space<semaphore_mem>>)
      %dma_wait3A_1145 = arith.constant 2 : i32
      %dma_wait3A_1146 = arith.constant 0 : i32
      %dma_wait3A_1147 = tpu.memref_slice %arg9[%dma_wait3A_1145, %dma_wait3A_1146] : memref<8x128xi32, #tpu.memory_space<vmem>> -> memref<1x128xi32, #tpu.memory_space<vmem>>
      %dma_wait3A_1148 = tpu.memref_squeeze %dma_wait3A_1147 : memref<1x128xi32, #tpu.memory_space<vmem>> -> memref<128xi32, #tpu.memory_space<vmem>>
      %dma_wait3A_1149 = arith.constant 0 : i32
      %dma_wait3A_1150 = arith.constant 0 : i32
      %dma_wait3A_1151 = tpu.memref_slice %arg2[%dma_wait3A_1149, %dma_wait3A_1150] : memref<10000x128xf32, #tpu.memory_space<hbm>> -> memref<10000x128xf32, #tpu.memory_space<hbm>>
      tpu.wait_indirect_dma semaphore(%arg14 : memref<!tpu.dma_semaphore, #tpu.memory_space<semaphore_mem>>) src(%dma_wait3A_1151 : memref<10000x128xf32, #tpu.memory_space<hbm>>) dst(%arg11 : memref<128x128xf32, #tpu.memory_space<vmem>>)
      %dma_start3A_1152 = arith.constant 2 : i32
      %dma_start3A_1153 = arith.constant 0 : i32
      %dma_start3A_1154 = tpu.memref_slice %arg10[%dma_start3A_1152, %dma_start3A_1153] : memref<8x128xi32, #tpu.memory_space<vmem>> -> memref<1x128xi32, #tpu.memory_space<vmem>>
      %dma_start3A_1155 = tpu.memref_squeeze %dma_start3A_1154 : memref<1x128xi32, #tpu.memory_space<vmem>> -> memref<128xi32, #tpu.memory_space<vmem>>
      %dma_start3A_1156 = arith.constant 0 : i32
      %dma_start3A_1157 = arith.constant 0 : i32
      %dma_start3A_1158 = tpu.memref_slice %arg13[%dma_start3A_1156, %dma_start3A_1157] : memref<10016x128xf32, #tpu.memory_space<vmem_shared>> -> memref<10016x128xf32, #tpu.memory_space<vmem_shared>>
      tpu.enqueue_indirect_dma source(%arg11 : memref<128x128xf32, #tpu.memory_space<vmem>>) target(%dma_start3A_1158 : memref<10016x128xf32, #tpu.memory_space<vmem_shared>>) offsets(%dma_start3A_1155 : memref<128xi32, #tpu.memory_space<vmem>>) semaphore(%arg15 : memref<!tpu.dma_semaphore, #tpu.memory_space<semaphore_mem>>) {add = true}
      %dma_start3A_1159 = arith.constant 2 : i32
      %dma_start3A_1160 = arith.constant 0 : i32
      %dma_start3A_1161 = tpu.memref_slice %arg10[%dma_start3A_1159, %dma_start3A_1160] : memref<8x128xi32, #tpu.memory_space<vmem>> -> memref<1x128xi32, #tpu.memory_space<vmem>>
      %dma_start3A_1162 = tpu.memref_squeeze %dma_start3A_1161 : memref<1x128xi32, #tpu.memory_space<vmem>> -> memref<128xi32, #tpu.memory_space<vmem>>
      %dma_start3A_1163 = arith.constant 0 : i32
      %dma_start3A_1164 = arith.constant 0 : i32
      %dma_start3A_1165 = tpu.memref_slice %arg17[%dma_start3A_1163, %dma_start3A_1164] : memref<10016x16xf32, #tpu.memory_space<vmem_shared>> -> memref<10016x16xf32, #tpu.memory_space<vmem_shared>>
      tpu.enqueue_indirect_dma source(%arg16 : memref<128x16xf32, #tpu.memory_space<vmem>>) target(%dma_start3A_1165 : memref<10016x16xf32, #tpu.memory_space<vmem_shared>>) offsets(%dma_start3A_1162 : memref<128xi32, #tpu.memory_space<vmem>>) semaphore(%arg18 : memref<!tpu.dma_semaphore, #tpu.memory_space<semaphore_mem>>) {add = true}
      %dma_wait3A_1166 = arith.constant 2 : i32
      %dma_wait3A_1167 = arith.constant 0 : i32
      %dma_wait3A_1168 = tpu.memref_slice %arg10[%dma_wait3A_1166, %dma_wait3A_1167] : memref<8x128xi32, #tpu.memory_space<vmem>> -> memref<1x128xi32, #tpu.memory_space<vmem>>
      %dma_wait3A_1169 = tpu.memref_squeeze %dma_wait3A_1168 : memref<1x128xi32, #tpu.memory_space<vmem>> -> memref<128xi32, #tpu.memory_space<vmem>>
      %dma_wait3A_1170 = arith.constant 0 : i32
      %dma_wait3A_1171 = arith.constant 0 : i32
      %dma_wait3A_1172 = tpu.memref_slice %arg13[%dma_wait3A_1170, %dma_wait3A_1171] : memref<10016x128xf32, #tpu.memory_space<vmem_shared>> -> memref<10016x128xf32, #tpu.memory_space<vmem_shared>>
      tpu.wait_indirect_dma semaphore(%arg15 : memref<!tpu.dma_semaphore, #tpu.memory_space<semaphore_mem>>) src(%arg11 : memref<128x128xf32, #tpu.memory_space<vmem>>) dst(%dma_wait3A_1172 : memref<10016x128xf32, #tpu.memory_space<vmem_shared>>)
      %dma_wait3A_1173 = arith.constant 2 : i32
      %dma_wait3A_1174 = arith.constant 0 : i32
      %dma_wait3A_1175 = tpu.memref_slice %arg10[%dma_wait3A_1173, %dma_wait3A_1174] : memref<8x128xi32, #tpu.memory_space<vmem>> -> memref<1x128xi32, #tpu.memory_space<vmem>>
      %dma_wait3A_1176 = tpu.memref_squeeze %dma_wait3A_1175 : memref<1x128xi32, #tpu.memory_space<vmem>> -> memref<128xi32, #tpu.memory_space<vmem>>
      %dma_wait3A_1177 = arith.constant 0 : i32
      %dma_wait3A_1178 = arith.constant 0 : i32
      %dma_wait3A_1179 = tpu.memref_slice %arg17[%dma_wait3A_1177, %dma_wait3A_1178] : memref<10016x16xf32, #tpu.memory_space<vmem_shared>> -> memref<10016x16xf32, #tpu.memory_space<vmem_shared>>
      tpu.wait_indirect_dma semaphore(%arg18 : memref<!tpu.dma_semaphore, #tpu.memory_space<semaphore_mem>>) src(%arg16 : memref<128x16xf32, #tpu.memory_space<vmem>>) dst(%dma_wait3A_1179 : memref<10016x16xf32, #tpu.memory_space<vmem_shared>>)
      %dma_start3A_1180 = arith.constant 4 : i32
      %dma_start3A_1181 = arith.constant 0 : i32
      %dma_start3A_1182 = tpu.memref_slice %arg9[%dma_start3A_1180, %dma_start3A_1181] : memref<8x128xi32, #tpu.memory_space<vmem>> -> memref<1x128xi32, #tpu.memory_space<vmem>>
      %dma_start3A_1183 = tpu.memref_squeeze %dma_start3A_1182 : memref<1x128xi32, #tpu.memory_space<vmem>> -> memref<128xi32, #tpu.memory_space<vmem>>
      %dma_start3A_1184 = arith.constant 0 : i32
      %dma_start3A_1185 = arith.constant 0 : i32
      %dma_start3A_1186 = tpu.memref_slice %arg2[%dma_start3A_1184, %dma_start3A_1185] : memref<10000x128xf32, #tpu.memory_space<hbm>> -> memref<10000x128xf32, #tpu.memory_space<hbm>>
      tpu.enqueue_indirect_dma source(%dma_start3A_1186 : memref<10000x128xf32, #tpu.memory_space<hbm>>) target(%arg11 : memref<128x128xf32, #tpu.memory_space<vmem>>) offsets(%dma_start3A_1183 : memref<128xi32, #tpu.memory_space<vmem>>) semaphore(%arg14 : memref<!tpu.dma_semaphore, #tpu.memory_space<semaphore_mem>>)
      %dma_wait3A_1187 = arith.constant 3 : i32
      %dma_wait3A_1188 = arith.constant 0 : i32
      %dma_wait3A_1189 = tpu.memref_slice %arg9[%dma_wait3A_1187, %dma_wait3A_1188] : memref<8x128xi32, #tpu.memory_space<vmem>> -> memref<1x128xi32, #tpu.memory_space<vmem>>
      %dma_wait3A_1190 = tpu.memref_squeeze %dma_wait3A_1189 : memref<1x128xi32, #tpu.memory_space<vmem>> -> memref<128xi32, #tpu.memory_space<vmem>>
      %dma_wait3A_1191 = arith.constant 0 : i32
      %dma_wait3A_1192 = arith.constant 0 : i32
      %dma_wait3A_1193 = tpu.memref_slice %arg2[%dma_wait3A_1191, %dma_wait3A_1192] : memref<10000x128xf32, #tpu.memory_space<hbm>> -> memref<10000x128xf32, #tpu.memory_space<hbm>>
      tpu.wait_indirect_dma semaphore(%arg14 : memref<!tpu.dma_semaphore, #tpu.memory_space<semaphore_mem>>) src(%dma_wait3A_1193 : memref<10000x128xf32, #tpu.memory_space<hbm>>) dst(%arg12 : memref<128x128xf32, #tpu.memory_space<vmem>>)
      %dma_start3A_1194 = arith.constant 3 : i32
      %dma_start3A_1195 = arith.constant 0 : i32
      %dma_start3A_1196 = tpu.memref_slice %arg10[%dma_start3A_1194, %dma_start3A_1195] : memref<8x128xi32, #tpu.memory_space<vmem>> -> memref<1x128xi32, #tpu.memory_space<vmem>>
      %dma_start3A_1197 = tpu.memref_squeeze %dma_start3A_1196 : memref<1x128xi32, #tpu.memory_space<vmem>> -> memref<128xi32, #tpu.memory_space<vmem>>
      %dma_start3A_1198 = arith.constant 0 : i32
      %dma_start3A_1199 = arith.constant 0 : i32
      %dma_start3A_1200 = tpu.memref_slice %arg13[%dma_start3A_1198, %dma_start3A_1199] : memref<10016x128xf32, #tpu.memory_space<vmem_shared>> -> memref<10016x128xf32, #tpu.memory_space<vmem_shared>>
      tpu.enqueue_indirect_dma source(%arg12 : memref<128x128xf32, #tpu.memory_space<vmem>>) target(%dma_start3A_1200 : memref<10016x128xf32, #tpu.memory_space<vmem_shared>>) offsets(%dma_start3A_1197 : memref<128xi32, #tpu.memory_space<vmem>>) semaphore(%arg15 : memref<!tpu.dma_semaphore, #tpu.memory_space<semaphore_mem>>) {add = true}
      %dma_start3A_1201 = arith.constant 3 : i32
      %dma_start3A_1202 = arith.constant 0 : i32
      %dma_start3A_1203 = tpu.memref_slice %arg10[%dma_start3A_1201, %dma_start3A_1202] : memref<8x128xi32, #tpu.memory_space<vmem>> -> memref<1x128xi32, #tpu.memory_space<vmem>>
      %dma_start3A_1204 = tpu.memref_squeeze %dma_start3A_1203 : memref<1x128xi32, #tpu.memory_space<vmem>> -> memref<128xi32, #tpu.memory_space<vmem>>
      %dma_start3A_1205 = arith.constant 0 : i32
      %dma_start3A_1206 = arith.constant 0 : i32
      %dma_start3A_1207 = tpu.memref_slice %arg17[%dma_start3A_1205, %dma_start3A_1206] : memref<10016x16xf32, #tpu.memory_space<vmem_shared>> -> memref<10016x16xf32, #tpu.memory_space<vmem_shared>>
      tpu.enqueue_indirect_dma source(%arg16 : memref<128x16xf32, #tpu.memory_space<vmem>>) target(%dma_start3A_1207 : memref<10016x16xf32, #tpu.memory_space<vmem_shared>>) offsets(%dma_start3A_1204 : memref<128xi32, #tpu.memory_space<vmem>>) semaphore(%arg18 : memref<!tpu.dma_semaphore, #tpu.memory_space<semaphore_mem>>) {add = true}
      %dma_wait3A_1208 = arith.constant 3 : i32
      %dma_wait3A_1209 = arith.constant 0 : i32
      %dma_wait3A_1210 = tpu.memref_slice %arg10[%dma_wait3A_1208, %dma_wait3A_1209] : memref<8x128xi32, #tpu.memory_space<vmem>> -> memref<1x128xi32, #tpu.memory_space<vmem>>
      %dma_wait3A_1211 = tpu.memref_squeeze %dma_wait3A_1210 : memref<1x128xi32, #tpu.memory_space<vmem>> -> memref<128xi32, #tpu.memory_space<vmem>>
      %dma_wait3A_1212 = arith.constant 0 : i32
      %dma_wait3A_1213 = arith.constant 0 : i32
      %dma_wait3A_1214 = tpu.memref_slice %arg13[%dma_wait3A_1212, %dma_wait3A_1213] : memref<10016x128xf32, #tpu.memory_space<vmem_shared>> -> memref<10016x128xf32, #tpu.memory_space<vmem_shared>>
      tpu.wait_indirect_dma semaphore(%arg15 : memref<!tpu.dma_semaphore, #tpu.memory_space<semaphore_mem>>) src(%arg12 : memref<128x128xf32, #tpu.memory_space<vmem>>) dst(%dma_wait3A_1214 : memref<10016x128xf32, #tpu.memory_space<vmem_shared>>)
      %dma_wait3A_1215 = arith.constant 3 : i32
      %dma_wait3A_1216 = arith.constant 0 : i32
      %dma_wait3A_1217 = tpu.memref_slice %arg10[%dma_wait3A_1215, %dma_wait3A_1216] : memref<8x128xi32, #tpu.memory_space<vmem>> -> memref<1x128xi32, #tpu.memory_space<vmem>>
      %dma_wait3A_1218 = tpu.memref_squeeze %dma_wait3A_1217 : memref<1x128xi32, #tpu.memory_space<vmem>> -> memref<128xi32, #tpu.memory_space<vmem>>
      %dma_wait3A_1219 = arith.constant 0 : i32
      %dma_wait3A_1220 = arith.constant 0 : i32
      %dma_wait3A_1221 = tpu.memref_slice %arg17[%dma_wait3A_1219, %dma_wait3A_1220] : memref<10016x16xf32, #tpu.memory_space<vmem_shared>> -> memref<10016x16xf32, #tpu.memory_space<vmem_shared>>
      tpu.wait_indirect_dma semaphore(%arg18 : memref<!tpu.dma_semaphore, #tpu.memory_space<semaphore_mem>>) src(%arg16 : memref<128x16xf32, #tpu.memory_space<vmem>>) dst(%dma_wait3A_1221 : memref<10016x16xf32, #tpu.memory_space<vmem_shared>>)
      %dma_start3A_1222 = arith.constant 5 : i32
      %dma_start3A_1223 = arith.constant 0 : i32
      %dma_start3A_1224 = tpu.memref_slice %arg9[%dma_start3A_1222, %dma_start3A_1223] : memref<8x128xi32, #tpu.memory_space<vmem>> -> memref<1x128xi32, #tpu.memory_space<vmem>>
      %dma_start3A_1225 = tpu.memref_squeeze %dma_start3A_1224 : memref<1x128xi32, #tpu.memory_space<vmem>> -> memref<128xi32, #tpu.memory_space<vmem>>
      %dma_start3A_1226 = arith.constant 0 : i32
      %dma_start3A_1227 = arith.constant 0 : i32
      %dma_start3A_1228 = tpu.memref_slice %arg2[%dma_start3A_1226, %dma_start3A_1227] : memref<10000x128xf32, #tpu.memory_space<hbm>> -> memref<10000x128xf32, #tpu.memory_space<hbm>>
      tpu.enqueue_indirect_dma source(%dma_start3A_1228 : memref<10000x128xf32, #tpu.memory_space<hbm>>) target(%arg12 : memref<128x128xf32, #tpu.memory_space<vmem>>) offsets(%dma_start3A_1225 : memref<128xi32, #tpu.memory_space<vmem>>) semaphore(%arg14 : memref<!tpu.dma_semaphore, #tpu.memory_space<semaphore_mem>>)
      %dma_wait3A_1229 = arith.constant 4 : i32
      %dma_wait3A_1230 = arith.constant 0 : i32
      %dma_wait3A_1231 = tpu.memref_slice %arg9[%dma_wait3A_1229, %dma_wait3A_1230] : memref<8x128xi32, #tpu.memory_space<vmem>> -> memref<1x128xi32, #tpu.memory_space<vmem>>
      %dma_wait3A_1232 = tpu.memref_squeeze %dma_wait3A_1231 : memref<1x128xi32, #tpu.memory_space<vmem>> -> memref<128xi32, #tpu.memory_space<vmem>>
      %dma_wait3A_1233 = arith.constant 0 : i32
      %dma_wait3A_1234 = arith.constant 0 : i32
      %dma_wait3A_1235 = tpu.memref_slice %arg2[%dma_wait3A_1233, %dma_wait3A_1234] : memref<10000x128xf32, #tpu.memory_space<hbm>> -> memref<10000x128xf32, #tpu.memory_space<hbm>>
      tpu.wait_indirect_dma semaphore(%arg14 : memref<!tpu.dma_semaphore, #tpu.memory_space<semaphore_mem>>) src(%dma_wait3A_1235 : memref<10000x128xf32, #tpu.memory_space<hbm>>) dst(%arg11 : memref<128x128xf32, #tpu.memory_space<vmem>>)
      %dma_start3A_1236 = arith.constant 4 : i32
      %dma_start3A_1237 = arith.constant 0 : i32
      %dma_start3A_1238 = tpu.memref_slice %arg10[%dma_start3A_1236, %dma_start3A_1237] : memref<8x128xi32, #tpu.memory_space<vmem>> -> memref<1x128xi32, #tpu.memory_space<vmem>>
      %dma_start3A_1239 = tpu.memref_squeeze %dma_start3A_1238 : memref<1x128xi32, #tpu.memory_space<vmem>> -> memref<128xi32, #tpu.memory_space<vmem>>
      %dma_start3A_1240 = arith.constant 0 : i32
      %dma_start3A_1241 = arith.constant 0 : i32
      %dma_start3A_1242 = tpu.memref_slice %arg13[%dma_start3A_1240, %dma_start3A_1241] : memref<10016x128xf32, #tpu.memory_space<vmem_shared>> -> memref<10016x128xf32, #tpu.memory_space<vmem_shared>>
      tpu.enqueue_indirect_dma source(%arg11 : memref<128x128xf32, #tpu.memory_space<vmem>>) target(%dma_start3A_1242 : memref<10016x128xf32, #tpu.memory_space<vmem_shared>>) offsets(%dma_start3A_1239 : memref<128xi32, #tpu.memory_space<vmem>>) semaphore(%arg15 : memref<!tpu.dma_semaphore, #tpu.memory_space<semaphore_mem>>) {add = true}
      %dma_start3A_1243 = arith.constant 4 : i32
      %dma_start3A_1244 = arith.constant 0 : i32
      %dma_start3A_1245 = tpu.memref_slice %arg10[%dma_start3A_1243, %dma_start3A_1244] : memref<8x128xi32, #tpu.memory_space<vmem>> -> memref<1x128xi32, #tpu.memory_space<vmem>>
      %dma_start3A_1246 = tpu.memref_squeeze %dma_start3A_1245 : memref<1x128xi32, #tpu.memory_space<vmem>> -> memref<128xi32, #tpu.memory_space<vmem>>
      %dma_start3A_1247 = arith.constant 0 : i32
      %dma_start3A_1248 = arith.constant 0 : i32
      %dma_start3A_1249 = tpu.memref_slice %arg17[%dma_start3A_1247, %dma_start3A_1248] : memref<10016x16xf32, #tpu.memory_space<vmem_shared>> -> memref<10016x16xf32, #tpu.memory_space<vmem_shared>>
      tpu.enqueue_indirect_dma source(%arg16 : memref<128x16xf32, #tpu.memory_space<vmem>>) target(%dma_start3A_1249 : memref<10016x16xf32, #tpu.memory_space<vmem_shared>>) offsets(%dma_start3A_1246 : memref<128xi32, #tpu.memory_space<vmem>>) semaphore(%arg18 : memref<!tpu.dma_semaphore, #tpu.memory_space<semaphore_mem>>) {add = true}
      %dma_wait3A_1250 = arith.constant 4 : i32
      %dma_wait3A_1251 = arith.constant 0 : i32
      %dma_wait3A_1252 = tpu.memref_slice %arg10[%dma_wait3A_1250, %dma_wait3A_1251] : memref<8x128xi32, #tpu.memory_space<vmem>> -> memref<1x128xi32, #tpu.memory_space<vmem>>
      %dma_wait3A_1253 = tpu.memref_squeeze %dma_wait3A_1252 : memref<1x128xi32, #tpu.memory_space<vmem>> -> memref<128xi32, #tpu.memory_space<vmem>>
      %dma_wait3A_1254 = arith.constant 0 : i32
      %dma_wait3A_1255 = arith.constant 0 : i32
      %dma_wait3A_1256 = tpu.memref_slice %arg13[%dma_wait3A_1254, %dma_wait3A_1255] : memref<10016x128xf32, #tpu.memory_space<vmem_shared>> -> memref<10016x128xf32, #tpu.memory_space<vmem_shared>>
      tpu.wait_indirect_dma semaphore(%arg15 : memref<!tpu.dma_semaphore, #tpu.memory_space<semaphore_mem>>) src(%arg11 : memref<128x128xf32, #tpu.memory_space<vmem>>) dst(%dma_wait3A_1256 : memref<10016x128xf32, #tpu.memory_space<vmem_shared>>)
      %dma_wait3A_1257 = arith.constant 4 : i32
      %dma_wait3A_1258 = arith.constant 0 : i32
      %dma_wait3A_1259 = tpu.memref_slice %arg10[%dma_wait3A_1257, %dma_wait3A_1258] : memref<8x128xi32, #tpu.memory_space<vmem>> -> memref<1x128xi32, #tpu.memory_space<vmem>>
      %dma_wait3A_1260 = tpu.memref_squeeze %dma_wait3A_1259 : memref<1x128xi32, #tpu.memory_space<vmem>> -> memref<128xi32, #tpu.memory_space<vmem>>
      %dma_wait3A_1261 = arith.constant 0 : i32
      %dma_wait3A_1262 = arith.constant 0 : i32
      %dma_wait3A_1263 = tpu.memref_slice %arg17[%dma_wait3A_1261, %dma_wait3A_1262] : memref<10016x16xf32, #tpu.memory_space<vmem_shared>> -> memref<10016x16xf32, #tpu.memory_space<vmem_shared>>
      tpu.wait_indirect_dma semaphore(%arg18 : memref<!tpu.dma_semaphore, #tpu.memory_space<semaphore_mem>>) src(%arg16 : memref<128x16xf32, #tpu.memory_space<vmem>>) dst(%dma_wait3A_1263 : memref<10016x16xf32, #tpu.memory_space<vmem_shared>>)
      %dma_start3A_1264 = arith.constant 6 : i32
      %dma_start3A_1265 = arith.constant 0 : i32
      %dma_start3A_1266 = tpu.memref_slice %arg9[%dma_start3A_1264, %dma_start3A_1265] : memref<8x128xi32, #tpu.memory_space<vmem>> -> memref<1x128xi32, #tpu.memory_space<vmem>>
      %dma_start3A_1267 = tpu.memref_squeeze %dma_start3A_1266 : memref<1x128xi32, #tpu.memory_space<vmem>> -> memref<128xi32, #tpu.memory_space<vmem>>
      %dma_start3A_1268 = arith.constant 0 : i32
      %dma_start3A_1269 = arith.constant 0 : i32
      %dma_start3A_1270 = tpu.memref_slice %arg2[%dma_start3A_1268, %dma_start3A_1269] : memref<10000x128xf32, #tpu.memory_space<hbm>> -> memref<10000x128xf32, #tpu.memory_space<hbm>>
      tpu.enqueue_indirect_dma source(%dma_start3A_1270 : memref<10000x128xf32, #tpu.memory_space<hbm>>) target(%arg11 : memref<128x128xf32, #tpu.memory_space<vmem>>) offsets(%dma_start3A_1267 : memref<128xi32, #tpu.memory_space<vmem>>) semaphore(%arg14 : memref<!tpu.dma_semaphore, #tpu.memory_space<semaphore_mem>>)
      %dma_wait3A_1271 = arith.constant 5 : i32
      %dma_wait3A_1272 = arith.constant 0 : i32
      %dma_wait3A_1273 = tpu.memref_slice %arg9[%dma_wait3A_1271, %dma_wait3A_1272] : memref<8x128xi32, #tpu.memory_space<vmem>> -> memref<1x128xi32, #tpu.memory_space<vmem>>
      %dma_wait3A_1274 = tpu.memref_squeeze %dma_wait3A_1273 : memref<1x128xi32, #tpu.memory_space<vmem>> -> memref<128xi32, #tpu.memory_space<vmem>>
      %dma_wait3A_1275 = arith.constant 0 : i32
      %dma_wait3A_1276 = arith.constant 0 : i32
      %dma_wait3A_1277 = tpu.memref_slice %arg2[%dma_wait3A_1275, %dma_wait3A_1276] : memref<10000x128xf32, #tpu.memory_space<hbm>> -> memref<10000x128xf32, #tpu.memory_space<hbm>>
      tpu.wait_indirect_dma semaphore(%arg14 : memref<!tpu.dma_semaphore, #tpu.memory_space<semaphore_mem>>) src(%dma_wait3A_1277 : memref<10000x128xf32, #tpu.memory_space<hbm>>) dst(%arg12 : memref<128x128xf32, #tpu.memory_space<vmem>>)
      %dma_start3A_1278 = arith.constant 5 : i32
      %dma_start3A_1279 = arith.constant 0 : i32
      %dma_start3A_1280 = tpu.memref_slice %arg10[%dma_start3A_1278, %dma_start3A_1279] : memref<8x128xi32, #tpu.memory_space<vmem>> -> memref<1x128xi32, #tpu.memory_space<vmem>>
      %dma_start3A_1281 = tpu.memref_squeeze %dma_start3A_1280 : memref<1x128xi32, #tpu.memory_space<vmem>> -> memref<128xi32, #tpu.memory_space<vmem>>
      %dma_start3A_1282 = arith.constant 0 : i32
      %dma_start3A_1283 = arith.constant 0 : i32
      %dma_start3A_1284 = tpu.memref_slice %arg13[%dma_start3A_1282, %dma_start3A_1283] : memref<10016x128xf32, #tpu.memory_space<vmem_shared>> -> memref<10016x128xf32, #tpu.memory_space<vmem_shared>>
      tpu.enqueue_indirect_dma source(%arg12 : memref<128x128xf32, #tpu.memory_space<vmem>>) target(%dma_start3A_1284 : memref<10016x128xf32, #tpu.memory_space<vmem_shared>>) offsets(%dma_start3A_1281 : memref<128xi32, #tpu.memory_space<vmem>>) semaphore(%arg15 : memref<!tpu.dma_semaphore, #tpu.memory_space<semaphore_mem>>) {add = true}
      %dma_start3A_1285 = arith.constant 5 : i32
      %dma_start3A_1286 = arith.constant 0 : i32
      %dma_start3A_1287 = tpu.memref_slice %arg10[%dma_start3A_1285, %dma_start3A_1286] : memref<8x128xi32, #tpu.memory_space<vmem>> -> memref<1x128xi32, #tpu.memory_space<vmem>>
      %dma_start3A_1288 = tpu.memref_squeeze %dma_start3A_1287 : memref<1x128xi32, #tpu.memory_space<vmem>> -> memref<128xi32, #tpu.memory_space<vmem>>
      %dma_start3A_1289 = arith.constant 0 : i32
      %dma_start3A_1290 = arith.constant 0 : i32
      %dma_start3A_1291 = tpu.memref_slice %arg17[%dma_start3A_1289, %dma_start3A_1290] : memref<10016x16xf32, #tpu.memory_space<vmem_shared>> -> memref<10016x16xf32, #tpu.memory_space<vmem_shared>>
      tpu.enqueue_indirect_dma source(%arg16 : memref<128x16xf32, #tpu.memory_space<vmem>>) target(%dma_start3A_1291 : memref<10016x16xf32, #tpu.memory_space<vmem_shared>>) offsets(%dma_start3A_1288 : memref<128xi32, #tpu.memory_space<vmem>>) semaphore(%arg18 : memref<!tpu.dma_semaphore, #tpu.memory_space<semaphore_mem>>) {add = true}
      %dma_wait3A_1292 = arith.constant 5 : i32
      %dma_wait3A_1293 = arith.constant 0 : i32
      %dma_wait3A_1294 = tpu.memref_slice %arg10[%dma_wait3A_1292, %dma_wait3A_1293] : memref<8x128xi32, #tpu.memory_space<vmem>> -> memref<1x128xi32, #tpu.memory_space<vmem>>
      %dma_wait3A_1295 = tpu.memref_squeeze %dma_wait3A_1294 : memref<1x128xi32, #tpu.memory_space<vmem>> -> memref<128xi32, #tpu.memory_space<vmem>>
      %dma_wait3A_1296 = arith.constant 0 : i32
      %dma_wait3A_1297 = arith.constant 0 : i32
      %dma_wait3A_1298 = tpu.memref_slice %arg13[%dma_wait3A_1296, %dma_wait3A_1297] : memref<10016x128xf32, #tpu.memory_space<vmem_shared>> -> memref<10016x128xf32, #tpu.memory_space<vmem_shared>>
      tpu.wait_indirect_dma semaphore(%arg15 : memref<!tpu.dma_semaphore, #tpu.memory_space<semaphore_mem>>) src(%arg12 : memref<128x128xf32, #tpu.memory_space<vmem>>) dst(%dma_wait3A_1298 : memref<10016x128xf32, #tpu.memory_space<vmem_shared>>)
      %dma_wait3A_1299 = arith.constant 5 : i32
      %dma_wait3A_1300 = arith.constant 0 : i32
      %dma_wait3A_1301 = tpu.memref_slice %arg10[%dma_wait3A_1299, %dma_wait3A_1300] : memref<8x128xi32, #tpu.memory_space<vmem>> -> memref<1x128xi32, #tpu.memory_space<vmem>>
      %dma_wait3A_1302 = tpu.memref_squeeze %dma_wait3A_1301 : memref<1x128xi32, #tpu.memory_space<vmem>> -> memref<128xi32, #tpu.memory_space<vmem>>
      %dma_wait3A_1303 = arith.constant 0 : i32
      %dma_wait3A_1304 = arith.constant 0 : i32
      %dma_wait3A_1305 = tpu.memref_slice %arg17[%dma_wait3A_1303, %dma_wait3A_1304] : memref<10016x16xf32, #tpu.memory_space<vmem_shared>> -> memref<10016x16xf32, #tpu.memory_space<vmem_shared>>
      tpu.wait_indirect_dma semaphore(%arg18 : memref<!tpu.dma_semaphore, #tpu.memory_space<semaphore_mem>>) src(%arg16 : memref<128x16xf32, #tpu.memory_space<vmem>>) dst(%dma_wait3A_1305 : memref<10016x16xf32, #tpu.memory_space<vmem_shared>>)
      %dma_start3A_1306 = arith.constant 7 : i32
      %dma_start3A_1307 = arith.constant 0 : i32
      %dma_start3A_1308 = tpu.memref_slice %arg9[%dma_start3A_1306, %dma_start3A_1307] : memref<8x128xi32, #tpu.memory_space<vmem>> -> memref<1x128xi32, #tpu.memory_space<vmem>>
      %dma_start3A_1309 = tpu.memref_squeeze %dma_start3A_1308 : memref<1x128xi32, #tpu.memory_space<vmem>> -> memref<128xi32, #tpu.memory_space<vmem>>
      %dma_start3A_1310 = arith.constant 0 : i32
      %dma_start3A_1311 = arith.constant 0 : i32
      %dma_start3A_1312 = tpu.memref_slice %arg2[%dma_start3A_1310, %dma_start3A_1311] : memref<10000x128xf32, #tpu.memory_space<hbm>> -> memref<10000x128xf32, #tpu.memory_space<hbm>>
      tpu.enqueue_indirect_dma source(%dma_start3A_1312 : memref<10000x128xf32, #tpu.memory_space<hbm>>) target(%arg12 : memref<128x128xf32, #tpu.memory_space<vmem>>) offsets(%dma_start3A_1309 : memref<128xi32, #tpu.memory_space<vmem>>) semaphore(%arg14 : memref<!tpu.dma_semaphore, #tpu.memory_space<semaphore_mem>>)
      %dma_wait3A_1313 = arith.constant 6 : i32
      %dma_wait3A_1314 = arith.constant 0 : i32
      %dma_wait3A_1315 = tpu.memref_slice %arg9[%dma_wait3A_1313, %dma_wait3A_1314] : memref<8x128xi32, #tpu.memory_space<vmem>> -> memref<1x128xi32, #tpu.memory_space<vmem>>
      %dma_wait3A_1316 = tpu.memref_squeeze %dma_wait3A_1315 : memref<1x128xi32, #tpu.memory_space<vmem>> -> memref<128xi32, #tpu.memory_space<vmem>>
      %dma_wait3A_1317 = arith.constant 0 : i32
      %dma_wait3A_1318 = arith.constant 0 : i32
      %dma_wait3A_1319 = tpu.memref_slice %arg2[%dma_wait3A_1317, %dma_wait3A_1318] : memref<10000x128xf32, #tpu.memory_space<hbm>> -> memref<10000x128xf32, #tpu.memory_space<hbm>>
      tpu.wait_indirect_dma semaphore(%arg14 : memref<!tpu.dma_semaphore, #tpu.memory_space<semaphore_mem>>) src(%dma_wait3A_1319 : memref<10000x128xf32, #tpu.memory_space<hbm>>) dst(%arg11 : memref<128x128xf32, #tpu.memory_space<vmem>>)
      %dma_start3A_1320 = arith.constant 6 : i32
      %dma_start3A_1321 = arith.constant 0 : i32
      %dma_start3A_1322 = tpu.memref_slice %arg10[%dma_start3A_1320, %dma_start3A_1321] : memref<8x128xi32, #tpu.memory_space<vmem>> -> memref<1x128xi32, #tpu.memory_space<vmem>>
      %dma_start3A_1323 = tpu.memref_squeeze %dma_start3A_1322 : memref<1x128xi32, #tpu.memory_space<vmem>> -> memref<128xi32, #tpu.memory_space<vmem>>
      %dma_start3A_1324 = arith.constant 0 : i32
      %dma_start3A_1325 = arith.constant 0 : i32
      %dma_start3A_1326 = tpu.memref_slice %arg13[%dma_start3A_1324, %dma_start3A_1325] : memref<10016x128xf32, #tpu.memory_space<vmem_shared>> -> memref<10016x128xf32, #tpu.memory_space<vmem_shared>>
      tpu.enqueue_indirect_dma source(%arg11 : memref<128x128xf32, #tpu.memory_space<vmem>>) target(%dma_start3A_1326 : memref<10016x128xf32, #tpu.memory_space<vmem_shared>>) offsets(%dma_start3A_1323 : memref<128xi32, #tpu.memory_space<vmem>>) semaphore(%arg15 : memref<!tpu.dma_semaphore, #tpu.memory_space<semaphore_mem>>) {add = true}
      %dma_start3A_1327 = arith.constant 6 : i32
      %dma_start3A_1328 = arith.constant 0 : i32
      %dma_start3A_1329 = tpu.memref_slice %arg10[%dma_start3A_1327, %dma_start3A_1328] : memref<8x128xi32, #tpu.memory_space<vmem>> -> memref<1x128xi32, #tpu.memory_space<vmem>>
      %dma_start3A_1330 = tpu.memref_squeeze %dma_start3A_1329 : memref<1x128xi32, #tpu.memory_space<vmem>> -> memref<128xi32, #tpu.memory_space<vmem>>
      %dma_start3A_1331 = arith.constant 0 : i32
      %dma_start3A_1332 = arith.constant 0 : i32
      %dma_start3A_1333 = tpu.memref_slice %arg17[%dma_start3A_1331, %dma_start3A_1332] : memref<10016x16xf32, #tpu.memory_space<vmem_shared>> -> memref<10016x16xf32, #tpu.memory_space<vmem_shared>>
      tpu.enqueue_indirect_dma source(%arg16 : memref<128x16xf32, #tpu.memory_space<vmem>>) target(%dma_start3A_1333 : memref<10016x16xf32, #tpu.memory_space<vmem_shared>>) offsets(%dma_start3A_1330 : memref<128xi32, #tpu.memory_space<vmem>>) semaphore(%arg18 : memref<!tpu.dma_semaphore, #tpu.memory_space<semaphore_mem>>) {add = true}
      %dma_wait3A_1334 = arith.constant 6 : i32
      %dma_wait3A_1335 = arith.constant 0 : i32
      %dma_wait3A_1336 = tpu.memref_slice %arg10[%dma_wait3A_1334, %dma_wait3A_1335] : memref<8x128xi32, #tpu.memory_space<vmem>> -> memref<1x128xi32, #tpu.memory_space<vmem>>
      %dma_wait3A_1337 = tpu.memref_squeeze %dma_wait3A_1336 : memref<1x128xi32, #tpu.memory_space<vmem>> -> memref<128xi32, #tpu.memory_space<vmem>>
      %dma_wait3A_1338 = arith.constant 0 : i32
      %dma_wait3A_1339 = arith.constant 0 : i32
      %dma_wait3A_1340 = tpu.memref_slice %arg13[%dma_wait3A_1338, %dma_wait3A_1339] : memref<10016x128xf32, #tpu.memory_space<vmem_shared>> -> memref<10016x128xf32, #tpu.memory_space<vmem_shared>>
      tpu.wait_indirect_dma semaphore(%arg15 : memref<!tpu.dma_semaphore, #tpu.memory_space<semaphore_mem>>) src(%arg11 : memref<128x128xf32, #tpu.memory_space<vmem>>) dst(%dma_wait3A_1340 : memref<10016x128xf32, #tpu.memory_space<vmem_shared>>)
      %dma_wait3A_1341 = arith.constant 6 : i32
      %dma_wait3A_1342 = arith.constant 0 : i32
      %dma_wait3A_1343 = tpu.memref_slice %arg10[%dma_wait3A_1341, %dma_wait3A_1342] : memref<8x128xi32, #tpu.memory_space<vmem>> -> memref<1x128xi32, #tpu.memory_space<vmem>>
      %dma_wait3A_1344 = tpu.memref_squeeze %dma_wait3A_1343 : memref<1x128xi32, #tpu.memory_space<vmem>> -> memref<128xi32, #tpu.memory_space<vmem>>
      %dma_wait3A_1345 = arith.constant 0 : i32
      %dma_wait3A_1346 = arith.constant 0 : i32
      %dma_wait3A_1347 = tpu.memref_slice %arg17[%dma_wait3A_1345, %dma_wait3A_1346] : memref<10016x16xf32, #tpu.memory_space<vmem_shared>> -> memref<10016x16xf32, #tpu.memory_space<vmem_shared>>
      tpu.wait_indirect_dma semaphore(%arg18 : memref<!tpu.dma_semaphore, #tpu.memory_space<semaphore_mem>>) src(%arg16 : memref<128x16xf32, #tpu.memory_space<vmem>>) dst(%dma_wait3A_1347 : memref<10016x16xf32, #tpu.memory_space<vmem_shared>>)
      %dma_wait3A_1348 = arith.constant 7 : i32
      %dma_wait3A_1349 = arith.constant 0 : i32
      %dma_wait3A_1350 = tpu.memref_slice %arg9[%dma_wait3A_1348, %dma_wait3A_1349] : memref<8x128xi32, #tpu.memory_space<vmem>> -> memref<1x128xi32, #tpu.memory_space<vmem>>
      %dma_wait3A_1351 = tpu.memref_squeeze %dma_wait3A_1350 : memref<1x128xi32, #tpu.memory_space<vmem>> -> memref<128xi32, #tpu.memory_space<vmem>>
      %dma_wait3A_1352 = arith.constant 0 : i32
      %dma_wait3A_1353 = arith.constant 0 : i32
      %dma_wait3A_1354 = tpu.memref_slice %arg2[%dma_wait3A_1352, %dma_wait3A_1353] : memref<10000x128xf32, #tpu.memory_space<hbm>> -> memref<10000x128xf32, #tpu.memory_space<hbm>>
      tpu.wait_indirect_dma semaphore(%arg14 : memref<!tpu.dma_semaphore, #tpu.memory_space<semaphore_mem>>) src(%dma_wait3A_1354 : memref<10000x128xf32, #tpu.memory_space<hbm>>) dst(%arg12 : memref<128x128xf32, #tpu.memory_space<vmem>>)
      %dma_start3A_1355 = arith.constant 7 : i32
      %dma_start3A_1356 = arith.constant 0 : i32
      %dma_start3A_1357 = tpu.memref_slice %arg10[%dma_start3A_1355, %dma_start3A_1356] : memref<8x128xi32, #tpu.memory_space<vmem>> -> memref<1x128xi32, #tpu.memory_space<vmem>>
      %dma_start3A_1358 = tpu.memref_squeeze %dma_start3A_1357 : memref<1x128xi32, #tpu.memory_space<vmem>> -> memref<128xi32, #tpu.memory_space<vmem>>
      %dma_start3A_1359 = arith.constant 0 : i32
      %dma_start3A_1360 = arith.constant 0 : i32
      %dma_start3A_1361 = tpu.memref_slice %arg13[%dma_start3A_1359, %dma_start3A_1360] : memref<10016x128xf32, #tpu.memory_space<vmem_shared>> -> memref<10016x128xf32, #tpu.memory_space<vmem_shared>>
      tpu.enqueue_indirect_dma source(%arg12 : memref<128x128xf32, #tpu.memory_space<vmem>>) target(%dma_start3A_1361 : memref<10016x128xf32, #tpu.memory_space<vmem_shared>>) offsets(%dma_start3A_1358 : memref<128xi32, #tpu.memory_space<vmem>>) semaphore(%arg15 : memref<!tpu.dma_semaphore, #tpu.memory_space<semaphore_mem>>) {add = true}
      %dma_start3A_1362 = arith.constant 7 : i32
      %dma_start3A_1363 = arith.constant 0 : i32
      %dma_start3A_1364 = tpu.memref_slice %arg10[%dma_start3A_1362, %dma_start3A_1363] : memref<8x128xi32, #tpu.memory_space<vmem>> -> memref<1x128xi32, #tpu.memory_space<vmem>>
      %dma_start3A_1365 = tpu.memref_squeeze %dma_start3A_1364 : memref<1x128xi32, #tpu.memory_space<vmem>> -> memref<128xi32, #tpu.memory_space<vmem>>
      %dma_start3A_1366 = arith.constant 0 : i32
      %dma_start3A_1367 = arith.constant 0 : i32
      %dma_start3A_1368 = tpu.memref_slice %arg17[%dma_start3A_1366, %dma_start3A_1367] : memref<10016x16xf32, #tpu.memory_space<vmem_shared>> -> memref<10016x16xf32, #tpu.memory_space<vmem_shared>>
      tpu.enqueue_indirect_dma source(%arg16 : memref<128x16xf32, #tpu.memory_space<vmem>>) target(%dma_start3A_1368 : memref<10016x16xf32, #tpu.memory_space<vmem_shared>>) offsets(%dma_start3A_1365 : memref<128xi32, #tpu.memory_space<vmem>>) semaphore(%arg18 : memref<!tpu.dma_semaphore, #tpu.memory_space<semaphore_mem>>) {add = true}
      %dma_wait3A_1369 = arith.constant 7 : i32
      %dma_wait3A_1370 = arith.constant 0 : i32
      %dma_wait3A_1371 = tpu.memref_slice %arg10[%dma_wait3A_1369, %dma_wait3A_1370] : memref<8x128xi32, #tpu.memory_space<vmem>> -> memref<1x128xi32, #tpu.memory_space<vmem>>
      %dma_wait3A_1372 = tpu.memref_squeeze %dma_wait3A_1371 : memref<1x128xi32, #tpu.memory_space<vmem>> -> memref<128xi32, #tpu.memory_space<vmem>>
      %dma_wait3A_1373 = arith.constant 0 : i32
      %dma_wait3A_1374 = arith.constant 0 : i32
      %dma_wait3A_1375 = tpu.memref_slice %arg13[%dma_wait3A_1373, %dma_wait3A_1374] : memref<10016x128xf32, #tpu.memory_space<vmem_shared>> -> memref<10016x128xf32, #tpu.memory_space<vmem_shared>>
      tpu.wait_indirect_dma semaphore(%arg15 : memref<!tpu.dma_semaphore, #tpu.memory_space<semaphore_mem>>) src(%arg12 : memref<128x128xf32, #tpu.memory_space<vmem>>) dst(%dma_wait3A_1375 : memref<10016x128xf32, #tpu.memory_space<vmem_shared>>)
      %dma_wait3A_1376 = arith.constant 7 : i32
      %dma_wait3A_1377 = arith.constant 0 : i32
      %dma_wait3A_1378 = tpu.memref_slice %arg10[%dma_wait3A_1376, %dma_wait3A_1377] : memref<8x128xi32, #tpu.memory_space<vmem>> -> memref<1x128xi32, #tpu.memory_space<vmem>>
      %dma_wait3A_1379 = tpu.memref_squeeze %dma_wait3A_1378 : memref<1x128xi32, #tpu.memory_space<vmem>> -> memref<128xi32, #tpu.memory_space<vmem>>
      %dma_wait3A_1380 = arith.constant 0 : i32
      %dma_wait3A_1381 = arith.constant 0 : i32
      %dma_wait3A_1382 = tpu.memref_slice %arg17[%dma_wait3A_1380, %dma_wait3A_1381] : memref<10016x16xf32, #tpu.memory_space<vmem_shared>> -> memref<10016x16xf32, #tpu.memory_space<vmem_shared>>
      tpu.wait_indirect_dma semaphore(%arg18 : memref<!tpu.dma_semaphore, #tpu.memory_space<semaphore_mem>>) src(%arg16 : memref<128x16xf32, #tpu.memory_space<vmem>>) dst(%dma_wait3A_1382 : memref<10016x16xf32, #tpu.memory_space<vmem_shared>>)
    }
    %barrier3A_1041 = arith.constant 0 : index
    tpu.barrier barrier_id(%barrier3A_1041)
    "tpu.region"() ({
      %run_scoped3A = tpu.sem_alloc : memref<!tpu.dma_semaphore, #tpu.memory_space<semaphore_mem>>
      %dma_start3A = arith.constant 0 : i32
      %dma_start3A_1042 = tpu.memref_slice %arg7[%arg0, %mul3A_0, %dma_start3A] : memref<2x10016x128xf32, #tpu.memory_space<hbm>> -> memref<1x626x128xf32, #tpu.memory_space<hbm>>
      %dma_start3A_1043 = tpu.memref_squeeze %dma_start3A_1042 : memref<1x626x128xf32, #tpu.memory_space<hbm>> -> memref<626x128xf32, #tpu.memory_space<hbm>>
      %dma_start3A_1044 = arith.constant 0 : i32
      %dma_start3A_1045 = tpu.memref_slice %arg13[%mul3A_0, %dma_start3A_1044] : memref<10016x128xf32, #tpu.memory_space<vmem_shared>> -> memref<626x128xf32, #tpu.memory_space<vmem_shared>>
      tpu.enqueue_dma source(%dma_start3A_1045 : memref<626x128xf32, #tpu.memory_space<vmem_shared>>) target(%dma_start3A_1043 : memref<626x128xf32, #tpu.memory_space<hbm>>) target_semaphore(%run_scoped3A : memref<!tpu.dma_semaphore, #tpu.memory_space<semaphore_mem>>)
      %dma_wait3A = arith.constant 0 : i32
      %dma_wait3A_1046 = tpu.memref_slice %arg7[%arg0, %mul3A_0, %dma_wait3A] : memref<2x10016x128xf32, #tpu.memory_space<hbm>> -> memref<1x626x128xf32, #tpu.memory_space<hbm>>
      %dma_wait3A_1047 = tpu.memref_squeeze %dma_wait3A_1046 : memref<1x626x128xf32, #tpu.memory_space<hbm>> -> memref<626x128xf32, #tpu.memory_space<hbm>>
      %dma_wait3A_1048 = arith.constant 0 : i32
      %dma_wait3A_1049 = tpu.memref_slice %arg13[%mul3A_0, %dma_wait3A_1048] : memref<10016x128xf32, #tpu.memory_space<vmem_shared>> -> memref<626x128xf32, #tpu.memory_space<vmem_shared>>
      tpu.wait_dma2 semaphore(%run_scoped3A : memref<!tpu.dma_semaphore, #tpu.memory_space<semaphore_mem>>) src(%dma_wait3A_1049 : memref<626x128xf32, #tpu.memory_space<vmem_shared>>) dst(%dma_wait3A_1047 : memref<626x128xf32, #tpu.memory_space<hbm>>)
      tpu.yield
    }) : () -> ()
    "tpu.region"() ({
      %run_scoped3A = tpu.sem_alloc : memref<!tpu.dma_semaphore, #tpu.memory_space<semaphore_mem>>
      %dma_start3A = arith.constant 0 : i32
      %dma_start3A_1042 = tpu.memref_slice %arg8[%arg0, %mul3A_0, %dma_start3A] : memref<2x10016x16xf32, #tpu.memory_space<hbm>> -> memref<1x626x16xf32, #tpu.memory_space<hbm>>
      %dma_start3A_1043 = tpu.memref_squeeze %dma_start3A_1042 : memref<1x626x16xf32, #tpu.memory_space<hbm>> -> memref<626x16xf32, #tpu.memory_space<hbm>>
      %dma_start3A_1044 = arith.constant 0 : i32
      %dma_start3A_1045 = tpu.memref_slice %arg17[%mul3A_0, %dma_start3A_1044] : memref<10016x16xf32, #tpu.memory_space<vmem_shared>> -> memref<626x16xf32, #tpu.memory_space<vmem_shared>>
      tpu.enqueue_dma source(%dma_start3A_1045 : memref<626x16xf32, #tpu.memory_space<vmem_shared>>) target(%dma_start3A_1043 : memref<626x16xf32, #tpu.memory_space<hbm>>) target_semaphore(%run_scoped3A : memref<!tpu.dma_semaphore, #tpu.memory_space<semaphore_mem>>)
      %dma_wait3A = arith.constant 0 : i32
      %dma_wait3A_1046 = tpu.memref_slice %arg8[%arg0, %mul3A_0, %dma_wait3A] : memref<2x10016x16xf32, #tpu.memory_space<hbm>> -> memref<1x626x16xf32, #tpu.memory_space<hbm>>
      %dma_wait3A_1047 = tpu.memref_squeeze %dma_wait3A_1046 : memref<1x626x16xf32, #tpu.memory_space<hbm>> -> memref<626x16xf32, #tpu.memory_space<hbm>>
      %dma_wait3A_1048 = arith.constant 0 : i32
      %dma_wait3A_1049 = tpu.memref_slice %arg17[%mul3A_0, %dma_wait3A_1048] : memref<10016x16xf32, #tpu.memory_space<vmem_shared>> -> memref<626x16xf32, #tpu.memory_space<vmem_shared>>
      tpu.wait_dma2 semaphore(%run_scoped3A : memref<!tpu.dma_semaphore, #tpu.memory_space<semaphore_mem>>) src(%dma_wait3A_1049 : memref<626x16xf32, #tpu.memory_space<vmem_shared>>) dst(%dma_wait3A_1047 : memref<626x16xf32, #tpu.memory_space<hbm>>)
      tpu.yield
    }) : () -> ()
    return
  }
}

#map = affine_map<(d0, d1) -> (0, 0)>
#map1 = affine_map<(d0, d1) -> (0, 0, 0)>
module attributes {stable_mosaic.version = 14 : i64} {
  func.func @kern2(%arg0: i32, %arg1: i32, %arg2: memref<10000x48xf32, #tpu.memory_space<hbm>>, %arg3: memref<16x160x128xi32, #tpu.memory_space<hbm>>, %arg4: memref<16x160x128xi32, #tpu.memory_space<hbm>>, %arg5: memref<626x48xf32, #tpu.memory_space<hbm>>, %arg6: memref<2x10016x48xf32, #tpu.memory_space<hbm>>, %arg7: memref<8x128xi32, #tpu.memory_space<vmem>>, %arg8: memref<8x128xi32, #tpu.memory_space<vmem>>, %arg9: memref<128x48xf32, #tpu.memory_space<vmem>>, %arg10: memref<128x48xf32, #tpu.memory_space<vmem>>, %arg11: memref<128x48xf32, #tpu.memory_space<vmem>>, %arg12: memref<128x48xf32, #tpu.memory_space<vmem>>, %arg13: memref<10016x48xf32, #tpu.memory_space<vmem_shared>>, %arg14: memref<!tpu.dma_semaphore, #tpu.memory_space<semaphore_mem>>, %arg15: memref<!tpu.dma_semaphore, #tpu.memory_space<semaphore_mem>>) attributes {dimension_semantics = [#tpu.dimension_semantics<core_parallel>, #tpu.dimension_semantics<subcore_parallel>], iteration_bounds = array<i64: 2, 16>, scalar_prefetch = 0 : i64, scratch_operands = 9 : i64, tpu.core_type = #tpu.core_type<sc_vector_subcore>, window_params = [{transform_indices = #map}, {transform_indices = #map1}, {transform_indices = #map1}, {transform_indices = #map}, {transform_indices = #map1}]} {
    %mul3A = arith.constant 626 : i32
    %mul3A_0 = arith.muli %arg1, %mul3A : i32
    "tpu.region"() ({
      %run_scoped3A = tpu.sem_alloc : memref<!tpu.dma_semaphore, #tpu.memory_space<semaphore_mem>>
      %dma_start3A = arith.constant 0 : i32
      %dma_start3A_20 = tpu.memref_slice %arg13[%mul3A_0, %dma_start3A] : memref<10016x48xf32, #tpu.memory_space<vmem_shared>> -> memref<626x48xf32, #tpu.memory_space<vmem_shared>>
      tpu.enqueue_dma source(%arg5 : memref<626x48xf32, #tpu.memory_space<hbm>>) target(%dma_start3A_20 : memref<626x48xf32, #tpu.memory_space<vmem_shared>>) target_semaphore(%run_scoped3A : memref<!tpu.dma_semaphore, #tpu.memory_space<semaphore_mem>>)
      %dma_wait3A = arith.constant 0 : i32
      %dma_wait3A_21 = tpu.memref_slice %arg13[%mul3A_0, %dma_wait3A] : memref<10016x48xf32, #tpu.memory_space<vmem_shared>> -> memref<626x48xf32, #tpu.memory_space<vmem_shared>>
      tpu.wait_dma2 semaphore(%run_scoped3A : memref<!tpu.dma_semaphore, #tpu.memory_space<semaphore_mem>>) src(%arg5 : memref<626x48xf32, #tpu.memory_space<hbm>>) dst(%dma_wait3A_21 : memref<626x48xf32, #tpu.memory_space<vmem_shared>>)
      tpu.yield
    }) : () -> ()
    %barrier3A = arith.constant 0 : index
    tpu.barrier barrier_id(%barrier3A)
    %eq3A = arith.constant 1 : i32
    %eq3A_1 = arith.cmpi eq, %arg0, %eq3A : i32
    %jit3A = arith.constant 0 : i32
    %jit3A_2 = arith.constant 15 : i32
    %select_n3A = arith.select %eq3A_1, %jit3A, %jit3A_2 : i32
    %jit3A_3 = arith.constant 15 : i32
    %jit3A_4 = arith.constant 20 : i32
    %select_n3A_5 = arith.select %eq3A_1, %jit3A_3, %jit3A_4 : i32
    %sub3A = arith.subi %select_n3A_5, %select_n3A : i32
    %sub3A_6 = arith.constant 1 : i32
    %sub3A_7 = arith.constant 1 : i32
    %sub3A_8 = arith.subi %sub3A_6, %sub3A_7 : i32
    %add3A = arith.addi %sub3A, %sub3A_8 : i32
    %div3A = arith.constant 1 : i32
    %div3A_9 = arith.divsi %add3A, %div3A : i32
    %while3A = arith.constant 1 : i32
    %while3A_10 = arith.constant 0 : i32
    %while3A_11 = arith.subi %div3A_9, %while3A_10 : i32
    %while3A_12 = arith.addi %while3A_10, %while3A_11 : i32
    %while3A_13 = arith.constant 1 : i32
    %while3A_14 = arith.divsi %while3A_11, %while3A_13 : i32
    %while3A_15 = arith.muli %while3A_14, %while3A_13 : i32
    %while3A_16 = arith.addi %while3A_10, %while3A_15 : i32
    %while3A_17 = arith.constant 1 : i32
    scf.for %while3A_20 = %while3A_10 to %while3A_16 step %while3A_17  : i32 {
      %mul3A_21 = arith.muli %while3A_20, %while3A : i32
      %add3A_22 = arith.addi %select_n3A, %mul3A_21 : i32
      %mul3A_23 = arith.constant 8 : i32
      %mul3A_24 = arith.muli %add3A_22, %mul3A_23 : i32
      "tpu.region"() ({
        %run_scoped3A = tpu.sem_alloc : memref<!tpu.dma_semaphore, #tpu.memory_space<semaphore_mem>>
        %dma_start3A_249 = arith.constant 0 : i32
        %dma_start3A_250 = tpu.memref_slice %arg3[%arg1, %mul3A_24, %dma_start3A_249] : memref<16x160x128xi32, #tpu.memory_space<hbm>> -> memref<1x8x128xi32, #tpu.memory_space<hbm>>
        %dma_start3A_251 = tpu.memref_squeeze %dma_start3A_250 : memref<1x8x128xi32, #tpu.memory_space<hbm>> -> memref<8x128xi32, #tpu.memory_space<hbm>>
        %dma_start3A_252 = arith.constant 0 : i32
        %dma_start3A_253 = tpu.memref_slice %arg3[%arg1, %mul3A_24, %dma_start3A_252] : memref<16x160x128xi32, #tpu.memory_space<hbm>> -> memref<1x8x128xi32, #tpu.memory_space<hbm>>
        %dma_start3A_254 = tpu.memref_squeeze %dma_start3A_253 : memref<1x8x128xi32, #tpu.memory_space<hbm>> -> memref<8x128xi32, #tpu.memory_space<hbm>>
        tpu.enqueue_dma source(%dma_start3A_254 : memref<8x128xi32, #tpu.memory_space<hbm>>) target(%arg7 : memref<8x128xi32, #tpu.memory_space<vmem>>) target_semaphore(%run_scoped3A : memref<!tpu.dma_semaphore, #tpu.memory_space<semaphore_mem>>)
        %dma_wait3A_255 = arith.constant 0 : i32
        %dma_wait3A_256 = tpu.memref_slice %arg3[%arg1, %mul3A_24, %dma_wait3A_255] : memref<16x160x128xi32, #tpu.memory_space<hbm>> -> memref<1x8x128xi32, #tpu.memory_space<hbm>>
        %dma_wait3A_257 = tpu.memref_squeeze %dma_wait3A_256 : memref<1x8x128xi32, #tpu.memory_space<hbm>> -> memref<8x128xi32, #tpu.memory_space<hbm>>
        %dma_wait3A_258 = arith.constant 0 : i32
        %dma_wait3A_259 = tpu.memref_slice %arg3[%arg1, %mul3A_24, %dma_wait3A_258] : memref<16x160x128xi32, #tpu.memory_space<hbm>> -> memref<1x8x128xi32, #tpu.memory_space<hbm>>
        %dma_wait3A_260 = tpu.memref_squeeze %dma_wait3A_259 : memref<1x8x128xi32, #tpu.memory_space<hbm>> -> memref<8x128xi32, #tpu.memory_space<hbm>>
        tpu.wait_dma2 semaphore(%run_scoped3A : memref<!tpu.dma_semaphore, #tpu.memory_space<semaphore_mem>>) src(%dma_wait3A_260 : memref<8x128xi32, #tpu.memory_space<hbm>>) dst(%arg7 : memref<8x128xi32, #tpu.memory_space<vmem>>)
        tpu.yield
      }) : () -> ()
      %mul3A_25 = arith.constant 8 : i32
      %mul3A_26 = arith.muli %add3A_22, %mul3A_25 : i32
      "tpu.region"() ({
        %run_scoped3A = tpu.sem_alloc : memref<!tpu.dma_semaphore, #tpu.memory_space<semaphore_mem>>
        %dma_start3A_249 = arith.constant 0 : i32
        %dma_start3A_250 = tpu.memref_slice %arg4[%arg1, %mul3A_26, %dma_start3A_249] : memref<16x160x128xi32, #tpu.memory_space<hbm>> -> memref<1x8x128xi32, #tpu.memory_space<hbm>>
        %dma_start3A_251 = tpu.memref_squeeze %dma_start3A_250 : memref<1x8x128xi32, #tpu.memory_space<hbm>> -> memref<8x128xi32, #tpu.memory_space<hbm>>
        %dma_start3A_252 = arith.constant 0 : i32
        %dma_start3A_253 = tpu.memref_slice %arg4[%arg1, %mul3A_26, %dma_start3A_252] : memref<16x160x128xi32, #tpu.memory_space<hbm>> -> memref<1x8x128xi32, #tpu.memory_space<hbm>>
        %dma_start3A_254 = tpu.memref_squeeze %dma_start3A_253 : memref<1x8x128xi32, #tpu.memory_space<hbm>> -> memref<8x128xi32, #tpu.memory_space<hbm>>
        tpu.enqueue_dma source(%dma_start3A_254 : memref<8x128xi32, #tpu.memory_space<hbm>>) target(%arg8 : memref<8x128xi32, #tpu.memory_space<vmem>>) target_semaphore(%run_scoped3A : memref<!tpu.dma_semaphore, #tpu.memory_space<semaphore_mem>>)
        %dma_wait3A_255 = arith.constant 0 : i32
        %dma_wait3A_256 = tpu.memref_slice %arg4[%arg1, %mul3A_26, %dma_wait3A_255] : memref<16x160x128xi32, #tpu.memory_space<hbm>> -> memref<1x8x128xi32, #tpu.memory_space<hbm>>
        %dma_wait3A_257 = tpu.memref_squeeze %dma_wait3A_256 : memref<1x8x128xi32, #tpu.memory_space<hbm>> -> memref<8x128xi32, #tpu.memory_space<hbm>>
        %dma_wait3A_258 = arith.constant 0 : i32
        %dma_wait3A_259 = tpu.memref_slice %arg4[%arg1, %mul3A_26, %dma_wait3A_258] : memref<16x160x128xi32, #tpu.memory_space<hbm>> -> memref<1x8x128xi32, #tpu.memory_space<hbm>>
        %dma_wait3A_260 = tpu.memref_squeeze %dma_wait3A_259 : memref<1x8x128xi32, #tpu.memory_space<hbm>> -> memref<8x128xi32, #tpu.memory_space<hbm>>
        tpu.wait_dma2 semaphore(%run_scoped3A : memref<!tpu.dma_semaphore, #tpu.memory_space<semaphore_mem>>) src(%dma_wait3A_260 : memref<8x128xi32, #tpu.memory_space<hbm>>) dst(%arg8 : memref<8x128xi32, #tpu.memory_space<vmem>>)
        tpu.yield
      }) : () -> ()
      %dma_start3A = arith.constant 0 : i32
      %dma_start3A_27 = arith.constant 0 : i32
      %dma_start3A_28 = tpu.memref_slice %arg7[%dma_start3A, %dma_start3A_27] : memref<8x128xi32, #tpu.memory_space<vmem>> -> memref<1x128xi32, #tpu.memory_space<vmem>>
      %dma_start3A_29 = tpu.memref_squeeze %dma_start3A_28 : memref<1x128xi32, #tpu.memory_space<vmem>> -> memref<128xi32, #tpu.memory_space<vmem>>
      %dma_start3A_30 = arith.constant 0 : i32
      %dma_start3A_31 = arith.constant 0 : i32
      %dma_start3A_32 = tpu.memref_slice %arg2[%dma_start3A_30, %dma_start3A_31] : memref<10000x48xf32, #tpu.memory_space<hbm>> -> memref<10000x48xf32, #tpu.memory_space<hbm>>
      tpu.enqueue_indirect_dma source(%dma_start3A_32 : memref<10000x48xf32, #tpu.memory_space<hbm>>) target(%arg9 : memref<128x48xf32, #tpu.memory_space<vmem>>) offsets(%dma_start3A_29 : memref<128xi32, #tpu.memory_space<vmem>>) semaphore(%arg14 : memref<!tpu.dma_semaphore, #tpu.memory_space<semaphore_mem>>)
      %dma_start3A_33 = arith.constant 1 : i32
      %dma_start3A_34 = arith.constant 0 : i32
      %dma_start3A_35 = tpu.memref_slice %arg7[%dma_start3A_33, %dma_start3A_34] : memref<8x128xi32, #tpu.memory_space<vmem>> -> memref<1x128xi32, #tpu.memory_space<vmem>>
      %dma_start3A_36 = tpu.memref_squeeze %dma_start3A_35 : memref<1x128xi32, #tpu.memory_space<vmem>> -> memref<128xi32, #tpu.memory_space<vmem>>
      %dma_start3A_37 = arith.constant 0 : i32
      %dma_start3A_38 = arith.constant 0 : i32
      %dma_start3A_39 = tpu.memref_slice %arg2[%dma_start3A_37, %dma_start3A_38] : memref<10000x48xf32, #tpu.memory_space<hbm>> -> memref<10000x48xf32, #tpu.memory_space<hbm>>
      tpu.enqueue_indirect_dma source(%dma_start3A_39 : memref<10000x48xf32, #tpu.memory_space<hbm>>) target(%arg10 : memref<128x48xf32, #tpu.memory_space<vmem>>) offsets(%dma_start3A_36 : memref<128xi32, #tpu.memory_space<vmem>>) semaphore(%arg14 : memref<!tpu.dma_semaphore, #tpu.memory_space<semaphore_mem>>)
      %dma_start3A_40 = arith.constant 2 : i32
      %dma_start3A_41 = arith.constant 0 : i32
      %dma_start3A_42 = tpu.memref_slice %arg7[%dma_start3A_40, %dma_start3A_41] : memref<8x128xi32, #tpu.memory_space<vmem>> -> memref<1x128xi32, #tpu.memory_space<vmem>>
      %dma_start3A_43 = tpu.memref_squeeze %dma_start3A_42 : memref<1x128xi32, #tpu.memory_space<vmem>> -> memref<128xi32, #tpu.memory_space<vmem>>
      %dma_start3A_44 = arith.constant 0 : i32
      %dma_start3A_45 = arith.constant 0 : i32
      %dma_start3A_46 = tpu.memref_slice %arg2[%dma_start3A_44, %dma_start3A_45] : memref<10000x48xf32, #tpu.memory_space<hbm>> -> memref<10000x48xf32, #tpu.memory_space<hbm>>
      tpu.enqueue_indirect_dma source(%dma_start3A_46 : memref<10000x48xf32, #tpu.memory_space<hbm>>) target(%arg11 : memref<128x48xf32, #tpu.memory_space<vmem>>) offsets(%dma_start3A_43 : memref<128xi32, #tpu.memory_space<vmem>>) semaphore(%arg14 : memref<!tpu.dma_semaphore, #tpu.memory_space<semaphore_mem>>)
      %dma_start3A_47 = arith.constant 3 : i32
      %dma_start3A_48 = arith.constant 0 : i32
      %dma_start3A_49 = tpu.memref_slice %arg7[%dma_start3A_47, %dma_start3A_48] : memref<8x128xi32, #tpu.memory_space<vmem>> -> memref<1x128xi32, #tpu.memory_space<vmem>>
      %dma_start3A_50 = tpu.memref_squeeze %dma_start3A_49 : memref<1x128xi32, #tpu.memory_space<vmem>> -> memref<128xi32, #tpu.memory_space<vmem>>
      %dma_start3A_51 = arith.constant 0 : i32
      %dma_start3A_52 = arith.constant 0 : i32
      %dma_start3A_53 = tpu.memref_slice %arg2[%dma_start3A_51, %dma_start3A_52] : memref<10000x48xf32, #tpu.memory_space<hbm>> -> memref<10000x48xf32, #tpu.memory_space<hbm>>
      tpu.enqueue_indirect_dma source(%dma_start3A_53 : memref<10000x48xf32, #tpu.memory_space<hbm>>) target(%arg12 : memref<128x48xf32, #tpu.memory_space<vmem>>) offsets(%dma_start3A_50 : memref<128xi32, #tpu.memory_space<vmem>>) semaphore(%arg14 : memref<!tpu.dma_semaphore, #tpu.memory_space<semaphore_mem>>)
      %dma_wait3A = arith.constant 0 : i32
      %dma_wait3A_54 = arith.constant 0 : i32
      %dma_wait3A_55 = tpu.memref_slice %arg7[%dma_wait3A, %dma_wait3A_54] : memref<8x128xi32, #tpu.memory_space<vmem>> -> memref<1x128xi32, #tpu.memory_space<vmem>>
      %dma_wait3A_56 = tpu.memref_squeeze %dma_wait3A_55 : memref<1x128xi32, #tpu.memory_space<vmem>> -> memref<128xi32, #tpu.memory_space<vmem>>
      %dma_wait3A_57 = arith.constant 0 : i32
      %dma_wait3A_58 = arith.constant 0 : i32
      %dma_wait3A_59 = tpu.memref_slice %arg2[%dma_wait3A_57, %dma_wait3A_58] : memref<10000x48xf32, #tpu.memory_space<hbm>> -> memref<10000x48xf32, #tpu.memory_space<hbm>>
      tpu.wait_indirect_dma semaphore(%arg14 : memref<!tpu.dma_semaphore, #tpu.memory_space<semaphore_mem>>) src(%dma_wait3A_59 : memref<10000x48xf32, #tpu.memory_space<hbm>>) dst(%arg9 : memref<128x48xf32, #tpu.memory_space<vmem>>)
      %dma_start3A_60 = arith.constant 0 : i32
      %dma_start3A_61 = arith.constant 0 : i32
      %dma_start3A_62 = tpu.memref_slice %arg8[%dma_start3A_60, %dma_start3A_61] : memref<8x128xi32, #tpu.memory_space<vmem>> -> memref<1x128xi32, #tpu.memory_space<vmem>>
      %dma_start3A_63 = tpu.memref_squeeze %dma_start3A_62 : memref<1x128xi32, #tpu.memory_space<vmem>> -> memref<128xi32, #tpu.memory_space<vmem>>
      %dma_start3A_64 = arith.constant 0 : i32
      %dma_start3A_65 = arith.constant 0 : i32
      %dma_start3A_66 = tpu.memref_slice %arg13[%dma_start3A_64, %dma_start3A_65] : memref<10016x48xf32, #tpu.memory_space<vmem_shared>> -> memref<10016x48xf32, #tpu.memory_space<vmem_shared>>
      tpu.enqueue_indirect_dma source(%arg9 : memref<128x48xf32, #tpu.memory_space<vmem>>) target(%dma_start3A_66 : memref<10016x48xf32, #tpu.memory_space<vmem_shared>>) offsets(%dma_start3A_63 : memref<128xi32, #tpu.memory_space<vmem>>) semaphore(%arg15 : memref<!tpu.dma_semaphore, #tpu.memory_space<semaphore_mem>>) {add = true}
      %dma_wait3A_67 = arith.constant 0 : i32
      %dma_wait3A_68 = arith.constant 0 : i32
      %dma_wait3A_69 = tpu.memref_slice %arg8[%dma_wait3A_67, %dma_wait3A_68] : memref<8x128xi32, #tpu.memory_space<vmem>> -> memref<1x128xi32, #tpu.memory_space<vmem>>
      %dma_wait3A_70 = tpu.memref_squeeze %dma_wait3A_69 : memref<1x128xi32, #tpu.memory_space<vmem>> -> memref<128xi32, #tpu.memory_space<vmem>>
      %dma_wait3A_71 = arith.constant 0 : i32
      %dma_wait3A_72 = arith.constant 0 : i32
      %dma_wait3A_73 = tpu.memref_slice %arg13[%dma_wait3A_71, %dma_wait3A_72] : memref<10016x48xf32, #tpu.memory_space<vmem_shared>> -> memref<10016x48xf32, #tpu.memory_space<vmem_shared>>
      tpu.wait_indirect_dma semaphore(%arg15 : memref<!tpu.dma_semaphore, #tpu.memory_space<semaphore_mem>>) src(%arg9 : memref<128x48xf32, #tpu.memory_space<vmem>>) dst(%dma_wait3A_73 : memref<10016x48xf32, #tpu.memory_space<vmem_shared>>)
      %dma_start3A_74 = arith.constant 4 : i32
      %dma_start3A_75 = arith.constant 0 : i32
      %dma_start3A_76 = tpu.memref_slice %arg7[%dma_start3A_74, %dma_start3A_75] : memref<8x128xi32, #tpu.memory_space<vmem>> -> memref<1x128xi32, #tpu.memory_space<vmem>>
      %dma_start3A_77 = tpu.memref_squeeze %dma_start3A_76 : memref<1x128xi32, #tpu.memory_space<vmem>> -> memref<128xi32, #tpu.memory_space<vmem>>
      %dma_start3A_78 = arith.constant 0 : i32
      %dma_start3A_79 = arith.constant 0 : i32
      %dma_start3A_80 = tpu.memref_slice %arg2[%dma_start3A_78, %dma_start3A_79] : memref<10000x48xf32, #tpu.memory_space<hbm>> -> memref<10000x48xf32, #tpu.memory_space<hbm>>
      tpu.enqueue_indirect_dma source(%dma_start3A_80 : memref<10000x48xf32, #tpu.memory_space<hbm>>) target(%arg9 : memref<128x48xf32, #tpu.memory_space<vmem>>) offsets(%dma_start3A_77 : memref<128xi32, #tpu.memory_space<vmem>>) semaphore(%arg14 : memref<!tpu.dma_semaphore, #tpu.memory_space<semaphore_mem>>)
      %dma_wait3A_81 = arith.constant 1 : i32
      %dma_wait3A_82 = arith.constant 0 : i32
      %dma_wait3A_83 = tpu.memref_slice %arg7[%dma_wait3A_81, %dma_wait3A_82] : memref<8x128xi32, #tpu.memory_space<vmem>> -> memref<1x128xi32, #tpu.memory_space<vmem>>
      %dma_wait3A_84 = tpu.memref_squeeze %dma_wait3A_83 : memref<1x128xi32, #tpu.memory_space<vmem>> -> memref<128xi32, #tpu.memory_space<vmem>>
      %dma_wait3A_85 = arith.constant 0 : i32
      %dma_wait3A_86 = arith.constant 0 : i32
      %dma_wait3A_87 = tpu.memref_slice %arg2[%dma_wait3A_85, %dma_wait3A_86] : memref<10000x48xf32, #tpu.memory_space<hbm>> -> memref<10000x48xf32, #tpu.memory_space<hbm>>
      tpu.wait_indirect_dma semaphore(%arg14 : memref<!tpu.dma_semaphore, #tpu.memory_space<semaphore_mem>>) src(%dma_wait3A_87 : memref<10000x48xf32, #tpu.memory_space<hbm>>) dst(%arg10 : memref<128x48xf32, #tpu.memory_space<vmem>>)
      %dma_start3A_88 = arith.constant 1 : i32
      %dma_start3A_89 = arith.constant 0 : i32
      %dma_start3A_90 = tpu.memref_slice %arg8[%dma_start3A_88, %dma_start3A_89] : memref<8x128xi32, #tpu.memory_space<vmem>> -> memref<1x128xi32, #tpu.memory_space<vmem>>
      %dma_start3A_91 = tpu.memref_squeeze %dma_start3A_90 : memref<1x128xi32, #tpu.memory_space<vmem>> -> memref<128xi32, #tpu.memory_space<vmem>>
      %dma_start3A_92 = arith.constant 0 : i32
      %dma_start3A_93 = arith.constant 0 : i32
      %dma_start3A_94 = tpu.memref_slice %arg13[%dma_start3A_92, %dma_start3A_93] : memref<10016x48xf32, #tpu.memory_space<vmem_shared>> -> memref<10016x48xf32, #tpu.memory_space<vmem_shared>>
      tpu.enqueue_indirect_dma source(%arg10 : memref<128x48xf32, #tpu.memory_space<vmem>>) target(%dma_start3A_94 : memref<10016x48xf32, #tpu.memory_space<vmem_shared>>) offsets(%dma_start3A_91 : memref<128xi32, #tpu.memory_space<vmem>>) semaphore(%arg15 : memref<!tpu.dma_semaphore, #tpu.memory_space<semaphore_mem>>) {add = true}
      %dma_wait3A_95 = arith.constant 1 : i32
      %dma_wait3A_96 = arith.constant 0 : i32
      %dma_wait3A_97 = tpu.memref_slice %arg8[%dma_wait3A_95, %dma_wait3A_96] : memref<8x128xi32, #tpu.memory_space<vmem>> -> memref<1x128xi32, #tpu.memory_space<vmem>>
      %dma_wait3A_98 = tpu.memref_squeeze %dma_wait3A_97 : memref<1x128xi32, #tpu.memory_space<vmem>> -> memref<128xi32, #tpu.memory_space<vmem>>
      %dma_wait3A_99 = arith.constant 0 : i32
      %dma_wait3A_100 = arith.constant 0 : i32
      %dma_wait3A_101 = tpu.memref_slice %arg13[%dma_wait3A_99, %dma_wait3A_100] : memref<10016x48xf32, #tpu.memory_space<vmem_shared>> -> memref<10016x48xf32, #tpu.memory_space<vmem_shared>>
      tpu.wait_indirect_dma semaphore(%arg15 : memref<!tpu.dma_semaphore, #tpu.memory_space<semaphore_mem>>) src(%arg10 : memref<128x48xf32, #tpu.memory_space<vmem>>) dst(%dma_wait3A_101 : memref<10016x48xf32, #tpu.memory_space<vmem_shared>>)
      %dma_start3A_102 = arith.constant 5 : i32
      %dma_start3A_103 = arith.constant 0 : i32
      %dma_start3A_104 = tpu.memref_slice %arg7[%dma_start3A_102, %dma_start3A_103] : memref<8x128xi32, #tpu.memory_space<vmem>> -> memref<1x128xi32, #tpu.memory_space<vmem>>
      %dma_start3A_105 = tpu.memref_squeeze %dma_start3A_104 : memref<1x128xi32, #tpu.memory_space<vmem>> -> memref<128xi32, #tpu.memory_space<vmem>>
      %dma_start3A_106 = arith.constant 0 : i32
      %dma_start3A_107 = arith.constant 0 : i32
      %dma_start3A_108 = tpu.memref_slice %arg2[%dma_start3A_106, %dma_start3A_107] : memref<10000x48xf32, #tpu.memory_space<hbm>> -> memref<10000x48xf32, #tpu.memory_space<hbm>>
      tpu.enqueue_indirect_dma source(%dma_start3A_108 : memref<10000x48xf32, #tpu.memory_space<hbm>>) target(%arg10 : memref<128x48xf32, #tpu.memory_space<vmem>>) offsets(%dma_start3A_105 : memref<128xi32, #tpu.memory_space<vmem>>) semaphore(%arg14 : memref<!tpu.dma_semaphore, #tpu.memory_space<semaphore_mem>>)
      %dma_wait3A_109 = arith.constant 2 : i32
      %dma_wait3A_110 = arith.constant 0 : i32
      %dma_wait3A_111 = tpu.memref_slice %arg7[%dma_wait3A_109, %dma_wait3A_110] : memref<8x128xi32, #tpu.memory_space<vmem>> -> memref<1x128xi32, #tpu.memory_space<vmem>>
      %dma_wait3A_112 = tpu.memref_squeeze %dma_wait3A_111 : memref<1x128xi32, #tpu.memory_space<vmem>> -> memref<128xi32, #tpu.memory_space<vmem>>
      %dma_wait3A_113 = arith.constant 0 : i32
      %dma_wait3A_114 = arith.constant 0 : i32
      %dma_wait3A_115 = tpu.memref_slice %arg2[%dma_wait3A_113, %dma_wait3A_114] : memref<10000x48xf32, #tpu.memory_space<hbm>> -> memref<10000x48xf32, #tpu.memory_space<hbm>>
      tpu.wait_indirect_dma semaphore(%arg14 : memref<!tpu.dma_semaphore, #tpu.memory_space<semaphore_mem>>) src(%dma_wait3A_115 : memref<10000x48xf32, #tpu.memory_space<hbm>>) dst(%arg11 : memref<128x48xf32, #tpu.memory_space<vmem>>)
      %dma_start3A_116 = arith.constant 2 : i32
      %dma_start3A_117 = arith.constant 0 : i32
      %dma_start3A_118 = tpu.memref_slice %arg8[%dma_start3A_116, %dma_start3A_117] : memref<8x128xi32, #tpu.memory_space<vmem>> -> memref<1x128xi32, #tpu.memory_space<vmem>>
      %dma_start3A_119 = tpu.memref_squeeze %dma_start3A_118 : memref<1x128xi32, #tpu.memory_space<vmem>> -> memref<128xi32, #tpu.memory_space<vmem>>
      %dma_start3A_120 = arith.constant 0 : i32
      %dma_start3A_121 = arith.constant 0 : i32
      %dma_start3A_122 = tpu.memref_slice %arg13[%dma_start3A_120, %dma_start3A_121] : memref<10016x48xf32, #tpu.memory_space<vmem_shared>> -> memref<10016x48xf32, #tpu.memory_space<vmem_shared>>
      tpu.enqueue_indirect_dma source(%arg11 : memref<128x48xf32, #tpu.memory_space<vmem>>) target(%dma_start3A_122 : memref<10016x48xf32, #tpu.memory_space<vmem_shared>>) offsets(%dma_start3A_119 : memref<128xi32, #tpu.memory_space<vmem>>) semaphore(%arg15 : memref<!tpu.dma_semaphore, #tpu.memory_space<semaphore_mem>>) {add = true}
      %dma_wait3A_123 = arith.constant 2 : i32
      %dma_wait3A_124 = arith.constant 0 : i32
      %dma_wait3A_125 = tpu.memref_slice %arg8[%dma_wait3A_123, %dma_wait3A_124] : memref<8x128xi32, #tpu.memory_space<vmem>> -> memref<1x128xi32, #tpu.memory_space<vmem>>
      %dma_wait3A_126 = tpu.memref_squeeze %dma_wait3A_125 : memref<1x128xi32, #tpu.memory_space<vmem>> -> memref<128xi32, #tpu.memory_space<vmem>>
      %dma_wait3A_127 = arith.constant 0 : i32
      %dma_wait3A_128 = arith.constant 0 : i32
      %dma_wait3A_129 = tpu.memref_slice %arg13[%dma_wait3A_127, %dma_wait3A_128] : memref<10016x48xf32, #tpu.memory_space<vmem_shared>> -> memref<10016x48xf32, #tpu.memory_space<vmem_shared>>
      tpu.wait_indirect_dma semaphore(%arg15 : memref<!tpu.dma_semaphore, #tpu.memory_space<semaphore_mem>>) src(%arg11 : memref<128x48xf32, #tpu.memory_space<vmem>>) dst(%dma_wait3A_129 : memref<10016x48xf32, #tpu.memory_space<vmem_shared>>)
      %dma_start3A_130 = arith.constant 6 : i32
      %dma_start3A_131 = arith.constant 0 : i32
      %dma_start3A_132 = tpu.memref_slice %arg7[%dma_start3A_130, %dma_start3A_131] : memref<8x128xi32, #tpu.memory_space<vmem>> -> memref<1x128xi32, #tpu.memory_space<vmem>>
      %dma_start3A_133 = tpu.memref_squeeze %dma_start3A_132 : memref<1x128xi32, #tpu.memory_space<vmem>> -> memref<128xi32, #tpu.memory_space<vmem>>
      %dma_start3A_134 = arith.constant 0 : i32
      %dma_start3A_135 = arith.constant 0 : i32
      %dma_start3A_136 = tpu.memref_slice %arg2[%dma_start3A_134, %dma_start3A_135] : memref<10000x48xf32, #tpu.memory_space<hbm>> -> memref<10000x48xf32, #tpu.memory_space<hbm>>
      tpu.enqueue_indirect_dma source(%dma_start3A_136 : memref<10000x48xf32, #tpu.memory_space<hbm>>) target(%arg11 : memref<128x48xf32, #tpu.memory_space<vmem>>) offsets(%dma_start3A_133 : memref<128xi32, #tpu.memory_space<vmem>>) semaphore(%arg14 : memref<!tpu.dma_semaphore, #tpu.memory_space<semaphore_mem>>)
      %dma_wait3A_137 = arith.constant 3 : i32
      %dma_wait3A_138 = arith.constant 0 : i32
      %dma_wait3A_139 = tpu.memref_slice %arg7[%dma_wait3A_137, %dma_wait3A_138] : memref<8x128xi32, #tpu.memory_space<vmem>> -> memref<1x128xi32, #tpu.memory_space<vmem>>
      %dma_wait3A_140 = tpu.memref_squeeze %dma_wait3A_139 : memref<1x128xi32, #tpu.memory_space<vmem>> -> memref<128xi32, #tpu.memory_space<vmem>>
      %dma_wait3A_141 = arith.constant 0 : i32
      %dma_wait3A_142 = arith.constant 0 : i32
      %dma_wait3A_143 = tpu.memref_slice %arg2[%dma_wait3A_141, %dma_wait3A_142] : memref<10000x48xf32, #tpu.memory_space<hbm>> -> memref<10000x48xf32, #tpu.memory_space<hbm>>
      tpu.wait_indirect_dma semaphore(%arg14 : memref<!tpu.dma_semaphore, #tpu.memory_space<semaphore_mem>>) src(%dma_wait3A_143 : memref<10000x48xf32, #tpu.memory_space<hbm>>) dst(%arg12 : memref<128x48xf32, #tpu.memory_space<vmem>>)
      %dma_start3A_144 = arith.constant 3 : i32
      %dma_start3A_145 = arith.constant 0 : i32
      %dma_start3A_146 = tpu.memref_slice %arg8[%dma_start3A_144, %dma_start3A_145] : memref<8x128xi32, #tpu.memory_space<vmem>> -> memref<1x128xi32, #tpu.memory_space<vmem>>
      %dma_start3A_147 = tpu.memref_squeeze %dma_start3A_146 : memref<1x128xi32, #tpu.memory_space<vmem>> -> memref<128xi32, #tpu.memory_space<vmem>>
      %dma_start3A_148 = arith.constant 0 : i32
      %dma_start3A_149 = arith.constant 0 : i32
      %dma_start3A_150 = tpu.memref_slice %arg13[%dma_start3A_148, %dma_start3A_149] : memref<10016x48xf32, #tpu.memory_space<vmem_shared>> -> memref<10016x48xf32, #tpu.memory_space<vmem_shared>>
      tpu.enqueue_indirect_dma source(%arg12 : memref<128x48xf32, #tpu.memory_space<vmem>>) target(%dma_start3A_150 : memref<10016x48xf32, #tpu.memory_space<vmem_shared>>) offsets(%dma_start3A_147 : memref<128xi32, #tpu.memory_space<vmem>>) semaphore(%arg15 : memref<!tpu.dma_semaphore, #tpu.memory_space<semaphore_mem>>) {add = true}
      %dma_wait3A_151 = arith.constant 3 : i32
      %dma_wait3A_152 = arith.constant 0 : i32
      %dma_wait3A_153 = tpu.memref_slice %arg8[%dma_wait3A_151, %dma_wait3A_152] : memref<8x128xi32, #tpu.memory_space<vmem>> -> memref<1x128xi32, #tpu.memory_space<vmem>>
      %dma_wait3A_154 = tpu.memref_squeeze %dma_wait3A_153 : memref<1x128xi32, #tpu.memory_space<vmem>> -> memref<128xi32, #tpu.memory_space<vmem>>
      %dma_wait3A_155 = arith.constant 0 : i32
      %dma_wait3A_156 = arith.constant 0 : i32
      %dma_wait3A_157 = tpu.memref_slice %arg13[%dma_wait3A_155, %dma_wait3A_156] : memref<10016x48xf32, #tpu.memory_space<vmem_shared>> -> memref<10016x48xf32, #tpu.memory_space<vmem_shared>>
      tpu.wait_indirect_dma semaphore(%arg15 : memref<!tpu.dma_semaphore, #tpu.memory_space<semaphore_mem>>) src(%arg12 : memref<128x48xf32, #tpu.memory_space<vmem>>) dst(%dma_wait3A_157 : memref<10016x48xf32, #tpu.memory_space<vmem_shared>>)
      %dma_start3A_158 = arith.constant 7 : i32
      %dma_start3A_159 = arith.constant 0 : i32
      %dma_start3A_160 = tpu.memref_slice %arg7[%dma_start3A_158, %dma_start3A_159] : memref<8x128xi32, #tpu.memory_space<vmem>> -> memref<1x128xi32, #tpu.memory_space<vmem>>
      %dma_start3A_161 = tpu.memref_squeeze %dma_start3A_160 : memref<1x128xi32, #tpu.memory_space<vmem>> -> memref<128xi32, #tpu.memory_space<vmem>>
      %dma_start3A_162 = arith.constant 0 : i32
      %dma_start3A_163 = arith.constant 0 : i32
      %dma_start3A_164 = tpu.memref_slice %arg2[%dma_start3A_162, %dma_start3A_163] : memref<10000x48xf32, #tpu.memory_space<hbm>> -> memref<10000x48xf32, #tpu.memory_space<hbm>>
      tpu.enqueue_indirect_dma source(%dma_start3A_164 : memref<10000x48xf32, #tpu.memory_space<hbm>>) target(%arg12 : memref<128x48xf32, #tpu.memory_space<vmem>>) offsets(%dma_start3A_161 : memref<128xi32, #tpu.memory_space<vmem>>) semaphore(%arg14 : memref<!tpu.dma_semaphore, #tpu.memory_space<semaphore_mem>>)
      %dma_wait3A_165 = arith.constant 4 : i32
      %dma_wait3A_166 = arith.constant 0 : i32
      %dma_wait3A_167 = tpu.memref_slice %arg7[%dma_wait3A_165, %dma_wait3A_166] : memref<8x128xi32, #tpu.memory_space<vmem>> -> memref<1x128xi32, #tpu.memory_space<vmem>>
      %dma_wait3A_168 = tpu.memref_squeeze %dma_wait3A_167 : memref<1x128xi32, #tpu.memory_space<vmem>> -> memref<128xi32, #tpu.memory_space<vmem>>
      %dma_wait3A_169 = arith.constant 0 : i32
      %dma_wait3A_170 = arith.constant 0 : i32
      %dma_wait3A_171 = tpu.memref_slice %arg2[%dma_wait3A_169, %dma_wait3A_170] : memref<10000x48xf32, #tpu.memory_space<hbm>> -> memref<10000x48xf32, #tpu.memory_space<hbm>>
      tpu.wait_indirect_dma semaphore(%arg14 : memref<!tpu.dma_semaphore, #tpu.memory_space<semaphore_mem>>) src(%dma_wait3A_171 : memref<10000x48xf32, #tpu.memory_space<hbm>>) dst(%arg9 : memref<128x48xf32, #tpu.memory_space<vmem>>)
      %dma_start3A_172 = arith.constant 4 : i32
      %dma_start3A_173 = arith.constant 0 : i32
      %dma_start3A_174 = tpu.memref_slice %arg8[%dma_start3A_172, %dma_start3A_173] : memref<8x128xi32, #tpu.memory_space<vmem>> -> memref<1x128xi32, #tpu.memory_space<vmem>>
      %dma_start3A_175 = tpu.memref_squeeze %dma_start3A_174 : memref<1x128xi32, #tpu.memory_space<vmem>> -> memref<128xi32, #tpu.memory_space<vmem>>
      %dma_start3A_176 = arith.constant 0 : i32
      %dma_start3A_177 = arith.constant 0 : i32
      %dma_start3A_178 = tpu.memref_slice %arg13[%dma_start3A_176, %dma_start3A_177] : memref<10016x48xf32, #tpu.memory_space<vmem_shared>> -> memref<10016x48xf32, #tpu.memory_space<vmem_shared>>
      tpu.enqueue_indirect_dma source(%arg9 : memref<128x48xf32, #tpu.memory_space<vmem>>) target(%dma_start3A_178 : memref<10016x48xf32, #tpu.memory_space<vmem_shared>>) offsets(%dma_start3A_175 : memref<128xi32, #tpu.memory_space<vmem>>) semaphore(%arg15 : memref<!tpu.dma_semaphore, #tpu.memory_space<semaphore_mem>>) {add = true}
      %dma_wait3A_179 = arith.constant 4 : i32
      %dma_wait3A_180 = arith.constant 0 : i32
      %dma_wait3A_181 = tpu.memref_slice %arg8[%dma_wait3A_179, %dma_wait3A_180] : memref<8x128xi32, #tpu.memory_space<vmem>> -> memref<1x128xi32, #tpu.memory_space<vmem>>
      %dma_wait3A_182 = tpu.memref_squeeze %dma_wait3A_181 : memref<1x128xi32, #tpu.memory_space<vmem>> -> memref<128xi32, #tpu.memory_space<vmem>>
      %dma_wait3A_183 = arith.constant 0 : i32
      %dma_wait3A_184 = arith.constant 0 : i32
      %dma_wait3A_185 = tpu.memref_slice %arg13[%dma_wait3A_183, %dma_wait3A_184] : memref<10016x48xf32, #tpu.memory_space<vmem_shared>> -> memref<10016x48xf32, #tpu.memory_space<vmem_shared>>
      tpu.wait_indirect_dma semaphore(%arg15 : memref<!tpu.dma_semaphore, #tpu.memory_space<semaphore_mem>>) src(%arg9 : memref<128x48xf32, #tpu.memory_space<vmem>>) dst(%dma_wait3A_185 : memref<10016x48xf32, #tpu.memory_space<vmem_shared>>)
      %dma_wait3A_186 = arith.constant 5 : i32
      %dma_wait3A_187 = arith.constant 0 : i32
      %dma_wait3A_188 = tpu.memref_slice %arg7[%dma_wait3A_186, %dma_wait3A_187] : memref<8x128xi32, #tpu.memory_space<vmem>> -> memref<1x128xi32, #tpu.memory_space<vmem>>
      %dma_wait3A_189 = tpu.memref_squeeze %dma_wait3A_188 : memref<1x128xi32, #tpu.memory_space<vmem>> -> memref<128xi32, #tpu.memory_space<vmem>>
      %dma_wait3A_190 = arith.constant 0 : i32
      %dma_wait3A_191 = arith.constant 0 : i32
      %dma_wait3A_192 = tpu.memref_slice %arg2[%dma_wait3A_190, %dma_wait3A_191] : memref<10000x48xf32, #tpu.memory_space<hbm>> -> memref<10000x48xf32, #tpu.memory_space<hbm>>
      tpu.wait_indirect_dma semaphore(%arg14 : memref<!tpu.dma_semaphore, #tpu.memory_space<semaphore_mem>>) src(%dma_wait3A_192 : memref<10000x48xf32, #tpu.memory_space<hbm>>) dst(%arg10 : memref<128x48xf32, #tpu.memory_space<vmem>>)
      %dma_start3A_193 = arith.constant 5 : i32
      %dma_start3A_194 = arith.constant 0 : i32
      %dma_start3A_195 = tpu.memref_slice %arg8[%dma_start3A_193, %dma_start3A_194] : memref<8x128xi32, #tpu.memory_space<vmem>> -> memref<1x128xi32, #tpu.memory_space<vmem>>
      %dma_start3A_196 = tpu.memref_squeeze %dma_start3A_195 : memref<1x128xi32, #tpu.memory_space<vmem>> -> memref<128xi32, #tpu.memory_space<vmem>>
      %dma_start3A_197 = arith.constant 0 : i32
      %dma_start3A_198 = arith.constant 0 : i32
      %dma_start3A_199 = tpu.memref_slice %arg13[%dma_start3A_197, %dma_start3A_198] : memref<10016x48xf32, #tpu.memory_space<vmem_shared>> -> memref<10016x48xf32, #tpu.memory_space<vmem_shared>>
      tpu.enqueue_indirect_dma source(%arg10 : memref<128x48xf32, #tpu.memory_space<vmem>>) target(%dma_start3A_199 : memref<10016x48xf32, #tpu.memory_space<vmem_shared>>) offsets(%dma_start3A_196 : memref<128xi32, #tpu.memory_space<vmem>>) semaphore(%arg15 : memref<!tpu.dma_semaphore, #tpu.memory_space<semaphore_mem>>) {add = true}
      %dma_wait3A_200 = arith.constant 5 : i32
      %dma_wait3A_201 = arith.constant 0 : i32
      %dma_wait3A_202 = tpu.memref_slice %arg8[%dma_wait3A_200, %dma_wait3A_201] : memref<8x128xi32, #tpu.memory_space<vmem>> -> memref<1x128xi32, #tpu.memory_space<vmem>>
      %dma_wait3A_203 = tpu.memref_squeeze %dma_wait3A_202 : memref<1x128xi32, #tpu.memory_space<vmem>> -> memref<128xi32, #tpu.memory_space<vmem>>
      %dma_wait3A_204 = arith.constant 0 : i32
      %dma_wait3A_205 = arith.constant 0 : i32
      %dma_wait3A_206 = tpu.memref_slice %arg13[%dma_wait3A_204, %dma_wait3A_205] : memref<10016x48xf32, #tpu.memory_space<vmem_shared>> -> memref<10016x48xf32, #tpu.memory_space<vmem_shared>>
      tpu.wait_indirect_dma semaphore(%arg15 : memref<!tpu.dma_semaphore, #tpu.memory_space<semaphore_mem>>) src(%arg10 : memref<128x48xf32, #tpu.memory_space<vmem>>) dst(%dma_wait3A_206 : memref<10016x48xf32, #tpu.memory_space<vmem_shared>>)
      %dma_wait3A_207 = arith.constant 6 : i32
      %dma_wait3A_208 = arith.constant 0 : i32
      %dma_wait3A_209 = tpu.memref_slice %arg7[%dma_wait3A_207, %dma_wait3A_208] : memref<8x128xi32, #tpu.memory_space<vmem>> -> memref<1x128xi32, #tpu.memory_space<vmem>>
      %dma_wait3A_210 = tpu.memref_squeeze %dma_wait3A_209 : memref<1x128xi32, #tpu.memory_space<vmem>> -> memref<128xi32, #tpu.memory_space<vmem>>
      %dma_wait3A_211 = arith.constant 0 : i32
      %dma_wait3A_212 = arith.constant 0 : i32
      %dma_wait3A_213 = tpu.memref_slice %arg2[%dma_wait3A_211, %dma_wait3A_212] : memref<10000x48xf32, #tpu.memory_space<hbm>> -> memref<10000x48xf32, #tpu.memory_space<hbm>>
      tpu.wait_indirect_dma semaphore(%arg14 : memref<!tpu.dma_semaphore, #tpu.memory_space<semaphore_mem>>) src(%dma_wait3A_213 : memref<10000x48xf32, #tpu.memory_space<hbm>>) dst(%arg11 : memref<128x48xf32, #tpu.memory_space<vmem>>)
      %dma_start3A_214 = arith.constant 6 : i32
      %dma_start3A_215 = arith.constant 0 : i32
      %dma_start3A_216 = tpu.memref_slice %arg8[%dma_start3A_214, %dma_start3A_215] : memref<8x128xi32, #tpu.memory_space<vmem>> -> memref<1x128xi32, #tpu.memory_space<vmem>>
      %dma_start3A_217 = tpu.memref_squeeze %dma_start3A_216 : memref<1x128xi32, #tpu.memory_space<vmem>> -> memref<128xi32, #tpu.memory_space<vmem>>
      %dma_start3A_218 = arith.constant 0 : i32
      %dma_start3A_219 = arith.constant 0 : i32
      %dma_start3A_220 = tpu.memref_slice %arg13[%dma_start3A_218, %dma_start3A_219] : memref<10016x48xf32, #tpu.memory_space<vmem_shared>> -> memref<10016x48xf32, #tpu.memory_space<vmem_shared>>
      tpu.enqueue_indirect_dma source(%arg11 : memref<128x48xf32, #tpu.memory_space<vmem>>) target(%dma_start3A_220 : memref<10016x48xf32, #tpu.memory_space<vmem_shared>>) offsets(%dma_start3A_217 : memref<128xi32, #tpu.memory_space<vmem>>) semaphore(%arg15 : memref<!tpu.dma_semaphore, #tpu.memory_space<semaphore_mem>>) {add = true}
      %dma_wait3A_221 = arith.constant 6 : i32
      %dma_wait3A_222 = arith.constant 0 : i32
      %dma_wait3A_223 = tpu.memref_slice %arg8[%dma_wait3A_221, %dma_wait3A_222] : memref<8x128xi32, #tpu.memory_space<vmem>> -> memref<1x128xi32, #tpu.memory_space<vmem>>
      %dma_wait3A_224 = tpu.memref_squeeze %dma_wait3A_223 : memref<1x128xi32, #tpu.memory_space<vmem>> -> memref<128xi32, #tpu.memory_space<vmem>>
      %dma_wait3A_225 = arith.constant 0 : i32
      %dma_wait3A_226 = arith.constant 0 : i32
      %dma_wait3A_227 = tpu.memref_slice %arg13[%dma_wait3A_225, %dma_wait3A_226] : memref<10016x48xf32, #tpu.memory_space<vmem_shared>> -> memref<10016x48xf32, #tpu.memory_space<vmem_shared>>
      tpu.wait_indirect_dma semaphore(%arg15 : memref<!tpu.dma_semaphore, #tpu.memory_space<semaphore_mem>>) src(%arg11 : memref<128x48xf32, #tpu.memory_space<vmem>>) dst(%dma_wait3A_227 : memref<10016x48xf32, #tpu.memory_space<vmem_shared>>)
      %dma_wait3A_228 = arith.constant 7 : i32
      %dma_wait3A_229 = arith.constant 0 : i32
      %dma_wait3A_230 = tpu.memref_slice %arg7[%dma_wait3A_228, %dma_wait3A_229] : memref<8x128xi32, #tpu.memory_space<vmem>> -> memref<1x128xi32, #tpu.memory_space<vmem>>
      %dma_wait3A_231 = tpu.memref_squeeze %dma_wait3A_230 : memref<1x128xi32, #tpu.memory_space<vmem>> -> memref<128xi32, #tpu.memory_space<vmem>>
      %dma_wait3A_232 = arith.constant 0 : i32
      %dma_wait3A_233 = arith.constant 0 : i32
      %dma_wait3A_234 = tpu.memref_slice %arg2[%dma_wait3A_232, %dma_wait3A_233] : memref<10000x48xf32, #tpu.memory_space<hbm>> -> memref<10000x48xf32, #tpu.memory_space<hbm>>
      tpu.wait_indirect_dma semaphore(%arg14 : memref<!tpu.dma_semaphore, #tpu.memory_space<semaphore_mem>>) src(%dma_wait3A_234 : memref<10000x48xf32, #tpu.memory_space<hbm>>) dst(%arg12 : memref<128x48xf32, #tpu.memory_space<vmem>>)
      %dma_start3A_235 = arith.constant 7 : i32
      %dma_start3A_236 = arith.constant 0 : i32
      %dma_start3A_237 = tpu.memref_slice %arg8[%dma_start3A_235, %dma_start3A_236] : memref<8x128xi32, #tpu.memory_space<vmem>> -> memref<1x128xi32, #tpu.memory_space<vmem>>
      %dma_start3A_238 = tpu.memref_squeeze %dma_start3A_237 : memref<1x128xi32, #tpu.memory_space<vmem>> -> memref<128xi32, #tpu.memory_space<vmem>>
      %dma_start3A_239 = arith.constant 0 : i32
      %dma_start3A_240 = arith.constant 0 : i32
      %dma_start3A_241 = tpu.memref_slice %arg13[%dma_start3A_239, %dma_start3A_240] : memref<10016x48xf32, #tpu.memory_space<vmem_shared>> -> memref<10016x48xf32, #tpu.memory_space<vmem_shared>>
      tpu.enqueue_indirect_dma source(%arg12 : memref<128x48xf32, #tpu.memory_space<vmem>>) target(%dma_start3A_241 : memref<10016x48xf32, #tpu.memory_space<vmem_shared>>) offsets(%dma_start3A_238 : memref<128xi32, #tpu.memory_space<vmem>>) semaphore(%arg15 : memref<!tpu.dma_semaphore, #tpu.memory_space<semaphore_mem>>) {add = true}
      %dma_wait3A_242 = arith.constant 7 : i32
      %dma_wait3A_243 = arith.constant 0 : i32
      %dma_wait3A_244 = tpu.memref_slice %arg8[%dma_wait3A_242, %dma_wait3A_243] : memref<8x128xi32, #tpu.memory_space<vmem>> -> memref<1x128xi32, #tpu.memory_space<vmem>>
      %dma_wait3A_245 = tpu.memref_squeeze %dma_wait3A_244 : memref<1x128xi32, #tpu.memory_space<vmem>> -> memref<128xi32, #tpu.memory_space<vmem>>
      %dma_wait3A_246 = arith.constant 0 : i32
      %dma_wait3A_247 = arith.constant 0 : i32
      %dma_wait3A_248 = tpu.memref_slice %arg13[%dma_wait3A_246, %dma_wait3A_247] : memref<10016x48xf32, #tpu.memory_space<vmem_shared>> -> memref<10016x48xf32, #tpu.memory_space<vmem_shared>>
      tpu.wait_indirect_dma semaphore(%arg15 : memref<!tpu.dma_semaphore, #tpu.memory_space<semaphore_mem>>) src(%arg12 : memref<128x48xf32, #tpu.memory_space<vmem>>) dst(%dma_wait3A_248 : memref<10016x48xf32, #tpu.memory_space<vmem_shared>>)
    }
    %while3A_18 = arith.constant 1 : i32
    scf.for %while3A_20 = %while3A_16 to %while3A_12 step %while3A_18  : i32 {
      %mul3A_21 = arith.muli %while3A_20, %while3A : i32
      %add3A_22 = arith.addi %select_n3A, %mul3A_21 : i32
      %mul3A_23 = arith.constant 8 : i32
      %mul3A_24 = arith.muli %add3A_22, %mul3A_23 : i32
      "tpu.region"() ({
        %run_scoped3A = tpu.sem_alloc : memref<!tpu.dma_semaphore, #tpu.memory_space<semaphore_mem>>
        %dma_start3A_249 = arith.constant 0 : i32
        %dma_start3A_250 = tpu.memref_slice %arg3[%arg1, %mul3A_24, %dma_start3A_249] : memref<16x160x128xi32, #tpu.memory_space<hbm>> -> memref<1x8x128xi32, #tpu.memory_space<hbm>>
        %dma_start3A_251 = tpu.memref_squeeze %dma_start3A_250 : memref<1x8x128xi32, #tpu.memory_space<hbm>> -> memref<8x128xi32, #tpu.memory_space<hbm>>
        %dma_start3A_252 = arith.constant 0 : i32
        %dma_start3A_253 = tpu.memref_slice %arg3[%arg1, %mul3A_24, %dma_start3A_252] : memref<16x160x128xi32, #tpu.memory_space<hbm>> -> memref<1x8x128xi32, #tpu.memory_space<hbm>>
        %dma_start3A_254 = tpu.memref_squeeze %dma_start3A_253 : memref<1x8x128xi32, #tpu.memory_space<hbm>> -> memref<8x128xi32, #tpu.memory_space<hbm>>
        tpu.enqueue_dma source(%dma_start3A_254 : memref<8x128xi32, #tpu.memory_space<hbm>>) target(%arg7 : memref<8x128xi32, #tpu.memory_space<vmem>>) target_semaphore(%run_scoped3A : memref<!tpu.dma_semaphore, #tpu.memory_space<semaphore_mem>>)
        %dma_wait3A_255 = arith.constant 0 : i32
        %dma_wait3A_256 = tpu.memref_slice %arg3[%arg1, %mul3A_24, %dma_wait3A_255] : memref<16x160x128xi32, #tpu.memory_space<hbm>> -> memref<1x8x128xi32, #tpu.memory_space<hbm>>
        %dma_wait3A_257 = tpu.memref_squeeze %dma_wait3A_256 : memref<1x8x128xi32, #tpu.memory_space<hbm>> -> memref<8x128xi32, #tpu.memory_space<hbm>>
        %dma_wait3A_258 = arith.constant 0 : i32
        %dma_wait3A_259 = tpu.memref_slice %arg3[%arg1, %mul3A_24, %dma_wait3A_258] : memref<16x160x128xi32, #tpu.memory_space<hbm>> -> memref<1x8x128xi32, #tpu.memory_space<hbm>>
        %dma_wait3A_260 = tpu.memref_squeeze %dma_wait3A_259 : memref<1x8x128xi32, #tpu.memory_space<hbm>> -> memref<8x128xi32, #tpu.memory_space<hbm>>
        tpu.wait_dma2 semaphore(%run_scoped3A : memref<!tpu.dma_semaphore, #tpu.memory_space<semaphore_mem>>) src(%dma_wait3A_260 : memref<8x128xi32, #tpu.memory_space<hbm>>) dst(%arg7 : memref<8x128xi32, #tpu.memory_space<vmem>>)
        tpu.yield
      }) : () -> ()
      %mul3A_25 = arith.constant 8 : i32
      %mul3A_26 = arith.muli %add3A_22, %mul3A_25 : i32
      "tpu.region"() ({
        %run_scoped3A = tpu.sem_alloc : memref<!tpu.dma_semaphore, #tpu.memory_space<semaphore_mem>>
        %dma_start3A_249 = arith.constant 0 : i32
        %dma_start3A_250 = tpu.memref_slice %arg4[%arg1, %mul3A_26, %dma_start3A_249] : memref<16x160x128xi32, #tpu.memory_space<hbm>> -> memref<1x8x128xi32, #tpu.memory_space<hbm>>
        %dma_start3A_251 = tpu.memref_squeeze %dma_start3A_250 : memref<1x8x128xi32, #tpu.memory_space<hbm>> -> memref<8x128xi32, #tpu.memory_space<hbm>>
        %dma_start3A_252 = arith.constant 0 : i32
        %dma_start3A_253 = tpu.memref_slice %arg4[%arg1, %mul3A_26, %dma_start3A_252] : memref<16x160x128xi32, #tpu.memory_space<hbm>> -> memref<1x8x128xi32, #tpu.memory_space<hbm>>
        %dma_start3A_254 = tpu.memref_squeeze %dma_start3A_253 : memref<1x8x128xi32, #tpu.memory_space<hbm>> -> memref<8x128xi32, #tpu.memory_space<hbm>>
        tpu.enqueue_dma source(%dma_start3A_254 : memref<8x128xi32, #tpu.memory_space<hbm>>) target(%arg8 : memref<8x128xi32, #tpu.memory_space<vmem>>) target_semaphore(%run_scoped3A : memref<!tpu.dma_semaphore, #tpu.memory_space<semaphore_mem>>)
        %dma_wait3A_255 = arith.constant 0 : i32
        %dma_wait3A_256 = tpu.memref_slice %arg4[%arg1, %mul3A_26, %dma_wait3A_255] : memref<16x160x128xi32, #tpu.memory_space<hbm>> -> memref<1x8x128xi32, #tpu.memory_space<hbm>>
        %dma_wait3A_257 = tpu.memref_squeeze %dma_wait3A_256 : memref<1x8x128xi32, #tpu.memory_space<hbm>> -> memref<8x128xi32, #tpu.memory_space<hbm>>
        %dma_wait3A_258 = arith.constant 0 : i32
        %dma_wait3A_259 = tpu.memref_slice %arg4[%arg1, %mul3A_26, %dma_wait3A_258] : memref<16x160x128xi32, #tpu.memory_space<hbm>> -> memref<1x8x128xi32, #tpu.memory_space<hbm>>
        %dma_wait3A_260 = tpu.memref_squeeze %dma_wait3A_259 : memref<1x8x128xi32, #tpu.memory_space<hbm>> -> memref<8x128xi32, #tpu.memory_space<hbm>>
        tpu.wait_dma2 semaphore(%run_scoped3A : memref<!tpu.dma_semaphore, #tpu.memory_space<semaphore_mem>>) src(%dma_wait3A_260 : memref<8x128xi32, #tpu.memory_space<hbm>>) dst(%arg8 : memref<8x128xi32, #tpu.memory_space<vmem>>)
        tpu.yield
      }) : () -> ()
      %dma_start3A = arith.constant 0 : i32
      %dma_start3A_27 = arith.constant 0 : i32
      %dma_start3A_28 = tpu.memref_slice %arg7[%dma_start3A, %dma_start3A_27] : memref<8x128xi32, #tpu.memory_space<vmem>> -> memref<1x128xi32, #tpu.memory_space<vmem>>
      %dma_start3A_29 = tpu.memref_squeeze %dma_start3A_28 : memref<1x128xi32, #tpu.memory_space<vmem>> -> memref<128xi32, #tpu.memory_space<vmem>>
      %dma_start3A_30 = arith.constant 0 : i32
      %dma_start3A_31 = arith.constant 0 : i32
      %dma_start3A_32 = tpu.memref_slice %arg2[%dma_start3A_30, %dma_start3A_31] : memref<10000x48xf32, #tpu.memory_space<hbm>> -> memref<10000x48xf32, #tpu.memory_space<hbm>>
      tpu.enqueue_indirect_dma source(%dma_start3A_32 : memref<10000x48xf32, #tpu.memory_space<hbm>>) target(%arg9 : memref<128x48xf32, #tpu.memory_space<vmem>>) offsets(%dma_start3A_29 : memref<128xi32, #tpu.memory_space<vmem>>) semaphore(%arg14 : memref<!tpu.dma_semaphore, #tpu.memory_space<semaphore_mem>>)
      %dma_start3A_33 = arith.constant 1 : i32
      %dma_start3A_34 = arith.constant 0 : i32
      %dma_start3A_35 = tpu.memref_slice %arg7[%dma_start3A_33, %dma_start3A_34] : memref<8x128xi32, #tpu.memory_space<vmem>> -> memref<1x128xi32, #tpu.memory_space<vmem>>
      %dma_start3A_36 = tpu.memref_squeeze %dma_start3A_35 : memref<1x128xi32, #tpu.memory_space<vmem>> -> memref<128xi32, #tpu.memory_space<vmem>>
      %dma_start3A_37 = arith.constant 0 : i32
      %dma_start3A_38 = arith.constant 0 : i32
      %dma_start3A_39 = tpu.memref_slice %arg2[%dma_start3A_37, %dma_start3A_38] : memref<10000x48xf32, #tpu.memory_space<hbm>> -> memref<10000x48xf32, #tpu.memory_space<hbm>>
      tpu.enqueue_indirect_dma source(%dma_start3A_39 : memref<10000x48xf32, #tpu.memory_space<hbm>>) target(%arg10 : memref<128x48xf32, #tpu.memory_space<vmem>>) offsets(%dma_start3A_36 : memref<128xi32, #tpu.memory_space<vmem>>) semaphore(%arg14 : memref<!tpu.dma_semaphore, #tpu.memory_space<semaphore_mem>>)
      %dma_start3A_40 = arith.constant 2 : i32
      %dma_start3A_41 = arith.constant 0 : i32
      %dma_start3A_42 = tpu.memref_slice %arg7[%dma_start3A_40, %dma_start3A_41] : memref<8x128xi32, #tpu.memory_space<vmem>> -> memref<1x128xi32, #tpu.memory_space<vmem>>
      %dma_start3A_43 = tpu.memref_squeeze %dma_start3A_42 : memref<1x128xi32, #tpu.memory_space<vmem>> -> memref<128xi32, #tpu.memory_space<vmem>>
      %dma_start3A_44 = arith.constant 0 : i32
      %dma_start3A_45 = arith.constant 0 : i32
      %dma_start3A_46 = tpu.memref_slice %arg2[%dma_start3A_44, %dma_start3A_45] : memref<10000x48xf32, #tpu.memory_space<hbm>> -> memref<10000x48xf32, #tpu.memory_space<hbm>>
      tpu.enqueue_indirect_dma source(%dma_start3A_46 : memref<10000x48xf32, #tpu.memory_space<hbm>>) target(%arg11 : memref<128x48xf32, #tpu.memory_space<vmem>>) offsets(%dma_start3A_43 : memref<128xi32, #tpu.memory_space<vmem>>) semaphore(%arg14 : memref<!tpu.dma_semaphore, #tpu.memory_space<semaphore_mem>>)
      %dma_start3A_47 = arith.constant 3 : i32
      %dma_start3A_48 = arith.constant 0 : i32
      %dma_start3A_49 = tpu.memref_slice %arg7[%dma_start3A_47, %dma_start3A_48] : memref<8x128xi32, #tpu.memory_space<vmem>> -> memref<1x128xi32, #tpu.memory_space<vmem>>
      %dma_start3A_50 = tpu.memref_squeeze %dma_start3A_49 : memref<1x128xi32, #tpu.memory_space<vmem>> -> memref<128xi32, #tpu.memory_space<vmem>>
      %dma_start3A_51 = arith.constant 0 : i32
      %dma_start3A_52 = arith.constant 0 : i32
      %dma_start3A_53 = tpu.memref_slice %arg2[%dma_start3A_51, %dma_start3A_52] : memref<10000x48xf32, #tpu.memory_space<hbm>> -> memref<10000x48xf32, #tpu.memory_space<hbm>>
      tpu.enqueue_indirect_dma source(%dma_start3A_53 : memref<10000x48xf32, #tpu.memory_space<hbm>>) target(%arg12 : memref<128x48xf32, #tpu.memory_space<vmem>>) offsets(%dma_start3A_50 : memref<128xi32, #tpu.memory_space<vmem>>) semaphore(%arg14 : memref<!tpu.dma_semaphore, #tpu.memory_space<semaphore_mem>>)
      %dma_wait3A = arith.constant 0 : i32
      %dma_wait3A_54 = arith.constant 0 : i32
      %dma_wait3A_55 = tpu.memref_slice %arg7[%dma_wait3A, %dma_wait3A_54] : memref<8x128xi32, #tpu.memory_space<vmem>> -> memref<1x128xi32, #tpu.memory_space<vmem>>
      %dma_wait3A_56 = tpu.memref_squeeze %dma_wait3A_55 : memref<1x128xi32, #tpu.memory_space<vmem>> -> memref<128xi32, #tpu.memory_space<vmem>>
      %dma_wait3A_57 = arith.constant 0 : i32
      %dma_wait3A_58 = arith.constant 0 : i32
      %dma_wait3A_59 = tpu.memref_slice %arg2[%dma_wait3A_57, %dma_wait3A_58] : memref<10000x48xf32, #tpu.memory_space<hbm>> -> memref<10000x48xf32, #tpu.memory_space<hbm>>
      tpu.wait_indirect_dma semaphore(%arg14 : memref<!tpu.dma_semaphore, #tpu.memory_space<semaphore_mem>>) src(%dma_wait3A_59 : memref<10000x48xf32, #tpu.memory_space<hbm>>) dst(%arg9 : memref<128x48xf32, #tpu.memory_space<vmem>>)
      %dma_start3A_60 = arith.constant 0 : i32
      %dma_start3A_61 = arith.constant 0 : i32
      %dma_start3A_62 = tpu.memref_slice %arg8[%dma_start3A_60, %dma_start3A_61] : memref<8x128xi32, #tpu.memory_space<vmem>> -> memref<1x128xi32, #tpu.memory_space<vmem>>
      %dma_start3A_63 = tpu.memref_squeeze %dma_start3A_62 : memref<1x128xi32, #tpu.memory_space<vmem>> -> memref<128xi32, #tpu.memory_space<vmem>>
      %dma_start3A_64 = arith.constant 0 : i32
      %dma_start3A_65 = arith.constant 0 : i32
      %dma_start3A_66 = tpu.memref_slice %arg13[%dma_start3A_64, %dma_start3A_65] : memref<10016x48xf32, #tpu.memory_space<vmem_shared>> -> memref<10016x48xf32, #tpu.memory_space<vmem_shared>>
      tpu.enqueue_indirect_dma source(%arg9 : memref<128x48xf32, #tpu.memory_space<vmem>>) target(%dma_start3A_66 : memref<10016x48xf32, #tpu.memory_space<vmem_shared>>) offsets(%dma_start3A_63 : memref<128xi32, #tpu.memory_space<vmem>>) semaphore(%arg15 : memref<!tpu.dma_semaphore, #tpu.memory_space<semaphore_mem>>) {add = true}
      %dma_wait3A_67 = arith.constant 0 : i32
      %dma_wait3A_68 = arith.constant 0 : i32
      %dma_wait3A_69 = tpu.memref_slice %arg8[%dma_wait3A_67, %dma_wait3A_68] : memref<8x128xi32, #tpu.memory_space<vmem>> -> memref<1x128xi32, #tpu.memory_space<vmem>>
      %dma_wait3A_70 = tpu.memref_squeeze %dma_wait3A_69 : memref<1x128xi32, #tpu.memory_space<vmem>> -> memref<128xi32, #tpu.memory_space<vmem>>
      %dma_wait3A_71 = arith.constant 0 : i32
      %dma_wait3A_72 = arith.constant 0 : i32
      %dma_wait3A_73 = tpu.memref_slice %arg13[%dma_wait3A_71, %dma_wait3A_72] : memref<10016x48xf32, #tpu.memory_space<vmem_shared>> -> memref<10016x48xf32, #tpu.memory_space<vmem_shared>>
      tpu.wait_indirect_dma semaphore(%arg15 : memref<!tpu.dma_semaphore, #tpu.memory_space<semaphore_mem>>) src(%arg9 : memref<128x48xf32, #tpu.memory_space<vmem>>) dst(%dma_wait3A_73 : memref<10016x48xf32, #tpu.memory_space<vmem_shared>>)
      %dma_start3A_74 = arith.constant 4 : i32
      %dma_start3A_75 = arith.constant 0 : i32
      %dma_start3A_76 = tpu.memref_slice %arg7[%dma_start3A_74, %dma_start3A_75] : memref<8x128xi32, #tpu.memory_space<vmem>> -> memref<1x128xi32, #tpu.memory_space<vmem>>
      %dma_start3A_77 = tpu.memref_squeeze %dma_start3A_76 : memref<1x128xi32, #tpu.memory_space<vmem>> -> memref<128xi32, #tpu.memory_space<vmem>>
      %dma_start3A_78 = arith.constant 0 : i32
      %dma_start3A_79 = arith.constant 0 : i32
      %dma_start3A_80 = tpu.memref_slice %arg2[%dma_start3A_78, %dma_start3A_79] : memref<10000x48xf32, #tpu.memory_space<hbm>> -> memref<10000x48xf32, #tpu.memory_space<hbm>>
      tpu.enqueue_indirect_dma source(%dma_start3A_80 : memref<10000x48xf32, #tpu.memory_space<hbm>>) target(%arg9 : memref<128x48xf32, #tpu.memory_space<vmem>>) offsets(%dma_start3A_77 : memref<128xi32, #tpu.memory_space<vmem>>) semaphore(%arg14 : memref<!tpu.dma_semaphore, #tpu.memory_space<semaphore_mem>>)
      %dma_wait3A_81 = arith.constant 1 : i32
      %dma_wait3A_82 = arith.constant 0 : i32
      %dma_wait3A_83 = tpu.memref_slice %arg7[%dma_wait3A_81, %dma_wait3A_82] : memref<8x128xi32, #tpu.memory_space<vmem>> -> memref<1x128xi32, #tpu.memory_space<vmem>>
      %dma_wait3A_84 = tpu.memref_squeeze %dma_wait3A_83 : memref<1x128xi32, #tpu.memory_space<vmem>> -> memref<128xi32, #tpu.memory_space<vmem>>
      %dma_wait3A_85 = arith.constant 0 : i32
      %dma_wait3A_86 = arith.constant 0 : i32
      %dma_wait3A_87 = tpu.memref_slice %arg2[%dma_wait3A_85, %dma_wait3A_86] : memref<10000x48xf32, #tpu.memory_space<hbm>> -> memref<10000x48xf32, #tpu.memory_space<hbm>>
      tpu.wait_indirect_dma semaphore(%arg14 : memref<!tpu.dma_semaphore, #tpu.memory_space<semaphore_mem>>) src(%dma_wait3A_87 : memref<10000x48xf32, #tpu.memory_space<hbm>>) dst(%arg10 : memref<128x48xf32, #tpu.memory_space<vmem>>)
      %dma_start3A_88 = arith.constant 1 : i32
      %dma_start3A_89 = arith.constant 0 : i32
      %dma_start3A_90 = tpu.memref_slice %arg8[%dma_start3A_88, %dma_start3A_89] : memref<8x128xi32, #tpu.memory_space<vmem>> -> memref<1x128xi32, #tpu.memory_space<vmem>>
      %dma_start3A_91 = tpu.memref_squeeze %dma_start3A_90 : memref<1x128xi32, #tpu.memory_space<vmem>> -> memref<128xi32, #tpu.memory_space<vmem>>
      %dma_start3A_92 = arith.constant 0 : i32
      %dma_start3A_93 = arith.constant 0 : i32
      %dma_start3A_94 = tpu.memref_slice %arg13[%dma_start3A_92, %dma_start3A_93] : memref<10016x48xf32, #tpu.memory_space<vmem_shared>> -> memref<10016x48xf32, #tpu.memory_space<vmem_shared>>
      tpu.enqueue_indirect_dma source(%arg10 : memref<128x48xf32, #tpu.memory_space<vmem>>) target(%dma_start3A_94 : memref<10016x48xf32, #tpu.memory_space<vmem_shared>>) offsets(%dma_start3A_91 : memref<128xi32, #tpu.memory_space<vmem>>) semaphore(%arg15 : memref<!tpu.dma_semaphore, #tpu.memory_space<semaphore_mem>>) {add = true}
      %dma_wait3A_95 = arith.constant 1 : i32
      %dma_wait3A_96 = arith.constant 0 : i32
      %dma_wait3A_97 = tpu.memref_slice %arg8[%dma_wait3A_95, %dma_wait3A_96] : memref<8x128xi32, #tpu.memory_space<vmem>> -> memref<1x128xi32, #tpu.memory_space<vmem>>
      %dma_wait3A_98 = tpu.memref_squeeze %dma_wait3A_97 : memref<1x128xi32, #tpu.memory_space<vmem>> -> memref<128xi32, #tpu.memory_space<vmem>>
      %dma_wait3A_99 = arith.constant 0 : i32
      %dma_wait3A_100 = arith.constant 0 : i32
      %dma_wait3A_101 = tpu.memref_slice %arg13[%dma_wait3A_99, %dma_wait3A_100] : memref<10016x48xf32, #tpu.memory_space<vmem_shared>> -> memref<10016x48xf32, #tpu.memory_space<vmem_shared>>
      tpu.wait_indirect_dma semaphore(%arg15 : memref<!tpu.dma_semaphore, #tpu.memory_space<semaphore_mem>>) src(%arg10 : memref<128x48xf32, #tpu.memory_space<vmem>>) dst(%dma_wait3A_101 : memref<10016x48xf32, #tpu.memory_space<vmem_shared>>)
      %dma_start3A_102 = arith.constant 5 : i32
      %dma_start3A_103 = arith.constant 0 : i32
      %dma_start3A_104 = tpu.memref_slice %arg7[%dma_start3A_102, %dma_start3A_103] : memref<8x128xi32, #tpu.memory_space<vmem>> -> memref<1x128xi32, #tpu.memory_space<vmem>>
      %dma_start3A_105 = tpu.memref_squeeze %dma_start3A_104 : memref<1x128xi32, #tpu.memory_space<vmem>> -> memref<128xi32, #tpu.memory_space<vmem>>
      %dma_start3A_106 = arith.constant 0 : i32
      %dma_start3A_107 = arith.constant 0 : i32
      %dma_start3A_108 = tpu.memref_slice %arg2[%dma_start3A_106, %dma_start3A_107] : memref<10000x48xf32, #tpu.memory_space<hbm>> -> memref<10000x48xf32, #tpu.memory_space<hbm>>
      tpu.enqueue_indirect_dma source(%dma_start3A_108 : memref<10000x48xf32, #tpu.memory_space<hbm>>) target(%arg10 : memref<128x48xf32, #tpu.memory_space<vmem>>) offsets(%dma_start3A_105 : memref<128xi32, #tpu.memory_space<vmem>>) semaphore(%arg14 : memref<!tpu.dma_semaphore, #tpu.memory_space<semaphore_mem>>)
      %dma_wait3A_109 = arith.constant 2 : i32
      %dma_wait3A_110 = arith.constant 0 : i32
      %dma_wait3A_111 = tpu.memref_slice %arg7[%dma_wait3A_109, %dma_wait3A_110] : memref<8x128xi32, #tpu.memory_space<vmem>> -> memref<1x128xi32, #tpu.memory_space<vmem>>
      %dma_wait3A_112 = tpu.memref_squeeze %dma_wait3A_111 : memref<1x128xi32, #tpu.memory_space<vmem>> -> memref<128xi32, #tpu.memory_space<vmem>>
      %dma_wait3A_113 = arith.constant 0 : i32
      %dma_wait3A_114 = arith.constant 0 : i32
      %dma_wait3A_115 = tpu.memref_slice %arg2[%dma_wait3A_113, %dma_wait3A_114] : memref<10000x48xf32, #tpu.memory_space<hbm>> -> memref<10000x48xf32, #tpu.memory_space<hbm>>
      tpu.wait_indirect_dma semaphore(%arg14 : memref<!tpu.dma_semaphore, #tpu.memory_space<semaphore_mem>>) src(%dma_wait3A_115 : memref<10000x48xf32, #tpu.memory_space<hbm>>) dst(%arg11 : memref<128x48xf32, #tpu.memory_space<vmem>>)
      %dma_start3A_116 = arith.constant 2 : i32
      %dma_start3A_117 = arith.constant 0 : i32
      %dma_start3A_118 = tpu.memref_slice %arg8[%dma_start3A_116, %dma_start3A_117] : memref<8x128xi32, #tpu.memory_space<vmem>> -> memref<1x128xi32, #tpu.memory_space<vmem>>
      %dma_start3A_119 = tpu.memref_squeeze %dma_start3A_118 : memref<1x128xi32, #tpu.memory_space<vmem>> -> memref<128xi32, #tpu.memory_space<vmem>>
      %dma_start3A_120 = arith.constant 0 : i32
      %dma_start3A_121 = arith.constant 0 : i32
      %dma_start3A_122 = tpu.memref_slice %arg13[%dma_start3A_120, %dma_start3A_121] : memref<10016x48xf32, #tpu.memory_space<vmem_shared>> -> memref<10016x48xf32, #tpu.memory_space<vmem_shared>>
      tpu.enqueue_indirect_dma source(%arg11 : memref<128x48xf32, #tpu.memory_space<vmem>>) target(%dma_start3A_122 : memref<10016x48xf32, #tpu.memory_space<vmem_shared>>) offsets(%dma_start3A_119 : memref<128xi32, #tpu.memory_space<vmem>>) semaphore(%arg15 : memref<!tpu.dma_semaphore, #tpu.memory_space<semaphore_mem>>) {add = true}
      %dma_wait3A_123 = arith.constant 2 : i32
      %dma_wait3A_124 = arith.constant 0 : i32
      %dma_wait3A_125 = tpu.memref_slice %arg8[%dma_wait3A_123, %dma_wait3A_124] : memref<8x128xi32, #tpu.memory_space<vmem>> -> memref<1x128xi32, #tpu.memory_space<vmem>>
      %dma_wait3A_126 = tpu.memref_squeeze %dma_wait3A_125 : memref<1x128xi32, #tpu.memory_space<vmem>> -> memref<128xi32, #tpu.memory_space<vmem>>
      %dma_wait3A_127 = arith.constant 0 : i32
      %dma_wait3A_128 = arith.constant 0 : i32
      %dma_wait3A_129 = tpu.memref_slice %arg13[%dma_wait3A_127, %dma_wait3A_128] : memref<10016x48xf32, #tpu.memory_space<vmem_shared>> -> memref<10016x48xf32, #tpu.memory_space<vmem_shared>>
      tpu.wait_indirect_dma semaphore(%arg15 : memref<!tpu.dma_semaphore, #tpu.memory_space<semaphore_mem>>) src(%arg11 : memref<128x48xf32, #tpu.memory_space<vmem>>) dst(%dma_wait3A_129 : memref<10016x48xf32, #tpu.memory_space<vmem_shared>>)
      %dma_start3A_130 = arith.constant 6 : i32
      %dma_start3A_131 = arith.constant 0 : i32
      %dma_start3A_132 = tpu.memref_slice %arg7[%dma_start3A_130, %dma_start3A_131] : memref<8x128xi32, #tpu.memory_space<vmem>> -> memref<1x128xi32, #tpu.memory_space<vmem>>
      %dma_start3A_133 = tpu.memref_squeeze %dma_start3A_132 : memref<1x128xi32, #tpu.memory_space<vmem>> -> memref<128xi32, #tpu.memory_space<vmem>>
      %dma_start3A_134 = arith.constant 0 : i32
      %dma_start3A_135 = arith.constant 0 : i32
      %dma_start3A_136 = tpu.memref_slice %arg2[%dma_start3A_134, %dma_start3A_135] : memref<10000x48xf32, #tpu.memory_space<hbm>> -> memref<10000x48xf32, #tpu.memory_space<hbm>>
      tpu.enqueue_indirect_dma source(%dma_start3A_136 : memref<10000x48xf32, #tpu.memory_space<hbm>>) target(%arg11 : memref<128x48xf32, #tpu.memory_space<vmem>>) offsets(%dma_start3A_133 : memref<128xi32, #tpu.memory_space<vmem>>) semaphore(%arg14 : memref<!tpu.dma_semaphore, #tpu.memory_space<semaphore_mem>>)
      %dma_wait3A_137 = arith.constant 3 : i32
      %dma_wait3A_138 = arith.constant 0 : i32
      %dma_wait3A_139 = tpu.memref_slice %arg7[%dma_wait3A_137, %dma_wait3A_138] : memref<8x128xi32, #tpu.memory_space<vmem>> -> memref<1x128xi32, #tpu.memory_space<vmem>>
      %dma_wait3A_140 = tpu.memref_squeeze %dma_wait3A_139 : memref<1x128xi32, #tpu.memory_space<vmem>> -> memref<128xi32, #tpu.memory_space<vmem>>
      %dma_wait3A_141 = arith.constant 0 : i32
      %dma_wait3A_142 = arith.constant 0 : i32
      %dma_wait3A_143 = tpu.memref_slice %arg2[%dma_wait3A_141, %dma_wait3A_142] : memref<10000x48xf32, #tpu.memory_space<hbm>> -> memref<10000x48xf32, #tpu.memory_space<hbm>>
      tpu.wait_indirect_dma semaphore(%arg14 : memref<!tpu.dma_semaphore, #tpu.memory_space<semaphore_mem>>) src(%dma_wait3A_143 : memref<10000x48xf32, #tpu.memory_space<hbm>>) dst(%arg12 : memref<128x48xf32, #tpu.memory_space<vmem>>)
      %dma_start3A_144 = arith.constant 3 : i32
      %dma_start3A_145 = arith.constant 0 : i32
      %dma_start3A_146 = tpu.memref_slice %arg8[%dma_start3A_144, %dma_start3A_145] : memref<8x128xi32, #tpu.memory_space<vmem>> -> memref<1x128xi32, #tpu.memory_space<vmem>>
      %dma_start3A_147 = tpu.memref_squeeze %dma_start3A_146 : memref<1x128xi32, #tpu.memory_space<vmem>> -> memref<128xi32, #tpu.memory_space<vmem>>
      %dma_start3A_148 = arith.constant 0 : i32
      %dma_start3A_149 = arith.constant 0 : i32
      %dma_start3A_150 = tpu.memref_slice %arg13[%dma_start3A_148, %dma_start3A_149] : memref<10016x48xf32, #tpu.memory_space<vmem_shared>> -> memref<10016x48xf32, #tpu.memory_space<vmem_shared>>
      tpu.enqueue_indirect_dma source(%arg12 : memref<128x48xf32, #tpu.memory_space<vmem>>) target(%dma_start3A_150 : memref<10016x48xf32, #tpu.memory_space<vmem_shared>>) offsets(%dma_start3A_147 : memref<128xi32, #tpu.memory_space<vmem>>) semaphore(%arg15 : memref<!tpu.dma_semaphore, #tpu.memory_space<semaphore_mem>>) {add = true}
      %dma_wait3A_151 = arith.constant 3 : i32
      %dma_wait3A_152 = arith.constant 0 : i32
      %dma_wait3A_153 = tpu.memref_slice %arg8[%dma_wait3A_151, %dma_wait3A_152] : memref<8x128xi32, #tpu.memory_space<vmem>> -> memref<1x128xi32, #tpu.memory_space<vmem>>
      %dma_wait3A_154 = tpu.memref_squeeze %dma_wait3A_153 : memref<1x128xi32, #tpu.memory_space<vmem>> -> memref<128xi32, #tpu.memory_space<vmem>>
      %dma_wait3A_155 = arith.constant 0 : i32
      %dma_wait3A_156 = arith.constant 0 : i32
      %dma_wait3A_157 = tpu.memref_slice %arg13[%dma_wait3A_155, %dma_wait3A_156] : memref<10016x48xf32, #tpu.memory_space<vmem_shared>> -> memref<10016x48xf32, #tpu.memory_space<vmem_shared>>
      tpu.wait_indirect_dma semaphore(%arg15 : memref<!tpu.dma_semaphore, #tpu.memory_space<semaphore_mem>>) src(%arg12 : memref<128x48xf32, #tpu.memory_space<vmem>>) dst(%dma_wait3A_157 : memref<10016x48xf32, #tpu.memory_space<vmem_shared>>)
      %dma_start3A_158 = arith.constant 7 : i32
      %dma_start3A_159 = arith.constant 0 : i32
      %dma_start3A_160 = tpu.memref_slice %arg7[%dma_start3A_158, %dma_start3A_159] : memref<8x128xi32, #tpu.memory_space<vmem>> -> memref<1x128xi32, #tpu.memory_space<vmem>>
      %dma_start3A_161 = tpu.memref_squeeze %dma_start3A_160 : memref<1x128xi32, #tpu.memory_space<vmem>> -> memref<128xi32, #tpu.memory_space<vmem>>
      %dma_start3A_162 = arith.constant 0 : i32
      %dma_start3A_163 = arith.constant 0 : i32
      %dma_start3A_164 = tpu.memref_slice %arg2[%dma_start3A_162, %dma_start3A_163] : memref<10000x48xf32, #tpu.memory_space<hbm>> -> memref<10000x48xf32, #tpu.memory_space<hbm>>
      tpu.enqueue_indirect_dma source(%dma_start3A_164 : memref<10000x48xf32, #tpu.memory_space<hbm>>) target(%arg12 : memref<128x48xf32, #tpu.memory_space<vmem>>) offsets(%dma_start3A_161 : memref<128xi32, #tpu.memory_space<vmem>>) semaphore(%arg14 : memref<!tpu.dma_semaphore, #tpu.memory_space<semaphore_mem>>)
      %dma_wait3A_165 = arith.constant 4 : i32
      %dma_wait3A_166 = arith.constant 0 : i32
      %dma_wait3A_167 = tpu.memref_slice %arg7[%dma_wait3A_165, %dma_wait3A_166] : memref<8x128xi32, #tpu.memory_space<vmem>> -> memref<1x128xi32, #tpu.memory_space<vmem>>
      %dma_wait3A_168 = tpu.memref_squeeze %dma_wait3A_167 : memref<1x128xi32, #tpu.memory_space<vmem>> -> memref<128xi32, #tpu.memory_space<vmem>>
      %dma_wait3A_169 = arith.constant 0 : i32
      %dma_wait3A_170 = arith.constant 0 : i32
      %dma_wait3A_171 = tpu.memref_slice %arg2[%dma_wait3A_169, %dma_wait3A_170] : memref<10000x48xf32, #tpu.memory_space<hbm>> -> memref<10000x48xf32, #tpu.memory_space<hbm>>
      tpu.wait_indirect_dma semaphore(%arg14 : memref<!tpu.dma_semaphore, #tpu.memory_space<semaphore_mem>>) src(%dma_wait3A_171 : memref<10000x48xf32, #tpu.memory_space<hbm>>) dst(%arg9 : memref<128x48xf32, #tpu.memory_space<vmem>>)
      %dma_start3A_172 = arith.constant 4 : i32
      %dma_start3A_173 = arith.constant 0 : i32
      %dma_start3A_174 = tpu.memref_slice %arg8[%dma_start3A_172, %dma_start3A_173] : memref<8x128xi32, #tpu.memory_space<vmem>> -> memref<1x128xi32, #tpu.memory_space<vmem>>
      %dma_start3A_175 = tpu.memref_squeeze %dma_start3A_174 : memref<1x128xi32, #tpu.memory_space<vmem>> -> memref<128xi32, #tpu.memory_space<vmem>>
      %dma_start3A_176 = arith.constant 0 : i32
      %dma_start3A_177 = arith.constant 0 : i32
      %dma_start3A_178 = tpu.memref_slice %arg13[%dma_start3A_176, %dma_start3A_177] : memref<10016x48xf32, #tpu.memory_space<vmem_shared>> -> memref<10016x48xf32, #tpu.memory_space<vmem_shared>>
      tpu.enqueue_indirect_dma source(%arg9 : memref<128x48xf32, #tpu.memory_space<vmem>>) target(%dma_start3A_178 : memref<10016x48xf32, #tpu.memory_space<vmem_shared>>) offsets(%dma_start3A_175 : memref<128xi32, #tpu.memory_space<vmem>>) semaphore(%arg15 : memref<!tpu.dma_semaphore, #tpu.memory_space<semaphore_mem>>) {add = true}
      %dma_wait3A_179 = arith.constant 4 : i32
      %dma_wait3A_180 = arith.constant 0 : i32
      %dma_wait3A_181 = tpu.memref_slice %arg8[%dma_wait3A_179, %dma_wait3A_180] : memref<8x128xi32, #tpu.memory_space<vmem>> -> memref<1x128xi32, #tpu.memory_space<vmem>>
      %dma_wait3A_182 = tpu.memref_squeeze %dma_wait3A_181 : memref<1x128xi32, #tpu.memory_space<vmem>> -> memref<128xi32, #tpu.memory_space<vmem>>
      %dma_wait3A_183 = arith.constant 0 : i32
      %dma_wait3A_184 = arith.constant 0 : i32
      %dma_wait3A_185 = tpu.memref_slice %arg13[%dma_wait3A_183, %dma_wait3A_184] : memref<10016x48xf32, #tpu.memory_space<vmem_shared>> -> memref<10016x48xf32, #tpu.memory_space<vmem_shared>>
      tpu.wait_indirect_dma semaphore(%arg15 : memref<!tpu.dma_semaphore, #tpu.memory_space<semaphore_mem>>) src(%arg9 : memref<128x48xf32, #tpu.memory_space<vmem>>) dst(%dma_wait3A_185 : memref<10016x48xf32, #tpu.memory_space<vmem_shared>>)
      %dma_wait3A_186 = arith.constant 5 : i32
      %dma_wait3A_187 = arith.constant 0 : i32
      %dma_wait3A_188 = tpu.memref_slice %arg7[%dma_wait3A_186, %dma_wait3A_187] : memref<8x128xi32, #tpu.memory_space<vmem>> -> memref<1x128xi32, #tpu.memory_space<vmem>>
      %dma_wait3A_189 = tpu.memref_squeeze %dma_wait3A_188 : memref<1x128xi32, #tpu.memory_space<vmem>> -> memref<128xi32, #tpu.memory_space<vmem>>
      %dma_wait3A_190 = arith.constant 0 : i32
      %dma_wait3A_191 = arith.constant 0 : i32
      %dma_wait3A_192 = tpu.memref_slice %arg2[%dma_wait3A_190, %dma_wait3A_191] : memref<10000x48xf32, #tpu.memory_space<hbm>> -> memref<10000x48xf32, #tpu.memory_space<hbm>>
      tpu.wait_indirect_dma semaphore(%arg14 : memref<!tpu.dma_semaphore, #tpu.memory_space<semaphore_mem>>) src(%dma_wait3A_192 : memref<10000x48xf32, #tpu.memory_space<hbm>>) dst(%arg10 : memref<128x48xf32, #tpu.memory_space<vmem>>)
      %dma_start3A_193 = arith.constant 5 : i32
      %dma_start3A_194 = arith.constant 0 : i32
      %dma_start3A_195 = tpu.memref_slice %arg8[%dma_start3A_193, %dma_start3A_194] : memref<8x128xi32, #tpu.memory_space<vmem>> -> memref<1x128xi32, #tpu.memory_space<vmem>>
      %dma_start3A_196 = tpu.memref_squeeze %dma_start3A_195 : memref<1x128xi32, #tpu.memory_space<vmem>> -> memref<128xi32, #tpu.memory_space<vmem>>
      %dma_start3A_197 = arith.constant 0 : i32
      %dma_start3A_198 = arith.constant 0 : i32
      %dma_start3A_199 = tpu.memref_slice %arg13[%dma_start3A_197, %dma_start3A_198] : memref<10016x48xf32, #tpu.memory_space<vmem_shared>> -> memref<10016x48xf32, #tpu.memory_space<vmem_shared>>
      tpu.enqueue_indirect_dma source(%arg10 : memref<128x48xf32, #tpu.memory_space<vmem>>) target(%dma_start3A_199 : memref<10016x48xf32, #tpu.memory_space<vmem_shared>>) offsets(%dma_start3A_196 : memref<128xi32, #tpu.memory_space<vmem>>) semaphore(%arg15 : memref<!tpu.dma_semaphore, #tpu.memory_space<semaphore_mem>>) {add = true}
      %dma_wait3A_200 = arith.constant 5 : i32
      %dma_wait3A_201 = arith.constant 0 : i32
      %dma_wait3A_202 = tpu.memref_slice %arg8[%dma_wait3A_200, %dma_wait3A_201] : memref<8x128xi32, #tpu.memory_space<vmem>> -> memref<1x128xi32, #tpu.memory_space<vmem>>
      %dma_wait3A_203 = tpu.memref_squeeze %dma_wait3A_202 : memref<1x128xi32, #tpu.memory_space<vmem>> -> memref<128xi32, #tpu.memory_space<vmem>>
      %dma_wait3A_204 = arith.constant 0 : i32
      %dma_wait3A_205 = arith.constant 0 : i32
      %dma_wait3A_206 = tpu.memref_slice %arg13[%dma_wait3A_204, %dma_wait3A_205] : memref<10016x48xf32, #tpu.memory_space<vmem_shared>> -> memref<10016x48xf32, #tpu.memory_space<vmem_shared>>
      tpu.wait_indirect_dma semaphore(%arg15 : memref<!tpu.dma_semaphore, #tpu.memory_space<semaphore_mem>>) src(%arg10 : memref<128x48xf32, #tpu.memory_space<vmem>>) dst(%dma_wait3A_206 : memref<10016x48xf32, #tpu.memory_space<vmem_shared>>)
      %dma_wait3A_207 = arith.constant 6 : i32
      %dma_wait3A_208 = arith.constant 0 : i32
      %dma_wait3A_209 = tpu.memref_slice %arg7[%dma_wait3A_207, %dma_wait3A_208] : memref<8x128xi32, #tpu.memory_space<vmem>> -> memref<1x128xi32, #tpu.memory_space<vmem>>
      %dma_wait3A_210 = tpu.memref_squeeze %dma_wait3A_209 : memref<1x128xi32, #tpu.memory_space<vmem>> -> memref<128xi32, #tpu.memory_space<vmem>>
      %dma_wait3A_211 = arith.constant 0 : i32
      %dma_wait3A_212 = arith.constant 0 : i32
      %dma_wait3A_213 = tpu.memref_slice %arg2[%dma_wait3A_211, %dma_wait3A_212] : memref<10000x48xf32, #tpu.memory_space<hbm>> -> memref<10000x48xf32, #tpu.memory_space<hbm>>
      tpu.wait_indirect_dma semaphore(%arg14 : memref<!tpu.dma_semaphore, #tpu.memory_space<semaphore_mem>>) src(%dma_wait3A_213 : memref<10000x48xf32, #tpu.memory_space<hbm>>) dst(%arg11 : memref<128x48xf32, #tpu.memory_space<vmem>>)
      %dma_start3A_214 = arith.constant 6 : i32
      %dma_start3A_215 = arith.constant 0 : i32
      %dma_start3A_216 = tpu.memref_slice %arg8[%dma_start3A_214, %dma_start3A_215] : memref<8x128xi32, #tpu.memory_space<vmem>> -> memref<1x128xi32, #tpu.memory_space<vmem>>
      %dma_start3A_217 = tpu.memref_squeeze %dma_start3A_216 : memref<1x128xi32, #tpu.memory_space<vmem>> -> memref<128xi32, #tpu.memory_space<vmem>>
      %dma_start3A_218 = arith.constant 0 : i32
      %dma_start3A_219 = arith.constant 0 : i32
      %dma_start3A_220 = tpu.memref_slice %arg13[%dma_start3A_218, %dma_start3A_219] : memref<10016x48xf32, #tpu.memory_space<vmem_shared>> -> memref<10016x48xf32, #tpu.memory_space<vmem_shared>>
      tpu.enqueue_indirect_dma source(%arg11 : memref<128x48xf32, #tpu.memory_space<vmem>>) target(%dma_start3A_220 : memref<10016x48xf32, #tpu.memory_space<vmem_shared>>) offsets(%dma_start3A_217 : memref<128xi32, #tpu.memory_space<vmem>>) semaphore(%arg15 : memref<!tpu.dma_semaphore, #tpu.memory_space<semaphore_mem>>) {add = true}
      %dma_wait3A_221 = arith.constant 6 : i32
      %dma_wait3A_222 = arith.constant 0 : i32
      %dma_wait3A_223 = tpu.memref_slice %arg8[%dma_wait3A_221, %dma_wait3A_222] : memref<8x128xi32, #tpu.memory_space<vmem>> -> memref<1x128xi32, #tpu.memory_space<vmem>>
      %dma_wait3A_224 = tpu.memref_squeeze %dma_wait3A_223 : memref<1x128xi32, #tpu.memory_space<vmem>> -> memref<128xi32, #tpu.memory_space<vmem>>
      %dma_wait3A_225 = arith.constant 0 : i32
      %dma_wait3A_226 = arith.constant 0 : i32
      %dma_wait3A_227 = tpu.memref_slice %arg13[%dma_wait3A_225, %dma_wait3A_226] : memref<10016x48xf32, #tpu.memory_space<vmem_shared>> -> memref<10016x48xf32, #tpu.memory_space<vmem_shared>>
      tpu.wait_indirect_dma semaphore(%arg15 : memref<!tpu.dma_semaphore, #tpu.memory_space<semaphore_mem>>) src(%arg11 : memref<128x48xf32, #tpu.memory_space<vmem>>) dst(%dma_wait3A_227 : memref<10016x48xf32, #tpu.memory_space<vmem_shared>>)
      %dma_wait3A_228 = arith.constant 7 : i32
      %dma_wait3A_229 = arith.constant 0 : i32
      %dma_wait3A_230 = tpu.memref_slice %arg7[%dma_wait3A_228, %dma_wait3A_229] : memref<8x128xi32, #tpu.memory_space<vmem>> -> memref<1x128xi32, #tpu.memory_space<vmem>>
      %dma_wait3A_231 = tpu.memref_squeeze %dma_wait3A_230 : memref<1x128xi32, #tpu.memory_space<vmem>> -> memref<128xi32, #tpu.memory_space<vmem>>
      %dma_wait3A_232 = arith.constant 0 : i32
      %dma_wait3A_233 = arith.constant 0 : i32
      %dma_wait3A_234 = tpu.memref_slice %arg2[%dma_wait3A_232, %dma_wait3A_233] : memref<10000x48xf32, #tpu.memory_space<hbm>> -> memref<10000x48xf32, #tpu.memory_space<hbm>>
      tpu.wait_indirect_dma semaphore(%arg14 : memref<!tpu.dma_semaphore, #tpu.memory_space<semaphore_mem>>) src(%dma_wait3A_234 : memref<10000x48xf32, #tpu.memory_space<hbm>>) dst(%arg12 : memref<128x48xf32, #tpu.memory_space<vmem>>)
      %dma_start3A_235 = arith.constant 7 : i32
      %dma_start3A_236 = arith.constant 0 : i32
      %dma_start3A_237 = tpu.memref_slice %arg8[%dma_start3A_235, %dma_start3A_236] : memref<8x128xi32, #tpu.memory_space<vmem>> -> memref<1x128xi32, #tpu.memory_space<vmem>>
      %dma_start3A_238 = tpu.memref_squeeze %dma_start3A_237 : memref<1x128xi32, #tpu.memory_space<vmem>> -> memref<128xi32, #tpu.memory_space<vmem>>
      %dma_start3A_239 = arith.constant 0 : i32
      %dma_start3A_240 = arith.constant 0 : i32
      %dma_start3A_241 = tpu.memref_slice %arg13[%dma_start3A_239, %dma_start3A_240] : memref<10016x48xf32, #tpu.memory_space<vmem_shared>> -> memref<10016x48xf32, #tpu.memory_space<vmem_shared>>
      tpu.enqueue_indirect_dma source(%arg12 : memref<128x48xf32, #tpu.memory_space<vmem>>) target(%dma_start3A_241 : memref<10016x48xf32, #tpu.memory_space<vmem_shared>>) offsets(%dma_start3A_238 : memref<128xi32, #tpu.memory_space<vmem>>) semaphore(%arg15 : memref<!tpu.dma_semaphore, #tpu.memory_space<semaphore_mem>>) {add = true}
      %dma_wait3A_242 = arith.constant 7 : i32
      %dma_wait3A_243 = arith.constant 0 : i32
      %dma_wait3A_244 = tpu.memref_slice %arg8[%dma_wait3A_242, %dma_wait3A_243] : memref<8x128xi32, #tpu.memory_space<vmem>> -> memref<1x128xi32, #tpu.memory_space<vmem>>
      %dma_wait3A_245 = tpu.memref_squeeze %dma_wait3A_244 : memref<1x128xi32, #tpu.memory_space<vmem>> -> memref<128xi32, #tpu.memory_space<vmem>>
      %dma_wait3A_246 = arith.constant 0 : i32
      %dma_wait3A_247 = arith.constant 0 : i32
      %dma_wait3A_248 = tpu.memref_slice %arg13[%dma_wait3A_246, %dma_wait3A_247] : memref<10016x48xf32, #tpu.memory_space<vmem_shared>> -> memref<10016x48xf32, #tpu.memory_space<vmem_shared>>
      tpu.wait_indirect_dma semaphore(%arg15 : memref<!tpu.dma_semaphore, #tpu.memory_space<semaphore_mem>>) src(%arg12 : memref<128x48xf32, #tpu.memory_space<vmem>>) dst(%dma_wait3A_248 : memref<10016x48xf32, #tpu.memory_space<vmem_shared>>)
    }
    %barrier3A_19 = arith.constant 0 : index
    tpu.barrier barrier_id(%barrier3A_19)
    "tpu.region"() ({
      %run_scoped3A = tpu.sem_alloc : memref<!tpu.dma_semaphore, #tpu.memory_space<semaphore_mem>>
      %dma_start3A = arith.constant 0 : i32
      %dma_start3A_20 = tpu.memref_slice %arg6[%arg0, %mul3A_0, %dma_start3A] : memref<2x10016x48xf32, #tpu.memory_space<hbm>> -> memref<1x626x48xf32, #tpu.memory_space<hbm>>
      %dma_start3A_21 = tpu.memref_squeeze %dma_start3A_20 : memref<1x626x48xf32, #tpu.memory_space<hbm>> -> memref<626x48xf32, #tpu.memory_space<hbm>>
      %dma_start3A_22 = arith.constant 0 : i32
      %dma_start3A_23 = tpu.memref_slice %arg13[%mul3A_0, %dma_start3A_22] : memref<10016x48xf32, #tpu.memory_space<vmem_shared>> -> memref<626x48xf32, #tpu.memory_space<vmem_shared>>
      tpu.enqueue_dma source(%dma_start3A_23 : memref<626x48xf32, #tpu.memory_space<vmem_shared>>) target(%dma_start3A_21 : memref<626x48xf32, #tpu.memory_space<hbm>>) target_semaphore(%run_scoped3A : memref<!tpu.dma_semaphore, #tpu.memory_space<semaphore_mem>>)
      %dma_wait3A = arith.constant 0 : i32
      %dma_wait3A_24 = tpu.memref_slice %arg6[%arg0, %mul3A_0, %dma_wait3A] : memref<2x10016x48xf32, #tpu.memory_space<hbm>> -> memref<1x626x48xf32, #tpu.memory_space<hbm>>
      %dma_wait3A_25 = tpu.memref_squeeze %dma_wait3A_24 : memref<1x626x48xf32, #tpu.memory_space<hbm>> -> memref<626x48xf32, #tpu.memory_space<hbm>>
      %dma_wait3A_26 = arith.constant 0 : i32
      %dma_wait3A_27 = tpu.memref_slice %arg13[%mul3A_0, %dma_wait3A_26] : memref<10016x48xf32, #tpu.memory_space<vmem_shared>> -> memref<626x48xf32, #tpu.memory_space<vmem_shared>>
      tpu.wait_dma2 semaphore(%run_scoped3A : memref<!tpu.dma_semaphore, #tpu.memory_space<semaphore_mem>>) src(%dma_wait3A_27 : memref<626x48xf32, #tpu.memory_space<vmem_shared>>) dst(%dma_wait3A_25 : memref<626x48xf32, #tpu.memory_space<hbm>>)
      tpu.yield
    }) : () -> ()
    return
  }
}

module attributes {stable_mosaic.version = 14 : i64} {
  func.func @body(%arg0: i32, %arg1: memref<2x1000x128xf32, #tpu.memory_space<vmem>>, %arg2: memref<2x1000x16xf32, #tpu.memory_space<vmem>>, %arg3: memref<1000x128xf32, #tpu.memory_space<vmem>>, %arg4: memref<128x128xf32, #tpu.memory_space<vmem>>, %arg5: memref<1x128xf32, #tpu.memory_space<vmem>>, %arg6: memref<128x128xf32, #tpu.memory_space<vmem>>, %arg7: memref<48x128xf32, #tpu.memory_space<vmem>>, %arg8: memref<1x48xf32, #tpu.memory_space<vmem>>, %arg9: memref<48x128xf32, #tpu.memory_space<vmem>>, %arg10: memref<1000x48xf32, #tpu.memory_space<vmem>>, %arg11: memref<1000x48xf32, #tpu.memory_space<vmem>>) attributes {dimension_semantics = [#tpu.dimension_semantics<arbitrary>], iteration_bounds = array<i64: 10>, scalar_prefetch = 0 : i64, scratch_operands = 0 : i64, tpu.core_type = #tpu.core_type<tc>, window_params = [{transform_indices = @transform_0, window_bounds = array<i64: 2, 1000, 128>}, {transform_indices = @transform_1, window_bounds = array<i64: 2, 1000, 16>}, {transform_indices = @transform_2, window_bounds = array<i64: 1000, 128>}, {pipeline_mode = #tpu.pipeline_mode<synchronous>, transform_indices = @transform_3, window_bounds = array<i64: 128, 128>}, {pipeline_mode = #tpu.pipeline_mode<synchronous>, transform_indices = @transform_4, window_bounds = array<i64: 1, 128>}, {pipeline_mode = #tpu.pipeline_mode<synchronous>, transform_indices = @transform_5, window_bounds = array<i64: 128, 128>}, {pipeline_mode = #tpu.pipeline_mode<synchronous>, transform_indices = @transform_6, window_bounds = array<i64: 48, 128>}, {pipeline_mode = #tpu.pipeline_mode<synchronous>, transform_indices = @transform_7, window_bounds = array<i64: 1, 48>}, {pipeline_mode = #tpu.pipeline_mode<synchronous>, transform_indices = @transform_8, window_bounds = array<i64: 48, 128>}, {transform_indices = @transform_9, window_bounds = array<i64: 1000, 48>}, {transform_indices = @transform_10, window_bounds = array<i64: 1000, 48>}]} {
    %get3A = arith.constant 0 : index
    %get3A_0 = arith.constant 0 : index
    %get3A_1 = arith.constant 0 : index
    %get3A_2 = vector.load %arg1[%get3A, %get3A_0, %get3A_1] : memref<2x1000x128xf32, #tpu.memory_space<vmem>>, vector<1x1000x128xf32>
    %get3A_3 = vector.shape_cast %get3A_2 : vector<1x1000x128xf32> to vector<1000x128xf32>
    %get3A_4 = arith.constant 1 : index
    %get3A_5 = arith.constant 0 : index
    %get3A_6 = arith.constant 0 : index
    %get3A_7 = vector.load %arg1[%get3A_4, %get3A_5, %get3A_6] : memref<2x1000x128xf32, #tpu.memory_space<vmem>>, vector<1x1000x128xf32>
    %get3A_8 = vector.shape_cast %get3A_7 : vector<1x1000x128xf32> to vector<1000x128xf32>
    %add3A = arith.addf %get3A_3, %get3A_8 : vector<1000x128xf32>
    %get3A_9 = arith.constant 0 : index
    %get3A_10 = arith.constant 0 : index
    %get3A_11 = arith.constant 0 : index
    %get3A_12 = vector.load %arg2[%get3A_9, %get3A_10, %get3A_11] : memref<2x1000x16xf32, #tpu.memory_space<vmem>>, vector<1x1000x16xf32>
    %get3A_13 = vector.shape_cast %get3A_12 : vector<1x1000x16xf32> to vector<1000x16xf32>
    %get3A_14 = arith.constant 1 : index
    %get3A_15 = arith.constant 0 : index
    %get3A_16 = arith.constant 0 : index
    %get3A_17 = vector.load %arg2[%get3A_14, %get3A_15, %get3A_16] : memref<2x1000x16xf32, #tpu.memory_space<vmem>>, vector<1x1000x16xf32>
    %get3A_18 = vector.shape_cast %get3A_17 : vector<1x1000x16xf32> to vector<1000x16xf32>
    %add3A_19 = arith.addf %get3A_13, %get3A_18 : vector<1000x16xf32>
    %max3A = arith.constant 1.000000e+00 : f32
    %max3A_20 = vector.broadcast %max3A : f32 to vector<1000x16xf32>
    %max3A_21 = arith.maximumf %add3A_19, %max3A_20 : vector<1000x16xf32>
    %slice3A = vector.extract_strided_slice %max3A_21 {offsets = [0, 0], sizes = [1000, 1], strides = [1, 1]} : vector<1000x16xf32> to vector<1000x1xf32>
    %div3A = vector.broadcast %slice3A : vector<1000x1xf32> to vector<1000x128xf32>
    %div3A_22 = arith.divf %add3A, %div3A : vector<1000x128xf32>
    %get3A_23 = arith.constant 0 : index
    %get3A_24 = arith.constant 0 : index
    %get3A_25 = vector.load %arg3[%get3A_23, %get3A_24] : memref<1000x128xf32, #tpu.memory_space<vmem>>, vector<1000x128xf32>
    %get3A_26 = arith.constant 0 : index
    %get3A_27 = arith.constant 0 : index
    %get3A_28 = vector.load %arg4[%get3A_26, %get3A_27] : memref<128x128xf32, #tpu.memory_space<vmem>>, vector<128x128xf32>
    %transpose3A = tpu.transpose %get3A_28, [1, 0] : vector<128x128xf32> -> vector<128x128xf32>
    %dot_general3A = arith.constant dense<0.000000e+00> : vector<1000x128xf32>
    %dot_general3A_29 = tpu.matmul %div3A_22, %transpose3A, %dot_general3A {dimension_numbers = #tpu.dot_dimension_numbers<[1], [0], [0], [1], [0, 0, 1, 1], [], []>, transpose_lhs_hint = false} : vector<1000x128xf32>, vector<128x128xf32>, vector<1000x128xf32> -> vector<1000x128xf32>
    %get3A_30 = arith.constant 0 : index
    %get3A_31 = arith.constant 0 : index
    %get3A_32 = vector.load %arg5[%get3A_30, %get3A_31] : memref<1x128xf32, #tpu.memory_space<vmem>>, vector<1x128xf32>
    %add3A_33 = vector.broadcast %get3A_32 : vector<1x128xf32> to vector<1000x128xf32>
    %add3A_34 = arith.addf %dot_general3A_29, %add3A_33 : vector<1000x128xf32>
    %get3A_35 = arith.constant 0 : index
    %get3A_36 = arith.constant 0 : index
    %get3A_37 = vector.load %arg6[%get3A_35, %get3A_36] : memref<128x128xf32, #tpu.memory_space<vmem>>, vector<128x128xf32>
    %transpose3A_38 = tpu.transpose %get3A_37, [1, 0] : vector<128x128xf32> -> vector<128x128xf32>
    %dot_general3A_39 = arith.constant dense<0.000000e+00> : vector<1000x128xf32>
    %dot_general3A_40 = tpu.matmul %get3A_25, %transpose3A_38, %dot_general3A_39 {dimension_numbers = #tpu.dot_dimension_numbers<[1], [0], [0], [1], [0, 0, 1, 1], [], []>, transpose_lhs_hint = false} : vector<1000x128xf32>, vector<128x128xf32>, vector<1000x128xf32> -> vector<1000x128xf32>
    %add3A_41 = arith.addf %add3A_34, %dot_general3A_40 : vector<1000x128xf32>
    %max3A_42 = arith.constant 0.000000e+00 : f32
    %max3A_43 = vector.broadcast %max3A_42 : f32 to vector<1000x128xf32>
    %max3A_44 = arith.maximumf %add3A_41, %max3A_43 : vector<1000x128xf32>
    %get3A_45 = arith.constant 0 : index
    %get3A_46 = arith.constant 0 : index
    %get3A_47 = vector.load %arg7[%get3A_45, %get3A_46] : memref<48x128xf32, #tpu.memory_space<vmem>>, vector<48x128xf32>
    %transpose3A_48 = tpu.transpose %get3A_47, [1, 0] : vector<48x128xf32> -> vector<128x48xf32>
    %dot_general3A_49 = arith.constant dense<0.000000e+00> : vector<1000x48xf32>
    %dot_general3A_50 = tpu.matmul %max3A_44, %transpose3A_48, %dot_general3A_49 {dimension_numbers = #tpu.dot_dimension_numbers<[1], [0], [0], [1], [0, 0, 1, 1], [], []>, transpose_lhs_hint = false} : vector<1000x128xf32>, vector<128x48xf32>, vector<1000x48xf32> -> vector<1000x48xf32>
    %swap3A = arith.constant 0 : index
    %swap3A_51 = arith.constant 0 : index
    %swap3A_52 = vector.load %arg10[%swap3A, %swap3A_51] : memref<1000x48xf32, #tpu.memory_space<vmem>>, vector<1000x48xf32>
    tpu.vector_store %arg10[%swap3A, %swap3A_51], %dot_general3A_50 {strides = array<i32>} : memref<1000x48xf32, #tpu.memory_space<vmem>>, vector<1000x48xf32>,
    %get3A_53 = arith.constant 0 : index
    %get3A_54 = arith.constant 0 : index
    %get3A_55 = vector.load %arg9[%get3A_53, %get3A_54] : memref<48x128xf32, #tpu.memory_space<vmem>>, vector<48x128xf32>
    %transpose3A_56 = tpu.transpose %get3A_55, [1, 0] : vector<48x128xf32> -> vector<128x48xf32>
    %dot_general3A_57 = arith.constant dense<0.000000e+00> : vector<1000x48xf32>
    %dot_general3A_58 = tpu.matmul %max3A_44, %transpose3A_56, %dot_general3A_57 {dimension_numbers = #tpu.dot_dimension_numbers<[1], [0], [0], [1], [0, 0, 1, 1], [], []>, transpose_lhs_hint = false} : vector<1000x128xf32>, vector<128x48xf32>, vector<1000x48xf32> -> vector<1000x48xf32>
    %get3A_59 = arith.constant 0 : index
    %get3A_60 = arith.constant 0 : index
    %get3A_61 = vector.load %arg8[%get3A_59, %get3A_60] : memref<1x48xf32, #tpu.memory_space<vmem>>, vector<1x48xf32>
    %add3A_62 = vector.broadcast %get3A_61 : vector<1x48xf32> to vector<1000x48xf32>
    %add3A_63 = arith.addf %dot_general3A_58, %add3A_62 : vector<1000x48xf32>
    %swap3A_64 = arith.constant 0 : index
    %swap3A_65 = arith.constant 0 : index
    %swap3A_66 = vector.load %arg11[%swap3A_64, %swap3A_65] : memref<1000x48xf32, #tpu.memory_space<vmem>>, vector<1000x48xf32>
    tpu.vector_store %arg11[%swap3A_64, %swap3A_65], %add3A_63 {strides = array<i32>} : memref<1000x48xf32, #tpu.memory_space<vmem>>, vector<1000x48xf32>,
    return
  }
  func.func @transform_0(%arg0: i32) -> (i32, i32, i32) {
    %c0_i32 = arith.constant 0 : i32
    %c0_i32_0 = arith.constant 0 : i32
    %c0_i32_1 = arith.constant 0 : i32
    return %c0_i32, %arg0, %c0_i32_0 : i32, i32, i32
  }
  func.func @transform_1(%arg0: i32) -> (i32, i32, i32) {
    %c0_i32 = arith.constant 0 : i32
    %c0_i32_0 = arith.constant 0 : i32
    %c0_i32_1 = arith.constant 0 : i32
    return %c0_i32, %arg0, %c0_i32_0 : i32, i32, i32
  }
  func.func @transform_2(%arg0: i32) -> (i32, i32) {
    %c0_i32 = arith.constant 0 : i32
    %c0_i32_0 = arith.constant 0 : i32
    return %arg0, %c0_i32 : i32, i32
  }
  func.func @transform_3(%arg0: i32) -> (i32, i32) {
    %c0_i32 = arith.constant 0 : i32
    %c0_i32_0 = arith.constant 0 : i32
    %c0_i32_1 = arith.constant 0 : i32
    return %c0_i32, %c0_i32_0 : i32, i32
  }
  func.func @transform_4(%arg0: i32) -> (i32, i32) {
    %c0_i32 = arith.constant 0 : i32
    %c0_i32_0 = arith.constant 0 : i32
    %c0_i32_1 = arith.constant 0 : i32
    return %c0_i32, %c0_i32_0 : i32, i32
  }
  func.func @transform_5(%arg0: i32) -> (i32, i32) {
    %c0_i32 = arith.constant 0 : i32
    %c0_i32_0 = arith.constant 0 : i32
    %c0_i32_1 = arith.constant 0 : i32
    return %c0_i32, %c0_i32_0 : i32, i32
  }
  func.func @transform_6(%arg0: i32) -> (i32, i32) {
    %c0_i32 = arith.constant 0 : i32
    %c0_i32_0 = arith.constant 0 : i32
    %c0_i32_1 = arith.constant 0 : i32
    return %c0_i32, %c0_i32_0 : i32, i32
  }
  func.func @transform_7(%arg0: i32) -> (i32, i32) {
    %c0_i32 = arith.constant 0 : i32
    %c0_i32_0 = arith.constant 0 : i32
    %c0_i32_1 = arith.constant 0 : i32
    return %c0_i32, %c0_i32_0 : i32, i32
  }
  func.func @transform_8(%arg0: i32) -> (i32, i32) {
    %c0_i32 = arith.constant 0 : i32
    %c0_i32_0 = arith.constant 0 : i32
    %c0_i32_1 = arith.constant 0 : i32
    return %c0_i32, %c0_i32_0 : i32, i32
  }
  func.func @transform_9(%arg0: i32) -> (i32, i32) {
    %c0_i32 = arith.constant 0 : i32
    %c0_i32_0 = arith.constant 0 : i32
    return %arg0, %c0_i32 : i32, i32
  }
  func.func @transform_10(%arg0: i32) -> (i32, i32) {
    %c0_i32 = arith.constant 0 : i32
    %c0_i32_0 = arith.constant 0 : i32
    return %arg0, %c0_i32 : i32, i32
  }
}

module attributes {stable_mosaic.version = 14 : i64} {
  func.func @body(%arg0: i32, %arg1: memref<2x1000x48xf32, #tpu.memory_space<vmem>>, %arg2: memref<2x1000x16xf32, #tpu.memory_space<vmem>>, %arg3: memref<1000x48xf32, #tpu.memory_space<vmem>>, %arg4: memref<1000x48xf32, #tpu.memory_space<vmem>>) attributes {dimension_semantics = [#tpu.dimension_semantics<arbitrary>], iteration_bounds = array<i64: 10>, scalar_prefetch = 0 : i64, scratch_operands = 0 : i64, tpu.core_type = #tpu.core_type<tc>, window_params = [{transform_indices = @transform_0, window_bounds = array<i64: 2, 1000, 48>}, {transform_indices = @transform_1, window_bounds = array<i64: 2, 1000, 16>}, {transform_indices = @transform_2, window_bounds = array<i64: 1000, 48>}, {transform_indices = @transform_3, window_bounds = array<i64: 1000, 48>}]} {
    %get3A = arith.constant 0 : index
    %get3A_0 = arith.constant 0 : index
    %get3A_1 = arith.constant 0 : index
    %get3A_2 = vector.load %arg1[%get3A, %get3A_0, %get3A_1] : memref<2x1000x48xf32, #tpu.memory_space<vmem>>, vector<1x1000x48xf32>
    %get3A_3 = vector.shape_cast %get3A_2 : vector<1x1000x48xf32> to vector<1000x48xf32>
    %get3A_4 = arith.constant 1 : index
    %get3A_5 = arith.constant 0 : index
    %get3A_6 = arith.constant 0 : index
    %get3A_7 = vector.load %arg1[%get3A_4, %get3A_5, %get3A_6] : memref<2x1000x48xf32, #tpu.memory_space<vmem>>, vector<1x1000x48xf32>
    %get3A_8 = vector.shape_cast %get3A_7 : vector<1x1000x48xf32> to vector<1000x48xf32>
    %add3A = arith.addf %get3A_3, %get3A_8 : vector<1000x48xf32>
    %get3A_9 = arith.constant 0 : index
    %get3A_10 = arith.constant 0 : index
    %get3A_11 = arith.constant 0 : index
    %get3A_12 = vector.load %arg2[%get3A_9, %get3A_10, %get3A_11] : memref<2x1000x16xf32, #tpu.memory_space<vmem>>, vector<1x1000x16xf32>
    %get3A_13 = vector.shape_cast %get3A_12 : vector<1x1000x16xf32> to vector<1000x16xf32>
    %get3A_14 = arith.constant 1 : index
    %get3A_15 = arith.constant 0 : index
    %get3A_16 = arith.constant 0 : index
    %get3A_17 = vector.load %arg2[%get3A_14, %get3A_15, %get3A_16] : memref<2x1000x16xf32, #tpu.memory_space<vmem>>, vector<1x1000x16xf32>
    %get3A_18 = vector.shape_cast %get3A_17 : vector<1x1000x16xf32> to vector<1000x16xf32>
    %add3A_19 = arith.addf %get3A_13, %get3A_18 : vector<1000x16xf32>
    %max3A = arith.constant 1.000000e+00 : f32
    %max3A_20 = vector.broadcast %max3A : f32 to vector<1000x16xf32>
    %max3A_21 = arith.maximumf %add3A_19, %max3A_20 : vector<1000x16xf32>
    %slice3A = vector.extract_strided_slice %max3A_21 {offsets = [0, 0], sizes = [1000, 1], strides = [1, 1]} : vector<1000x16xf32> to vector<1000x1xf32>
    %div3A = vector.broadcast %slice3A : vector<1000x1xf32> to vector<1000x48xf32>
    %div3A_22 = arith.divf %add3A, %div3A : vector<1000x48xf32>
    %get3A_23 = arith.constant 0 : index
    %get3A_24 = arith.constant 0 : index
    %get3A_25 = vector.load %arg3[%get3A_23, %get3A_24] : memref<1000x48xf32, #tpu.memory_space<vmem>>, vector<1000x48xf32>
    %add3A_26 = arith.addf %div3A_22, %get3A_25 : vector<1000x48xf32>
    %swap3A = arith.constant 0 : index
    %swap3A_27 = arith.constant 0 : index
    %swap3A_28 = vector.load %arg4[%swap3A, %swap3A_27] : memref<1000x48xf32, #tpu.memory_space<vmem>>, vector<1000x48xf32>
    tpu.vector_store %arg4[%swap3A, %swap3A_27], %add3A_26 {strides = array<i32>} : memref<1000x48xf32, #tpu.memory_space<vmem>>, vector<1000x48xf32>,
    return
  }
  func.func @transform_0(%arg0: i32) -> (i32, i32, i32) {
    %c0_i32 = arith.constant 0 : i32
    %c0_i32_0 = arith.constant 0 : i32
    %c0_i32_1 = arith.constant 0 : i32
    return %c0_i32, %arg0, %c0_i32_0 : i32, i32, i32
  }
  func.func @transform_1(%arg0: i32) -> (i32, i32, i32) {
    %c0_i32 = arith.constant 0 : i32
    %c0_i32_0 = arith.constant 0 : i32
    %c0_i32_1 = arith.constant 0 : i32
    return %c0_i32, %arg0, %c0_i32_0 : i32, i32, i32
  }
  func.func @transform_2(%arg0: i32) -> (i32, i32) {
    %c0_i32 = arith.constant 0 : i32
    %c0_i32_0 = arith.constant 0 : i32
    return %arg0, %c0_i32 : i32, i32
  }
  func.func @transform_3(%arg0: i32) -> (i32, i32) {
    %c0_i32 = arith.constant 0 : i32
    %c0_i32_0 = arith.constant 0 : i32
    return %arg0, %c0_i32 : i32, i32
  }
}

</mosaic_0001>

<sc_bundles>
// kernel: kernel.6.cloned.1.call-start
scs
__scs_entry_jumppad:
0x0: {  	(pc) =	sbr.rel $0x88, $3  }
0x1: {  	(tag) =	ssettag $0x0;
	lr =	simm.s32 $0x1  }
0x2: {  	[smem:$0x3F99] =	sst lr;
	_ =	strace $0xD0000000  }
0x3: {  	_ = 	snop  }
0x4: {  	_ = 	snop  }
0x5: {  	_ = 	snop  }
0x6: {  	_ = 	snop  }
0x7: {  	_ = 	snop  }
__scs_overlays_trampoline_lowered:
0x8: {  	[smem:$0x3FA8] =	sst s0  }
0x9: {  	[smem:$0x3FA9] =	sst s1  }
0xa: {  	[smem:$0x3FAA] =	sst s2  }
0xb: {  	[smem:$0x3FAB] =	sst s3  }
0xc: {  	[smem:$0x3FAC] =	sst s4  }
0xd: {  	[smem:$0x3FAD] =	sst s5  }
0xe: {  	[smem:$0x3FAE] =	sst s6  }
0xf: {  	[smem:$0x3FAF] =	sst s7  }
0x10: {  	[smem:$0x3FB0] =	sst s8  }
0x11: {  	[smem:$0x3FB1] =	sst s9;
	s0 =	simm.s32 @!p0 $0x0  }
0x12: {  	s1 =	sld [smem:$0x3F97];
	s0 =	simm.s32 @p0 $0x1  }
0x13: {  	[smem:$0x3FB2] =	sst s0;
	s0 =	simm.s32 @!p1 $0x0  }
0x14: {  	s2 =	sld [smem:$0x3F96];
	s0 =	simm.s32 @p1 $0x1  }
0x15: {  	[smem:$0x3FB3] =	sst s0;
	s0 =	simm.s32 @!p2 $0x0  }
0x16: {  	s3 =	sld [smem:$0x3FDB];
	s0 =	simm.s32 @p2 $0x1  }
0x17: {  	s4 =	simm.s32 $0x1BF5;
	[smem:$0x3FB5] =	sst s0  }
0x18: {  	s0 =	sld [smem:$0x3F98];
	_ =	swait.ge [sflag:s4], $0x0  }
0x19: {  	s7 =	sld [smem:$0x3F99]  }
0x1a: {  	s8 =	sadd.s32 $0xFFFFE003, lr  }
0x1b: {  	s9 =	sadd.s32 $0xFFFFFEF7, lr;
	s5 =	simm.s32 $0xFFFFFFFF;
	p2 =	slt.u32 s8, $0xFFFFF086  }
0x1c: {  	p1 =	slt.u32 s9, $0xF7A;
	s5 =	simm.s32 @!p2 $0x0  }
0x1d: {  	s5 =	simm.s32 @p1 $0x1;
	p0 =	seq.s32 s7, s2  }
0x1e: {  	s7 =	smul.u32 @!p0 $0xF7A, s2;
	p2 =	seq.s32 @!p0 s5, $0x0  }
0x1f: {  	s9 =	smul.u32 $0xF7A, s1;
	s8 =	simm.s32 @!p0 $0x1BF5;
	p2 =	por !p2, p0  }
0x20: {  	[sflag:s8] =	ssyncset.s32 @!p0 $0xFFFFF086;
	s6 =	sadd.s32 @!p0 s3, s7;
	s7 =	simm.s32 @!p0 $0x108  }
0x21: {  	s3 =	sadd.s32 s3, s9;
	s6 =	sadd.s32 @!p0 $0x88, s6;
	s7 =	simm.s32 @p2 $0x1082  }
0x22: {  	[simem:s7], [sflag:s8] =	dma.local @!p0 [hbm:s6], $0xF7A  }
0x23: {  	s9 =	sor.u32 $0xD0000000, s2;
	s6 =	simm.s32 $0x108;
	_ =	swait.ge @!p0 [sflag:s8], $0x0  }
0x24: {  	s3 =	sadd.s32 $0x88, s3;
	s6 =	simm.s32 @!p1 $0x1082;
	[sflag:s4] =	ssyncset.s32 $0xFFFFF086  }
0x25: {  	[simem:s6], [sflag:s4] =	dma.local [hbm:s3], $0xF7A  }
0x26: {  	[smem:$0x3F99] =	sst s1;
	(tag) =	ssettag s2;
	_ =	strace s9  }
0x27: {  	s1 =	sld [smem:$0x3FA9]  }
0x28: {  	s2 =	sld [smem:$0x3FAA]  }
0x29: {  	s4 =	sld [smem:$0x3FAC]  }
0x2a: {  	p0 =	seq.s32 s5, $0x0;
	s5 =	sld [smem:$0x3FAD]  }
0x2b: {  	s6 =	sld [smem:$0x3FAE]  }
0x2c: {  	s7 =	sld [smem:$0x3FAF]  }
0x2d: {  	s3 =	simm.s32 $0x108;
	s8 =	sld [smem:$0x3FB0]  }
0x2e: {  	s3 =	simm.s32 @!p0 $0x1082;
	s9 =	sld [smem:$0x3FB1]  }
0x2f: {  	lr =	sadd.s32 s0, s3;
	s0 =	sld [smem:$0x3FA8]  }
0x30: {  	s3 =	sld [smem:$0x3FAB]  }
0x31: {  	[smem:$0x3FB4] =	sst s10  }
0x32: {  	s10 =	sld [smem:$0x3FB2];
	_ =	sdelay $0x3  }
0x33: {  	p0 =	seq.s32 s10, $0x1;
	s10 =	sld [smem:$0x3FB4];
	_ =	sdelay $0x3  }
0x34: {  	[smem:$0x3FB4] =	sst s10  }
0x35: {  	s10 =	sld [smem:$0x3FB3];
	_ =	sdelay $0x3  }
0x36: {  	p1 =	seq.s32 s10, $0x1;
	s10 =	sld [smem:$0x3FB4];
	_ =	sdelay $0x3  }
0x37: {  	[smem:$0x3FB4] =	sst s10  }
0x38: {  	s10 =	sld [smem:$0x3FB5]  }
0x39: {  	_ = 	snop;
	(pc) =	sbr.ind lr, $3  }
0x3a: {  	_ = 	snop  }
0x3b: {  	_ = 	snop  }
0x3c: {  	p2 =	seq.s32 s10, $0x1;
	s10 =	sld [smem:$0x3FB4]  }
0x3d: {  	_ =	shalt  }
0x3e: {  	_ =	shalt  }
0x3f: {  	_ =	shalt  }
0x40: {  	_ =	shalt  }
0x41: {  	_ =	shalt  }
0x42: {  	_ =	shalt  }
0x43: {  	_ =	shalt  }
0x44: {  	_ =	shalt  }
0x45: {  	_ =	shalt  }
0x46: {  	_ =	shalt  }
0x47: {  	_ =	shalt  }
0x48: {  	_ =	shalt  }
0x49: {  	_ =	shalt  }
0x4a: {  	_ =	shalt  }
0x4b: {  	_ =	shalt  }
0x4c: {  	_ =	shalt  }
0x4d: {  	_ =	shalt  }
0x4e: {  	_ =	shalt  }
0x4f: {  	_ =	shalt  }
0x50: {  	_ =	shalt  }
0x51: {  	_ =	shalt  }
0x52: {  	_ =	shalt  }
0x53: {  	_ =	shalt  }
0x54: {  	_ =	shalt  }
0x55: {  	_ =	shalt  }
0x56: {  	_ =	shalt  }
0x57: {  	_ =	shalt  }
0x58: {  	_ =	shalt  }
0x59: {  	_ =	shalt  }
0x5a: {  	_ =	shalt  }
0x5b: {  	_ =	shalt  }
0x5c: {  	_ =	shalt  }
0x5d: {  	_ =	shalt  }
0x5e: {  	_ =	shalt  }
0x5f: {  	_ =	shalt  }
0x60: {  	_ =	shalt  }
0x61: {  	_ =	shalt  }
0x62: {  	_ =	shalt  }
0x63: {  	_ =	shalt  }
0x64: {  	_ =	shalt  }
0x65: {  	_ =	shalt  }
0x66: {  	_ =	shalt  }
0x67: {  	_ =	shalt  }
0x68: {  	_ =	shalt  }
0x69: {  	_ =	shalt  }
0x6a: {  	_ =	shalt  }
0x6b: {  	_ =	shalt  }
0x6c: {  	_ =	shalt  }
0x6d: {  	_ =	shalt  }
0x6e: {  	_ =	shalt  }
0x6f: {  	_ =	shalt  }
0x70: {  	_ =	shalt  }
0x71: {  	_ =	shalt  }
0x72: {  	_ =	shalt  }
0x73: {  	_ =	shalt  }
0x74: {  	_ =	shalt  }
0x75: {  	_ =	shalt  }
0x76: {  	_ =	shalt  }
0x77: {  	_ =	shalt  }
0x78: {  	_ =	shalt  }
0x79: {  	_ =	shalt  }
0x7a: {  	_ =	shalt  }
0x7b: {  	_ =	shalt  }
0x7c: {  	_ =	shalt  }
0x7d: {  	_ =	shalt  }
0x7e: {  	_ =	shalt  }
0x7f: {  	_ =	shalt  }
0x80: {  	_ =	shalt  }
0x81: {  	_ =	shalt  }
0x82: {  	_ =	shalt  }
0x83: {  	_ =	shalt  }
0x84: {  	_ =	shalt  }
0x85: {  	_ =	shalt  }
0x86: {  	_ =	shalt  }
0x87: {  	_ =	shalt  }
.Lfunc_end0:
.L_simem_size_0:
called_computation_lowered:
.L_overlay_start_0:
0x88: {  	s2 =	sld [smem:$0x3FD9]  }
0x89: {  	s3 =	sld [smem:$0x3FFE];
	_ =	sdelay $0x1  }
0x8a: {  	s1 =	srdreg.scid  }
0x8b: {  	s0 =	sand.u32 $0x1, s1  }
0x8c: {  	s17 =	sshll.u32 s0, $0xA;
	s2 =	sadd.s32 s3, s2  }
0x8d: {  	s2 =	sadd.s32 s2, s17  }
0x8e: {  	[smem:$0x3FC0] =	sst s2  }
0x8f: {  	_ = 	snop  }
0x90: {  	s2 =	sld [smem:$0x3FC9]  }
0x91: {  	s18 =	sld [smem:$0x3FD0];
	(tm) =	ssettm $0x1  }
0x92: {  	s4 =	sld [smem:$0x3FFB];
	_ =	sdelay $0x3  }
0x93: {  	_ =	strace s4  }
0x94: {  	s4 =	sld [smem:$0x3FFC];
	_ =	sdelay $0x3  }
0x95: {  	_ =	strace s4  }
0x96: {  	s4 =	sld [smem:$0x3FFD];
	_ =	sdelay $0x3  }
0x97: {  	_ =	strace s4  }
0x98: {  	_ =	strace $0x8FFFFFFF  }
0x99: {  	s19 =	sld [smem:$0x3FDB];
	_ =	sdelay $0x1  }
0x9a: {  	s5 =	simm.s32 $_scs_section_size  }
0x9b: {  	s6 =	simm.s32 $_size__tile_overlayer_lowered;
	s7 =	simm.s32 $_tile_overlayer_lowered  }
0x9c: {  	s22 =	simm.s32 $0x1BFF;
	s21 =	sshll.u32 s7, $0x1;
	s4 =	sadd.s32 s5, s19  }
0x9d: {  	s8 =	simm.s32 $0x0;
	s20 =	sshll.u32 s6, $0x1;
	s6 =	sadd.s32 s21, s4  }
0x9e: {  	[timem:s8], [sflag:s22] =	dma.local [hbm:s6], s20  }
0x9f: {  	_ =	swait.ge [sflag:s22], s20  }
0xa0: {  	s5 =	ssub.s32 $0x0, s20;
	[sflag:s22] =	ssyncset.done $0x0  }
0xa1: {  	[sflag:s22] =	ssyncadd.s32 s5;
	_ =	sdelay $0x1  }
0xa2: {  	s23 =	simm.s32 $0x1B8B  }
0xa3: {  	_ =	swait.ge [sflag:s23], $0x1  }
0xa4: {  	[sflag:s23] =	ssyncset.done $0x0  }
0xa5: {  	s25 =	simm.s32 $0x1B8E;
	s24 =	sld [smem:$0x3FFE];
	[sflag:s23] =	ssyncadd.s32 $0xFFFFFFFF  }
0xa6: {  	s26 =	simm.s32 $execute0_lowered;
	[smem:$0x3FD2] =	sst s25  }
0xa7: {  	s6 =	sshll.u32 s26, $0x1;
	_ =	strace $0x80000046;
	[dreg:$0x1] =	wrdreg $0xFFFFFFFF  }
0xa8: {  	s28 =	simm.s32 $_size_execute0_lowered;
	s4 =	sadd.s32 s4, s6;
	[dreg:$0x0] =	wrdreg $0x0  }
0xa9: {  	s6 =	sshll.u32 s28, $0x1;
	[dreg:$0x2] =	wrdreg s4  }
0xaa: {  	[dreg:$0x3] =	wrdreg s6  }
0xab: {  	[dreg:$0x4] =	wrdreg $0xC0  }
0xac: {  	_ =	task [dreg:s8], $0x5FFFF  }
0xad: {  	[dreg:$0x1] =	wrdreg $0xFFFFFFFF  }
0xae: {  	[dreg:$0x0] =	wrdreg $0x60  }
0xaf: {  	[dreg:$0x2] =	wrdreg s2  }
0xb0: {  	[dreg:$0x3] =	wrdreg s24  }
0xb1: {  	[dreg:$0x4] =	wrdreg s18  }
0xb2: {  	[dreg:$0x5] =	wrdreg $0x88000  }
0xb3: {  	[dreg:$0x6] =	wrdreg $0x1C9000  }
0xb4: {  	[dreg:$0x7] =	wrdreg $0x9  }
0xb5: {  	_ =	task.clear_ibuf [dreg:s8], $0x8FFFF;
	_ =	strace $0x90000046  }
0xb6: {  	s29 =	simm.s32 $0x9;
	_ =	strace $0x80000048  }
0xb7: {  	_ =	swait.ge [sflag:s29], $0x1  }
0xb8: {  	[sflag:s29] =	ssyncadd.s32 $0xFFFFFFFF  }
0xb9: {  	_ =	strace $0x90000048  }
0xba: {  	_ =	sfence  }
0xbb: {  	s30 =	sld [smem:$0x0];
	_ =	sdelay $0x2  }
0xbc: {  	s31 =	sshll.u32 s1, $0xD;
	s1 =	sshrl.u32 s1, $0x2  }
0xbd: {  	s3 =	sand.u32 $0x4000, s31;
	s1 =	sadd.s32 s1, s30  }
0xbe: {  	s0 =	sor.u32 s3, s0;
	s1 =	sshll.u32 s1, $0x11  }
0xbf: {  	s0 =	sor.u32 s1, s0  }
0xc0: {  	s0 =	sadd.s32 $0x8F2B, s0  }
0xc1: {  	[sflag:s0] =	ssyncadd.remote.s32 $0x1  }
0xc2: {  	_ =	sfence.sel $0xFFFF  }
0xc3: {  	[dreg:$0x0] =	wrdreg $0xFFFFFFFF;
	(pc) =	sbr.abs _section_cstart, $3  }
0xc4: {  	[dreg:$0x1] =	wrdreg $0xFFFFFFFF  }
0xc5: {  	_ =	task.clear_ibuf [dreg:s8], $0x2FFFF;
	_ =	strace $0x9FFFFFFF  }
0xc6: {  	(tm) =	ssettm $0x7FFFFFFF  }
0xc7: {  	_ =	shalt  }
tec
execute0_lowered:
.L_overlay_start_1:
0x0: {  	(tag) =	ssettag $0x1  }
0x1: {  	s1 =	rddreg [dreg:$0x0]  }
0x2: {  	s0 =	rddreg [dreg:$0x1]  }
0x3: {  	s2 =	rddreg [dreg:$0x2]  }
0x4: {  	s3 =	rddreg [dreg:$0x3]  }
0x5: {  	s4 =	rddreg [dreg:$0x4]  }
0x6: {  	s5 =	srdreg.scid;
	s12 =	stileid.u32;
	s7 =	simm.s32 $0x3C00  }
0x7: {  	s16 =	simm.s32 $0x4;
	s26 =	simm.s32 $0x100;
	s28 =	simm.s32 $0x180  }
0x8: {  	s29 =	simm.s32 $0x500;
	s30 =	simm.s32 $0x200;
	s31 =	simm.s32 $0x580  }
0x9: {  	s15 =	simm.s32 $0x0;
	s6 =	sand.u32 $0x1, s5;
	s8 =	smul.u32 $0x5000, s12  }
0xa: {  	s9 =	smul.u32 $0x13900, s12;
	s5 =	simm.s32 $0x0;
	s10 =	sadd.s32 $0x15A00, s0  }
0xb: {  	s18 =	sadd.s32 $0x18200, s0;
	s20 =	smul.u32 $0x2720, s12;
	s12 =	sshll.u32 s12, $0x6  }
0xc: {  	p0 =	seq.s32 s6, $0x0;
	s17 =	smul.u32 $0x139000, s6;
	[smem:$0x7FF] =	sst s5  }
0xd: {  	s19 =	ssub.s32 $0x2, s6;
	_ =	strace $0x80000047;
	[dreg:$0x7] =	wrdreg s10  }
0xe: {  	s6 =	smul.u32 $0x27200, s6;
	s7 =	simm.s32 @!p0 $0x0;
	[dreg:$0x8] =	wrdreg s18  }
0xf: {  	s11 =	sshrl.u32 s19, $0x1;
	s13 =	sadd.s32 s9, s3;
	s21 =	sadd.s32 s20, s4  }
0x10: {  	s18 =	simm.s32 $0x400;
	[dreg:$0x6] =	wrdreg s26;
	s26 =	simm.s32 $0x480  }
0x11: {  	s10 =	simm.s32 $0x380;
	s7 =	sadd.s32 s7, s8;
	s8 =	sadd.s32 s9, s17  }
0x12: {  	s11 =	ssub.s32 s19, s11;
	s9 =	simm.s32 $0x5;
	s6 =	sadd.s32 s20, s6  }
0x13: {  	s13 =	sshrl.u32 s13, $0x3;
	s14 =	sshrl.u32 s21, $0x3;
	s19 =	simm.s32 $0x80  }
0x14: {  	s20 =	simm.s32 $0x800;
	s21 =	simm.s32 $0x4800;
	s7 =	sshrl.u32 s7, $0x3  }
0x15: {  	s8 =	sshrl.u32 s8, $0x3;
	s9 =	simm.s32 @!p0 $0xF;
	[dreg:$0x10] =	wrdreg s13  }
0x16: {  	s22 =	sshrl.u32 s6, $0x3;
	s23 =	smax.u32 s11, $0x1;
	[dreg:$0x11] =	wrdreg s14  }
0x17: {  	s6 =	simm.s32 $0x300;
	s7 =	sadd.s32 s7, s0;
	[dreg:$0x9] =	wrdreg s9  }
0x18: {  	s0 =	sadd.s32 s8, s0;
	s8 =	sor.u32 $0x1C04, s12;
	[dreg:$0xc] =	wrdreg s23  }
0x19: {  	s11 =	simm.s32 $0x700;
	s0 =	sadd.s32 $0x18800, s0;
	[dreg:$0xf] =	wrdreg s8  }
0x1a: {  	s23 =	simm.s32 $0x1C100;
	s24 =	sadd.s32 $0xBA00, s7;
	[dreg:$0xa] =	wrdreg s0  }
0x1b: {  	s12 =	simm.s32 $0x780;
	s25 =	sadd.s32 $0x1A00, s7;
	[dreg:$0xd] =	wrdreg s24  }
0x1c: {  	s7 =	simm.s32 $0x680;
	s0 =	sadd.s32 s2, s22;
	[dreg:$0xe] =	wrdreg s25  }
0x1d: {  	s22 =	simm.s32 $0x1;
	s24 =	simm.s32 $0x2;
	s25 =	simm.s32 $0x3  }
0x1e: {  	v0 =	vimm.f32 $1.000000000e+00;
	s2 =	simm.s32 $0x600;
	[dreg:$0xb] =	wrdreg s0;
	s0 =	simm.s32 $0x280  }
.LBB2_1:
0x1f: {  	s9 =	rddreg [dreg:$0x7]  }
0x20: {  	[spmem:s13], [sflag:s8] =	dma.local [hbm:s9], $0x2720  }
0x21: {  	_ =	swait.ge [sflag:s16], $0x2720  }
0x22: {  	[sflag:s16] =	ssyncset.done $0x0  }
0x23: {  	s17 =	rddreg [dreg:$0x8];
	[sflag:s16] =	ssyncadd.s32 $0xFFFFD8E0  }
0x24: {  	[spmem:s14], [sflag:s8] =	dma.local [hbm:s17], $0x4E4  }
0x25: {  	_ =	swait.ge [sflag:s16], $0x4E4  }
0x26: {  	[sflag:s16] =	ssyncset.done $0x0  }
0x27: {  	[sflag:s16] =	ssyncadd.s32 $0xFFFFFB1C  }
0x28: {  	[tilespmem:$0x1C100] =	vst v0  }
0x29: {  	[tilespmem:$0x1C110] =	vst v0  }
0x2a: {  	[tilespmem:$0x1C120] =	vst v0  }
0x2b: {  	[tilespmem:$0x1C130] =	vst v0  }
0x2c: {  	[tilespmem:$0x1C140] =	vst v0  }
0x2d: {  	[tilespmem:$0x1C150] =	vst v0  }
0x2e: {  	[tilespmem:$0x1C160] =	vst v0  }
0x2f: {  	[tilespmem:$0x1C170] =	vst v0  }
0x30: {  	[tilespmem:$0x1C180] =	vst v0  }
0x31: {  	[tilespmem:$0x1C190] =	vst v0  }
0x32: {  	[tilespmem:$0x1C1A0] =	vst v0  }
0x33: {  	[tilespmem:$0x1C1B0] =	vst v0  }
0x34: {  	[tilespmem:$0x1C1C0] =	vst v0  }
0x35: {  	[tilespmem:$0x1C1D0] =	vst v0  }
0x36: {  	[tilespmem:$0x1C1E0] =	vst v0  }
0x37: {  	[tilespmem:$0x1C1F0] =	vst v0  }
0x38: {  	[tilespmem:$0x1C200] =	vst v0  }
0x39: {  	[tilespmem:$0x1C210] =	vst v0  }
0x3a: {  	[tilespmem:$0x1C220] =	vst v0  }
0x3b: {  	[tilespmem:$0x1C230] =	vst v0  }
0x3c: {  	[tilespmem:$0x1C240] =	vst v0  }
0x3d: {  	[tilespmem:$0x1C250] =	vst v0  }
0x3e: {  	[tilespmem:$0x1C260] =	vst v0  }
0x3f: {  	[tilespmem:$0x1C270] =	vst v0  }
0x40: {  	[tilespmem:$0x1C280] =	vst v0  }
0x41: {  	[tilespmem:$0x1C290] =	vst v0  }
0x42: {  	[tilespmem:$0x1C2A0] =	vst v0  }
0x43: {  	[tilespmem:$0x1C2B0] =	vst v0  }
0x44: {  	[tilespmem:$0x1C2C0] =	vst v0  }
0x45: {  	[tilespmem:$0x1C2D0] =	vst v0  }
0x46: {  	[tilespmem:$0x1C2E0] =	vst v0  }
0x47: {  	[tilespmem:$0x1C2F0] =	vst v0  }
0x48: {  	[tilespmem:$0x1C300] =	vst v0  }
0x49: {  	[tilespmem:$0x1C310] =	vst v0  }
0x4a: {  	[tilespmem:$0x1C320] =	vst v0  }
0x4b: {  	[tilespmem:$0x1C330] =	vst v0  }
0x4c: {  	[tilespmem:$0x1C340] =	vst v0  }
0x4d: {  	[tilespmem:$0x1C350] =	vst v0  }
0x4e: {  	[tilespmem:$0x1C360] =	vst v0  }
0x4f: {  	[tilespmem:$0x1C370] =	vst v0  }
0x50: {  	[tilespmem:$0x1C380] =	vst v0  }
0x51: {  	[tilespmem:$0x1C390] =	vst v0  }
0x52: {  	[tilespmem:$0x1C3A0] =	vst v0  }
0x53: {  	[tilespmem:$0x1C3B0] =	vst v0  }
0x54: {  	[tilespmem:$0x1C3C0] =	vst v0  }
0x55: {  	[tilespmem:$0x1C3D0] =	vst v0  }
0x56: {  	[tilespmem:$0x1C3E0] =	vst v0  }
0x57: {  	[tilespmem:$0x1C3F0] =	vst v0  }
0x58: {  	[tilespmem:$0x1C400] =	vst v0  }
0x59: {  	[tilespmem:$0x1C410] =	vst v0  }
0x5a: {  	[tilespmem:$0x1C420] =	vst v0  }
0x5b: {  	[tilespmem:$0x1C430] =	vst v0  }
0x5c: {  	[tilespmem:$0x1C440] =	vst v0  }
0x5d: {  	[tilespmem:$0x1C450] =	vst v0  }
0x5e: {  	[tilespmem:$0x1C460] =	vst v0  }
0x5f: {  	[tilespmem:$0x1C470] =	vst v0  }
0x60: {  	[tilespmem:$0x1C480] =	vst v0  }
0x61: {  	[tilespmem:$0x1C490] =	vst v0  }
0x62: {  	[tilespmem:$0x1C4A0] =	vst v0  }
0x63: {  	[tilespmem:$0x1C4B0] =	vst v0  }
0x64: {  	[tilespmem:$0x1C4C0] =	vst v0  }
0x65: {  	[tilespmem:$0x1C4D0] =	vst v0  }
0x66: {  	[tilespmem:$0x1C4E0] =	vst v0  }
0x67: {  	[tilespmem:$0x1C4F0] =	vst v0  }
0x68: {  	[tilespmem:$0x1C500] =	vst v0  }
0x69: {  	[tilespmem:$0x1C510] =	vst v0  }
0x6a: {  	[tilespmem:$0x1C520] =	vst v0  }
0x6b: {  	[tilespmem:$0x1C530] =	vst v0  }
0x6c: {  	[tilespmem:$0x1C540] =	vst v0  }
0x6d: {  	[tilespmem:$0x1C550] =	vst v0  }
0x6e: {  	[tilespmem:$0x1C560] =	vst v0  }
0x6f: {  	[tilespmem:$0x1C570] =	vst v0  }
0x70: {  	[tilespmem:$0x1C580] =	vst v0  }
0x71: {  	[tilespmem:$0x1C590] =	vst v0  }
0x72: {  	[tilespmem:$0x1C5A0] =	vst v0  }
0x73: {  	[tilespmem:$0x1C5B0] =	vst v0  }
0x74: {  	[tilespmem:$0x1C5C0] =	vst v0  }
0x75: {  	[tilespmem:$0x1C5D0] =	vst v0  }
0x76: {  	[tilespmem:$0x1C5E0] =	vst v0  }
0x77: {  	[tilespmem:$0x1C5F0] =	vst v0  }
0x78: {  	[tilespmem:$0x1C600] =	vst v0  }
0x79: {  	[tilespmem:$0x1C610] =	vst v0  }
0x7a: {  	[tilespmem:$0x1C620] =	vst v0  }
0x7b: {  	[tilespmem:$0x1C630] =	vst v0  }
0x7c: {  	[tilespmem:$0x1C640] =	vst v0  }
0x7d: {  	[tilespmem:$0x1C650] =	vst v0  }
0x7e: {  	[tilespmem:$0x1C660] =	vst v0  }
0x7f: {  	[tilespmem:$0x1C670] =	vst v0  }
0x80: {  	[tilespmem:$0x1C680] =	vst v0  }
0x81: {  	[tilespmem:$0x1C690] =	vst v0  }
0x82: {  	[tilespmem:$0x1C6A0] =	vst v0  }
0x83: {  	[tilespmem:$0x1C6B0] =	vst v0  }
0x84: {  	[tilespmem:$0x1C6C0] =	vst v0  }
0x85: {  	[tilespmem:$0x1C6D0] =	vst v0  }
0x86: {  	[tilespmem:$0x1C6E0] =	vst v0  }
0x87: {  	[tilespmem:$0x1C6F0] =	vst v0  }
0x88: {  	[tilespmem:$0x1C700] =	vst v0  }
0x89: {  	[tilespmem:$0x1C710] =	vst v0  }
0x8a: {  	[tilespmem:$0x1C720] =	vst v0  }
0x8b: {  	[tilespmem:$0x1C730] =	vst v0  }
0x8c: {  	[tilespmem:$0x1C740] =	vst v0  }
0x8d: {  	[tilespmem:$0x1C750] =	vst v0  }
0x8e: {  	[tilespmem:$0x1C760] =	vst v0  }
0x8f: {  	[tilespmem:$0x1C770] =	vst v0  }
0x90: {  	[tilespmem:$0x1C780] =	vst v0  }
0x91: {  	[tilespmem:$0x1C790] =	vst v0  }
0x92: {  	[tilespmem:$0x1C7A0] =	vst v0  }
0x93: {  	[tilespmem:$0x1C7B0] =	vst v0  }
0x94: {  	[tilespmem:$0x1C7C0] =	vst v0  }
0x95: {  	[tilespmem:$0x1C7D0] =	vst v0  }
0x96: {  	[tilespmem:$0x1C7E0] =	vst v0  }
0x97: {  	[tilespmem:$0x1C7F0] =	vst v0  }
0x98: {  	[tilespmem:$0x1C800] =	vst v0  }
0x99: {  	[tilespmem:$0x1C810] =	vst v0  }
0x9a: {  	[tilespmem:$0x1C820] =	vst v0  }
0x9b: {  	[tilespmem:$0x1C830] =	vst v0  }
0x9c: {  	[tilespmem:$0x1C840] =	vst v0  }
0x9d: {  	[tilespmem:$0x1C850] =	vst v0  }
0x9e: {  	[tilespmem:$0x1C860] =	vst v0  }
0x9f: {  	[tilespmem:$0x1C870] =	vst v0  }
0xa0: {  	[tilespmem:$0x1C880] =	vst v0  }
0xa1: {  	[tilespmem:$0x1C890] =	vst v0  }
0xa2: {  	[tilespmem:$0x1C8A0] =	vst v0  }
0xa3: {  	[tilespmem:$0x1C8B0] =	vst v0  }
0xa4: {  	[tilespmem:$0x1C8C0] =	vst v0  }
0xa5: {  	[tilespmem:$0x1C8D0] =	vst v0  }
0xa6: {  	[tilespmem:$0x1C8E0] =	vst v0  }
0xa7: {  	[tilespmem:$0x1C8F0] =	vst v0  }
0xa8: {  	[bflag:$0x0] =	sbarrier.arrive $0xFFFF  }
0xa9: {  	s8 =	rddreg [dreg:$0xe]  }
0xaa: {  	[tilespmem:s5], [sflag:$0x4] =	stream.linear.gather [hbm4b:s8+s5], $0x400, $0x38;
	[tilespmem:$0x1F020] =	vst v63  }
0xab: {  	_ =	swait.ge [sflag:s16], $0x400  }
0xac: {  	[sflag:s16] =	ssyncset.done $0x0  }
0xad: {  	s14 =	rddreg [dreg:$0xd];
	[sflag:s16] =	ssyncadd.s32 $0xFFFFFC00  }
0xae: {  	[tilespmem:s18], [sflag:$0x4] =	stream.linear.gather [hbm4b:s14+s5], $0x400, $0x38;
	[tilespmem:$0x1F020] =	vst v63  }
0xaf: {  	_ =	swait.ge [sflag:s16], $0x400  }
0xb0: {  	[sflag:s16] =	ssyncset.done $0x0  }
0xb1: {  	[sflag:s16] =	ssyncadd.s32 $0xFFFFFC00  }
0xb2: {  	[tilespmem:s20], [sflag:$0x1] =	stream.indirect.gather [hbm4b:s1+s19], $0x80, s5, s19, $0xb8;
	[tilespmem:$0x1F020] =	vst v63  }
0xb3: {  	_ = 	snop  }
0xb4: {  	[tilespmem:s21], [sflag:$0x1] =	stream.indirect.gather [hbm4b:s1+s19], $0x80, s19, s19, $0xb8;
	[tilespmem:$0x1F020] =	vst v63  }
0xb5: {  	_ =	swait.ge [sflag:s22], $0x4000  }
0xb6: {  	[sflag:s22] =	ssyncset.done $0x0  }
0xb7: {  	[sflag:s22] =	ssyncadd.s32 $0xFFFFC000  }
0xb8: {  	[spmem:s3] =	stream.indirect.scatter.add.f32 [tilespmem:s20], [sflag:$0x2], $0x80, s18, s19, $0xb8;
	[tilespmem:$0x1F020] =	vst v63  }
0xb9: {  	_ = 	snop  }
0xba: {  	[spmem:s4] =	stream.indirect.scatter.add.f32 [tilespmem:s23], [sflag:$0x3], $0x10, s18, s19, $0xb8;
	[tilespmem:$0x1F020] =	vst v63  }
0xbb: {  	_ =	swait.ge [sflag:s24], $0x4000  }
0xbc: {  	[sflag:s24] =	ssyncset.done $0x0  }
0xbd: {  	[sflag:s24] =	ssyncadd.s32 $0xFFFFC000  }
0xbe: {  	_ =	swait.ge [sflag:s25], $0x800  }
0xbf: {  	[sflag:s25] =	ssyncset.done $0x0  }
0xc0: {  	s9 =	rddreg [dreg:$0x6];
	[sflag:s25] =	ssyncadd.s32 $0xFFFFF800  }
0xc1: {  	[tilespmem:s20], [sflag:$0x1] =	stream.indirect.gather [hbm4b:s1+s19], $0x80, s9, s19, $0xb8;
	[tilespmem:$0x1F020] =	vst v63  }
0xc2: {  	_ =	swait.ge [sflag:s22], $0x4000  }
0xc3: {  	[sflag:s22] =	ssyncset.done $0x0  }
0xc4: {  	[sflag:s22] =	ssyncadd.s32 $0xFFFFC000  }
0xc5: {  	[spmem:s3] =	stream.indirect.scatter.add.f32 [tilespmem:s21], [sflag:$0x2], $0x80, s26, s19, $0xb8;
	[tilespmem:$0x1F020] =	vst v63  }
0xc6: {  	_ = 	snop  }
0xc7: {  	[spmem:s4] =	stream.indirect.scatter.add.f32 [tilespmem:s23], [sflag:$0x3], $0x10, s26, s19, $0xb8;
	[tilespmem:$0x1F020] =	vst v63  }
0xc8: {  	_ =	swait.ge [sflag:s24], $0x4000  }
0xc9: {  	[sflag:s24] =	ssyncset.done $0x0  }
0xca: {  	[sflag:s24] =	ssyncadd.s32 $0xFFFFC000  }
0xcb: {  	_ =	swait.ge [sflag:s25], $0x800  }
0xcc: {  	[sflag:s25] =	ssyncset.done $0x0  }
0xcd: {  	[sflag:s25] =	ssyncadd.s32 $0xFFFFF800  }
0xce: {  	[tilespmem:s21], [sflag:$0x1] =	stream.indirect.gather [hbm4b:s1+s19], $0x80, s28, s19, $0xb8;
	[tilespmem:$0x1F020] =	vst v63  }
0xcf: {  	_ =	swait.ge [sflag:s22], $0x4000  }
0xd0: {  	[sflag:s22] =	ssyncset.done $0x0  }
0xd1: {  	[sflag:s22] =	ssyncadd.s32 $0xFFFFC000  }
0xd2: {  	[spmem:s3] =	stream.indirect.scatter.add.f32 [tilespmem:s20], [sflag:$0x2], $0x80, s29, s19, $0xb8;
	[tilespmem:$0x1F020] =	vst v63  }
0xd3: {  	_ = 	snop  }
0xd4: {  	[spmem:s4] =	stream.indirect.scatter.add.f32 [tilespmem:s23], [sflag:$0x3], $0x10, s29, s19, $0xb8;
	[tilespmem:$0x1F020] =	vst v63  }
0xd5: {  	_ =	swait.ge [sflag:s24], $0x4000  }
0xd6: {  	[sflag:s24] =	ssyncset.done $0x0  }
0xd7: {  	[sflag:s24] =	ssyncadd.s32 $0xFFFFC000  }
0xd8: {  	_ =	swait.ge [sflag:s25], $0x800  }
0xd9: {  	[sflag:s25] =	ssyncset.done $0x0  }
0xda: {  	[sflag:s25] =	ssyncadd.s32 $0xFFFFF800  }
0xdb: {  	[tilespmem:s20], [sflag:$0x1] =	stream.indirect.gather [hbm4b:s1+s19], $0x80, s30, s19, $0xb8;
	[tilespmem:$0x1F020] =	vst v63  }
0xdc: {  	_ =	swait.ge [sflag:s22], $0x4000  }
0xdd: {  	[sflag:s22] =	ssyncset.done $0x0  }
0xde: {  	[sflag:s22] =	ssyncadd.s32 $0xFFFFC000  }
0xdf: {  	[spmem:s3] =	stream.indirect.scatter.add.f32 [tilespmem:s21], [sflag:$0x2], $0x80, s31, s19, $0xb8;
	[tilespmem:$0x1F020] =	vst v63  }
0xe0: {  	_ = 	snop  }
0xe1: {  	[spmem:s4] =	stream.indirect.scatter.add.f32 [tilespmem:s23], [sflag:$0x3], $0x10, s31, s19, $0xb8;
	[tilespmem:$0x1F020] =	vst v63  }
0xe2: {  	_ =	swait.ge [sflag:s24], $0x4000  }
0xe3: {  	[sflag:s24] =	ssyncset.done $0x0  }
0xe4: {  	[sflag:s24] =	ssyncadd.s32 $0xFFFFC000  }
0xe5: {  	_ =	swait.ge [sflag:s25], $0x800  }
0xe6: {  	[sflag:s25] =	ssyncset.done $0x0  }
0xe7: {  	[sflag:s25] =	ssyncadd.s32 $0xFFFFF800  }
0xe8: {  	[tilespmem:s21], [sflag:$0x1] =	stream.indirect.gather [hbm4b:s1+s19], $0x80, s0, s19, $0xb8;
	[tilespmem:$0x1F020] =	vst v63  }
0xe9: {  	_ =	swait.ge [sflag:s22], $0x4000  }
0xea: {  	[sflag:s22] =	ssyncset.done $0x0  }
0xeb: {  	[sflag:s22] =	ssyncadd.s32 $0xFFFFC000  }
0xec: {  	[spmem:s3] =	stream.indirect.scatter.add.f32 [tilespmem:s20], [sflag:$0x2], $0x80, s2, s19, $0xb8;
	[tilespmem:$0x1F020] =	vst v63  }
0xed: {  	_ = 	snop  }
0xee: {  	[spmem:s4] =	stream.indirect.scatter.add.f32 [tilespmem:s23], [sflag:$0x3], $0x10, s2, s19, $0xb8;
	[tilespmem:$0x1F020] =	vst v63  }
0xef: {  	_ =	swait.ge [sflag:s24], $0x4000  }
0xf0: {  	[sflag:s24] =	ssyncset.done $0x0  }
0xf1: {  	[sflag:s24] =	ssyncadd.s32 $0xFFFFC000  }
0xf2: {  	_ =	swait.ge [sflag:s25], $0x800  }
0xf3: {  	[sflag:s25] =	ssyncset.done $0x0  }
0xf4: {  	[sflag:s25] =	ssyncadd.s32 $0xFFFFF800  }
0xf5: {  	[tilespmem:s20], [sflag:$0x1] =	stream.indirect.gather [hbm4b:s1+s19], $0x80, s6, s19, $0xb8;
	[tilespmem:$0x1F020] =	vst v63  }
0xf6: {  	_ =	swait.ge [sflag:s22], $0x4000  }
0xf7: {  	[sflag:s22] =	ssyncset.done $0x0  }
0xf8: {  	[sflag:s22] =	ssyncadd.s32 $0xFFFFC000  }
0xf9: {  	[spmem:s3] =	stream.indirect.scatter.add.f32 [tilespmem:s21], [sflag:$0x2], $0x80, s7, s19, $0xb8;
	[tilespmem:$0x1F020] =	vst v63  }
0xfa: {  	_ = 	snop  }
0xfb: {  	[spmem:s4] =	stream.indirect.scatter.add.f32 [tilespmem:s23], [sflag:$0x3], $0x10, s7, s19, $0xb8;
	[tilespmem:$0x1F020] =	vst v63  }
0xfc: {  	_ =	swait.ge [sflag:s24], $0x4000  }
0xfd: {  	[sflag:s24] =	ssyncset.done $0x0  }
0xfe: {  	[sflag:s24] =	ssyncadd.s32 $0xFFFFC000  }
0xff: {  	_ =	swait.ge [sflag:s25], $0x800  }
0x100: {  	[sflag:s25] =	ssyncset.done $0x0  }
0x101: {  	[sflag:s25] =	ssyncadd.s32 $0xFFFFF800  }
0x102: {  	[tilespmem:s21], [sflag:$0x1] =	stream.indirect.gather [hbm4b:s1+s19], $0x80, s10, s19, $0xb8;
	[tilespmem:$0x1F020] =	vst v63  }
0x103: {  	_ =	swait.ge [sflag:s22], $0x4000  }
0x104: {  	[sflag:s22] =	ssyncset.done $0x0  }
0x105: {  	[sflag:s22] =	ssyncadd.s32 $0xFFFFC000  }
0x106: {  	[spmem:s3] =	stream.indirect.scatter.add.f32 [tilespmem:s20], [sflag:$0x2], $0x80, s11, s19, $0xb8;
	[tilespmem:$0x1F020] =	vst v63  }
0x107: {  	_ = 	snop  }
0x108: {  	[spmem:s4] =	stream.indirect.scatter.add.f32 [tilespmem:s23], [sflag:$0x3], $0x10, s11, s19, $0xb8;
	[tilespmem:$0x1F020] =	vst v63  }
0x109: {  	_ =	swait.ge [sflag:s24], $0x4000  }
0x10a: {  	[sflag:s24] =	ssyncset.done $0x0  }
0x10b: {  	[sflag:s24] =	ssyncadd.s32 $0xFFFFC000  }
0x10c: {  	_ =	swait.ge [sflag:s25], $0x800  }
0x10d: {  	[sflag:s25] =	ssyncset.done $0x0  }
0x10e: {  	[sflag:s25] =	ssyncadd.s32 $0xFFFFF800  }
0x10f: {  	_ =	swait.ge [sflag:s22], $0x4000  }
0x110: {  	[sflag:s22] =	ssyncset.done $0x0  }
0x111: {  	[sflag:s22] =	ssyncadd.s32 $0xFFFFC000  }
0x112: {  	[spmem:s3] =	stream.indirect.scatter.add.f32 [tilespmem:s21], [sflag:$0x2], $0x80, s12, s19, $0xb8;
	[tilespmem:$0x1F020] =	vst v63  }
0x113: {  	_ = 	snop  }
0x114: {  	[spmem:s4] =	stream.indirect.scatter.add.f32 [tilespmem:s23], [sflag:$0x3], $0x10, s12, s19, $0xb8;
	[tilespmem:$0x1F020] =	vst v63  }
0x115: {  	_ =	swait.ge [sflag:s24], $0x4000  }
0x116: {  	s17 =	rddreg [dreg:$0x9]  }
0x117: {  	p0 =	sne.s32 s17, $0x1  }
.Ltmp0:
0x118: {  	_ = 	snop;
	(pc) =	sbr.rel @!p0 .LBB2_3-.Ltmp0, $4  }
0x119: {  	[sflag:s24] =	ssyncset.done $0x0  }
0x11a: {  	[sflag:s24] =	ssyncadd.s32 $0xFFFFC000  }
0x11b: {  	_ =	swait.ge [sflag:s25], $0x800  }
0x11c: {  	s13 =	smov.u32 s14;
	s17 =	sadd.s32 $0xFFFFFFFF, s17;
	[sflag:s25] =	ssyncset.done $0x0  }
.LBB2_2:
0x11d: {  	[sflag:s25] =	ssyncadd.s32 $0xFFFFF800;
	s8 =	sadd.s32 $0x80, s8  }
0x11e: {  	[tilespmem:s5], [sflag:$0x4] =	stream.linear.gather [hbm4b:s8+s5], $0x400, $0x38;
	[tilespmem:$0x1F020] =	vst v63  }
0x11f: {  	_ =	swait.ge [sflag:s16], $0x400  }
0x120: {  	[sflag:s16] =	ssyncset.done $0x0  }
0x121: {  	s13 =	sadd.s32 $0x80, s13;
	[sflag:s16] =	ssyncadd.s32 $0xFFFFFC00  }
0x122: {  	[tilespmem:s18], [sflag:$0x4] =	stream.linear.gather [hbm4b:s13+s5], $0x400, $0x38;
	[tilespmem:$0x1F020] =	vst v63  }
0x123: {  	_ =	swait.ge [sflag:s16], $0x400  }
0x124: {  	[sflag:s16] =	ssyncset.done $0x0  }
0x125: {  	[sflag:s16] =	ssyncadd.s32 $0xFFFFFC00  }
0x126: {  	[tilespmem:s20], [sflag:$0x1] =	stream.indirect.gather [hbm4b:s1+s19], $0x80, s5, s19, $0xb8;
	[tilespmem:$0x1F020] =	vst v63  }
0x127: {  	_ = 	snop  }
0x128: {  	[tilespmem:s21], [sflag:$0x1] =	stream.indirect.gather [hbm4b:s1+s19], $0x80, s19, s19, $0xb8;
	[tilespmem:$0x1F020] =	vst v63  }
0x129: {  	_ =	swait.ge [sflag:s22], $0x4000  }
0x12a: {  	[sflag:s22] =	ssyncset.done $0x0  }
0x12b: {  	[sflag:s22] =	ssyncadd.s32 $0xFFFFC000  }
0x12c: {  	[spmem:s3] =	stream.indirect.scatter.add.f32 [tilespmem:s20], [sflag:$0x2], $0x80, s18, s19, $0xb8;
	[tilespmem:$0x1F020] =	vst v63  }
0x12d: {  	_ = 	snop  }
0x12e: {  	[spmem:s4] =	stream.indirect.scatter.add.f32 [tilespmem:s23], [sflag:$0x3], $0x10, s18, s19, $0xb8;
	[tilespmem:$0x1F020] =	vst v63  }
0x12f: {  	_ =	swait.ge [sflag:s24], $0x4000  }
0x130: {  	[sflag:s24] =	ssyncset.done $0x0  }
0x131: {  	[sflag:s24] =	ssyncadd.s32 $0xFFFFC000  }
0x132: {  	_ =	swait.ge [sflag:s25], $0x800  }
0x133: {  	[sflag:s25] =	ssyncset.done $0x0  }
0x134: {  	s9 =	rddreg [dreg:$0x6];
	[sflag:s25] =	ssyncadd.s32 $0xFFFFF800  }
0x135: {  	[tilespmem:s20], [sflag:$0x1] =	stream.indirect.gather [hbm4b:s1+s19], $0x80, s9, s19, $0xb8;
	[tilespmem:$0x1F020] =	vst v63  }
0x136: {  	_ =	swait.ge [sflag:s22], $0x4000  }
0x137: {  	[sflag:s22] =	ssyncset.done $0x0  }
0x138: {  	[sflag:s22] =	ssyncadd.s32 $0xFFFFC000  }
0x139: {  	[spmem:s3] =	stream.indirect.scatter.add.f32 [tilespmem:s21], [sflag:$0x2], $0x80, s26, s19, $0xb8;
	[tilespmem:$0x1F020] =	vst v63  }
0x13a: {  	_ = 	snop  }
0x13b: {  	[spmem:s4] =	stream.indirect.scatter.add.f32 [tilespmem:s23], [sflag:$0x3], $0x10, s26, s19, $0xb8;
	[tilespmem:$0x1F020] =	vst v63  }
0x13c: {  	_ =	swait.ge [sflag:s24], $0x4000  }
0x13d: {  	[sflag:s24] =	ssyncset.done $0x0  }
0x13e: {  	[sflag:s24] =	ssyncadd.s32 $0xFFFFC000  }
0x13f: {  	_ =	swait.ge [sflag:s25], $0x800  }
0x140: {  	[sflag:s25] =	ssyncset.done $0x0  }
0x141: {  	[sflag:s25] =	ssyncadd.s32 $0xFFFFF800  }
0x142: {  	[tilespmem:s21], [sflag:$0x1] =	stream.indirect.gather [hbm4b:s1+s19], $0x80, s28, s19, $0xb8;
	[tilespmem:$0x1F020] =	vst v63  }
0x143: {  	_ =	swait.ge [sflag:s22], $0x4000  }
0x144: {  	[sflag:s22] =	ssyncset.done $0x0  }
0x145: {  	[sflag:s22] =	ssyncadd.s32 $0xFFFFC000  }
0x146: {  	[spmem:s3] =	stream.indirect.scatter.add.f32 [tilespmem:s20], [sflag:$0x2], $0x80, s29, s19, $0xb8;
	[tilespmem:$0x1F020] =	vst v63  }
0x147: {  	_ = 	snop  }
0x148: {  	[spmem:s4] =	stream.indirect.scatter.add.f32 [tilespmem:s23], [sflag:$0x3], $0x10, s29, s19, $0xb8;
	[tilespmem:$0x1F020] =	vst v63  }
0x149: {  	_ =	swait.ge [sflag:s24], $0x4000  }
0x14a: {  	[sflag:s24] =	ssyncset.done $0x0  }
0x14b: {  	[sflag:s24] =	ssyncadd.s32 $0xFFFFC000  }
0x14c: {  	_ =	swait.ge [sflag:s25], $0x800  }
0x14d: {  	[sflag:s25] =	ssyncset.done $0x0  }
0x14e: {  	[sflag:s25] =	ssyncadd.s32 $0xFFFFF800  }
0x14f: {  	[tilespmem:s20], [sflag:$0x1] =	stream.indirect.gather [hbm4b:s1+s19], $0x80, s30, s19, $0xb8;
	[tilespmem:$0x1F020] =	vst v63  }
0x150: {  	_ =	swait.ge [sflag:s22], $0x4000  }
0x151: {  	[sflag:s22] =	ssyncset.done $0x0  }
0x152: {  	[sflag:s22] =	ssyncadd.s32 $0xFFFFC000  }
0x153: {  	[spmem:s3] =	stream.indirect.scatter.add.f32 [tilespmem:s21], [sflag:$0x2], $0x80, s31, s19, $0xb8;
	[tilespmem:$0x1F020] =	vst v63  }
0x154: {  	_ = 	snop  }
0x155: {  	[spmem:s4] =	stream.indirect.scatter.add.f32 [tilespmem:s23], [sflag:$0x3], $0x10, s31, s19, $0xb8;
	[tilespmem:$0x1F020] =	vst v63  }
0x156: {  	_ =	swait.ge [sflag:s24], $0x4000  }
0x157: {  	[sflag:s24] =	ssyncset.done $0x0  }
0x158: {  	[sflag:s24] =	ssyncadd.s32 $0xFFFFC000  }
0x159: {  	_ =	swait.ge [sflag:s25], $0x800  }
0x15a: {  	[sflag:s25] =	ssyncset.done $0x0  }
0x15b: {  	[sflag:s25] =	ssyncadd.s32 $0xFFFFF800  }
0x15c: {  	[tilespmem:s21], [sflag:$0x1] =	stream.indirect.gather [hbm4b:s1+s19], $0x80, s0, s19, $0xb8;
	[tilespmem:$0x1F020] =	vst v63  }
0x15d: {  	_ =	swait.ge [sflag:s22], $0x4000  }
0x15e: {  	[sflag:s22] =	ssyncset.done $0x0  }
0x15f: {  	[sflag:s22] =	ssyncadd.s32 $0xFFFFC000  }
0x160: {  	[spmem:s3] =	stream.indirect.scatter.add.f32 [tilespmem:s20], [sflag:$0x2], $0x80, s2, s19, $0xb8;
	[tilespmem:$0x1F020] =	vst v63  }
0x161: {  	_ = 	snop  }
0x162: {  	[spmem:s4] =	stream.indirect.scatter.add.f32 [tilespmem:s23], [sflag:$0x3], $0x10, s2, s19, $0xb8;
	[tilespmem:$0x1F020] =	vst v63  }
0x163: {  	_ =	swait.ge [sflag:s24], $0x4000  }
0x164: {  	[sflag:s24] =	ssyncset.done $0x0  }
0x165: {  	[sflag:s24] =	ssyncadd.s32 $0xFFFFC000  }
0x166: {  	_ =	swait.ge [sflag:s25], $0x800  }
0x167: {  	[sflag:s25] =	ssyncset.done $0x0  }
0x168: {  	[sflag:s25] =	ssyncadd.s32 $0xFFFFF800  }
0x169: {  	[tilespmem:s20], [sflag:$0x1] =	stream.indirect.gather [hbm4b:s1+s19], $0x80, s6, s19, $0xb8;
	[tilespmem:$0x1F020] =	vst v63  }
0x16a: {  	_ =	swait.ge [sflag:s22], $0x4000  }
0x16b: {  	[sflag:s22] =	ssyncset.done $0x0  }
0x16c: {  	[sflag:s22] =	ssyncadd.s32 $0xFFFFC000  }
0x16d: {  	[spmem:s3] =	stream.indirect.scatter.add.f32 [tilespmem:s21], [sflag:$0x2], $0x80, s7, s19, $0xb8;
	[tilespmem:$0x1F020] =	vst v63  }
0x16e: {  	_ = 	snop  }
0x16f: {  	[spmem:s4] =	stream.indirect.scatter.add.f32 [tilespmem:s23], [sflag:$0x3], $0x10, s7, s19, $0xb8;
	[tilespmem:$0x1F020] =	vst v63  }
0x170: {  	_ =	swait.ge [sflag:s24], $0x4000  }
0x171: {  	[sflag:s24] =	ssyncset.done $0x0  }
0x172: {  	[sflag:s24] =	ssyncadd.s32 $0xFFFFC000  }
0x173: {  	_ =	swait.ge [sflag:s25], $0x800  }
0x174: {  	[sflag:s25] =	ssyncset.done $0x0  }
0x175: {  	[sflag:s25] =	ssyncadd.s32 $0xFFFFF800  }
0x176: {  	[tilespmem:s21], [sflag:$0x1] =	stream.indirect.gather [hbm4b:s1+s19], $0x80, s10, s19, $0xb8;
	[tilespmem:$0x1F020] =	vst v63  }
0x177: {  	_ =	swait.ge [sflag:s22], $0x4000  }
0x178: {  	[sflag:s22] =	ssyncset.done $0x0  }
0x179: {  	[sflag:s22] =	ssyncadd.s32 $0xFFFFC000  }
0x17a: {  	[spmem:s3] =	stream.indirect.scatter.add.f32 [tilespmem:s20], [sflag:$0x2], $0x80, s11, s19, $0xb8;
	[tilespmem:$0x1F020] =	vst v63  }
0x17b: {  	_ = 	snop  }
0x17c: {  	[spmem:s4] =	stream.indirect.scatter.add.f32 [tilespmem:s23], [sflag:$0x3], $0x10, s11, s19, $0xb8;
	[tilespmem:$0x1F020] =	vst v63  }
0x17d: {  	_ =	swait.ge [sflag:s24], $0x4000  }
0x17e: {  	[sflag:s24] =	ssyncset.done $0x0  }
0x17f: {  	[sflag:s24] =	ssyncadd.s32 $0xFFFFC000  }
0x180: {  	_ =	swait.ge [sflag:s25], $0x800  }
0x181: {  	[sflag:s25] =	ssyncset.done $0x0  }
0x182: {  	[sflag:s25] =	ssyncadd.s32 $0xFFFFF800  }
0x183: {  	_ =	swait.ge [sflag:s22], $0x4000  }
0x184: {  	[sflag:s22] =	ssyncset.done $0x0  }
0x185: {  	[sflag:s22] =	ssyncadd.s32 $0xFFFFC000  }
0x186: {  	[spmem:s3] =	stream.indirect.scatter.add.f32 [tilespmem:s21], [sflag:$0x2], $0x80, s12, s19, $0xb8;
	[tilespmem:$0x1F020] =	vst v63  }
0x187: {  	p0 =	sne.s32 s17, $0x1  }
0x188: {  	[spmem:s4] =	stream.indirect.scatter.add.f32 [tilespmem:s23], [sflag:$0x3], $0x10, s12, s19, $0xb8;
	[tilespmem:$0x1F020] =	vst v63  }
.Ltmp1:
0x189: {  	_ =	swait.ge [sflag:s24], $0x4000;
	(pc) =	sbr.rel @p0 .LBB2_2-.Ltmp1, $4  }
0x18a: {  	[sflag:s24] =	ssyncset.done $0x0  }
0x18b: {  	[sflag:s24] =	ssyncadd.s32 $0xFFFFC000  }
0x18c: {  	_ =	swait.ge [sflag:s25], $0x800  }
0x18d: {  	s17 =	sadd.s32 $0xFFFFFFFF, s17;
	[sflag:s25] =	ssyncset.done $0x0  }
.LBB2_3:
0x18e: {  	[sflag:s25] =	ssyncadd.s32 $0xFFFFF800  }
0x18f: {  	[bflag:$0x0] =	sbarrier.arrive $0xFFFF  }
0x190: {  	s9 =	rddreg [dreg:$0xa]  }
0x191: {  	s8 =	rddreg [dreg:$0xf]  }
0x192: {  	s13 =	rddreg [dreg:$0x10]  }
0x193: {  	[hbm:s9], [sflag:s8] =	dma.local [spmem:s13], $0x2720  }
0x194: {  	_ =	swait.ge [sflag:s16], $0x2720  }
0x195: {  	[sflag:s16] =	ssyncset.done $0x0;
	s17 =	rddreg [dreg:$0xb]  }
0x196: {  	s14 =	rddreg [dreg:$0x11];
	[sflag:s16] =	ssyncadd.s32 $0xFFFFD8E0  }
0x197: {  	[hbm:s17], [sflag:s8] =	dma.local [spmem:s14], $0x4E4  }
0x198: {  	_ =	swait.ge [sflag:s16], $0x4E4  }
0x199: {  	s15 =	sadd.s32 $0x1, s15;
	s17 =	rddreg [dreg:$0xc]  }
0x19a: {  	p0 =	sne.s32 s15, s17  }
.Ltmp2:
0x19b: {  	_ = 	snop;
	(pc) =	sbr.rel @p0 .LBB2_1-.Ltmp2, $3  }
0x19c: {  	_ =	sdelay $0x1  }
0x19d: {  	[sflag:s16] =	ssyncset.done $0x0  }
0x19e: {  	[sflag:s16] =	ssyncadd.s32 $0xFFFFFB1C  }
0x19f: {  	_ =	sfence.sel $0x180000  }
0x1a0: {  	[bflag:$0x0] =	sbarrier.arrive $0xFFFF  }
0x1a1: {  	_ =	strace $0x90000047  }
0x1a2: {  	s0 =	stileid.u32;
	[bflag:$0x2] =	sbarrier.arrive $0xFFFF  }
0x1a3: {  	p0 =	sne.s32 s0, $0x0;
	s0 =	rddreg [dreg:$0x5]  }
0x1a4: {  	s0 =	sadd.s32 @!p0 $0x100000, s0  }
0x1a5: {  	[sflag:s0] =	ssyncadd.tile.s32 @!p0 $0x1;
	_ =	shalt  }
.Lfunc_end2:
_tile_overlayer_lowered:
.L_overlay_start_2:
0x1a6: {  	(tag) =	ssettag $0x2  }
0x1a7: {  	s0 =	rddreg [dreg:$0x0];
	s2 =	stileid.u32  }
0x1a8: {  	s1 =	rddreg [dreg:$0x1];
	p0 =	sne.s32 s2, $0x0  }
0x1a9: {  	s3 =	rddreg [dreg:$0x2];
	[bflag:$0x3] =	sbarrier.arrive $0xFFFF;
	s2 =	simm.s32 @!p0 $0x1C04  }
0x1aa: {  	[timem:s3], [sflag:s2] =	dma.local @!p0 [hbm:s0], s1  }
0x1ab: {  	s0 =	simm.s32 @!p0 $0x4  }
0x1ac: {  	_ =	swait.ge @!p0 [sflag:s0], s1  }
0x1ad: {  	s1 =	ssub.s32 @!p0 $0x0, s1;
	[sflag:s0] =	ssyncset.done @!p0 $0x0  }
0x1ae: {  	[sflag:s0] =	ssyncadd.s32 @!p0 s1  }
0x1af: {  	[bflag:$0x3] =	sbarrier.arrive $0xFFFF  }
0x1b0: {  	_ =	shalt  }

// kernel: kernel.9.cloned.1.call-start
scs
__scs_entry_jumppad:
0x0: {  	(pc) =	sbr.rel $0x88, $3  }
0x1: {  	(tag) =	ssettag $0x0;
	lr =	simm.s32 $0x1  }
0x2: {  	[smem:$0x3F99] =	sst lr;
	_ =	strace $0xD0000000  }
0x3: {  	_ = 	snop  }
0x4: {  	_ = 	snop  }
0x5: {  	_ = 	snop  }
0x6: {  	_ = 	snop  }
0x7: {  	_ = 	snop  }
__scs_overlays_trampoline_lowered:
0x8: {  	[smem:$0x3FA8] =	sst s0  }
0x9: {  	[smem:$0x3FA9] =	sst s1  }
0xa: {  	[smem:$0x3FAA] =	sst s2  }
0xb: {  	[smem:$0x3FAB] =	sst s3  }
0xc: {  	[smem:$0x3FAC] =	sst s4  }
0xd: {  	[smem:$0x3FAD] =	sst s5  }
0xe: {  	[smem:$0x3FAE] =	sst s6  }
0xf: {  	[smem:$0x3FAF] =	sst s7  }
0x10: {  	[smem:$0x3FB0] =	sst s8  }
0x11: {  	[smem:$0x3FB1] =	sst s9;
	s0 =	simm.s32 @!p0 $0x0  }
0x12: {  	s1 =	sld [smem:$0x3F97];
	s0 =	simm.s32 @p0 $0x1  }
0x13: {  	[smem:$0x3FB2] =	sst s0;
	s0 =	simm.s32 @!p1 $0x0  }
0x14: {  	s2 =	sld [smem:$0x3F96];
	s0 =	simm.s32 @p1 $0x1  }
0x15: {  	[smem:$0x3FB3] =	sst s0;
	s0 =	simm.s32 @!p2 $0x0  }
0x16: {  	s3 =	sld [smem:$0x3FDB];
	s0 =	simm.s32 @p2 $0x1  }
0x17: {  	s4 =	simm.s32 $0x1BF5;
	[smem:$0x3FB5] =	sst s0  }
0x18: {  	s0 =	sld [smem:$0x3F98];
	_ =	swait.ge [sflag:s4], $0x0  }
0x19: {  	s7 =	sld [smem:$0x3F99]  }
0x1a: {  	s8 =	sadd.s32 $0xFFFFE003, lr  }
0x1b: {  	s9 =	sadd.s32 $0xFFFFFEF7, lr;
	s5 =	simm.s32 $0xFFFFFFFF;
	p2 =	slt.u32 s8, $0xFFFFF086  }
0x1c: {  	p1 =	slt.u32 s9, $0xF7A;
	s5 =	simm.s32 @!p2 $0x0  }
0x1d: {  	s5 =	simm.s32 @p1 $0x1;
	p0 =	seq.s32 s7, s2  }
0x1e: {  	s7 =	smul.u32 @!p0 $0xF7A, s2;
	p2 =	seq.s32 @!p0 s5, $0x0  }
0x1f: {  	s9 =	smul.u32 $0xF7A, s1;
	s8 =	simm.s32 @!p0 $0x1BF5;
	p2 =	por !p2, p0  }
0x20: {  	[sflag:s8] =	ssyncset.s32 @!p0 $0xFFFFF086;
	s6 =	sadd.s32 @!p0 s3, s7;
	s7 =	simm.s32 @!p0 $0x108  }
0x21: {  	s3 =	sadd.s32 s3, s9;
	s6 =	sadd.s32 @!p0 $0x88, s6;
	s7 =	simm.s32 @p2 $0x1082  }
0x22: {  	[simem:s7], [sflag:s8] =	dma.local @!p0 [hbm:s6], $0xF7A  }
0x23: {  	s9 =	sor.u32 $0xD0000000, s2;
	s6 =	simm.s32 $0x108;
	_ =	swait.ge @!p0 [sflag:s8], $0x0  }
0x24: {  	s3 =	sadd.s32 $0x88, s3;
	s6 =	simm.s32 @!p1 $0x1082;
	[sflag:s4] =	ssyncset.s32 $0xFFFFF086  }
0x25: {  	[simem:s6], [sflag:s4] =	dma.local [hbm:s3], $0xF7A  }
0x26: {  	[smem:$0x3F99] =	sst s1;
	(tag) =	ssettag s2;
	_ =	strace s9  }
0x27: {  	s1 =	sld [smem:$0x3FA9]  }
0x28: {  	s2 =	sld [smem:$0x3FAA]  }
0x29: {  	s4 =	sld [smem:$0x3FAC]  }
0x2a: {  	p0 =	seq.s32 s5, $0x0;
	s5 =	sld [smem:$0x3FAD]  }
0x2b: {  	s6 =	sld [smem:$0x3FAE]  }
0x2c: {  	s7 =	sld [smem:$0x3FAF]  }
0x2d: {  	s3 =	simm.s32 $0x108;
	s8 =	sld [smem:$0x3FB0]  }
0x2e: {  	s3 =	simm.s32 @!p0 $0x1082;
	s9 =	sld [smem:$0x3FB1]  }
0x2f: {  	lr =	sadd.s32 s0, s3;
	s0 =	sld [smem:$0x3FA8]  }
0x30: {  	s3 =	sld [smem:$0x3FAB]  }
0x31: {  	[smem:$0x3FB4] =	sst s10  }
0x32: {  	s10 =	sld [smem:$0x3FB2];
	_ =	sdelay $0x3  }
0x33: {  	p0 =	seq.s32 s10, $0x1;
	s10 =	sld [smem:$0x3FB4];
	_ =	sdelay $0x3  }
0x34: {  	[smem:$0x3FB4] =	sst s10  }
0x35: {  	s10 =	sld [smem:$0x3FB3];
	_ =	sdelay $0x3  }
0x36: {  	p1 =	seq.s32 s10, $0x1;
	s10 =	sld [smem:$0x3FB4];
	_ =	sdelay $0x3  }
0x37: {  	[smem:$0x3FB4] =	sst s10  }
0x38: {  	s10 =	sld [smem:$0x3FB5]  }
0x39: {  	_ = 	snop;
	(pc) =	sbr.ind lr, $3  }
0x3a: {  	_ = 	snop  }
0x3b: {  	_ = 	snop  }
0x3c: {  	p2 =	seq.s32 s10, $0x1;
	s10 =	sld [smem:$0x3FB4]  }
0x3d: {  	_ =	shalt  }
0x3e: {  	_ =	shalt  }
0x3f: {  	_ =	shalt  }
0x40: {  	_ =	shalt  }
0x41: {  	_ =	shalt  }
0x42: {  	_ =	shalt  }
0x43: {  	_ =	shalt  }
0x44: {  	_ =	shalt  }
0x45: {  	_ =	shalt  }
0x46: {  	_ =	shalt  }
0x47: {  	_ =	shalt  }
0x48: {  	_ =	shalt  }
0x49: {  	_ =	shalt  }
0x4a: {  	_ =	shalt  }
0x4b: {  	_ =	shalt  }
0x4c: {  	_ =	shalt  }
0x4d: {  	_ =	shalt  }
0x4e: {  	_ =	shalt  }
0x4f: {  	_ =	shalt  }
0x50: {  	_ =	shalt  }
0x51: {  	_ =	shalt  }
0x52: {  	_ =	shalt  }
0x53: {  	_ =	shalt  }
0x54: {  	_ =	shalt  }
0x55: {  	_ =	shalt  }
0x56: {  	_ =	shalt  }
0x57: {  	_ =	shalt  }
0x58: {  	_ =	shalt  }
0x59: {  	_ =	shalt  }
0x5a: {  	_ =	shalt  }
0x5b: {  	_ =	shalt  }
0x5c: {  	_ =	shalt  }
0x5d: {  	_ =	shalt  }
0x5e: {  	_ =	shalt  }
0x5f: {  	_ =	shalt  }
0x60: {  	_ =	shalt  }
0x61: {  	_ =	shalt  }
0x62: {  	_ =	shalt  }
0x63: {  	_ =	shalt  }
0x64: {  	_ =	shalt  }
0x65: {  	_ =	shalt  }
0x66: {  	_ =	shalt  }
0x67: {  	_ =	shalt  }
0x68: {  	_ =	shalt  }
0x69: {  	_ =	shalt  }
0x6a: {  	_ =	shalt  }
0x6b: {  	_ =	shalt  }
0x6c: {  	_ =	shalt  }
0x6d: {  	_ =	shalt  }
0x6e: {  	_ =	shalt  }
0x6f: {  	_ =	shalt  }
0x70: {  	_ =	shalt  }
0x71: {  	_ =	shalt  }
0x72: {  	_ =	shalt  }
0x73: {  	_ =	shalt  }
0x74: {  	_ =	shalt  }
0x75: {  	_ =	shalt  }
0x76: {  	_ =	shalt  }
0x77: {  	_ =	shalt  }
0x78: {  	_ =	shalt  }
0x79: {  	_ =	shalt  }
0x7a: {  	_ =	shalt  }
0x7b: {  	_ =	shalt  }
0x7c: {  	_ =	shalt  }
0x7d: {  	_ =	shalt  }
0x7e: {  	_ =	shalt  }
0x7f: {  	_ =	shalt  }
0x80: {  	_ =	shalt  }
0x81: {  	_ =	shalt  }
0x82: {  	_ =	shalt  }
0x83: {  	_ =	shalt  }
0x84: {  	_ =	shalt  }
0x85: {  	_ =	shalt  }
0x86: {  	_ =	shalt  }
0x87: {  	_ =	shalt  }
.Lfunc_end0:
.L_simem_size_0:
called_computation.1_lowered:
.L_overlay_start_0:
0x88: {  	s2 =	sld [smem:$0x3FD9]  }
0x89: {  	s3 =	sld [smem:$0x3FFE];
	_ =	sdelay $0x1  }
0x8a: {  	s1 =	srdreg.scid  }
0x8b: {  	s0 =	sand.u32 $0x1, s1  }
0x8c: {  	s17 =	sshll.u32 s0, $0xA;
	s2 =	sadd.s32 s3, s2  }
0x8d: {  	s2 =	sadd.s32 s2, s17  }
0x8e: {  	[smem:$0x3FC0] =	sst s2  }
0x8f: {  	_ = 	snop  }
0x90: {  	s2 =	sld [smem:$0x3FD0];
	(tm) =	ssettm $0x1  }
0x91: {  	s18 =	sld [smem:$0x3FFB];
	_ =	sdelay $0x3  }
0x92: {  	_ =	strace s18  }
0x93: {  	s3 =	sld [smem:$0x3FFC];
	_ =	sdelay $0x3  }
0x94: {  	_ =	strace s3  }
0x95: {  	s3 =	sld [smem:$0x3FFD];
	_ =	sdelay $0x3  }
0x96: {  	_ =	strace s3  }
0x97: {  	_ =	strace $0x8FFFFFFF  }
0x98: {  	s19 =	sld [smem:$0x3FDB];
	_ =	sdelay $0x1  }
0x99: {  	s4 =	simm.s32 $_scs_section_size  }
0x9a: {  	s5 =	simm.s32 $_size__tile_overlayer_lowered;
	s6 =	simm.s32 $_tile_overlayer_lowered  }
0x9b: {  	s22 =	simm.s32 $0x1BFF;
	s21 =	sshll.u32 s6, $0x1;
	s3 =	sadd.s32 s4, s19  }
0x9c: {  	s7 =	simm.s32 $0x0;
	s20 =	sshll.u32 s5, $0x1;
	s5 =	sadd.s32 s21, s3  }
0x9d: {  	[timem:s7], [sflag:s22] =	dma.local [hbm:s5], s20  }
0x9e: {  	_ =	swait.ge [sflag:s22], s20  }
0x9f: {  	s4 =	ssub.s32 $0x0, s20;
	[sflag:s22] =	ssyncset.done $0x0  }
0xa0: {  	[sflag:s22] =	ssyncadd.s32 s4;
	_ =	sdelay $0x1  }
0xa1: {  	s23 =	simm.s32 $0x1B8B  }
0xa2: {  	_ =	swait.ge [sflag:s23], $0x1  }
0xa3: {  	[sflag:s23] =	ssyncset.done $0x0  }
0xa4: {  	s25 =	simm.s32 $0x1B8E;
	s24 =	sld [smem:$0x3FFE];
	[sflag:s23] =	ssyncadd.s32 $0xFFFFFFFF  }
0xa5: {  	s26 =	simm.s32 $execute0_lowered;
	[smem:$0x3FD2] =	sst s25  }
0xa6: {  	s5 =	sshll.u32 s26, $0x1;
	_ =	strace $0x80000049;
	[dreg:$0x1] =	wrdreg $0xFFFFFFFF  }
0xa7: {  	s28 =	simm.s32 $_size_execute0_lowered;
	s3 =	sadd.s32 s3, s5;
	[dreg:$0x0] =	wrdreg $0x0  }
0xa8: {  	s5 =	sshll.u32 s28, $0x1;
	[dreg:$0x2] =	wrdreg s3  }
0xa9: {  	[dreg:$0x3] =	wrdreg s5  }
0xaa: {  	[dreg:$0x4] =	wrdreg $0xC0  }
0xab: {  	_ =	task [dreg:s7], $0x5FFFF  }
0xac: {  	[dreg:$0x1] =	wrdreg $0xFFFFFFFF  }
0xad: {  	[dreg:$0x0] =	wrdreg $0x60  }
0xae: {  	[dreg:$0x2] =	wrdreg s2  }
0xaf: {  	[dreg:$0x3] =	wrdreg s24  }
0xb0: {  	[dreg:$0x4] =	wrdreg $0x68000  }
0xb1: {  	[dreg:$0x5] =	wrdreg $0x9  }
0xb2: {  	_ =	task.clear_ibuf [dreg:s7], $0x6FFFF;
	_ =	strace $0x90000049  }
0xb3: {  	s29 =	simm.s32 $0x9;
	_ =	strace $0x8000004B  }
0xb4: {  	_ =	swait.ge [sflag:s29], $0x1  }
0xb5: {  	[sflag:s29] =	ssyncadd.s32 $0xFFFFFFFF  }
0xb6: {  	_ =	strace $0x9000004B  }
0xb7: {  	_ =	sfence  }
0xb8: {  	s30 =	sld [smem:$0x0];
	_ =	sdelay $0x2  }
0xb9: {  	s31 =	sshll.u32 s1, $0xD;
	s1 =	sshrl.u32 s1, $0x2  }
0xba: {  	s3 =	sand.u32 $0x4000, s31;
	s1 =	sadd.s32 s1, s30  }
0xbb: {  	s0 =	sor.u32 s3, s0;
	s1 =	sshll.u32 s1, $0x11  }
0xbc: {  	s0 =	sor.u32 s1, s0  }
0xbd: {  	s0 =	sadd.s32 $0x8F2B, s0  }
0xbe: {  	[sflag:s0] =	ssyncadd.remote.s32 $0x1  }
0xbf: {  	_ =	sfence.sel $0xFFFF  }
0xc0: {  	[dreg:$0x0] =	wrdreg $0xFFFFFFFF;
	(pc) =	sbr.abs _section_cstart, $3  }
0xc1: {  	[dreg:$0x1] =	wrdreg $0xFFFFFFFF  }
0xc2: {  	_ =	task.clear_ibuf [dreg:s7], $0x2FFFF;
	_ =	strace $0x9FFFFFFF  }
0xc3: {  	(tm) =	ssettm $0x7FFFFFFF  }
tec
execute0_lowered:
.L_overlay_start_1:
0x0: {  	(tag) =	ssettag $0x1  }
0x1: {  	s1 =	rddreg [dreg:$0x0]  }
0x2: {  	s0 =	rddreg [dreg:$0x1]  }
0x3: {  	s3 =	rddreg [dreg:$0x2]  }
0x4: {  	s2 =	srdreg.scid;
	s9 =	stileid.u32  }
0x5: {  	s5 =	simm.s32 $0x3C00;
	s4 =	simm.s32 $0x0;
	s13 =	simm.s32 $0x3  }
0x6: {  	s14 =	simm.s32 $0x400;
	s15 =	simm.s32 $0x80;
	s16 =	simm.s32 $0x800  }
0x7: {  	s17 =	simm.s32 $0x2000;
	s26 =	simm.s32 $0x100;
	s18 =	simm.s32 $0x3800  }
0x8: {  	s28 =	simm.s32 $0x300;
	s29 =	simm.s32 $0x580;
	s30 =	simm.s32 $0x380  }
0x9: {  	s31 =	simm.s32 $0x600;
	s2 =	sand.u32 $0x1, s2;
	s6 =	smul.u32 $0x5000, s9  }
0xa: {  	s7 =	smul.u32 $0x7560, s9;
	[smem:$0x7FF] =	sst s4;
	s8 =	sadd.s32 $0x15A00, s0  }
0xb: {  	s21 =	sshll.u32 s9, $0x6;
	p0 =	seq.s32 s2, $0x0;
	s19 =	smul.u32 $0x75600, s2  }
0xc: {  	_ =	strace $0x8000004A;
	s2 =	ssub.s32 $0x2, s2;
	[dreg:$0x5] =	wrdreg s8  }
0xd: {  	s9 =	sor.u32 $0x1C03, s21;
	[dreg:$0x4] =	wrdreg s26;
	s21 =	simm.s32 $0x1  }
0xe: {  	s26 =	simm.s32 $0x500;
	s8 =	simm.s32 $0x0;
	s5 =	simm.s32 @!p0 $0x0  }
0xf: {  	s20 =	sshrl.u32 s2, $0x1;
	s22 =	sadd.s32 s7, s3;
	s5 =	sadd.s32 s5, s6  }
0x10: {  	s6 =	sadd.s32 s7, s19;
	s2 =	ssub.s32 s2, s20;
	s10 =	sshrl.u32 s22, $0x3  }
0x11: {  	s5 =	sshrl.u32 s5, $0x3;
	s6 =	sshrl.u32 s6, $0x3;
	s23 =	smax.u32 s2, $0x1  }
0x12: {  	s5 =	sadd.s32 s5, s0;
	s0 =	sadd.s32 s6, s0;
	s6 =	simm.s32 $0x5  }
0x13: {  	s19 =	simm.s32 $0x180;
	[dreg:$0x7] =	wrdreg s23;
	s6 =	simm.s32 @!p0 $0xF  }
0x14: {  	s20 =	simm.s32 $0x5000;
	s0 =	sadd.s32 $0x16A00, s0;
	[dreg:$0xa] =	wrdreg s6  }
0x15: {  	s22 =	simm.s32 $0x2;
	s24 =	sadd.s32 $0xBA00, s5;
	[dreg:$0x6] =	wrdreg s0  }
0x16: {  	s2 =	simm.s32 $0x700;
	s25 =	sadd.s32 $0x1A00, s5;
	[dreg:$0x8] =	wrdreg s24  }
0x17: {  	s23 =	simm.s32 $0x200;
	s5 =	simm.s32 $0x780;
	[dreg:$0x9] =	wrdreg s25  }
0x18: {  	s24 =	simm.s32 $0x480;
	s25 =	simm.s32 $0x280;
	s0 =	simm.s32 $0x680  }
.LBB2_1:
0x19: {  	s6 =	rddreg [dreg:$0x5]  }
0x1a: {  	[spmem:s10], [sflag:s9] =	dma.local [hbm:s6], $0xEAC  }
0x1b: {  	_ =	swait.ge [sflag:s13], $0xEAC  }
0x1c: {  	[sflag:s13] =	ssyncset.done $0x0  }
0x1d: {  	[sflag:s13] =	ssyncadd.s32 $0xFFFFF154  }
0x1e: {  	[bflag:$0x0] =	sbarrier.arrive $0xFFFF  }
0x1f: {  	s11 =	rddreg [dreg:$0x9]  }
0x20: {  	[tilespmem:s4], [sflag:$0x3] =	stream.linear.gather [hbm4b:s11+s4], $0x400, $0x38;
	[tilespmem:$0xDD60] =	vst v63  }
0x21: {  	_ =	swait.ge [sflag:s13], $0x400  }
0x22: {  	[sflag:s13] =	ssyncset.done $0x0  }
0x23: {  	s7 =	smov.u32 s10;
	s10 =	rddreg [dreg:$0x8];
	[sflag:s13] =	ssyncadd.s32 $0xFFFFFC00  }
0x24: {  	[tilespmem:s14], [sflag:$0x3] =	stream.linear.gather [hbm4b:s10+s4], $0x400, $0x38;
	[tilespmem:$0xDD60] =	vst v63  }
0x25: {  	_ =	swait.ge [sflag:s13], $0x400  }
0x26: {  	[sflag:s13] =	ssyncset.done $0x0  }
0x27: {  	[sflag:s13] =	ssyncadd.s32 $0xFFFFFC00  }
0x28: {  	[tilespmem:s16], [sflag:$0x1] =	stream.indirect.gather [hbm4b:s1+s15], $0x30, s4, s15, $0xb8;
	[tilespmem:$0xDD60] =	vst v63  }
0x29: {  	_ = 	snop  }
0x2a: {  	[tilespmem:s17], [sflag:$0x1] =	stream.indirect.gather [hbm4b:s1+s15], $0x30, s15, s15, $0xb8;
	[tilespmem:$0xDD60] =	vst v63  }
0x2b: {  	s6 =	rddreg [dreg:$0x4]  }
0x2c: {  	[tilespmem:s18], [sflag:$0x1] =	stream.indirect.gather [hbm4b:s1+s15], $0x30, s6, s15, $0xb8;
	[tilespmem:$0xDD60] =	vst v63  }
0x2d: {  	_ = 	snop  }
0x2e: {  	[tilespmem:s20], [sflag:$0x1] =	stream.indirect.gather [hbm4b:s1+s15], $0x30, s19, s15, $0xb8;
	[tilespmem:$0xDD60] =	vst v63  }
0x2f: {  	_ =	swait.ge [sflag:s21], $0x1800  }
0x30: {  	[sflag:s21] =	ssyncset.done $0x0  }
0x31: {  	[sflag:s21] =	ssyncadd.s32 $0xFFFFE800  }
0x32: {  	[spmem:s3] =	stream.indirect.scatter.add.f32 [tilespmem:s16], [sflag:$0x2], $0x30, s14, s15, $0xb8;
	[tilespmem:$0xDD60] =	vst v63  }
0x33: {  	_ =	swait.ge [sflag:s22], $0x1800  }
0x34: {  	[sflag:s22] =	ssyncset.done $0x0  }
0x35: {  	[sflag:s22] =	ssyncadd.s32 $0xFFFFE800  }
0x36: {  	[tilespmem:s16], [sflag:$0x1] =	stream.indirect.gather [hbm4b:s1+s15], $0x30, s23, s15, $0xb8;
	[tilespmem:$0xDD60] =	vst v63  }
0x37: {  	_ =	swait.ge [sflag:s21], $0x1800  }
0x38: {  	[sflag:s21] =	ssyncset.done $0x0  }
0x39: {  	[sflag:s21] =	ssyncadd.s32 $0xFFFFE800  }
0x3a: {  	[spmem:s3] =	stream.indirect.scatter.add.f32 [tilespmem:s17], [sflag:$0x2], $0x30, s24, s15, $0xb8;
	[tilespmem:$0xDD60] =	vst v63  }
0x3b: {  	_ =	swait.ge [sflag:s22], $0x1800  }
0x3c: {  	[sflag:s22] =	ssyncset.done $0x0  }
0x3d: {  	[sflag:s22] =	ssyncadd.s32 $0xFFFFE800  }
0x3e: {  	[tilespmem:s17], [sflag:$0x1] =	stream.indirect.gather [hbm4b:s1+s15], $0x30, s25, s15, $0xb8;
	[tilespmem:$0xDD60] =	vst v63  }
0x3f: {  	_ =	swait.ge [sflag:s21], $0x1800  }
0x40: {  	[sflag:s21] =	ssyncset.done $0x0  }
0x41: {  	[sflag:s21] =	ssyncadd.s32 $0xFFFFE800  }
0x42: {  	[spmem:s3] =	stream.indirect.scatter.add.f32 [tilespmem:s18], [sflag:$0x2], $0x30, s26, s15, $0xb8;
	[tilespmem:$0xDD60] =	vst v63  }
0x43: {  	_ =	swait.ge [sflag:s22], $0x1800  }
0x44: {  	[sflag:s22] =	ssyncset.done $0x0  }
0x45: {  	[sflag:s22] =	ssyncadd.s32 $0xFFFFE800  }
0x46: {  	[tilespmem:s18], [sflag:$0x1] =	stream.indirect.gather [hbm4b:s1+s15], $0x30, s28, s15, $0xb8;
	[tilespmem:$0xDD60] =	vst v63  }
0x47: {  	_ =	swait.ge [sflag:s21], $0x1800  }
0x48: {  	[sflag:s21] =	ssyncset.done $0x0  }
0x49: {  	[sflag:s21] =	ssyncadd.s32 $0xFFFFE800  }
0x4a: {  	[spmem:s3] =	stream.indirect.scatter.add.f32 [tilespmem:s20], [sflag:$0x2], $0x30, s29, s15, $0xb8;
	[tilespmem:$0xDD60] =	vst v63  }
0x4b: {  	_ =	swait.ge [sflag:s22], $0x1800  }
0x4c: {  	[sflag:s22] =	ssyncset.done $0x0  }
0x4d: {  	[sflag:s22] =	ssyncadd.s32 $0xFFFFE800  }
0x4e: {  	[tilespmem:s20], [sflag:$0x1] =	stream.indirect.gather [hbm4b:s1+s15], $0x30, s30, s15, $0xb8;
	[tilespmem:$0xDD60] =	vst v63  }
0x4f: {  	_ =	swait.ge [sflag:s21], $0x1800  }
0x50: {  	[sflag:s21] =	ssyncset.done $0x0  }
0x51: {  	[sflag:s21] =	ssyncadd.s32 $0xFFFFE800  }
0x52: {  	[spmem:s3] =	stream.indirect.scatter.add.f32 [tilespmem:s16], [sflag:$0x2], $0x30, s31, s15, $0xb8;
	[tilespmem:$0xDD60] =	vst v63  }
0x53: {  	_ =	swait.ge [sflag:s22], $0x1800  }
0x54: {  	[sflag:s22] =	ssyncset.done $0x0  }
0x55: {  	[sflag:s22] =	ssyncadd.s32 $0xFFFFE800  }
0x56: {  	_ =	swait.ge [sflag:s21], $0x1800  }
0x57: {  	[sflag:s21] =	ssyncset.done $0x0  }
0x58: {  	[sflag:s21] =	ssyncadd.s32 $0xFFFFE800  }
0x59: {  	[spmem:s3] =	stream.indirect.scatter.add.f32 [tilespmem:s17], [sflag:$0x2], $0x30, s0, s15, $0xb8;
	[tilespmem:$0xDD60] =	vst v63  }
0x5a: {  	_ =	swait.ge [sflag:s22], $0x1800  }
0x5b: {  	[sflag:s22] =	ssyncset.done $0x0  }
0x5c: {  	[sflag:s22] =	ssyncadd.s32 $0xFFFFE800  }
0x5d: {  	_ =	swait.ge [sflag:s21], $0x1800  }
0x5e: {  	[sflag:s21] =	ssyncset.done $0x0  }
0x5f: {  	[sflag:s21] =	ssyncadd.s32 $0xFFFFE800  }
0x60: {  	[spmem:s3] =	stream.indirect.scatter.add.f32 [tilespmem:s18], [sflag:$0x2], $0x30, s2, s15, $0xb8;
	[tilespmem:$0xDD60] =	vst v63  }
0x61: {  	_ =	swait.ge [sflag:s22], $0x1800  }
0x62: {  	[sflag:s22] =	ssyncset.done $0x0  }
0x63: {  	[sflag:s22] =	ssyncadd.s32 $0xFFFFE800  }
0x64: {  	_ =	swait.ge [sflag:s21], $0x1800  }
0x65: {  	s12 =	smov.u32 s9;
	s9 =	rddreg [dreg:$0xa]  }
0x66: {  	p0 =	sne.s32 s9, $0x1  }
.Ltmp0:
0x67: {  	[sflag:s21] =	ssyncset.done $0x0;
	(pc) =	sbr.rel @!p0 .LBB2_3-.Ltmp0, $4  }
0x68: {  	[sflag:s21] =	ssyncadd.s32 $0xFFFFE800  }
0x69: {  	[spmem:s3] =	stream.indirect.scatter.add.f32 [tilespmem:s20], [sflag:$0x2], $0x30, s5, s15, $0xb8;
	[tilespmem:$0xDD60] =	vst v63  }
0x6a: {  	_ =	swait.ge [sflag:s22], $0x1800  }
0x6b: {  	s9 =	sadd.s32 $0xFFFFFFFF, s9;
	[sflag:s22] =	ssyncset.done $0x0  }
.LBB2_2:
0x6c: {  	[sflag:s22] =	ssyncadd.s32 $0xFFFFE800;
	s11 =	sadd.s32 $0x80, s11  }
0x6d: {  	[tilespmem:s4], [sflag:$0x3] =	stream.linear.gather [hbm4b:s11+s4], $0x400, $0x38;
	[tilespmem:$0xDD60] =	vst v63  }
0x6e: {  	_ =	swait.ge [sflag:s13], $0x400  }
0x6f: {  	[sflag:s13] =	ssyncset.done $0x0  }
0x70: {  	s10 =	sadd.s32 $0x80, s10;
	[sflag:s13] =	ssyncadd.s32 $0xFFFFFC00  }
0x71: {  	[tilespmem:s14], [sflag:$0x3] =	stream.linear.gather [hbm4b:s10+s4], $0x400, $0x38;
	[tilespmem:$0xDD60] =	vst v63  }
0x72: {  	_ =	swait.ge [sflag:s13], $0x400  }
0x73: {  	[sflag:s13] =	ssyncset.done $0x0  }
0x74: {  	[sflag:s13] =	ssyncadd.s32 $0xFFFFFC00  }
0x75: {  	[tilespmem:s16], [sflag:$0x1] =	stream.indirect.gather [hbm4b:s1+s15], $0x30, s4, s15, $0xb8;
	[tilespmem:$0xDD60] =	vst v63  }
0x76: {  	_ = 	snop  }
0x77: {  	[tilespmem:s17], [sflag:$0x1] =	stream.indirect.gather [hbm4b:s1+s15], $0x30, s15, s15, $0xb8;
	[tilespmem:$0xDD60] =	vst v63  }
0x78: {  	s6 =	rddreg [dreg:$0x4]  }
0x79: {  	[tilespmem:s18], [sflag:$0x1] =	stream.indirect.gather [hbm4b:s1+s15], $0x30, s6, s15, $0xb8;
	[tilespmem:$0xDD60] =	vst v63  }
0x7a: {  	_ = 	snop  }
0x7b: {  	[tilespmem:s20], [sflag:$0x1] =	stream.indirect.gather [hbm4b:s1+s15], $0x30, s19, s15, $0xb8;
	[tilespmem:$0xDD60] =	vst v63  }
0x7c: {  	_ =	swait.ge [sflag:s21], $0x1800  }
0x7d: {  	[sflag:s21] =	ssyncset.done $0x0  }
0x7e: {  	[sflag:s21] =	ssyncadd.s32 $0xFFFFE800  }
0x7f: {  	[spmem:s3] =	stream.indirect.scatter.add.f32 [tilespmem:s16], [sflag:$0x2], $0x30, s14, s15, $0xb8;
	[tilespmem:$0xDD60] =	vst v63  }
0x80: {  	_ =	swait.ge [sflag:s22], $0x1800  }
0x81: {  	[sflag:s22] =	ssyncset.done $0x0  }
0x82: {  	[sflag:s22] =	ssyncadd.s32 $0xFFFFE800  }
0x83: {  	[tilespmem:s16], [sflag:$0x1] =	stream.indirect.gather [hbm4b:s1+s15], $0x30, s23, s15, $0xb8;
	[tilespmem:$0xDD60] =	vst v63  }
0x84: {  	_ =	swait.ge [sflag:s21], $0x1800  }
0x85: {  	[sflag:s21] =	ssyncset.done $0x0  }
0x86: {  	[sflag:s21] =	ssyncadd.s32 $0xFFFFE800  }
0x87: {  	[spmem:s3] =	stream.indirect.scatter.add.f32 [tilespmem:s17], [sflag:$0x2], $0x30, s24, s15, $0xb8;
	[tilespmem:$0xDD60] =	vst v63  }
0x88: {  	_ =	swait.ge [sflag:s22], $0x1800  }
0x89: {  	[sflag:s22] =	ssyncset.done $0x0  }
0x8a: {  	[sflag:s22] =	ssyncadd.s32 $0xFFFFE800  }
0x8b: {  	[tilespmem:s17], [sflag:$0x1] =	stream.indirect.gather [hbm4b:s1+s15], $0x30, s25, s15, $0xb8;
	[tilespmem:$0xDD60] =	vst v63  }
0x8c: {  	_ =	swait.ge [sflag:s21], $0x1800  }
0x8d: {  	[sflag:s21] =	ssyncset.done $0x0  }
0x8e: {  	[sflag:s21] =	ssyncadd.s32 $0xFFFFE800  }
0x8f: {  	[spmem:s3] =	stream.indirect.scatter.add.f32 [tilespmem:s18], [sflag:$0x2], $0x30, s26, s15, $0xb8;
	[tilespmem:$0xDD60] =	vst v63  }
0x90: {  	_ =	swait.ge [sflag:s22], $0x1800  }
0x91: {  	[sflag:s22] =	ssyncset.done $0x0  }
0x92: {  	[sflag:s22] =	ssyncadd.s32 $0xFFFFE800  }
0x93: {  	[tilespmem:s18], [sflag:$0x1] =	stream.indirect.gather [hbm4b:s1+s15], $0x30, s28, s15, $0xb8;
	[tilespmem:$0xDD60] =	vst v63  }
0x94: {  	_ =	swait.ge [sflag:s21], $0x1800  }
0x95: {  	[sflag:s21] =	ssyncset.done $0x0  }
0x96: {  	[sflag:s21] =	ssyncadd.s32 $0xFFFFE800  }
0x97: {  	[spmem:s3] =	stream.indirect.scatter.add.f32 [tilespmem:s20], [sflag:$0x2], $0x30, s29, s15, $0xb8;
	[tilespmem:$0xDD60] =	vst v63  }
0x98: {  	_ =	swait.ge [sflag:s22], $0x1800  }
0x99: {  	[sflag:s22] =	ssyncset.done $0x0  }
0x9a: {  	[sflag:s22] =	ssyncadd.s32 $0xFFFFE800  }
0x9b: {  	[tilespmem:s20], [sflag:$0x1] =	stream.indirect.gather [hbm4b:s1+s15], $0x30, s30, s15, $0xb8;
	[tilespmem:$0xDD60] =	vst v63  }
0x9c: {  	_ =	swait.ge [sflag:s21], $0x1800  }
0x9d: {  	[sflag:s21] =	ssyncset.done $0x0  }
0x9e: {  	[sflag:s21] =	ssyncadd.s32 $0xFFFFE800  }
0x9f: {  	[spmem:s3] =	stream.indirect.scatter.add.f32 [tilespmem:s16], [sflag:$0x2], $0x30, s31, s15, $0xb8;
	[tilespmem:$0xDD60] =	vst v63  }
0xa0: {  	_ =	swait.ge [sflag:s22], $0x1800  }
0xa1: {  	[sflag:s22] =	ssyncset.done $0x0  }
0xa2: {  	[sflag:s22] =	ssyncadd.s32 $0xFFFFE800  }
0xa3: {  	_ =	swait.ge [sflag:s21], $0x1800  }
0xa4: {  	[sflag:s21] =	ssyncset.done $0x0  }
0xa5: {  	[sflag:s21] =	ssyncadd.s32 $0xFFFFE800  }
0xa6: {  	[spmem:s3] =	stream.indirect.scatter.add.f32 [tilespmem:s17], [sflag:$0x2], $0x30, s0, s15, $0xb8;
	[tilespmem:$0xDD60] =	vst v63  }
0xa7: {  	_ =	swait.ge [sflag:s22], $0x1800  }
0xa8: {  	[sflag:s22] =	ssyncset.done $0x0  }
0xa9: {  	[sflag:s22] =	ssyncadd.s32 $0xFFFFE800  }
0xaa: {  	_ =	swait.ge [sflag:s21], $0x1800  }
0xab: {  	[sflag:s21] =	ssyncset.done $0x0  }
0xac: {  	[sflag:s21] =	ssyncadd.s32 $0xFFFFE800  }
0xad: {  	[spmem:s3] =	stream.indirect.scatter.add.f32 [tilespmem:s18], [sflag:$0x2], $0x30, s2, s15, $0xb8;
	[tilespmem:$0xDD60] =	vst v63  }
0xae: {  	_ =	swait.ge [sflag:s22], $0x1800  }
0xaf: {  	[sflag:s22] =	ssyncset.done $0x0  }
0xb0: {  	[sflag:s22] =	ssyncadd.s32 $0xFFFFE800  }
0xb1: {  	p0 =	sne.s32 s9, $0x1;
	_ =	swait.ge [sflag:s21], $0x1800  }
.Ltmp1:
0xb2: {  	[sflag:s21] =	ssyncset.done $0x0;
	(pc) =	sbr.rel @p0 .LBB2_2-.Ltmp1, $4  }
0xb3: {  	[sflag:s21] =	ssyncadd.s32 $0xFFFFE800  }
0xb4: {  	[spmem:s3] =	stream.indirect.scatter.add.f32 [tilespmem:s20], [sflag:$0x2], $0x30, s5, s15, $0xb8;
	[tilespmem:$0xDD60] =	vst v63  }
0xb5: {  	_ =	swait.ge [sflag:s22], $0x1800  }
0xb6: {  	s9 =	sadd.s32 $0xFFFFFFFF, s9;
	[sflag:s22] =	ssyncset.done $0x0  }
.LBB2_3:
0xb7: {  	[sflag:s22] =	ssyncadd.s32 $0xFFFFE800  }
0xb8: {  	[bflag:$0x0] =	sbarrier.arrive $0xFFFF  }
0xb9: {  	s6 =	rddreg [dreg:$0x6]  }
0xba: {  	[hbm:s6], [sflag:s12] =	dma.local [spmem:s7], $0xEAC  }
0xbb: {  	_ =	swait.ge [sflag:s13], $0xEAC  }
0xbc: {  	s9 =	smov.u32 s12;
	s8 =	sadd.s32 $0x1, s8;
	s12 =	rddreg [dreg:$0x7]  }
0xbd: {  	p0 =	sne.s32 s8, s12  }
.Ltmp2:
0xbe: {  	_ = 	snop;
	(pc) =	sbr.rel @p0 .LBB2_1-.Ltmp2, $3  }
0xbf: {  	_ =	sdelay $0x1  }
0xc0: {  	[sflag:s13] =	ssyncset.done $0x0  }
0xc1: {  	s10 =	smov.u32 s7;
	[sflag:s13] =	ssyncadd.s32 $0xFFFFF154  }
0xc2: {  	_ =	sfence.sel $0x180000  }
0xc3: {  	[bflag:$0x0] =	sbarrier.arrive $0xFFFF  }
0xc4: {  	_ =	strace $0x9000004A  }
0xc5: {  	s0 =	stileid.u32;
	[bflag:$0x2] =	sbarrier.arrive $0xFFFF  }
0xc6: {  	p0 =	sne.s32 s0, $0x0;
	s0 =	rddreg [dreg:$0x3]  }
0xc7: {  	s0 =	sadd.s32 @!p0 $0x100000, s0  }
0xc8: {  	[sflag:s0] =	ssyncadd.tile.s32 @!p0 $0x1;
	_ =	shalt  }
.Lfunc_end2:
_tile_overlayer_lowered:
.L_overlay_start_2:
0xc9: {  	(tag) =	ssettag $0x2  }
0xca: {  	s0 =	rddreg [dreg:$0x0];
	s2 =	stileid.u32  }
0xcb: {  	s1 =	rddreg [dreg:$0x1];
	p0 =	sne.s32 s2, $0x0  }
0xcc: {  	s3 =	rddreg [dreg:$0x2];
	[bflag:$0x3] =	sbarrier.arrive $0xFFFF;
	s2 =	simm.s32 @!p0 $0x1C03  }
0xcd: {  	[timem:s3], [sflag:s2] =	dma.local @!p0 [hbm:s0], s1  }
0xce: {  	s0 =	simm.s32 @!p0 $0x3  }
0xcf: {  	_ =	swait.ge @!p0 [sflag:s0], s1  }
0xd0: {  	s1 =	ssub.s32 @!p0 $0x0, s1;
	[sflag:s0] =	ssyncset.done @!p0 $0x0  }
0xd1: {  	[sflag:s0] =	ssyncadd.s32 @!p0 s1  }
0xd2: {  	[bflag:$0x3] =	sbarrier.arrive $0xFFFF  }
0xd3: {  	_ =	shalt  }

</sc_bundles>
